<compile_context>
chip_gen: v7x
topology: tpu7x:2x2x1
jax: 0.10.2.dev20260603
libtpu: 0.0.44.dev20260713+nightly
codegen_flags: <defaults>
</compile_context>

<pallas_src>
import functools

import jax
import jax.numpy as jnp
from jax import lax
from jax.experimental import pallas as pl
from jax.experimental.pallas import tpu as pltpu, tpu_sc as plsc

B = 16384
D_IN = 256
NUM_VALUES = 100000
NUM_TOKENS = 16
TOKEN_DIM = 64
LANES = 16

NC = 2
NS = 16
NW = NC * NS
B_PER_W = B // NW
CHUNK = 32
N_CHUNKS = B_PER_W // CHUNK
CH2 = 64
N_CHUNKS2 = B_PER_W // CH2

_GATHER_DNUMS = lax.GatherDimensionNumbers(
    offset_dims=(), collapsed_slice_dims=(0,), start_index_map=(0,))


def _bcast_lane(vec, t):
    idx = jnp.full((LANES, 1), t, jnp.int32)
    return lax.gather(vec, idx, _GATHER_DNUMS, (1,),
                      mode=lax.GatherScatterMode.PROMISE_IN_BOUNDS)


def _alpha_body(x_ref, w_ref, b_ref, o_ref):
    att = jnp.dot(x_ref[...], w_ref[...], preferred_element_type=jnp.float32)
    o_ref[...] = jax.nn.sigmoid(att + b_ref[...])


def _compute_alpha_packed(x, W_att, b_att):
    blk = 2048
    alpha = pl.pallas_call(
        _alpha_body,
        grid=(B // blk,),
        in_specs=[
            pl.BlockSpec((blk, D_IN), lambda i: (i, 0)),
            pl.BlockSpec((D_IN, NUM_TOKENS), lambda i: (0, 0)),
            pl.BlockSpec((1, NUM_TOKENS), lambda i: (0, 0)),
        ],
        out_specs=pl.BlockSpec((blk, NUM_TOKENS), lambda i: (i, 0)),
        out_shape=jax.ShapeDtypeStruct((B, NUM_TOKENS), jnp.float32),
    )(x, W_att, b_att.reshape(1, NUM_TOKENS))
    return alpha.reshape(B // 8, 8 * NUM_TOKENS)


def _k1_body(tok_hbm, idx_hbm, alpha_hbm, out_hbm,
             idx_v, al_v, out_v, tok_v0, tok_v1, sem_t0, sem_t1):
    wid = lax.axis_index("s") * NC + lax.axis_index("c")
    base = wid * B_PER_W
    pltpu.sync_copy(idx_hbm.at[pl.ds(base, B_PER_W)], idx_v)
    pltpu.sync_copy(
        alpha_hbm.at[pl.ds(pl.multiple_of(base // 8, 8), B_PER_W // 8)], al_v)

    tok_bufs = (tok_v0, tok_v1)
    sems_t = (sem_t0, sem_t1)

    def start(g, bpar):
        pltpu.async_copy(tok_hbm.at[idx_v.at[pl.ds(g * CHUNK, CHUNK)]],
                         tok_bufs[bpar], sems_t[bpar])

    def wait(g, bpar):
        pltpu.make_async_copy(tok_hbm.at[idx_v.at[pl.ds(g * CHUNK, CHUNK)]],
                              tok_bufs[bpar], sems_t[bpar]).wait()

    start(0, 0)
    start(1, 1)

    def outer(o, carry):
        for bpar in (0, 1):
            g = 2 * o + bpar
            wait(g, bpar)
            tok_v = tok_bufs[bpar]
            goff = g * CHUNK

            def row_body(r, c2, goff=goff, tok_v=tok_v):
                row = goff + r
                a_vec = al_v[lax.shift_right_logical(row, 3),
                             pl.ds((row & 7) * LANES, LANES)]
                a = [_bcast_lane(a_vec, t) for t in range(NUM_TOKENS)]
                half = (r & 1) * TOKEN_DIM
                for c in range(TOKEN_DIM // LANES):
                    acc = a[0] * tok_v[r, pl.ds(c * LANES, LANES)]
                    for t in range(1, NUM_TOKENS):
                        acc = acc + a[t] * tok_v[r, pl.ds(t * TOKEN_DIM + c * LANES, LANES)]
                    out_v[lax.shift_right_logical(r, 1),
                          pl.ds(half + c * LANES, LANES)] = acc
                return c2

            lax.fori_loop(0, CHUNK, row_body, 0)
            pltpu.sync_copy(
                out_v,
                out_hbm.at[pl.ds(pl.multiple_of((base + goff) // 2, 8),
                                 CHUNK // 2)])

            @pl.when(g + 2 < N_CHUNKS)
            def _():
                start(g + 2, bpar)
        return carry

    lax.fori_loop(0, N_CHUNKS // 2, outer, 0)


_k1 = functools.partial(
    pl.kernel,
    out_type=jax.ShapeDtypeStruct((B // 2, 2 * TOKEN_DIM), jnp.float32),
    mesh=plsc.VectorSubcoreMesh(core_axis_name="c", subcore_axis_name="s"),
    scratch_types=[
        pltpu.VMEM((B_PER_W,), jnp.int32),
        pltpu.VMEM((B_PER_W // 8, 8 * NUM_TOKENS), jnp.float32),
        pltpu.VMEM((CHUNK // 2, 2 * TOKEN_DIM), jnp.float32),
        pltpu.VMEM((CHUNK, NUM_TOKENS * TOKEN_DIM), jnp.float32),
        pltpu.VMEM((CHUNK, NUM_TOKENS * TOKEN_DIM), jnp.float32),
        pltpu.SemaphoreType.DMA,
        pltpu.SemaphoreType.DMA,
    ],
)(_k1_body)


def _k2_body(bias2_hbm, idx_hbm, out1_hbm, out_hbm,
             idx_v, idx2_v, par_v, b_v0, b_v1, o_v0, o_v1, w_v0, w_v1,
             sem_b0, sem_b1, sem_o0, sem_o1):
    wid = lax.axis_index("s") * NC + lax.axis_index("c")
    base = wid * B_PER_W
    pltpu.sync_copy(idx_hbm.at[pl.ds(base, B_PER_W)], idx_v)

    for i in range(B_PER_W // LANES):
        v = idx_v[pl.ds(i * LANES, LANES)]
        idx2_v[pl.ds(i * LANES, LANES)] = lax.shift_right_logical(v, 1)
        par_v[pl.ds(i * LANES, LANES)] = lax.convert_element_type(
            v & 1, jnp.float32)

    b_bufs = (b_v0, b_v1)
    o_bufs = (o_v0, o_v1)
    w_bufs = (w_v0, w_v1)
    sems_b = (sem_b0, sem_b1)
    sems_o = (sem_o0, sem_o1)

    def start(g, bpar):
        pltpu.async_copy(bias2_hbm.at[idx2_v.at[pl.ds(g * CH2, CH2)]],
                         b_bufs[bpar], sems_b[bpar])
        pltpu.async_copy(
            out1_hbm.at[pl.ds(pl.multiple_of((base + g * CH2) // 2, 8),
                              CH2 // 2)],
            o_bufs[bpar], sems_o[bpar])

    def wait(g, bpar):
        pltpu.make_async_copy(bias2_hbm.at[idx2_v.at[pl.ds(g * CH2, CH2)]],
                              b_bufs[bpar], sems_b[bpar]).wait()
        pltpu.make_async_copy(
            out1_hbm.at[pl.ds(pl.multiple_of((base + g * CH2) // 2, 8),
                              CH2 // 2)],
            o_bufs[bpar], sems_o[bpar]).wait()

    start(0, 0)
    start(1, 1)
    for g in range(N_CHUNKS2):
        bpar = g % 2
        wait(g, bpar)
        b_v = b_bufs[bpar]
        o_v = o_bufs[bpar]
        w_v = w_bufs[bpar]
        goff = g * CH2

        def row_body(r, c2, b_v=b_v, o_v=o_v, w_v=w_v, goff=goff):
            row = goff + r
            pv = par_v[pl.ds(row & ~(LANES - 1), LANES)]
            p = _bcast_lane(pv, row & (LANES - 1))
            half = (r & 1) * TOKEN_DIM
            for c in range(TOKEN_DIM // LANES):
                lo = b_v[r, pl.ds(c * LANES, LANES)]
                hi = b_v[r, pl.ds(TOKEN_DIM + c * LANES, LANES)]
                sv = o_v[lax.shift_right_logical(r, 1),
                         pl.ds(half + c * LANES, LANES)]
                w_v[r, pl.ds(c * LANES, LANES)] = sv + lo + p * (hi - lo)
            return c2

        lax.fori_loop(0, CH2, row_body, 0)
        pltpu.sync_copy(w_v, out_hbm.at[pl.ds(base + goff, CH2)])
        if g + 2 < N_CHUNKS2:
            start(g + 2, bpar)


_k2 = functools.partial(
    pl.kernel,
    out_type=jax.ShapeDtypeStruct((B, TOKEN_DIM), jnp.float32),
    mesh=plsc.VectorSubcoreMesh(core_axis_name="c", subcore_axis_name="s"),
    scratch_types=[
        pltpu.VMEM((B_PER_W,), jnp.int32),
        pltpu.VMEM((B_PER_W,), jnp.int32),
        pltpu.VMEM((B_PER_W,), jnp.float32),
        pltpu.VMEM((CH2, 2 * TOKEN_DIM), jnp.float32),
        pltpu.VMEM((CH2, 2 * TOKEN_DIM), jnp.float32),
        pltpu.VMEM((CH2 // 2, 2 * TOKEN_DIM), jnp.float32),
        pltpu.VMEM((CH2 // 2, 2 * TOKEN_DIM), jnp.float32),
        pltpu.VMEM((CH2, TOKEN_DIM), jnp.float32),
        pltpu.VMEM((CH2, TOKEN_DIM), jnp.float32),
        pltpu.SemaphoreType.DMA,
        pltpu.SemaphoreType.DMA,
        pltpu.SemaphoreType.DMA,
        pltpu.SemaphoreType.DMA,
    ],
)(_k2_body)


def kernel(x, m, style_tokens, style_tokens_bias, W_att, b_att):
    m_i32 = m.astype(jnp.int32)
    alpha_p = _compute_alpha_packed(x, W_att, b_att)
    bias2 = style_tokens_bias.reshape(NUM_VALUES // 2, 2 * TOKEN_DIM)
    out1 = _k1(style_tokens, m_i32, alpha_p)
    return _k2(bias2, m_i32, out1)

# --- scband reference (transcript-rebuilt; emitter-appended) ---
"""Pipeline reference for scband-hierarchical-feature-7378753815088 (READ-ONLY COPY).

The authoritative reference and input builder live on the scoring server;
editing this copy changes nothing except your own understanding.
"""

import jax, jax.numpy as jnp
import numpy as np

B = 16384
D_IN = 256
NUM_VALUES = 100000
NUM_TOKENS = 16
TOKEN_DIM = 64


def setup_inputs(seed: int = 0) -> dict:
    key = jax.random.key(seed)
    k1, k2, k3, k4, k5, k6 = jax.random.split(key, 6)
    x = jax.random.normal(k1, (B, D_IN), dtype=jnp.float32)
    m = jax.random.randint(k2, (B,), 0, NUM_VALUES, dtype=jnp.int64)
    # nn.Embedding default init: N(0, 1)
    style_tokens = jax.random.normal(k3, (NUM_VALUES, NUM_TOKENS * TOKEN_DIM), dtype=jnp.float32)
    style_tokens_bias = jax.random.normal(k4, (NUM_VALUES, TOKEN_DIM), dtype=jnp.float32)
    # attention_module modeled as a Linear(D_IN -> NUM_TOKENS)
    lim = 1.0 / np.sqrt(D_IN)
    W_att = jax.random.uniform(k5, (D_IN, NUM_TOKENS), dtype=jnp.float32, minval=-lim, maxval=lim)
    b_att = jax.random.uniform(k6, (NUM_TOKENS,), dtype=jnp.float32, minval=-lim, maxval=lim)
    return {"x": x, "m": m, "style_tokens": style_tokens, "style_tokens_bias": style_tokens_bias, "W_att": W_att, "b_att": b_att}


def reference(x, m, style_tokens, style_tokens_bias, W_att, b_att):
    # alpha = (label=m, sigmoid(attention_module(x, m)))
    att = jnp.dot(x, W_att) + b_att  # [B, NUM_TOKENS]
    alpha_sigmoid = jax.nn.sigmoid(att)
    # style_vector_from_alpha
    tokens = jnp.take(style_tokens, m, axis=0)  # [B, NUM_TOKENS*TOKEN_DIM] gather
    tokens = tokens.reshape(m.shape[0], NUM_TOKENS, TOKEN_DIM)
    style_vector = jnp.sum(alpha_sigmoid[:, :, None] * tokens, axis=1)  # [B, TOKEN_DIM]
    bias = jnp.take(style_tokens_bias, m, axis=0)  # [B, TOKEN_DIM] gather
    return style_vector + bias

if __name__ == "__main__":
    import jax
    _d = setup_inputs()
    print(jax.jit(kernel)(*tuple(_d.values())))

</pallas_src>

<mosaic_0001>
#map = affine_map<(d0, d1) -> (0, 0)>
#map1 = affine_map<(d0, d1) -> (0)>
module attributes {stable_mosaic.version = 14 : i64} {
  func.func @_k1_body(%arg0: i32, %arg1: i32, %arg2: memref<100000x1024xf32, #tpu.memory_space<hbm>>, %arg3: memref<16384xi32, #tpu.memory_space<hbm>>, %arg4: memref<2048x128xf32, #tpu.memory_space<hbm>>, %arg5: memref<8192x128xf32, #tpu.memory_space<hbm>>, %arg6: memref<512xi32, #tpu.memory_space<vmem>>, %arg7: memref<64x128xf32, #tpu.memory_space<vmem>>, %arg8: memref<16x128xf32, #tpu.memory_space<vmem>>, %arg9: memref<32x1024xf32, #tpu.memory_space<vmem>>, %arg10: memref<32x1024xf32, #tpu.memory_space<vmem>>, %arg11: memref<!tpu.dma_semaphore, #tpu.memory_space<semaphore_mem>>, %arg12: memref<!tpu.dma_semaphore, #tpu.memory_space<semaphore_mem>>) attributes {dimension_semantics = [#tpu.dimension_semantics<core_parallel>, #tpu.dimension_semantics<subcore_parallel>], iteration_bounds = array<i64: 2, 16>, scalar_prefetch = 0 : i64, scratch_operands = 7 : i64, tpu.core_type = #tpu.core_type<sc_vector_subcore>, window_params = [{transform_indices = #map}, {transform_indices = #map1}, {transform_indices = #map}, {transform_indices = #map}]} {
    %mul3A = arith.constant 2 : i32
    %mul3A_0 = arith.muli %arg1, %mul3A : i32
    %add3A = arith.addi %mul3A_0, %arg0 : i32
    %mul3A_1 = arith.constant 512 : i32
    %mul3A_2 = arith.muli %add3A, %mul3A_1 : i32
    "tpu.region"() ({
      %run_scoped3A = tpu.sem_alloc : memref<!tpu.dma_semaphore, #tpu.memory_space<semaphore_mem>>
      %dma_start3A_33 = tpu.memref_slice %arg3[%mul3A_2] : memref<16384xi32, #tpu.memory_space<hbm>> -> memref<512xi32, #tpu.memory_space<hbm>>
      %dma_start3A_34 = tpu.memref_slice %arg3[%mul3A_2] : memref<16384xi32, #tpu.memory_space<hbm>> -> memref<512xi32, #tpu.memory_space<hbm>>
      tpu.enqueue_dma source(%dma_start3A_34 : memref<512xi32, #tpu.memory_space<hbm>>) target(%arg6 : memref<512xi32, #tpu.memory_space<vmem>>) target_semaphore(%run_scoped3A : memref<!tpu.dma_semaphore, #tpu.memory_space<semaphore_mem>>)
      %dma_wait3A = tpu.memref_slice %arg3[%mul3A_2] : memref<16384xi32, #tpu.memory_space<hbm>> -> memref<512xi32, #tpu.memory_space<hbm>>
      %dma_wait3A_35 = tpu.memref_slice %arg3[%mul3A_2] : memref<16384xi32, #tpu.memory_space<hbm>> -> memref<512xi32, #tpu.memory_space<hbm>>
      tpu.wait_dma2 semaphore(%run_scoped3A : memref<!tpu.dma_semaphore, #tpu.memory_space<semaphore_mem>>) src(%dma_wait3A_35 : memref<512xi32, #tpu.memory_space<hbm>>) dst(%arg6 : memref<512xi32, #tpu.memory_space<vmem>>)
      tpu.yield
    }) : () -> ()
    %jit3A = arith.constant 8 : i32
    %div3A = arith.divsi %mul3A_2, %jit3A : i32
    %sign3A = arith.constant 0 : i32
    %sign3A_3 = arith.cmpi sgt, %mul3A_2, %sign3A : i32
    %sign3A_4 = arith.extui %sign3A_3 : i1 to i32
    %sign3A_5 = arith.constant 0 : i32
    %sign3A_6 = arith.cmpi slt, %mul3A_2, %sign3A_5 : i32
    %sign3A_7 = arith.extui %sign3A_6 : i1 to i32
    %sign3A_8 = arith.subi %sign3A_4, %sign3A_7 : i32
    %sign3A_9 = arith.constant 0 : i32
    %sign3A_10 = arith.cmpi sgt, %jit3A, %sign3A_9 : i32
    %sign3A_11 = arith.extui %sign3A_10 : i1 to i32
    %sign3A_12 = arith.constant 0 : i32
    %sign3A_13 = arith.cmpi slt, %jit3A, %sign3A_12 : i32
    %sign3A_14 = arith.extui %sign3A_13 : i1 to i32
    %sign3A_15 = arith.subi %sign3A_11, %sign3A_14 : i32
    %ne3A = arith.cmpi ne, %sign3A_8, %sign3A_15 : i32
    %rem3A = arith.remsi %mul3A_2, %jit3A : i32
    %ne3A_16 = arith.constant 0 : i32
    %ne3A_17 = arith.cmpi ne, %rem3A, %ne3A_16 : i32
    %and3A = arith.andi %ne3A, %ne3A_17 : i1
    %sub3A = arith.constant 1 : i32
    %sub3A_18 = arith.subi %div3A, %sub3A : i32
    %select_n3A = arith.select %and3A, %sub3A_18, %div3A : i32
    %multiple_of3A = tpu.assume_multiple %select_n3A, 8 : i32
    "tpu.region"() ({
      %run_scoped3A = tpu.sem_alloc : memref<!tpu.dma_semaphore, #tpu.memory_space<semaphore_mem>>
      %dma_start3A_33 = arith.constant 0 : i32
      %dma_start3A_34 = tpu.memref_slice %arg4[%multiple_of3A, %dma_start3A_33] : memref<2048x128xf32, #tpu.memory_space<hbm>> -> memref<64x128xf32, #tpu.memory_space<hbm>>
      %dma_start3A_35 = arith.constant 0 : i32
      %dma_start3A_36 = tpu.memref_slice %arg4[%multiple_of3A, %dma_start3A_35] : memref<2048x128xf32, #tpu.memory_space<hbm>> -> memref<64x128xf32, #tpu.memory_space<hbm>>
      tpu.enqueue_dma source(%dma_start3A_36 : memref<64x128xf32, #tpu.memory_space<hbm>>) target(%arg7 : memref<64x128xf32, #tpu.memory_space<vmem>>) target_semaphore(%run_scoped3A : memref<!tpu.dma_semaphore, #tpu.memory_space<semaphore_mem>>)
      %dma_wait3A = arith.constant 0 : i32
      %dma_wait3A_37 = tpu.memref_slice %arg4[%multiple_of3A, %dma_wait3A] : memref<2048x128xf32, #tpu.memory_space<hbm>> -> memref<64x128xf32, #tpu.memory_space<hbm>>
      %dma_wait3A_38 = arith.constant 0 : i32
      %dma_wait3A_39 = tpu.memref_slice %arg4[%multiple_of3A, %dma_wait3A_38] : memref<2048x128xf32, #tpu.memory_space<hbm>> -> memref<64x128xf32, #tpu.memory_space<hbm>>
      tpu.wait_dma2 semaphore(%run_scoped3A : memref<!tpu.dma_semaphore, #tpu.memory_space<semaphore_mem>>) src(%dma_wait3A_39 : memref<64x128xf32, #tpu.memory_space<hbm>>) dst(%arg7 : memref<64x128xf32, #tpu.memory_space<vmem>>)
      tpu.yield
    }) : () -> ()
    %dma_start3A = arith.constant 0 : i32
    %dma_start3A_19 = tpu.memref_slice %arg6[%dma_start3A] : memref<512xi32, #tpu.memory_space<vmem>> -> memref<32xi32, #tpu.memory_space<vmem>>
    %dma_start3A_20 = arith.constant 0 : i32
    %dma_start3A_21 = arith.constant 0 : i32
    %dma_start3A_22 = tpu.memref_slice %arg2[%dma_start3A_20, %dma_start3A_21] : memref<100000x1024xf32, #tpu.memory_space<hbm>> -> memref<100000x1024xf32, #tpu.memory_space<hbm>>
    tpu.enqueue_indirect_dma source(%dma_start3A_22 : memref<100000x1024xf32, #tpu.memory_space<hbm>>) target(%arg9 : memref<32x1024xf32, #tpu.memory_space<vmem>>) offsets(%dma_start3A_19 : memref<32xi32, #tpu.memory_space<vmem>>) semaphore(%arg11 : memref<!tpu.dma_semaphore, #tpu.memory_space<semaphore_mem>>)
    %dma_start3A_23 = arith.constant 32 : i32
    %dma_start3A_24 = tpu.memref_slice %arg6[%dma_start3A_23] : memref<512xi32, #tpu.memory_space<vmem>> -> memref<32xi32, #tpu.memory_space<vmem>>
    %dma_start3A_25 = arith.constant 0 : i32
    %dma_start3A_26 = arith.constant 0 : i32
    %dma_start3A_27 = tpu.memref_slice %arg2[%dma_start3A_25, %dma_start3A_26] : memref<100000x1024xf32, #tpu.memory_space<hbm>> -> memref<100000x1024xf32, #tpu.memory_space<hbm>>
    tpu.enqueue_indirect_dma source(%dma_start3A_27 : memref<100000x1024xf32, #tpu.memory_space<hbm>>) target(%arg10 : memref<32x1024xf32, #tpu.memory_space<vmem>>) offsets(%dma_start3A_24 : memref<32xi32, #tpu.memory_space<vmem>>) semaphore(%arg12 : memref<!tpu.dma_semaphore, #tpu.memory_space<semaphore_mem>>)
    %scan3A = arith.constant 0 : i32
    %scan3A_28 = arith.constant 0 : i32
    %scan3A_29 = arith.constant 8 : i32
    %scan3A_30 = arith.addi %scan3A_28, %scan3A_29 : i32
    %scan3A_31 = arith.constant 1 : i32
    scf.for %scan3A_33 = %scan3A_28 to %scan3A_30 step %scan3A_31  : i32 {
      %mul3A_34 = arith.constant 2 : i32
      %mul3A_35 = arith.muli %mul3A_34, %scan3A_33 : i32
      %add3A_36 = arith.constant 0 : i32
      %add3A_37 = arith.addi %mul3A_35, %add3A_36 : i32
      %mul3A_38 = arith.constant 32 : i32
      %mul3A_39 = arith.muli %add3A_37, %mul3A_38 : i32
      %dma_wait3A = tpu.memref_slice %arg6[%mul3A_39] : memref<512xi32, #tpu.memory_space<vmem>> -> memref<32xi32, #tpu.memory_space<vmem>>
      %dma_wait3A_40 = arith.constant 0 : i32
      %dma_wait3A_41 = arith.constant 0 : i32
      %dma_wait3A_42 = tpu.memref_slice %arg2[%dma_wait3A_40, %dma_wait3A_41] : memref<100000x1024xf32, #tpu.memory_space<hbm>> -> memref<100000x1024xf32, #tpu.memory_space<hbm>>
      tpu.wait_indirect_dma semaphore(%arg11 : memref<!tpu.dma_semaphore, #tpu.memory_space<semaphore_mem>>) src(%dma_wait3A_42 : memref<100000x1024xf32, #tpu.memory_space<hbm>>) dst(%arg9 : memref<32x1024xf32, #tpu.memory_space<vmem>>)
      %mul3A_43 = arith.constant 32 : i32
      %mul3A_44 = arith.muli %add3A_37, %mul3A_43 : i32
      %scan3A_45 = arith.constant 0 : i32
      %scan3A_46 = arith.constant 0 : i32
      %scan3A_47 = arith.constant 32 : i32
      %scan3A_48 = arith.addi %scan3A_46, %scan3A_47 : i32
      %scan3A_49 = arith.constant 1 : i32
      scf.for %scan3A_132 = %scan3A_46 to %scan3A_48 step %scan3A_49  : i32 {
        %add3A_133 = arith.addi %mul3A_44, %scan3A_132 : i32
        %shift_right_logical3A = arith.constant 3 : i32
        %shift_right_logical3A_134 = arith.shrui %add3A_133, %shift_right_logical3A : i32
        %and3A_135 = arith.constant 7 : i32
        %and3A_136 = arith.andi %add3A_133, %and3A_135 : i32
        %mul3A_137 = arith.constant 16 : i32
        %mul3A_138 = arith.muli %and3A_136, %mul3A_137 : i32
        %get3A = arith.index_cast %shift_right_logical3A_134 : i32 to index
        %get3A_139 = arith.index_cast %mul3A_138 : i32 to index
        %get3A_140 = tpu.vector_load %arg7[%get3A, %get3A_139] {strides = array<i32>} : memref<64x128xf32, #tpu.memory_space<vmem>>, vector<1x16xf32>,
        %get3A_141 = vector.shape_cast %get3A_140 : vector<1x16xf32> to vector<16xf32>
        %broadcast_in_dim3A = arith.constant 0 : i32
        %broadcast_in_dim3A_142 = vector.broadcast %broadcast_in_dim3A : i32 to vector<16x1xi32>
        %gather3A = vector.shape_cast %broadcast_in_dim3A_142 : vector<16x1xi32> to vector<16xi32>
        %gather3A_143 = tpu.dynamic_gather %get3A_141[%gather3A] in [0] : vector<16xf32>, vector<16xi32> -> vector<16xf32>
        %broadcast_in_dim3A_144 = arith.constant 1 : i32
        %broadcast_in_dim3A_145 = vector.broadcast %broadcast_in_dim3A_144 : i32 to vector<16x1xi32>
        %gather3A_146 = vector.shape_cast %broadcast_in_dim3A_145 : vector<16x1xi32> to vector<16xi32>
        %gather3A_147 = tpu.dynamic_gather %get3A_141[%gather3A_146] in [0] : vector<16xf32>, vector<16xi32> -> vector<16xf32>
        %broadcast_in_dim3A_148 = arith.constant 2 : i32
        %broadcast_in_dim3A_149 = vector.broadcast %broadcast_in_dim3A_148 : i32 to vector<16x1xi32>
        %gather3A_150 = vector.shape_cast %broadcast_in_dim3A_149 : vector<16x1xi32> to vector<16xi32>
        %gather3A_151 = tpu.dynamic_gather %get3A_141[%gather3A_150] in [0] : vector<16xf32>, vector<16xi32> -> vector<16xf32>
        %broadcast_in_dim3A_152 = arith.constant 3 : i32
        %broadcast_in_dim3A_153 = vector.broadcast %broadcast_in_dim3A_152 : i32 to vector<16x1xi32>
        %gather3A_154 = vector.shape_cast %broadcast_in_dim3A_153 : vector<16x1xi32> to vector<16xi32>
        %gather3A_155 = tpu.dynamic_gather %get3A_141[%gather3A_154] in [0] : vector<16xf32>, vector<16xi32> -> vector<16xf32>
        %broadcast_in_dim3A_156 = arith.constant 4 : i32
        %broadcast_in_dim3A_157 = vector.broadcast %broadcast_in_dim3A_156 : i32 to vector<16x1xi32>
        %gather3A_158 = vector.shape_cast %broadcast_in_dim3A_157 : vector<16x1xi32> to vector<16xi32>
        %gather3A_159 = tpu.dynamic_gather %get3A_141[%gather3A_158] in [0] : vector<16xf32>, vector<16xi32> -> vector<16xf32>
        %broadcast_in_dim3A_160 = arith.constant 5 : i32
        %broadcast_in_dim3A_161 = vector.broadcast %broadcast_in_dim3A_160 : i32 to vector<16x1xi32>
        %gather3A_162 = vector.shape_cast %broadcast_in_dim3A_161 : vector<16x1xi32> to vector<16xi32>
        %gather3A_163 = tpu.dynamic_gather %get3A_141[%gather3A_162] in [0] : vector<16xf32>, vector<16xi32> -> vector<16xf32>
        %broadcast_in_dim3A_164 = arith.constant 6 : i32
        %broadcast_in_dim3A_165 = vector.broadcast %broadcast_in_dim3A_164 : i32 to vector<16x1xi32>
        %gather3A_166 = vector.shape_cast %broadcast_in_dim3A_165 : vector<16x1xi32> to vector<16xi32>
        %gather3A_167 = tpu.dynamic_gather %get3A_141[%gather3A_166] in [0] : vector<16xf32>, vector<16xi32> -> vector<16xf32>
        %broadcast_in_dim3A_168 = arith.constant 7 : i32
        %broadcast_in_dim3A_169 = vector.broadcast %broadcast_in_dim3A_168 : i32 to vector<16x1xi32>
        %gather3A_170 = vector.shape_cast %broadcast_in_dim3A_169 : vector<16x1xi32> to vector<16xi32>
        %gather3A_171 = tpu.dynamic_gather %get3A_141[%gather3A_170] in [0] : vector<16xf32>, vector<16xi32> -> vector<16xf32>
        %broadcast_in_dim3A_172 = arith.constant 8 : i32
        %broadcast_in_dim3A_173 = vector.broadcast %broadcast_in_dim3A_172 : i32 to vector<16x1xi32>
        %gather3A_174 = vector.shape_cast %broadcast_in_dim3A_173 : vector<16x1xi32> to vector<16xi32>
        %gather3A_175 = tpu.dynamic_gather %get3A_141[%gather3A_174] in [0] : vector<16xf32>, vector<16xi32> -> vector<16xf32>
        %broadcast_in_dim3A_176 = arith.constant 9 : i32
        %broadcast_in_dim3A_177 = vector.broadcast %broadcast_in_dim3A_176 : i32 to vector<16x1xi32>
        %gather3A_178 = vector.shape_cast %broadcast_in_dim3A_177 : vector<16x1xi32> to vector<16xi32>
        %gather3A_179 = tpu.dynamic_gather %get3A_141[%gather3A_178] in [0] : vector<16xf32>, vector<16xi32> -> vector<16xf32>
        %broadcast_in_dim3A_180 = arith.constant 10 : i32
        %broadcast_in_dim3A_181 = vector.broadcast %broadcast_in_dim3A_180 : i32 to vector<16x1xi32>
        %gather3A_182 = vector.shape_cast %broadcast_in_dim3A_181 : vector<16x1xi32> to vector<16xi32>
        %gather3A_183 = tpu.dynamic_gather %get3A_141[%gather3A_182] in [0] : vector<16xf32>, vector<16xi32> -> vector<16xf32>
        %broadcast_in_dim3A_184 = arith.constant 11 : i32
        %broadcast_in_dim3A_185 = vector.broadcast %broadcast_in_dim3A_184 : i32 to vector<16x1xi32>
        %gather3A_186 = vector.shape_cast %broadcast_in_dim3A_185 : vector<16x1xi32> to vector<16xi32>
        %gather3A_187 = tpu.dynamic_gather %get3A_141[%gather3A_186] in [0] : vector<16xf32>, vector<16xi32> -> vector<16xf32>
        %broadcast_in_dim3A_188 = arith.constant 12 : i32
        %broadcast_in_dim3A_189 = vector.broadcast %broadcast_in_dim3A_188 : i32 to vector<16x1xi32>
        %gather3A_190 = vector.shape_cast %broadcast_in_dim3A_189 : vector<16x1xi32> to vector<16xi32>
        %gather3A_191 = tpu.dynamic_gather %get3A_141[%gather3A_190] in [0] : vector<16xf32>, vector<16xi32> -> vector<16xf32>
        %broadcast_in_dim3A_192 = arith.constant 13 : i32
        %broadcast_in_dim3A_193 = vector.broadcast %broadcast_in_dim3A_192 : i32 to vector<16x1xi32>
        %gather3A_194 = vector.shape_cast %broadcast_in_dim3A_193 : vector<16x1xi32> to vector<16xi32>
        %gather3A_195 = tpu.dynamic_gather %get3A_141[%gather3A_194] in [0] : vector<16xf32>, vector<16xi32> -> vector<16xf32>
        %broadcast_in_dim3A_196 = arith.constant 14 : i32
        %broadcast_in_dim3A_197 = vector.broadcast %broadcast_in_dim3A_196 : i32 to vector<16x1xi32>
        %gather3A_198 = vector.shape_cast %broadcast_in_dim3A_197 : vector<16x1xi32> to vector<16xi32>
        %gather3A_199 = tpu.dynamic_gather %get3A_141[%gather3A_198] in [0] : vector<16xf32>, vector<16xi32> -> vector<16xf32>
        %broadcast_in_dim3A_200 = arith.constant 15 : i32
        %broadcast_in_dim3A_201 = vector.broadcast %broadcast_in_dim3A_200 : i32 to vector<16x1xi32>
        %gather3A_202 = vector.shape_cast %broadcast_in_dim3A_201 : vector<16x1xi32> to vector<16xi32>
        %gather3A_203 = tpu.dynamic_gather %get3A_141[%gather3A_202] in [0] : vector<16xf32>, vector<16xi32> -> vector<16xf32>
        %and3A_204 = arith.constant 1 : i32
        %and3A_205 = arith.andi %scan3A_132, %and3A_204 : i32
        %mul3A_206 = arith.constant 64 : i32
        %mul3A_207 = arith.muli %and3A_205, %mul3A_206 : i32
        %get3A_208 = arith.index_cast %scan3A_132 : i32 to index
        %get3A_209 = arith.constant 0 : index
        %get3A_210 = tpu.vector_load %arg9[%get3A_208, %get3A_209] {strides = array<i32>} : memref<32x1024xf32, #tpu.memory_space<vmem>>, vector<1x16xf32>,
        %get3A_211 = vector.shape_cast %get3A_210 : vector<1x16xf32> to vector<16xf32>
        %mul3A_212 = arith.mulf %gather3A_143, %get3A_211 : vector<16xf32>
        %get3A_213 = arith.index_cast %scan3A_132 : i32 to index
        %get3A_214 = arith.constant 64 : index
        %get3A_215 = tpu.vector_load %arg9[%get3A_213, %get3A_214] {strides = array<i32>} : memref<32x1024xf32, #tpu.memory_space<vmem>>, vector<1x16xf32>,
        %get3A_216 = vector.shape_cast %get3A_215 : vector<1x16xf32> to vector<16xf32>
        %mul3A_217 = arith.mulf %gather3A_147, %get3A_216 : vector<16xf32>
        %add3A_218 = arith.addf %mul3A_212, %mul3A_217 : vector<16xf32>
        %get3A_219 = arith.index_cast %scan3A_132 : i32 to index
        %get3A_220 = arith.constant 128 : index
        %get3A_221 = tpu.vector_load %arg9[%get3A_219, %get3A_220] {strides = array<i32>} : memref<32x1024xf32, #tpu.memory_space<vmem>>, vector<1x16xf32>,
        %get3A_222 = vector.shape_cast %get3A_221 : vector<1x16xf32> to vector<16xf32>
        %mul3A_223 = arith.mulf %gather3A_151, %get3A_222 : vector<16xf32>
        %add3A_224 = arith.addf %add3A_218, %mul3A_223 : vector<16xf32>
        %get3A_225 = arith.index_cast %scan3A_132 : i32 to index
        %get3A_226 = arith.constant 192 : index
        %get3A_227 = tpu.vector_load %arg9[%get3A_225, %get3A_226] {strides = array<i32>} : memref<32x1024xf32, #tpu.memory_space<vmem>>, vector<1x16xf32>,
        %get3A_228 = vector.shape_cast %get3A_227 : vector<1x16xf32> to vector<16xf32>
        %mul3A_229 = arith.mulf %gather3A_155, %get3A_228 : vector<16xf32>
        %add3A_230 = arith.addf %add3A_224, %mul3A_229 : vector<16xf32>
        %get3A_231 = arith.index_cast %scan3A_132 : i32 to index
        %get3A_232 = arith.constant 256 : index
        %get3A_233 = tpu.vector_load %arg9[%get3A_231, %get3A_232] {strides = array<i32>} : memref<32x1024xf32, #tpu.memory_space<vmem>>, vector<1x16xf32>,
        %get3A_234 = vector.shape_cast %get3A_233 : vector<1x16xf32> to vector<16xf32>
        %mul3A_235 = arith.mulf %gather3A_159, %get3A_234 : vector<16xf32>
        %add3A_236 = arith.addf %add3A_230, %mul3A_235 : vector<16xf32>
        %get3A_237 = arith.index_cast %scan3A_132 : i32 to index
        %get3A_238 = arith.constant 320 : index
        %get3A_239 = tpu.vector_load %arg9[%get3A_237, %get3A_238] {strides = array<i32>} : memref<32x1024xf32, #tpu.memory_space<vmem>>, vector<1x16xf32>,
        %get3A_240 = vector.shape_cast %get3A_239 : vector<1x16xf32> to vector<16xf32>
        %mul3A_241 = arith.mulf %gather3A_163, %get3A_240 : vector<16xf32>
        %add3A_242 = arith.addf %add3A_236, %mul3A_241 : vector<16xf32>
        %get3A_243 = arith.index_cast %scan3A_132 : i32 to index
        %get3A_244 = arith.constant 384 : index
        %get3A_245 = tpu.vector_load %arg9[%get3A_243, %get3A_244] {strides = array<i32>} : memref<32x1024xf32, #tpu.memory_space<vmem>>, vector<1x16xf32>,
        %get3A_246 = vector.shape_cast %get3A_245 : vector<1x16xf32> to vector<16xf32>
        %mul3A_247 = arith.mulf %gather3A_167, %get3A_246 : vector<16xf32>
        %add3A_248 = arith.addf %add3A_242, %mul3A_247 : vector<16xf32>
        %get3A_249 = arith.index_cast %scan3A_132 : i32 to index
        %get3A_250 = arith.constant 448 : index
        %get3A_251 = tpu.vector_load %arg9[%get3A_249, %get3A_250] {strides = array<i32>} : memref<32x1024xf32, #tpu.memory_space<vmem>>, vector<1x16xf32>,
        %get3A_252 = vector.shape_cast %get3A_251 : vector<1x16xf32> to vector<16xf32>
        %mul3A_253 = arith.mulf %gather3A_171, %get3A_252 : vector<16xf32>
        %add3A_254 = arith.addf %add3A_248, %mul3A_253 : vector<16xf32>
        %get3A_255 = arith.index_cast %scan3A_132 : i32 to index
        %get3A_256 = arith.constant 512 : index
        %get3A_257 = tpu.vector_load %arg9[%get3A_255, %get3A_256] {strides = array<i32>} : memref<32x1024xf32, #tpu.memory_space<vmem>>, vector<1x16xf32>,
        %get3A_258 = vector.shape_cast %get3A_257 : vector<1x16xf32> to vector<16xf32>
        %mul3A_259 = arith.mulf %gather3A_175, %get3A_258 : vector<16xf32>
        %add3A_260 = arith.addf %add3A_254, %mul3A_259 : vector<16xf32>
        %get3A_261 = arith.index_cast %scan3A_132 : i32 to index
        %get3A_262 = arith.constant 576 : index
        %get3A_263 = tpu.vector_load %arg9[%get3A_261, %get3A_262] {strides = array<i32>} : memref<32x1024xf32, #tpu.memory_space<vmem>>, vector<1x16xf32>,
        %get3A_264 = vector.shape_cast %get3A_263 : vector<1x16xf32> to vector<16xf32>
        %mul3A_265 = arith.mulf %gather3A_179, %get3A_264 : vector<16xf32>
        %add3A_266 = arith.addf %add3A_260, %mul3A_265 : vector<16xf32>
        %get3A_267 = arith.index_cast %scan3A_132 : i32 to index
        %get3A_268 = arith.constant 640 : index
        %get3A_269 = tpu.vector_load %arg9[%get3A_267, %get3A_268] {strides = array<i32>} : memref<32x1024xf32, #tpu.memory_space<vmem>>, vector<1x16xf32>,
        %get3A_270 = vector.shape_cast %get3A_269 : vector<1x16xf32> to vector<16xf32>
        %mul3A_271 = arith.mulf %gather3A_183, %get3A_270 : vector<16xf32>
        %add3A_272 = arith.addf %add3A_266, %mul3A_271 : vector<16xf32>
        %get3A_273 = arith.index_cast %scan3A_132 : i32 to index
        %get3A_274 = arith.constant 704 : index
        %get3A_275 = tpu.vector_load %arg9[%get3A_273, %get3A_274] {strides = array<i32>} : memref<32x1024xf32, #tpu.memory_space<vmem>>, vector<1x16xf32>,
        %get3A_276 = vector.shape_cast %get3A_275 : vector<1x16xf32> to vector<16xf32>
        %mul3A_277 = arith.mulf %gather3A_187, %get3A_276 : vector<16xf32>
        %add3A_278 = arith.addf %add3A_272, %mul3A_277 : vector<16xf32>
        %get3A_279 = arith.index_cast %scan3A_132 : i32 to index
        %get3A_280 = arith.constant 768 : index
        %get3A_281 = tpu.vector_load %arg9[%get3A_279, %get3A_280] {strides = array<i32>} : memref<32x1024xf32, #tpu.memory_space<vmem>>, vector<1x16xf32>,
        %get3A_282 = vector.shape_cast %get3A_281 : vector<1x16xf32> to vector<16xf32>
        %mul3A_283 = arith.mulf %gather3A_191, %get3A_282 : vector<16xf32>
        %add3A_284 = arith.addf %add3A_278, %mul3A_283 : vector<16xf32>
        %get3A_285 = arith.index_cast %scan3A_132 : i32 to index
        %get3A_286 = arith.constant 832 : index
        %get3A_287 = tpu.vector_load %arg9[%get3A_285, %get3A_286] {strides = array<i32>} : memref<32x1024xf32, #tpu.memory_space<vmem>>, vector<1x16xf32>,
        %get3A_288 = vector.shape_cast %get3A_287 : vector<1x16xf32> to vector<16xf32>
        %mul3A_289 = arith.mulf %gather3A_195, %get3A_288 : vector<16xf32>
        %add3A_290 = arith.addf %add3A_284, %mul3A_289 : vector<16xf32>
        %get3A_291 = arith.index_cast %scan3A_132 : i32 to index
        %get3A_292 = arith.constant 896 : index
        %get3A_293 = tpu.vector_load %arg9[%get3A_291, %get3A_292] {strides = array<i32>} : memref<32x1024xf32, #tpu.memory_space<vmem>>, vector<1x16xf32>,
        %get3A_294 = vector.shape_cast %get3A_293 : vector<1x16xf32> to vector<16xf32>
        %mul3A_295 = arith.mulf %gather3A_199, %get3A_294 : vector<16xf32>
        %add3A_296 = arith.addf %add3A_290, %mul3A_295 : vector<16xf32>
        %get3A_297 = arith.index_cast %scan3A_132 : i32 to index
        %get3A_298 = arith.constant 960 : index
        %get3A_299 = tpu.vector_load %arg9[%get3A_297, %get3A_298] {strides = array<i32>} : memref<32x1024xf32, #tpu.memory_space<vmem>>, vector<1x16xf32>,
        %get3A_300 = vector.shape_cast %get3A_299 : vector<1x16xf32> to vector<16xf32>
        %mul3A_301 = arith.mulf %gather3A_203, %get3A_300 : vector<16xf32>
        %add3A_302 = arith.addf %add3A_296, %mul3A_301 : vector<16xf32>
        %shift_right_logical3A_303 = arith.constant 1 : i32
        %shift_right_logical3A_304 = arith.shrui %scan3A_132, %shift_right_logical3A_303 : i32
        %add3A_305 = arith.constant 0 : i32
        %add3A_306 = arith.addi %mul3A_207, %add3A_305 : i32
        %swap3A = arith.index_cast %shift_right_logical3A_304 : i32 to index
        %swap3A_307 = arith.index_cast %add3A_306 : i32 to index
        %swap3A_308 = tpu.vector_load %arg8[%swap3A, %swap3A_307] {strides = array<i32>} : memref<16x128xf32, #tpu.memory_space<vmem>>, vector<1x16xf32>,
        %swap3A_309 = vector.shape_cast %swap3A_308 : vector<1x16xf32> to vector<16xf32>
        %swap3A_310 = vector.shape_cast %add3A_302 : vector<16xf32> to vector<1x16xf32>
        tpu.vector_store %arg8[%swap3A, %swap3A_307], %swap3A_310 {strides = array<i32>} : memref<16x128xf32, #tpu.memory_space<vmem>>, vector<1x16xf32>,
        %get3A_311 = arith.index_cast %scan3A_132 : i32 to index
        %get3A_312 = arith.constant 16 : index
        %get3A_313 = tpu.vector_load %arg9[%get3A_311, %get3A_312] {strides = array<i32>} : memref<32x1024xf32, #tpu.memory_space<vmem>>, vector<1x16xf32>,
        %get3A_314 = vector.shape_cast %get3A_313 : vector<1x16xf32> to vector<16xf32>
        %mul3A_315 = arith.mulf %gather3A_143, %get3A_314 : vector<16xf32>
        %get3A_316 = arith.index_cast %scan3A_132 : i32 to index
        %get3A_317 = arith.constant 80 : index
        %get3A_318 = tpu.vector_load %arg9[%get3A_316, %get3A_317] {strides = array<i32>} : memref<32x1024xf32, #tpu.memory_space<vmem>>, vector<1x16xf32>,
        %get3A_319 = vector.shape_cast %get3A_318 : vector<1x16xf32> to vector<16xf32>
        %mul3A_320 = arith.mulf %gather3A_147, %get3A_319 : vector<16xf32>
        %add3A_321 = arith.addf %mul3A_315, %mul3A_320 : vector<16xf32>
        %get3A_322 = arith.index_cast %scan3A_132 : i32 to index
        %get3A_323 = arith.constant 144 : index
        %get3A_324 = tpu.vector_load %arg9[%get3A_322, %get3A_323] {strides = array<i32>} : memref<32x1024xf32, #tpu.memory_space<vmem>>, vector<1x16xf32>,
        %get3A_325 = vector.shape_cast %get3A_324 : vector<1x16xf32> to vector<16xf32>
        %mul3A_326 = arith.mulf %gather3A_151, %get3A_325 : vector<16xf32>
        %add3A_327 = arith.addf %add3A_321, %mul3A_326 : vector<16xf32>
        %get3A_328 = arith.index_cast %scan3A_132 : i32 to index
        %get3A_329 = arith.constant 208 : index
        %get3A_330 = tpu.vector_load %arg9[%get3A_328, %get3A_329] {strides = array<i32>} : memref<32x1024xf32, #tpu.memory_space<vmem>>, vector<1x16xf32>,
        %get3A_331 = vector.shape_cast %get3A_330 : vector<1x16xf32> to vector<16xf32>
        %mul3A_332 = arith.mulf %gather3A_155, %get3A_331 : vector<16xf32>
        %add3A_333 = arith.addf %add3A_327, %mul3A_332 : vector<16xf32>
        %get3A_334 = arith.index_cast %scan3A_132 : i32 to index
        %get3A_335 = arith.constant 272 : index
        %get3A_336 = tpu.vector_load %arg9[%get3A_334, %get3A_335] {strides = array<i32>} : memref<32x1024xf32, #tpu.memory_space<vmem>>, vector<1x16xf32>,
        %get3A_337 = vector.shape_cast %get3A_336 : vector<1x16xf32> to vector<16xf32>
        %mul3A_338 = arith.mulf %gather3A_159, %get3A_337 : vector<16xf32>
        %add3A_339 = arith.addf %add3A_333, %mul3A_338 : vector<16xf32>
        %get3A_340 = arith.index_cast %scan3A_132 : i32 to index
        %get3A_341 = arith.constant 336 : index
        %get3A_342 = tpu.vector_load %arg9[%get3A_340, %get3A_341] {strides = array<i32>} : memref<32x1024xf32, #tpu.memory_space<vmem>>, vector<1x16xf32>,
        %get3A_343 = vector.shape_cast %get3A_342 : vector<1x16xf32> to vector<16xf32>
        %mul3A_344 = arith.mulf %gather3A_163, %get3A_343 : vector<16xf32>
        %add3A_345 = arith.addf %add3A_339, %mul3A_344 : vector<16xf32>
        %get3A_346 = arith.index_cast %scan3A_132 : i32 to index
        %get3A_347 = arith.constant 400 : index
        %get3A_348 = tpu.vector_load %arg9[%get3A_346, %get3A_347] {strides = array<i32>} : memref<32x1024xf32, #tpu.memory_space<vmem>>, vector<1x16xf32>,
        %get3A_349 = vector.shape_cast %get3A_348 : vector<1x16xf32> to vector<16xf32>
        %mul3A_350 = arith.mulf %gather3A_167, %get3A_349 : vector<16xf32>
        %add3A_351 = arith.addf %add3A_345, %mul3A_350 : vector<16xf32>
        %get3A_352 = arith.index_cast %scan3A_132 : i32 to index
        %get3A_353 = arith.constant 464 : index
        %get3A_354 = tpu.vector_load %arg9[%get3A_352, %get3A_353] {strides = array<i32>} : memref<32x1024xf32, #tpu.memory_space<vmem>>, vector<1x16xf32>,
        %get3A_355 = vector.shape_cast %get3A_354 : vector<1x16xf32> to vector<16xf32>
        %mul3A_356 = arith.mulf %gather3A_171, %get3A_355 : vector<16xf32>
        %add3A_357 = arith.addf %add3A_351, %mul3A_356 : vector<16xf32>
        %get3A_358 = arith.index_cast %scan3A_132 : i32 to index
        %get3A_359 = arith.constant 528 : index
        %get3A_360 = tpu.vector_load %arg9[%get3A_358, %get3A_359] {strides = array<i32>} : memref<32x1024xf32, #tpu.memory_space<vmem>>, vector<1x16xf32>,
        %get3A_361 = vector.shape_cast %get3A_360 : vector<1x16xf32> to vector<16xf32>
        %mul3A_362 = arith.mulf %gather3A_175, %get3A_361 : vector<16xf32>
        %add3A_363 = arith.addf %add3A_357, %mul3A_362 : vector<16xf32>
        %get3A_364 = arith.index_cast %scan3A_132 : i32 to index
        %get3A_365 = arith.constant 592 : index
        %get3A_366 = tpu.vector_load %arg9[%get3A_364, %get3A_365] {strides = array<i32>} : memref<32x1024xf32, #tpu.memory_space<vmem>>, vector<1x16xf32>,
        %get3A_367 = vector.shape_cast %get3A_366 : vector<1x16xf32> to vector<16xf32>
        %mul3A_368 = arith.mulf %gather3A_179, %get3A_367 : vector<16xf32>
        %add3A_369 = arith.addf %add3A_363, %mul3A_368 : vector<16xf32>
        %get3A_370 = arith.index_cast %scan3A_132 : i32 to index
        %get3A_371 = arith.constant 656 : index
        %get3A_372 = tpu.vector_load %arg9[%get3A_370, %get3A_371] {strides = array<i32>} : memref<32x1024xf32, #tpu.memory_space<vmem>>, vector<1x16xf32>,
        %get3A_373 = vector.shape_cast %get3A_372 : vector<1x16xf32> to vector<16xf32>
        %mul3A_374 = arith.mulf %gather3A_183, %get3A_373 : vector<16xf32>
        %add3A_375 = arith.addf %add3A_369, %mul3A_374 : vector<16xf32>
        %get3A_376 = arith.index_cast %scan3A_132 : i32 to index
        %get3A_377 = arith.constant 720 : index
        %get3A_378 = tpu.vector_load %arg9[%get3A_376, %get3A_377] {strides = array<i32>} : memref<32x1024xf32, #tpu.memory_space<vmem>>, vector<1x16xf32>,
        %get3A_379 = vector.shape_cast %get3A_378 : vector<1x16xf32> to vector<16xf32>
        %mul3A_380 = arith.mulf %gather3A_187, %get3A_379 : vector<16xf32>
        %add3A_381 = arith.addf %add3A_375, %mul3A_380 : vector<16xf32>
        %get3A_382 = arith.index_cast %scan3A_132 : i32 to index
        %get3A_383 = arith.constant 784 : index
        %get3A_384 = tpu.vector_load %arg9[%get3A_382, %get3A_383] {strides = array<i32>} : memref<32x1024xf32, #tpu.memory_space<vmem>>, vector<1x16xf32>,
        %get3A_385 = vector.shape_cast %get3A_384 : vector<1x16xf32> to vector<16xf32>
        %mul3A_386 = arith.mulf %gather3A_191, %get3A_385 : vector<16xf32>
        %add3A_387 = arith.addf %add3A_381, %mul3A_386 : vector<16xf32>
        %get3A_388 = arith.index_cast %scan3A_132 : i32 to index
        %get3A_389 = arith.constant 848 : index
        %get3A_390 = tpu.vector_load %arg9[%get3A_388, %get3A_389] {strides = array<i32>} : memref<32x1024xf32, #tpu.memory_space<vmem>>, vector<1x16xf32>,
        %get3A_391 = vector.shape_cast %get3A_390 : vector<1x16xf32> to vector<16xf32>
        %mul3A_392 = arith.mulf %gather3A_195, %get3A_391 : vector<16xf32>
        %add3A_393 = arith.addf %add3A_387, %mul3A_392 : vector<16xf32>
        %get3A_394 = arith.index_cast %scan3A_132 : i32 to index
        %get3A_395 = arith.constant 912 : index
        %get3A_396 = tpu.vector_load %arg9[%get3A_394, %get3A_395] {strides = array<i32>} : memref<32x1024xf32, #tpu.memory_space<vmem>>, vector<1x16xf32>,
        %get3A_397 = vector.shape_cast %get3A_396 : vector<1x16xf32> to vector<16xf32>
        %mul3A_398 = arith.mulf %gather3A_199, %get3A_397 : vector<16xf32>
        %add3A_399 = arith.addf %add3A_393, %mul3A_398 : vector<16xf32>
        %get3A_400 = arith.index_cast %scan3A_132 : i32 to index
        %get3A_401 = arith.constant 976 : index
        %get3A_402 = tpu.vector_load %arg9[%get3A_400, %get3A_401] {strides = array<i32>} : memref<32x1024xf32, #tpu.memory_space<vmem>>, vector<1x16xf32>,
        %get3A_403 = vector.shape_cast %get3A_402 : vector<1x16xf32> to vector<16xf32>
        %mul3A_404 = arith.mulf %gather3A_203, %get3A_403 : vector<16xf32>
        %add3A_405 = arith.addf %add3A_399, %mul3A_404 : vector<16xf32>
        %shift_right_logical3A_406 = arith.constant 1 : i32
        %shift_right_logical3A_407 = arith.shrui %scan3A_132, %shift_right_logical3A_406 : i32
        %add3A_408 = arith.constant 16 : i32
        %add3A_409 = arith.addi %mul3A_207, %add3A_408 : i32
        %swap3A_410 = arith.index_cast %shift_right_logical3A_407 : i32 to index
        %swap3A_411 = arith.index_cast %add3A_409 : i32 to index
        %swap3A_412 = tpu.vector_load %arg8[%swap3A_410, %swap3A_411] {strides = array<i32>} : memref<16x128xf32, #tpu.memory_space<vmem>>, vector<1x16xf32>,
        %swap3A_413 = vector.shape_cast %swap3A_412 : vector<1x16xf32> to vector<16xf32>
        %swap3A_414 = vector.shape_cast %add3A_405 : vector<16xf32> to vector<1x16xf32>
        tpu.vector_store %arg8[%swap3A_410, %swap3A_411], %swap3A_414 {strides = array<i32>} : memref<16x128xf32, #tpu.memory_space<vmem>>, vector<1x16xf32>,
        %get3A_415 = arith.index_cast %scan3A_132 : i32 to index
        %get3A_416 = arith.constant 32 : index
        %get3A_417 = tpu.vector_load %arg9[%get3A_415, %get3A_416] {strides = array<i32>} : memref<32x1024xf32, #tpu.memory_space<vmem>>, vector<1x16xf32>,
        %get3A_418 = vector.shape_cast %get3A_417 : vector<1x16xf32> to vector<16xf32>
        %mul3A_419 = arith.mulf %gather3A_143, %get3A_418 : vector<16xf32>
        %get3A_420 = arith.index_cast %scan3A_132 : i32 to index
        %get3A_421 = arith.constant 96 : index
        %get3A_422 = tpu.vector_load %arg9[%get3A_420, %get3A_421] {strides = array<i32>} : memref<32x1024xf32, #tpu.memory_space<vmem>>, vector<1x16xf32>,
        %get3A_423 = vector.shape_cast %get3A_422 : vector<1x16xf32> to vector<16xf32>
        %mul3A_424 = arith.mulf %gather3A_147, %get3A_423 : vector<16xf32>
        %add3A_425 = arith.addf %mul3A_419, %mul3A_424 : vector<16xf32>
        %get3A_426 = arith.index_cast %scan3A_132 : i32 to index
        %get3A_427 = arith.constant 160 : index
        %get3A_428 = tpu.vector_load %arg9[%get3A_426, %get3A_427] {strides = array<i32>} : memref<32x1024xf32, #tpu.memory_space<vmem>>, vector<1x16xf32>,
        %get3A_429 = vector.shape_cast %get3A_428 : vector<1x16xf32> to vector<16xf32>
        %mul3A_430 = arith.mulf %gather3A_151, %get3A_429 : vector<16xf32>
        %add3A_431 = arith.addf %add3A_425, %mul3A_430 : vector<16xf32>
        %get3A_432 = arith.index_cast %scan3A_132 : i32 to index
        %get3A_433 = arith.constant 224 : index
        %get3A_434 = tpu.vector_load %arg9[%get3A_432, %get3A_433] {strides = array<i32>} : memref<32x1024xf32, #tpu.memory_space<vmem>>, vector<1x16xf32>,
        %get3A_435 = vector.shape_cast %get3A_434 : vector<1x16xf32> to vector<16xf32>
        %mul3A_436 = arith.mulf %gather3A_155, %get3A_435 : vector<16xf32>
        %add3A_437 = arith.addf %add3A_431, %mul3A_436 : vector<16xf32>
        %get3A_438 = arith.index_cast %scan3A_132 : i32 to index
        %get3A_439 = arith.constant 288 : index
        %get3A_440 = tpu.vector_load %arg9[%get3A_438, %get3A_439] {strides = array<i32>} : memref<32x1024xf32, #tpu.memory_space<vmem>>, vector<1x16xf32>,
        %get3A_441 = vector.shape_cast %get3A_440 : vector<1x16xf32> to vector<16xf32>
        %mul3A_442 = arith.mulf %gather3A_159, %get3A_441 : vector<16xf32>
        %add3A_443 = arith.addf %add3A_437, %mul3A_442 : vector<16xf32>
        %get3A_444 = arith.index_cast %scan3A_132 : i32 to index
        %get3A_445 = arith.constant 352 : index
        %get3A_446 = tpu.vector_load %arg9[%get3A_444, %get3A_445] {strides = array<i32>} : memref<32x1024xf32, #tpu.memory_space<vmem>>, vector<1x16xf32>,
        %get3A_447 = vector.shape_cast %get3A_446 : vector<1x16xf32> to vector<16xf32>
        %mul3A_448 = arith.mulf %gather3A_163, %get3A_447 : vector<16xf32>
        %add3A_449 = arith.addf %add3A_443, %mul3A_448 : vector<16xf32>
        %get3A_450 = arith.index_cast %scan3A_132 : i32 to index
        %get3A_451 = arith.constant 416 : index
        %get3A_452 = tpu.vector_load %arg9[%get3A_450, %get3A_451] {strides = array<i32>} : memref<32x1024xf32, #tpu.memory_space<vmem>>, vector<1x16xf32>,
        %get3A_453 = vector.shape_cast %get3A_452 : vector<1x16xf32> to vector<16xf32>
        %mul3A_454 = arith.mulf %gather3A_167, %get3A_453 : vector<16xf32>
        %add3A_455 = arith.addf %add3A_449, %mul3A_454 : vector<16xf32>
        %get3A_456 = arith.index_cast %scan3A_132 : i32 to index
        %get3A_457 = arith.constant 480 : index
        %get3A_458 = tpu.vector_load %arg9[%get3A_456, %get3A_457] {strides = array<i32>} : memref<32x1024xf32, #tpu.memory_space<vmem>>, vector<1x16xf32>,
        %get3A_459 = vector.shape_cast %get3A_458 : vector<1x16xf32> to vector<16xf32>
        %mul3A_460 = arith.mulf %gather3A_171, %get3A_459 : vector<16xf32>
        %add3A_461 = arith.addf %add3A_455, %mul3A_460 : vector<16xf32>
        %get3A_462 = arith.index_cast %scan3A_132 : i32 to index
        %get3A_463 = arith.constant 544 : index
        %get3A_464 = tpu.vector_load %arg9[%get3A_462, %get3A_463] {strides = array<i32>} : memref<32x1024xf32, #tpu.memory_space<vmem>>, vector<1x16xf32>,
        %get3A_465 = vector.shape_cast %get3A_464 : vector<1x16xf32> to vector<16xf32>
        %mul3A_466 = arith.mulf %gather3A_175, %get3A_465 : vector<16xf32>
        %add3A_467 = arith.addf %add3A_461, %mul3A_466 : vector<16xf32>
        %get3A_468 = arith.index_cast %scan3A_132 : i32 to index
        %get3A_469 = arith.constant 608 : index
        %get3A_470 = tpu.vector_load %arg9[%get3A_468, %get3A_469] {strides = array<i32>} : memref<32x1024xf32, #tpu.memory_space<vmem>>, vector<1x16xf32>,
        %get3A_471 = vector.shape_cast %get3A_470 : vector<1x16xf32> to vector<16xf32>
        %mul3A_472 = arith.mulf %gather3A_179, %get3A_471 : vector<16xf32>
        %add3A_473 = arith.addf %add3A_467, %mul3A_472 : vector<16xf32>
        %get3A_474 = arith.index_cast %scan3A_132 : i32 to index
        %get3A_475 = arith.constant 672 : index
        %get3A_476 = tpu.vector_load %arg9[%get3A_474, %get3A_475] {strides = array<i32>} : memref<32x1024xf32, #tpu.memory_space<vmem>>, vector<1x16xf32>,
        %get3A_477 = vector.shape_cast %get3A_476 : vector<1x16xf32> to vector<16xf32>
        %mul3A_478 = arith.mulf %gather3A_183, %get3A_477 : vector<16xf32>
        %add3A_479 = arith.addf %add3A_473, %mul3A_478 : vector<16xf32>
        %get3A_480 = arith.index_cast %scan3A_132 : i32 to index
        %get3A_481 = arith.constant 736 : index
        %get3A_482 = tpu.vector_load %arg9[%get3A_480, %get3A_481] {strides = array<i32>} : memref<32x1024xf32, #tpu.memory_space<vmem>>, vector<1x16xf32>,
        %get3A_483 = vector.shape_cast %get3A_482 : vector<1x16xf32> to vector<16xf32>
        %mul3A_484 = arith.mulf %gather3A_187, %get3A_483 : vector<16xf32>
        %add3A_485 = arith.addf %add3A_479, %mul3A_484 : vector<16xf32>
        %get3A_486 = arith.index_cast %scan3A_132 : i32 to index
        %get3A_487 = arith.constant 800 : index
        %get3A_488 = tpu.vector_load %arg9[%get3A_486, %get3A_487] {strides = array<i32>} : memref<32x1024xf32, #tpu.memory_space<vmem>>, vector<1x16xf32>,
        %get3A_489 = vector.shape_cast %get3A_488 : vector<1x16xf32> to vector<16xf32>
        %mul3A_490 = arith.mulf %gather3A_191, %get3A_489 : vector<16xf32>
        %add3A_491 = arith.addf %add3A_485, %mul3A_490 : vector<16xf32>
        %get3A_492 = arith.index_cast %scan3A_132 : i32 to index
        %get3A_493 = arith.constant 864 : index
        %get3A_494 = tpu.vector_load %arg9[%get3A_492, %get3A_493] {strides = array<i32>} : memref<32x1024xf32, #tpu.memory_space<vmem>>, vector<1x16xf32>,
        %get3A_495 = vector.shape_cast %get3A_494 : vector<1x16xf32> to vector<16xf32>
        %mul3A_496 = arith.mulf %gather3A_195, %get3A_495 : vector<16xf32>
        %add3A_497 = arith.addf %add3A_491, %mul3A_496 : vector<16xf32>
        %get3A_498 = arith.index_cast %scan3A_132 : i32 to index
        %get3A_499 = arith.constant 928 : index
        %get3A_500 = tpu.vector_load %arg9[%get3A_498, %get3A_499] {strides = array<i32>} : memref<32x1024xf32, #tpu.memory_space<vmem>>, vector<1x16xf32>,
        %get3A_501 = vector.shape_cast %get3A_500 : vector<1x16xf32> to vector<16xf32>
        %mul3A_502 = arith.mulf %gather3A_199, %get3A_501 : vector<16xf32>
        %add3A_503 = arith.addf %add3A_497, %mul3A_502 : vector<16xf32>
        %get3A_504 = arith.index_cast %scan3A_132 : i32 to index
        %get3A_505 = arith.constant 992 : index
        %get3A_506 = tpu.vector_load %arg9[%get3A_504, %get3A_505] {strides = array<i32>} : memref<32x1024xf32, #tpu.memory_space<vmem>>, vector<1x16xf32>,
        %get3A_507 = vector.shape_cast %get3A_506 : vector<1x16xf32> to vector<16xf32>
        %mul3A_508 = arith.mulf %gather3A_203, %get3A_507 : vector<16xf32>
        %add3A_509 = arith.addf %add3A_503, %mul3A_508 : vector<16xf32>
        %shift_right_logical3A_510 = arith.constant 1 : i32
        %shift_right_logical3A_511 = arith.shrui %scan3A_132, %shift_right_logical3A_510 : i32
        %add3A_512 = arith.constant 32 : i32
        %add3A_513 = arith.addi %mul3A_207, %add3A_512 : i32
        %swap3A_514 = arith.index_cast %shift_right_logical3A_511 : i32 to index
        %swap3A_515 = arith.index_cast %add3A_513 : i32 to index
        %swap3A_516 = tpu.vector_load %arg8[%swap3A_514, %swap3A_515] {strides = array<i32>} : memref<16x128xf32, #tpu.memory_space<vmem>>, vector<1x16xf32>,
        %swap3A_517 = vector.shape_cast %swap3A_516 : vector<1x16xf32> to vector<16xf32>
        %swap3A_518 = vector.shape_cast %add3A_509 : vector<16xf32> to vector<1x16xf32>
        tpu.vector_store %arg8[%swap3A_514, %swap3A_515], %swap3A_518 {strides = array<i32>} : memref<16x128xf32, #tpu.memory_space<vmem>>, vector<1x16xf32>,
        %get3A_519 = arith.index_cast %scan3A_132 : i32 to index
        %get3A_520 = arith.constant 48 : index
        %get3A_521 = tpu.vector_load %arg9[%get3A_519, %get3A_520] {strides = array<i32>} : memref<32x1024xf32, #tpu.memory_space<vmem>>, vector<1x16xf32>,
        %get3A_522 = vector.shape_cast %get3A_521 : vector<1x16xf32> to vector<16xf32>
        %mul3A_523 = arith.mulf %gather3A_143, %get3A_522 : vector<16xf32>
        %get3A_524 = arith.index_cast %scan3A_132 : i32 to index
        %get3A_525 = arith.constant 112 : index
        %get3A_526 = tpu.vector_load %arg9[%get3A_524, %get3A_525] {strides = array<i32>} : memref<32x1024xf32, #tpu.memory_space<vmem>>, vector<1x16xf32>,
        %get3A_527 = vector.shape_cast %get3A_526 : vector<1x16xf32> to vector<16xf32>
        %mul3A_528 = arith.mulf %gather3A_147, %get3A_527 : vector<16xf32>
        %add3A_529 = arith.addf %mul3A_523, %mul3A_528 : vector<16xf32>
        %get3A_530 = arith.index_cast %scan3A_132 : i32 to index
        %get3A_531 = arith.constant 176 : index
        %get3A_532 = tpu.vector_load %arg9[%get3A_530, %get3A_531] {strides = array<i32>} : memref<32x1024xf32, #tpu.memory_space<vmem>>, vector<1x16xf32>,
        %get3A_533 = vector.shape_cast %get3A_532 : vector<1x16xf32> to vector<16xf32>
        %mul3A_534 = arith.mulf %gather3A_151, %get3A_533 : vector<16xf32>
        %add3A_535 = arith.addf %add3A_529, %mul3A_534 : vector<16xf32>
        %get3A_536 = arith.index_cast %scan3A_132 : i32 to index
        %get3A_537 = arith.constant 240 : index
        %get3A_538 = tpu.vector_load %arg9[%get3A_536, %get3A_537] {strides = array<i32>} : memref<32x1024xf32, #tpu.memory_space<vmem>>, vector<1x16xf32>,
        %get3A_539 = vector.shape_cast %get3A_538 : vector<1x16xf32> to vector<16xf32>
        %mul3A_540 = arith.mulf %gather3A_155, %get3A_539 : vector<16xf32>
        %add3A_541 = arith.addf %add3A_535, %mul3A_540 : vector<16xf32>
        %get3A_542 = arith.index_cast %scan3A_132 : i32 to index
        %get3A_543 = arith.constant 304 : index
        %get3A_544 = tpu.vector_load %arg9[%get3A_542, %get3A_543] {strides = array<i32>} : memref<32x1024xf32, #tpu.memory_space<vmem>>, vector<1x16xf32>,
        %get3A_545 = vector.shape_cast %get3A_544 : vector<1x16xf32> to vector<16xf32>
        %mul3A_546 = arith.mulf %gather3A_159, %get3A_545 : vector<16xf32>
        %add3A_547 = arith.addf %add3A_541, %mul3A_546 : vector<16xf32>
        %get3A_548 = arith.index_cast %scan3A_132 : i32 to index
        %get3A_549 = arith.constant 368 : index
        %get3A_550 = tpu.vector_load %arg9[%get3A_548, %get3A_549] {strides = array<i32>} : memref<32x1024xf32, #tpu.memory_space<vmem>>, vector<1x16xf32>,
        %get3A_551 = vector.shape_cast %get3A_550 : vector<1x16xf32> to vector<16xf32>
        %mul3A_552 = arith.mulf %gather3A_163, %get3A_551 : vector<16xf32>
        %add3A_553 = arith.addf %add3A_547, %mul3A_552 : vector<16xf32>
        %get3A_554 = arith.index_cast %scan3A_132 : i32 to index
        %get3A_555 = arith.constant 432 : index
        %get3A_556 = tpu.vector_load %arg9[%get3A_554, %get3A_555] {strides = array<i32>} : memref<32x1024xf32, #tpu.memory_space<vmem>>, vector<1x16xf32>,
        %get3A_557 = vector.shape_cast %get3A_556 : vector<1x16xf32> to vector<16xf32>
        %mul3A_558 = arith.mulf %gather3A_167, %get3A_557 : vector<16xf32>
        %add3A_559 = arith.addf %add3A_553, %mul3A_558 : vector<16xf32>
        %get3A_560 = arith.index_cast %scan3A_132 : i32 to index
        %get3A_561 = arith.constant 496 : index
        %get3A_562 = tpu.vector_load %arg9[%get3A_560, %get3A_561] {strides = array<i32>} : memref<32x1024xf32, #tpu.memory_space<vmem>>, vector<1x16xf32>,
        %get3A_563 = vector.shape_cast %get3A_562 : vector<1x16xf32> to vector<16xf32>
        %mul3A_564 = arith.mulf %gather3A_171, %get3A_563 : vector<16xf32>
        %add3A_565 = arith.addf %add3A_559, %mul3A_564 : vector<16xf32>
        %get3A_566 = arith.index_cast %scan3A_132 : i32 to index
        %get3A_567 = arith.constant 560 : index
        %get3A_568 = tpu.vector_load %arg9[%get3A_566, %get3A_567] {strides = array<i32>} : memref<32x1024xf32, #tpu.memory_space<vmem>>, vector<1x16xf32>,
        %get3A_569 = vector.shape_cast %get3A_568 : vector<1x16xf32> to vector<16xf32>
        %mul3A_570 = arith.mulf %gather3A_175, %get3A_569 : vector<16xf32>
        %add3A_571 = arith.addf %add3A_565, %mul3A_570 : vector<16xf32>
        %get3A_572 = arith.index_cast %scan3A_132 : i32 to index
        %get3A_573 = arith.constant 624 : index
        %get3A_574 = tpu.vector_load %arg9[%get3A_572, %get3A_573] {strides = array<i32>} : memref<32x1024xf32, #tpu.memory_space<vmem>>, vector<1x16xf32>,
        %get3A_575 = vector.shape_cast %get3A_574 : vector<1x16xf32> to vector<16xf32>
        %mul3A_576 = arith.mulf %gather3A_179, %get3A_575 : vector<16xf32>
        %add3A_577 = arith.addf %add3A_571, %mul3A_576 : vector<16xf32>
        %get3A_578 = arith.index_cast %scan3A_132 : i32 to index
        %get3A_579 = arith.constant 688 : index
        %get3A_580 = tpu.vector_load %arg9[%get3A_578, %get3A_579] {strides = array<i32>} : memref<32x1024xf32, #tpu.memory_space<vmem>>, vector<1x16xf32>,
        %get3A_581 = vector.shape_cast %get3A_580 : vector<1x16xf32> to vector<16xf32>
        %mul3A_582 = arith.mulf %gather3A_183, %get3A_581 : vector<16xf32>
        %add3A_583 = arith.addf %add3A_577, %mul3A_582 : vector<16xf32>
        %get3A_584 = arith.index_cast %scan3A_132 : i32 to index
        %get3A_585 = arith.constant 752 : index
        %get3A_586 = tpu.vector_load %arg9[%get3A_584, %get3A_585] {strides = array<i32>} : memref<32x1024xf32, #tpu.memory_space<vmem>>, vector<1x16xf32>,
        %get3A_587 = vector.shape_cast %get3A_586 : vector<1x16xf32> to vector<16xf32>
        %mul3A_588 = arith.mulf %gather3A_187, %get3A_587 : vector<16xf32>
        %add3A_589 = arith.addf %add3A_583, %mul3A_588 : vector<16xf32>
        %get3A_590 = arith.index_cast %scan3A_132 : i32 to index
        %get3A_591 = arith.constant 816 : index
        %get3A_592 = tpu.vector_load %arg9[%get3A_590, %get3A_591] {strides = array<i32>} : memref<32x1024xf32, #tpu.memory_space<vmem>>, vector<1x16xf32>,
        %get3A_593 = vector.shape_cast %get3A_592 : vector<1x16xf32> to vector<16xf32>
        %mul3A_594 = arith.mulf %gather3A_191, %get3A_593 : vector<16xf32>
        %add3A_595 = arith.addf %add3A_589, %mul3A_594 : vector<16xf32>
        %get3A_596 = arith.index_cast %scan3A_132 : i32 to index
        %get3A_597 = arith.constant 880 : index
        %get3A_598 = tpu.vector_load %arg9[%get3A_596, %get3A_597] {strides = array<i32>} : memref<32x1024xf32, #tpu.memory_space<vmem>>, vector<1x16xf32>,
        %get3A_599 = vector.shape_cast %get3A_598 : vector<1x16xf32> to vector<16xf32>
        %mul3A_600 = arith.mulf %gather3A_195, %get3A_599 : vector<16xf32>
        %add3A_601 = arith.addf %add3A_595, %mul3A_600 : vector<16xf32>
        %get3A_602 = arith.index_cast %scan3A_132 : i32 to index
        %get3A_603 = arith.constant 944 : index
        %get3A_604 = tpu.vector_load %arg9[%get3A_602, %get3A_603] {strides = array<i32>} : memref<32x1024xf32, #tpu.memory_space<vmem>>, vector<1x16xf32>,
        %get3A_605 = vector.shape_cast %get3A_604 : vector<1x16xf32> to vector<16xf32>
        %mul3A_606 = arith.mulf %gather3A_199, %get3A_605 : vector<16xf32>
        %add3A_607 = arith.addf %add3A_601, %mul3A_606 : vector<16xf32>
        %get3A_608 = arith.index_cast %scan3A_132 : i32 to index
        %get3A_609 = arith.constant 1008 : index
        %get3A_610 = tpu.vector_load %arg9[%get3A_608, %get3A_609] {strides = array<i32>} : memref<32x1024xf32, #tpu.memory_space<vmem>>, vector<1x16xf32>,
        %get3A_611 = vector.shape_cast %get3A_610 : vector<1x16xf32> to vector<16xf32>
        %mul3A_612 = arith.mulf %gather3A_203, %get3A_611 : vector<16xf32>
        %add3A_613 = arith.addf %add3A_607, %mul3A_612 : vector<16xf32>
        %shift_right_logical3A_614 = arith.constant 1 : i32
        %shift_right_logical3A_615 = arith.shrui %scan3A_132, %shift_right_logical3A_614 : i32
        %add3A_616 = arith.constant 48 : i32
        %add3A_617 = arith.addi %mul3A_207, %add3A_616 : i32
        %swap3A_618 = arith.index_cast %shift_right_logical3A_615 : i32 to index
        %swap3A_619 = arith.index_cast %add3A_617 : i32 to index
        %swap3A_620 = tpu.vector_load %arg8[%swap3A_618, %swap3A_619] {strides = array<i32>} : memref<16x128xf32, #tpu.memory_space<vmem>>, vector<1x16xf32>,
        %swap3A_621 = vector.shape_cast %swap3A_620 : vector<1x16xf32> to vector<16xf32>
        %swap3A_622 = vector.shape_cast %add3A_613 : vector<16xf32> to vector<1x16xf32>
        tpu.vector_store %arg8[%swap3A_618, %swap3A_619], %swap3A_622 {strides = array<i32>} : memref<16x128xf32, #tpu.memory_space<vmem>>, vector<1x16xf32>,
      }
      %scan3A_50 = arith.constant 32 : i32
      %add3A_51 = arith.addi %mul3A_2, %mul3A_44 : i32
      %jit3A_52 = arith.constant 2 : i32
      %div3A_53 = arith.divsi %add3A_51, %jit3A_52 : i32
      %sign3A_54 = arith.constant 0 : i32
      %sign3A_55 = arith.cmpi sgt, %add3A_51, %sign3A_54 : i32
      %sign3A_56 = arith.extui %sign3A_55 : i1 to i32
      %sign3A_57 = arith.constant 0 : i32
      %sign3A_58 = arith.cmpi slt, %add3A_51, %sign3A_57 : i32
      %sign3A_59 = arith.extui %sign3A_58 : i1 to i32
      %sign3A_60 = arith.subi %sign3A_56, %sign3A_59 : i32
      %sign3A_61 = arith.constant 0 : i32
      %sign3A_62 = arith.cmpi sgt, %jit3A_52, %sign3A_61 : i32
      %sign3A_63 = arith.extui %sign3A_62 : i1 to i32
      %sign3A_64 = arith.constant 0 : i32
      %sign3A_65 = arith.cmpi slt, %jit3A_52, %sign3A_64 : i32
      %sign3A_66 = arith.extui %sign3A_65 : i1 to i32
      %sign3A_67 = arith.subi %sign3A_63, %sign3A_66 : i32
      %ne3A_68 = arith.cmpi ne, %sign3A_60, %sign3A_67 : i32
      %rem3A_69 = arith.remsi %add3A_51, %jit3A_52 : i32
      %ne3A_70 = arith.constant 0 : i32
      %ne3A_71 = arith.cmpi ne, %rem3A_69, %ne3A_70 : i32
      %and3A_72 = arith.andi %ne3A_68, %ne3A_71 : i1
      %sub3A_73 = arith.constant 1 : i32
      %sub3A_74 = arith.subi %div3A_53, %sub3A_73 : i32
      %select_n3A_75 = arith.select %and3A_72, %sub3A_74, %div3A_53 : i32
      %multiple_of3A_76 = tpu.assume_multiple %select_n3A_75, 8 : i32
      "tpu.region"() ({
        %run_scoped3A = tpu.sem_alloc : memref<!tpu.dma_semaphore, #tpu.memory_space<semaphore_mem>>
        %dma_start3A_132 = arith.constant 0 : i32
        %dma_start3A_133 = tpu.memref_slice %arg5[%multiple_of3A_76, %dma_start3A_132] : memref<8192x128xf32, #tpu.memory_space<hbm>> -> memref<16x128xf32, #tpu.memory_space<hbm>>
        %dma_start3A_134 = arith.constant 0 : i32
        %dma_start3A_135 = tpu.memref_slice %arg5[%multiple_of3A_76, %dma_start3A_134] : memref<8192x128xf32, #tpu.memory_space<hbm>> -> memref<16x128xf32, #tpu.memory_space<hbm>>
        tpu.enqueue_dma source(%arg8 : memref<16x128xf32, #tpu.memory_space<vmem>>) target(%dma_start3A_135 : memref<16x128xf32, #tpu.memory_space<hbm>>) target_semaphore(%run_scoped3A : memref<!tpu.dma_semaphore, #tpu.memory_space<semaphore_mem>>)
        %dma_wait3A_136 = arith.constant 0 : i32
        %dma_wait3A_137 = tpu.memref_slice %arg5[%multiple_of3A_76, %dma_wait3A_136] : memref<8192x128xf32, #tpu.memory_space<hbm>> -> memref<16x128xf32, #tpu.memory_space<hbm>>
        %dma_wait3A_138 = arith.constant 0 : i32
        %dma_wait3A_139 = tpu.memref_slice %arg5[%multiple_of3A_76, %dma_wait3A_138] : memref<8192x128xf32, #tpu.memory_space<hbm>> -> memref<16x128xf32, #tpu.memory_space<hbm>>
        tpu.wait_dma2 semaphore(%run_scoped3A : memref<!tpu.dma_semaphore, #tpu.memory_space<semaphore_mem>>) src(%arg8 : memref<16x128xf32, #tpu.memory_space<vmem>>) dst(%dma_wait3A_139 : memref<16x128xf32, #tpu.memory_space<hbm>>)
        tpu.yield
      }) : () -> ()
      %add3A_77 = arith.constant 2 : i32
      %add3A_78 = arith.addi %add3A_37, %add3A_77 : i32
      %lt3A = arith.constant 16 : i32
      %lt3A_79 = arith.cmpi slt, %add3A_78, %lt3A : i32
      %convert_element_type3A = arith.extui %lt3A_79 : i1 to i32
      %cond3A = arith.constant 0 : i32
      %cond3A_80 = arith.cmpi ne, %convert_element_type3A, %cond3A : i32
      scf.if %cond3A_80 {
        %add3A_132 = arith.constant 2 : i32
        %add3A_133 = arith.addi %add3A_37, %add3A_132 : i32
        %mul3A_134 = arith.constant 32 : i32
        %mul3A_135 = arith.muli %add3A_133, %mul3A_134 : i32
        %dma_start3A_136 = tpu.memref_slice %arg6[%mul3A_135] : memref<512xi32, #tpu.memory_space<vmem>> -> memref<32xi32, #tpu.memory_space<vmem>>
        %dma_start3A_137 = arith.constant 0 : i32
        %dma_start3A_138 = arith.constant 0 : i32
        %dma_start3A_139 = tpu.memref_slice %arg2[%dma_start3A_137, %dma_start3A_138] : memref<100000x1024xf32, #tpu.memory_space<hbm>> -> memref<100000x1024xf32, #tpu.memory_space<hbm>>
        tpu.enqueue_indirect_dma source(%dma_start3A_139 : memref<100000x1024xf32, #tpu.memory_space<hbm>>) target(%arg9 : memref<32x1024xf32, #tpu.memory_space<vmem>>) offsets(%dma_start3A_136 : memref<32xi32, #tpu.memory_space<vmem>>) semaphore(%arg11 : memref<!tpu.dma_semaphore, #tpu.memory_space<semaphore_mem>>)
      } else {
      }
      %mul3A_81 = arith.constant 2 : i32
      %mul3A_82 = arith.muli %mul3A_81, %scan3A_33 : i32
      %add3A_83 = arith.constant 1 : i32
      %add3A_84 = arith.addi %mul3A_82, %add3A_83 : i32
      %mul3A_85 = arith.constant 32 : i32
      %mul3A_86 = arith.muli %add3A_84, %mul3A_85 : i32
      %dma_wait3A_87 = tpu.memref_slice %arg6[%mul3A_86] : memref<512xi32, #tpu.memory_space<vmem>> -> memref<32xi32, #tpu.memory_space<vmem>>
      %dma_wait3A_88 = arith.constant 0 : i32
      %dma_wait3A_89 = arith.constant 0 : i32
      %dma_wait3A_90 = tpu.memref_slice %arg2[%dma_wait3A_88, %dma_wait3A_89] : memref<100000x1024xf32, #tpu.memory_space<hbm>> -> memref<100000x1024xf32, #tpu.memory_space<hbm>>
      tpu.wait_indirect_dma semaphore(%arg12 : memref<!tpu.dma_semaphore, #tpu.memory_space<semaphore_mem>>) src(%dma_wait3A_90 : memref<100000x1024xf32, #tpu.memory_space<hbm>>) dst(%arg10 : memref<32x1024xf32, #tpu.memory_space<vmem>>)
      %mul3A_91 = arith.constant 32 : i32
      %mul3A_92 = arith.muli %add3A_84, %mul3A_91 : i32
      %scan3A_93 = arith.constant 0 : i32
      %scan3A_94 = arith.constant 0 : i32
      %scan3A_95 = arith.constant 32 : i32
      %scan3A_96 = arith.addi %scan3A_94, %scan3A_95 : i32
      %scan3A_97 = arith.constant 1 : i32
      scf.for %scan3A_132 = %scan3A_94 to %scan3A_96 step %scan3A_97  : i32 {
        %add3A_133 = arith.addi %mul3A_92, %scan3A_132 : i32
        %shift_right_logical3A = arith.constant 3 : i32
        %shift_right_logical3A_134 = arith.shrui %add3A_133, %shift_right_logical3A : i32
        %and3A_135 = arith.constant 7 : i32
        %and3A_136 = arith.andi %add3A_133, %and3A_135 : i32
        %mul3A_137 = arith.constant 16 : i32
        %mul3A_138 = arith.muli %and3A_136, %mul3A_137 : i32
        %get3A = arith.index_cast %shift_right_logical3A_134 : i32 to index
        %get3A_139 = arith.index_cast %mul3A_138 : i32 to index
        %get3A_140 = tpu.vector_load %arg7[%get3A, %get3A_139] {strides = array<i32>} : memref<64x128xf32, #tpu.memory_space<vmem>>, vector<1x16xf32>,
        %get3A_141 = vector.shape_cast %get3A_140 : vector<1x16xf32> to vector<16xf32>
        %broadcast_in_dim3A = arith.constant 0 : i32
        %broadcast_in_dim3A_142 = vector.broadcast %broadcast_in_dim3A : i32 to vector<16x1xi32>
        %gather3A = vector.shape_cast %broadcast_in_dim3A_142 : vector<16x1xi32> to vector<16xi32>
        %gather3A_143 = tpu.dynamic_gather %get3A_141[%gather3A] in [0] : vector<16xf32>, vector<16xi32> -> vector<16xf32>
        %broadcast_in_dim3A_144 = arith.constant 1 : i32
        %broadcast_in_dim3A_145 = vector.broadcast %broadcast_in_dim3A_144 : i32 to vector<16x1xi32>
        %gather3A_146 = vector.shape_cast %broadcast_in_dim3A_145 : vector<16x1xi32> to vector<16xi32>
        %gather3A_147 = tpu.dynamic_gather %get3A_141[%gather3A_146] in [0] : vector<16xf32>, vector<16xi32> -> vector<16xf32>
        %broadcast_in_dim3A_148 = arith.constant 2 : i32
        %broadcast_in_dim3A_149 = vector.broadcast %broadcast_in_dim3A_148 : i32 to vector<16x1xi32>
        %gather3A_150 = vector.shape_cast %broadcast_in_dim3A_149 : vector<16x1xi32> to vector<16xi32>
        %gather3A_151 = tpu.dynamic_gather %get3A_141[%gather3A_150] in [0] : vector<16xf32>, vector<16xi32> -> vector<16xf32>
        %broadcast_in_dim3A_152 = arith.constant 3 : i32
        %broadcast_in_dim3A_153 = vector.broadcast %broadcast_in_dim3A_152 : i32 to vector<16x1xi32>
        %gather3A_154 = vector.shape_cast %broadcast_in_dim3A_153 : vector<16x1xi32> to vector<16xi32>
        %gather3A_155 = tpu.dynamic_gather %get3A_141[%gather3A_154] in [0] : vector<16xf32>, vector<16xi32> -> vector<16xf32>
        %broadcast_in_dim3A_156 = arith.constant 4 : i32
        %broadcast_in_dim3A_157 = vector.broadcast %broadcast_in_dim3A_156 : i32 to vector<16x1xi32>
        %gather3A_158 = vector.shape_cast %broadcast_in_dim3A_157 : vector<16x1xi32> to vector<16xi32>
        %gather3A_159 = tpu.dynamic_gather %get3A_141[%gather3A_158] in [0] : vector<16xf32>, vector<16xi32> -> vector<16xf32>
        %broadcast_in_dim3A_160 = arith.constant 5 : i32
        %broadcast_in_dim3A_161 = vector.broadcast %broadcast_in_dim3A_160 : i32 to vector<16x1xi32>
        %gather3A_162 = vector.shape_cast %broadcast_in_dim3A_161 : vector<16x1xi32> to vector<16xi32>
        %gather3A_163 = tpu.dynamic_gather %get3A_141[%gather3A_162] in [0] : vector<16xf32>, vector<16xi32> -> vector<16xf32>
        %broadcast_in_dim3A_164 = arith.constant 6 : i32
        %broadcast_in_dim3A_165 = vector.broadcast %broadcast_in_dim3A_164 : i32 to vector<16x1xi32>
        %gather3A_166 = vector.shape_cast %broadcast_in_dim3A_165 : vector<16x1xi32> to vector<16xi32>
        %gather3A_167 = tpu.dynamic_gather %get3A_141[%gather3A_166] in [0] : vector<16xf32>, vector<16xi32> -> vector<16xf32>
        %broadcast_in_dim3A_168 = arith.constant 7 : i32
        %broadcast_in_dim3A_169 = vector.broadcast %broadcast_in_dim3A_168 : i32 to vector<16x1xi32>
        %gather3A_170 = vector.shape_cast %broadcast_in_dim3A_169 : vector<16x1xi32> to vector<16xi32>
        %gather3A_171 = tpu.dynamic_gather %get3A_141[%gather3A_170] in [0] : vector<16xf32>, vector<16xi32> -> vector<16xf32>
        %broadcast_in_dim3A_172 = arith.constant 8 : i32
        %broadcast_in_dim3A_173 = vector.broadcast %broadcast_in_dim3A_172 : i32 to vector<16x1xi32>
        %gather3A_174 = vector.shape_cast %broadcast_in_dim3A_173 : vector<16x1xi32> to vector<16xi32>
        %gather3A_175 = tpu.dynamic_gather %get3A_141[%gather3A_174] in [0] : vector<16xf32>, vector<16xi32> -> vector<16xf32>
        %broadcast_in_dim3A_176 = arith.constant 9 : i32
        %broadcast_in_dim3A_177 = vector.broadcast %broadcast_in_dim3A_176 : i32 to vector<16x1xi32>
        %gather3A_178 = vector.shape_cast %broadcast_in_dim3A_177 : vector<16x1xi32> to vector<16xi32>
        %gather3A_179 = tpu.dynamic_gather %get3A_141[%gather3A_178] in [0] : vector<16xf32>, vector<16xi32> -> vector<16xf32>
        %broadcast_in_dim3A_180 = arith.constant 10 : i32
        %broadcast_in_dim3A_181 = vector.broadcast %broadcast_in_dim3A_180 : i32 to vector<16x1xi32>
        %gather3A_182 = vector.shape_cast %broadcast_in_dim3A_181 : vector<16x1xi32> to vector<16xi32>
        %gather3A_183 = tpu.dynamic_gather %get3A_141[%gather3A_182] in [0] : vector<16xf32>, vector<16xi32> -> vector<16xf32>
        %broadcast_in_dim3A_184 = arith.constant 11 : i32
        %broadcast_in_dim3A_185 = vector.broadcast %broadcast_in_dim3A_184 : i32 to vector<16x1xi32>
        %gather3A_186 = vector.shape_cast %broadcast_in_dim3A_185 : vector<16x1xi32> to vector<16xi32>
        %gather3A_187 = tpu.dynamic_gather %get3A_141[%gather3A_186] in [0] : vector<16xf32>, vector<16xi32> -> vector<16xf32>
        %broadcast_in_dim3A_188 = arith.constant 12 : i32
        %broadcast_in_dim3A_189 = vector.broadcast %broadcast_in_dim3A_188 : i32 to vector<16x1xi32>
        %gather3A_190 = vector.shape_cast %broadcast_in_dim3A_189 : vector<16x1xi32> to vector<16xi32>
        %gather3A_191 = tpu.dynamic_gather %get3A_141[%gather3A_190] in [0] : vector<16xf32>, vector<16xi32> -> vector<16xf32>
        %broadcast_in_dim3A_192 = arith.constant 13 : i32
        %broadcast_in_dim3A_193 = vector.broadcast %broadcast_in_dim3A_192 : i32 to vector<16x1xi32>
        %gather3A_194 = vector.shape_cast %broadcast_in_dim3A_193 : vector<16x1xi32> to vector<16xi32>
        %gather3A_195 = tpu.dynamic_gather %get3A_141[%gather3A_194] in [0] : vector<16xf32>, vector<16xi32> -> vector<16xf32>
        %broadcast_in_dim3A_196 = arith.constant 14 : i32
        %broadcast_in_dim3A_197 = vector.broadcast %broadcast_in_dim3A_196 : i32 to vector<16x1xi32>
        %gather3A_198 = vector.shape_cast %broadcast_in_dim3A_197 : vector<16x1xi32> to vector<16xi32>
        %gather3A_199 = tpu.dynamic_gather %get3A_141[%gather3A_198] in [0] : vector<16xf32>, vector<16xi32> -> vector<16xf32>
        %broadcast_in_dim3A_200 = arith.constant 15 : i32
        %broadcast_in_dim3A_201 = vector.broadcast %broadcast_in_dim3A_200 : i32 to vector<16x1xi32>
        %gather3A_202 = vector.shape_cast %broadcast_in_dim3A_201 : vector<16x1xi32> to vector<16xi32>
        %gather3A_203 = tpu.dynamic_gather %get3A_141[%gather3A_202] in [0] : vector<16xf32>, vector<16xi32> -> vector<16xf32>
        %and3A_204 = arith.constant 1 : i32
        %and3A_205 = arith.andi %scan3A_132, %and3A_204 : i32
        %mul3A_206 = arith.constant 64 : i32
        %mul3A_207 = arith.muli %and3A_205, %mul3A_206 : i32
        %get3A_208 = arith.index_cast %scan3A_132 : i32 to index
        %get3A_209 = arith.constant 0 : index
        %get3A_210 = tpu.vector_load %arg10[%get3A_208, %get3A_209] {strides = array<i32>} : memref<32x1024xf32, #tpu.memory_space<vmem>>, vector<1x16xf32>,
        %get3A_211 = vector.shape_cast %get3A_210 : vector<1x16xf32> to vector<16xf32>
        %mul3A_212 = arith.mulf %gather3A_143, %get3A_211 : vector<16xf32>
        %get3A_213 = arith.index_cast %scan3A_132 : i32 to index
        %get3A_214 = arith.constant 64 : index
        %get3A_215 = tpu.vector_load %arg10[%get3A_213, %get3A_214] {strides = array<i32>} : memref<32x1024xf32, #tpu.memory_space<vmem>>, vector<1x16xf32>,
        %get3A_216 = vector.shape_cast %get3A_215 : vector<1x16xf32> to vector<16xf32>
        %mul3A_217 = arith.mulf %gather3A_147, %get3A_216 : vector<16xf32>
        %add3A_218 = arith.addf %mul3A_212, %mul3A_217 : vector<16xf32>
        %get3A_219 = arith.index_cast %scan3A_132 : i32 to index
        %get3A_220 = arith.constant 128 : index
        %get3A_221 = tpu.vector_load %arg10[%get3A_219, %get3A_220] {strides = array<i32>} : memref<32x1024xf32, #tpu.memory_space<vmem>>, vector<1x16xf32>,
        %get3A_222 = vector.shape_cast %get3A_221 : vector<1x16xf32> to vector<16xf32>
        %mul3A_223 = arith.mulf %gather3A_151, %get3A_222 : vector<16xf32>
        %add3A_224 = arith.addf %add3A_218, %mul3A_223 : vector<16xf32>
        %get3A_225 = arith.index_cast %scan3A_132 : i32 to index
        %get3A_226 = arith.constant 192 : index
        %get3A_227 = tpu.vector_load %arg10[%get3A_225, %get3A_226] {strides = array<i32>} : memref<32x1024xf32, #tpu.memory_space<vmem>>, vector<1x16xf32>,
        %get3A_228 = vector.shape_cast %get3A_227 : vector<1x16xf32> to vector<16xf32>
        %mul3A_229 = arith.mulf %gather3A_155, %get3A_228 : vector<16xf32>
        %add3A_230 = arith.addf %add3A_224, %mul3A_229 : vector<16xf32>
        %get3A_231 = arith.index_cast %scan3A_132 : i32 to index
        %get3A_232 = arith.constant 256 : index
        %get3A_233 = tpu.vector_load %arg10[%get3A_231, %get3A_232] {strides = array<i32>} : memref<32x1024xf32, #tpu.memory_space<vmem>>, vector<1x16xf32>,
        %get3A_234 = vector.shape_cast %get3A_233 : vector<1x16xf32> to vector<16xf32>
        %mul3A_235 = arith.mulf %gather3A_159, %get3A_234 : vector<16xf32>
        %add3A_236 = arith.addf %add3A_230, %mul3A_235 : vector<16xf32>
        %get3A_237 = arith.index_cast %scan3A_132 : i32 to index
        %get3A_238 = arith.constant 320 : index
        %get3A_239 = tpu.vector_load %arg10[%get3A_237, %get3A_238] {strides = array<i32>} : memref<32x1024xf32, #tpu.memory_space<vmem>>, vector<1x16xf32>,
        %get3A_240 = vector.shape_cast %get3A_239 : vector<1x16xf32> to vector<16xf32>
        %mul3A_241 = arith.mulf %gather3A_163, %get3A_240 : vector<16xf32>
        %add3A_242 = arith.addf %add3A_236, %mul3A_241 : vector<16xf32>
        %get3A_243 = arith.index_cast %scan3A_132 : i32 to index
        %get3A_244 = arith.constant 384 : index
        %get3A_245 = tpu.vector_load %arg10[%get3A_243, %get3A_244] {strides = array<i32>} : memref<32x1024xf32, #tpu.memory_space<vmem>>, vector<1x16xf32>,
        %get3A_246 = vector.shape_cast %get3A_245 : vector<1x16xf32> to vector<16xf32>
        %mul3A_247 = arith.mulf %gather3A_167, %get3A_246 : vector<16xf32>
        %add3A_248 = arith.addf %add3A_242, %mul3A_247 : vector<16xf32>
        %get3A_249 = arith.index_cast %scan3A_132 : i32 to index
        %get3A_250 = arith.constant 448 : index
        %get3A_251 = tpu.vector_load %arg10[%get3A_249, %get3A_250] {strides = array<i32>} : memref<32x1024xf32, #tpu.memory_space<vmem>>, vector<1x16xf32>,
        %get3A_252 = vector.shape_cast %get3A_251 : vector<1x16xf32> to vector<16xf32>
        %mul3A_253 = arith.mulf %gather3A_171, %get3A_252 : vector<16xf32>
        %add3A_254 = arith.addf %add3A_248, %mul3A_253 : vector<16xf32>
        %get3A_255 = arith.index_cast %scan3A_132 : i32 to index
        %get3A_256 = arith.constant 512 : index
        %get3A_257 = tpu.vector_load %arg10[%get3A_255, %get3A_256] {strides = array<i32>} : memref<32x1024xf32, #tpu.memory_space<vmem>>, vector<1x16xf32>,
        %get3A_258 = vector.shape_cast %get3A_257 : vector<1x16xf32> to vector<16xf32>
        %mul3A_259 = arith.mulf %gather3A_175, %get3A_258 : vector<16xf32>
        %add3A_260 = arith.addf %add3A_254, %mul3A_259 : vector<16xf32>
        %get3A_261 = arith.index_cast %scan3A_132 : i32 to index
        %get3A_262 = arith.constant 576 : index
        %get3A_263 = tpu.vector_load %arg10[%get3A_261, %get3A_262] {strides = array<i32>} : memref<32x1024xf32, #tpu.memory_space<vmem>>, vector<1x16xf32>,
        %get3A_264 = vector.shape_cast %get3A_263 : vector<1x16xf32> to vector<16xf32>
        %mul3A_265 = arith.mulf %gather3A_179, %get3A_264 : vector<16xf32>
        %add3A_266 = arith.addf %add3A_260, %mul3A_265 : vector<16xf32>
        %get3A_267 = arith.index_cast %scan3A_132 : i32 to index
        %get3A_268 = arith.constant 640 : index
        %get3A_269 = tpu.vector_load %arg10[%get3A_267, %get3A_268] {strides = array<i32>} : memref<32x1024xf32, #tpu.memory_space<vmem>>, vector<1x16xf32>,
        %get3A_270 = vector.shape_cast %get3A_269 : vector<1x16xf32> to vector<16xf32>
        %mul3A_271 = arith.mulf %gather3A_183, %get3A_270 : vector<16xf32>
        %add3A_272 = arith.addf %add3A_266, %mul3A_271 : vector<16xf32>
        %get3A_273 = arith.index_cast %scan3A_132 : i32 to index
        %get3A_274 = arith.constant 704 : index
        %get3A_275 = tpu.vector_load %arg10[%get3A_273, %get3A_274] {strides = array<i32>} : memref<32x1024xf32, #tpu.memory_space<vmem>>, vector<1x16xf32>,
        %get3A_276 = vector.shape_cast %get3A_275 : vector<1x16xf32> to vector<16xf32>
        %mul3A_277 = arith.mulf %gather3A_187, %get3A_276 : vector<16xf32>
        %add3A_278 = arith.addf %add3A_272, %mul3A_277 : vector<16xf32>
        %get3A_279 = arith.index_cast %scan3A_132 : i32 to index
        %get3A_280 = arith.constant 768 : index
        %get3A_281 = tpu.vector_load %arg10[%get3A_279, %get3A_280] {strides = array<i32>} : memref<32x1024xf32, #tpu.memory_space<vmem>>, vector<1x16xf32>,
        %get3A_282 = vector.shape_cast %get3A_281 : vector<1x16xf32> to vector<16xf32>
        %mul3A_283 = arith.mulf %gather3A_191, %get3A_282 : vector<16xf32>
        %add3A_284 = arith.addf %add3A_278, %mul3A_283 : vector<16xf32>
        %get3A_285 = arith.index_cast %scan3A_132 : i32 to index
        %get3A_286 = arith.constant 832 : index
        %get3A_287 = tpu.vector_load %arg10[%get3A_285, %get3A_286] {strides = array<i32>} : memref<32x1024xf32, #tpu.memory_space<vmem>>, vector<1x16xf32>,
        %get3A_288 = vector.shape_cast %get3A_287 : vector<1x16xf32> to vector<16xf32>
        %mul3A_289 = arith.mulf %gather3A_195, %get3A_288 : vector<16xf32>
        %add3A_290 = arith.addf %add3A_284, %mul3A_289 : vector<16xf32>
        %get3A_291 = arith.index_cast %scan3A_132 : i32 to index
        %get3A_292 = arith.constant 896 : index
        %get3A_293 = tpu.vector_load %arg10[%get3A_291, %get3A_292] {strides = array<i32>} : memref<32x1024xf32, #tpu.memory_space<vmem>>, vector<1x16xf32>,
        %get3A_294 = vector.shape_cast %get3A_293 : vector<1x16xf32> to vector<16xf32>
        %mul3A_295 = arith.mulf %gather3A_199, %get3A_294 : vector<16xf32>
        %add3A_296 = arith.addf %add3A_290, %mul3A_295 : vector<16xf32>
        %get3A_297 = arith.index_cast %scan3A_132 : i32 to index
        %get3A_298 = arith.constant 960 : index
        %get3A_299 = tpu.vector_load %arg10[%get3A_297, %get3A_298] {strides = array<i32>} : memref<32x1024xf32, #tpu.memory_space<vmem>>, vector<1x16xf32>,
        %get3A_300 = vector.shape_cast %get3A_299 : vector<1x16xf32> to vector<16xf32>
        %mul3A_301 = arith.mulf %gather3A_203, %get3A_300 : vector<16xf32>
        %add3A_302 = arith.addf %add3A_296, %mul3A_301 : vector<16xf32>
        %shift_right_logical3A_303 = arith.constant 1 : i32
        %shift_right_logical3A_304 = arith.shrui %scan3A_132, %shift_right_logical3A_303 : i32
        %add3A_305 = arith.constant 0 : i32
        %add3A_306 = arith.addi %mul3A_207, %add3A_305 : i32
        %swap3A = arith.index_cast %shift_right_logical3A_304 : i32 to index
        %swap3A_307 = arith.index_cast %add3A_306 : i32 to index
        %swap3A_308 = tpu.vector_load %arg8[%swap3A, %swap3A_307] {strides = array<i32>} : memref<16x128xf32, #tpu.memory_space<vmem>>, vector<1x16xf32>,
        %swap3A_309 = vector.shape_cast %swap3A_308 : vector<1x16xf32> to vector<16xf32>
        %swap3A_310 = vector.shape_cast %add3A_302 : vector<16xf32> to vector<1x16xf32>
        tpu.vector_store %arg8[%swap3A, %swap3A_307], %swap3A_310 {strides = array<i32>} : memref<16x128xf32, #tpu.memory_space<vmem>>, vector<1x16xf32>,
        %get3A_311 = arith.index_cast %scan3A_132 : i32 to index
        %get3A_312 = arith.constant 16 : index
        %get3A_313 = tpu.vector_load %arg10[%get3A_311, %get3A_312] {strides = array<i32>} : memref<32x1024xf32, #tpu.memory_space<vmem>>, vector<1x16xf32>,
        %get3A_314 = vector.shape_cast %get3A_313 : vector<1x16xf32> to vector<16xf32>
        %mul3A_315 = arith.mulf %gather3A_143, %get3A_314 : vector<16xf32>
        %get3A_316 = arith.index_cast %scan3A_132 : i32 to index
        %get3A_317 = arith.constant 80 : index
        %get3A_318 = tpu.vector_load %arg10[%get3A_316, %get3A_317] {strides = array<i32>} : memref<32x1024xf32, #tpu.memory_space<vmem>>, vector<1x16xf32>,
        %get3A_319 = vector.shape_cast %get3A_318 : vector<1x16xf32> to vector<16xf32>
        %mul3A_320 = arith.mulf %gather3A_147, %get3A_319 : vector<16xf32>
        %add3A_321 = arith.addf %mul3A_315, %mul3A_320 : vector<16xf32>
        %get3A_322 = arith.index_cast %scan3A_132 : i32 to index
        %get3A_323 = arith.constant 144 : index
        %get3A_324 = tpu.vector_load %arg10[%get3A_322, %get3A_323] {strides = array<i32>} : memref<32x1024xf32, #tpu.memory_space<vmem>>, vector<1x16xf32>,
        %get3A_325 = vector.shape_cast %get3A_324 : vector<1x16xf32> to vector<16xf32>
        %mul3A_326 = arith.mulf %gather3A_151, %get3A_325 : vector<16xf32>
        %add3A_327 = arith.addf %add3A_321, %mul3A_326 : vector<16xf32>
        %get3A_328 = arith.index_cast %scan3A_132 : i32 to index
        %get3A_329 = arith.constant 208 : index
        %get3A_330 = tpu.vector_load %arg10[%get3A_328, %get3A_329] {strides = array<i32>} : memref<32x1024xf32, #tpu.memory_space<vmem>>, vector<1x16xf32>,
        %get3A_331 = vector.shape_cast %get3A_330 : vector<1x16xf32> to vector<16xf32>
        %mul3A_332 = arith.mulf %gather3A_155, %get3A_331 : vector<16xf32>
        %add3A_333 = arith.addf %add3A_327, %mul3A_332 : vector<16xf32>
        %get3A_334 = arith.index_cast %scan3A_132 : i32 to index
        %get3A_335 = arith.constant 272 : index
        %get3A_336 = tpu.vector_load %arg10[%get3A_334, %get3A_335] {strides = array<i32>} : memref<32x1024xf32, #tpu.memory_space<vmem>>, vector<1x16xf32>,
        %get3A_337 = vector.shape_cast %get3A_336 : vector<1x16xf32> to vector<16xf32>
        %mul3A_338 = arith.mulf %gather3A_159, %get3A_337 : vector<16xf32>
        %add3A_339 = arith.addf %add3A_333, %mul3A_338 : vector<16xf32>
        %get3A_340 = arith.index_cast %scan3A_132 : i32 to index
        %get3A_341 = arith.constant 336 : index
        %get3A_342 = tpu.vector_load %arg10[%get3A_340, %get3A_341] {strides = array<i32>} : memref<32x1024xf32, #tpu.memory_space<vmem>>, vector<1x16xf32>,
        %get3A_343 = vector.shape_cast %get3A_342 : vector<1x16xf32> to vector<16xf32>
        %mul3A_344 = arith.mulf %gather3A_163, %get3A_343 : vector<16xf32>
        %add3A_345 = arith.addf %add3A_339, %mul3A_344 : vector<16xf32>
        %get3A_346 = arith.index_cast %scan3A_132 : i32 to index
        %get3A_347 = arith.constant 400 : index
        %get3A_348 = tpu.vector_load %arg10[%get3A_346, %get3A_347] {strides = array<i32>} : memref<32x1024xf32, #tpu.memory_space<vmem>>, vector<1x16xf32>,
        %get3A_349 = vector.shape_cast %get3A_348 : vector<1x16xf32> to vector<16xf32>
        %mul3A_350 = arith.mulf %gather3A_167, %get3A_349 : vector<16xf32>
        %add3A_351 = arith.addf %add3A_345, %mul3A_350 : vector<16xf32>
        %get3A_352 = arith.index_cast %scan3A_132 : i32 to index
        %get3A_353 = arith.constant 464 : index
        %get3A_354 = tpu.vector_load %arg10[%get3A_352, %get3A_353] {strides = array<i32>} : memref<32x1024xf32, #tpu.memory_space<vmem>>, vector<1x16xf32>,
        %get3A_355 = vector.shape_cast %get3A_354 : vector<1x16xf32> to vector<16xf32>
        %mul3A_356 = arith.mulf %gather3A_171, %get3A_355 : vector<16xf32>
        %add3A_357 = arith.addf %add3A_351, %mul3A_356 : vector<16xf32>
        %get3A_358 = arith.index_cast %scan3A_132 : i32 to index
        %get3A_359 = arith.constant 528 : index
        %get3A_360 = tpu.vector_load %arg10[%get3A_358, %get3A_359] {strides = array<i32>} : memref<32x1024xf32, #tpu.memory_space<vmem>>, vector<1x16xf32>,
        %get3A_361 = vector.shape_cast %get3A_360 : vector<1x16xf32> to vector<16xf32>
        %mul3A_362 = arith.mulf %gather3A_175, %get3A_361 : vector<16xf32>
        %add3A_363 = arith.addf %add3A_357, %mul3A_362 : vector<16xf32>
        %get3A_364 = arith.index_cast %scan3A_132 : i32 to index
        %get3A_365 = arith.constant 592 : index
        %get3A_366 = tpu.vector_load %arg10[%get3A_364, %get3A_365] {strides = array<i32>} : memref<32x1024xf32, #tpu.memory_space<vmem>>, vector<1x16xf32>,
        %get3A_367 = vector.shape_cast %get3A_366 : vector<1x16xf32> to vector<16xf32>
        %mul3A_368 = arith.mulf %gather3A_179, %get3A_367 : vector<16xf32>
        %add3A_369 = arith.addf %add3A_363, %mul3A_368 : vector<16xf32>
        %get3A_370 = arith.index_cast %scan3A_132 : i32 to index
        %get3A_371 = arith.constant 656 : index
        %get3A_372 = tpu.vector_load %arg10[%get3A_370, %get3A_371] {strides = array<i32>} : memref<32x1024xf32, #tpu.memory_space<vmem>>, vector<1x16xf32>,
        %get3A_373 = vector.shape_cast %get3A_372 : vector<1x16xf32> to vector<16xf32>
        %mul3A_374 = arith.mulf %gather3A_183, %get3A_373 : vector<16xf32>
        %add3A_375 = arith.addf %add3A_369, %mul3A_374 : vector<16xf32>
        %get3A_376 = arith.index_cast %scan3A_132 : i32 to index
        %get3A_377 = arith.constant 720 : index
        %get3A_378 = tpu.vector_load %arg10[%get3A_376, %get3A_377] {strides = array<i32>} : memref<32x1024xf32, #tpu.memory_space<vmem>>, vector<1x16xf32>,
        %get3A_379 = vector.shape_cast %get3A_378 : vector<1x16xf32> to vector<16xf32>
        %mul3A_380 = arith.mulf %gather3A_187, %get3A_379 : vector<16xf32>
        %add3A_381 = arith.addf %add3A_375, %mul3A_380 : vector<16xf32>
        %get3A_382 = arith.index_cast %scan3A_132 : i32 to index
        %get3A_383 = arith.constant 784 : index
        %get3A_384 = tpu.vector_load %arg10[%get3A_382, %get3A_383] {strides = array<i32>} : memref<32x1024xf32, #tpu.memory_space<vmem>>, vector<1x16xf32>,
        %get3A_385 = vector.shape_cast %get3A_384 : vector<1x16xf32> to vector<16xf32>
        %mul3A_386 = arith.mulf %gather3A_191, %get3A_385 : vector<16xf32>
        %add3A_387 = arith.addf %add3A_381, %mul3A_386 : vector<16xf32>
        %get3A_388 = arith.index_cast %scan3A_132 : i32 to index
        %get3A_389 = arith.constant 848 : index
        %get3A_390 = tpu.vector_load %arg10[%get3A_388, %get3A_389] {strides = array<i32>} : memref<32x1024xf32, #tpu.memory_space<vmem>>, vector<1x16xf32>,
        %get3A_391 = vector.shape_cast %get3A_390 : vector<1x16xf32> to vector<16xf32>
        %mul3A_392 = arith.mulf %gather3A_195, %get3A_391 : vector<16xf32>
        %add3A_393 = arith.addf %add3A_387, %mul3A_392 : vector<16xf32>
        %get3A_394 = arith.index_cast %scan3A_132 : i32 to index
        %get3A_395 = arith.constant 912 : index
        %get3A_396 = tpu.vector_load %arg10[%get3A_394, %get3A_395] {strides = array<i32>} : memref<32x1024xf32, #tpu.memory_space<vmem>>, vector<1x16xf32>,
        %get3A_397 = vector.shape_cast %get3A_396 : vector<1x16xf32> to vector<16xf32>
        %mul3A_398 = arith.mulf %gather3A_199, %get3A_397 : vector<16xf32>
        %add3A_399 = arith.addf %add3A_393, %mul3A_398 : vector<16xf32>
        %get3A_400 = arith.index_cast %scan3A_132 : i32 to index
        %get3A_401 = arith.constant 976 : index
        %get3A_402 = tpu.vector_load %arg10[%get3A_400, %get3A_401] {strides = array<i32>} : memref<32x1024xf32, #tpu.memory_space<vmem>>, vector<1x16xf32>,
        %get3A_403 = vector.shape_cast %get3A_402 : vector<1x16xf32> to vector<16xf32>
        %mul3A_404 = arith.mulf %gather3A_203, %get3A_403 : vector<16xf32>
        %add3A_405 = arith.addf %add3A_399, %mul3A_404 : vector<16xf32>
        %shift_right_logical3A_406 = arith.constant 1 : i32
        %shift_right_logical3A_407 = arith.shrui %scan3A_132, %shift_right_logical3A_406 : i32
        %add3A_408 = arith.constant 16 : i32
        %add3A_409 = arith.addi %mul3A_207, %add3A_408 : i32
        %swap3A_410 = arith.index_cast %shift_right_logical3A_407 : i32 to index
        %swap3A_411 = arith.index_cast %add3A_409 : i32 to index
        %swap3A_412 = tpu.vector_load %arg8[%swap3A_410, %swap3A_411] {strides = array<i32>} : memref<16x128xf32, #tpu.memory_space<vmem>>, vector<1x16xf32>,
        %swap3A_413 = vector.shape_cast %swap3A_412 : vector<1x16xf32> to vector<16xf32>
        %swap3A_414 = vector.shape_cast %add3A_405 : vector<16xf32> to vector<1x16xf32>
        tpu.vector_store %arg8[%swap3A_410, %swap3A_411], %swap3A_414 {strides = array<i32>} : memref<16x128xf32, #tpu.memory_space<vmem>>, vector<1x16xf32>,
        %get3A_415 = arith.index_cast %scan3A_132 : i32 to index
        %get3A_416 = arith.constant 32 : index
        %get3A_417 = tpu.vector_load %arg10[%get3A_415, %get3A_416] {strides = array<i32>} : memref<32x1024xf32, #tpu.memory_space<vmem>>, vector<1x16xf32>,
        %get3A_418 = vector.shape_cast %get3A_417 : vector<1x16xf32> to vector<16xf32>
        %mul3A_419 = arith.mulf %gather3A_143, %get3A_418 : vector<16xf32>
        %get3A_420 = arith.index_cast %scan3A_132 : i32 to index
        %get3A_421 = arith.constant 96 : index
        %get3A_422 = tpu.vector_load %arg10[%get3A_420, %get3A_421] {strides = array<i32>} : memref<32x1024xf32, #tpu.memory_space<vmem>>, vector<1x16xf32>,
        %get3A_423 = vector.shape_cast %get3A_422 : vector<1x16xf32> to vector<16xf32>
        %mul3A_424 = arith.mulf %gather3A_147, %get3A_423 : vector<16xf32>
        %add3A_425 = arith.addf %mul3A_419, %mul3A_424 : vector<16xf32>
        %get3A_426 = arith.index_cast %scan3A_132 : i32 to index
        %get3A_427 = arith.constant 160 : index
        %get3A_428 = tpu.vector_load %arg10[%get3A_426, %get3A_427] {strides = array<i32>} : memref<32x1024xf32, #tpu.memory_space<vmem>>, vector<1x16xf32>,
        %get3A_429 = vector.shape_cast %get3A_428 : vector<1x16xf32> to vector<16xf32>
        %mul3A_430 = arith.mulf %gather3A_151, %get3A_429 : vector<16xf32>
        %add3A_431 = arith.addf %add3A_425, %mul3A_430 : vector<16xf32>
        %get3A_432 = arith.index_cast %scan3A_132 : i32 to index
        %get3A_433 = arith.constant 224 : index
        %get3A_434 = tpu.vector_load %arg10[%get3A_432, %get3A_433] {strides = array<i32>} : memref<32x1024xf32, #tpu.memory_space<vmem>>, vector<1x16xf32>,
        %get3A_435 = vector.shape_cast %get3A_434 : vector<1x16xf32> to vector<16xf32>
        %mul3A_436 = arith.mulf %gather3A_155, %get3A_435 : vector<16xf32>
        %add3A_437 = arith.addf %add3A_431, %mul3A_436 : vector<16xf32>
        %get3A_438 = arith.index_cast %scan3A_132 : i32 to index
        %get3A_439 = arith.constant 288 : index
        %get3A_440 = tpu.vector_load %arg10[%get3A_438, %get3A_439] {strides = array<i32>} : memref<32x1024xf32, #tpu.memory_space<vmem>>, vector<1x16xf32>,
        %get3A_441 = vector.shape_cast %get3A_440 : vector<1x16xf32> to vector<16xf32>
        %mul3A_442 = arith.mulf %gather3A_159, %get3A_441 : vector<16xf32>
        %add3A_443 = arith.addf %add3A_437, %mul3A_442 : vector<16xf32>
        %get3A_444 = arith.index_cast %scan3A_132 : i32 to index
        %get3A_445 = arith.constant 352 : index
        %get3A_446 = tpu.vector_load %arg10[%get3A_444, %get3A_445] {strides = array<i32>} : memref<32x1024xf32, #tpu.memory_space<vmem>>, vector<1x16xf32>,
        %get3A_447 = vector.shape_cast %get3A_446 : vector<1x16xf32> to vector<16xf32>
        %mul3A_448 = arith.mulf %gather3A_163, %get3A_447 : vector<16xf32>
        %add3A_449 = arith.addf %add3A_443, %mul3A_448 : vector<16xf32>
        %get3A_450 = arith.index_cast %scan3A_132 : i32 to index
        %get3A_451 = arith.constant 416 : index
        %get3A_452 = tpu.vector_load %arg10[%get3A_450, %get3A_451] {strides = array<i32>} : memref<32x1024xf32, #tpu.memory_space<vmem>>, vector<1x16xf32>,
        %get3A_453 = vector.shape_cast %get3A_452 : vector<1x16xf32> to vector<16xf32>
        %mul3A_454 = arith.mulf %gather3A_167, %get3A_453 : vector<16xf32>
        %add3A_455 = arith.addf %add3A_449, %mul3A_454 : vector<16xf32>
        %get3A_456 = arith.index_cast %scan3A_132 : i32 to index
        %get3A_457 = arith.constant 480 : index
        %get3A_458 = tpu.vector_load %arg10[%get3A_456, %get3A_457] {strides = array<i32>} : memref<32x1024xf32, #tpu.memory_space<vmem>>, vector<1x16xf32>,
        %get3A_459 = vector.shape_cast %get3A_458 : vector<1x16xf32> to vector<16xf32>
        %mul3A_460 = arith.mulf %gather3A_171, %get3A_459 : vector<16xf32>
        %add3A_461 = arith.addf %add3A_455, %mul3A_460 : vector<16xf32>
        %get3A_462 = arith.index_cast %scan3A_132 : i32 to index
        %get3A_463 = arith.constant 544 : index
        %get3A_464 = tpu.vector_load %arg10[%get3A_462, %get3A_463] {strides = array<i32>} : memref<32x1024xf32, #tpu.memory_space<vmem>>, vector<1x16xf32>,
        %get3A_465 = vector.shape_cast %get3A_464 : vector<1x16xf32> to vector<16xf32>
        %mul3A_466 = arith.mulf %gather3A_175, %get3A_465 : vector<16xf32>
        %add3A_467 = arith.addf %add3A_461, %mul3A_466 : vector<16xf32>
        %get3A_468 = arith.index_cast %scan3A_132 : i32 to index
        %get3A_469 = arith.constant 608 : index
        %get3A_470 = tpu.vector_load %arg10[%get3A_468, %get3A_469] {strides = array<i32>} : memref<32x1024xf32, #tpu.memory_space<vmem>>, vector<1x16xf32>,
        %get3A_471 = vector.shape_cast %get3A_470 : vector<1x16xf32> to vector<16xf32>
        %mul3A_472 = arith.mulf %gather3A_179, %get3A_471 : vector<16xf32>
        %add3A_473 = arith.addf %add3A_467, %mul3A_472 : vector<16xf32>
        %get3A_474 = arith.index_cast %scan3A_132 : i32 to index
        %get3A_475 = arith.constant 672 : index
        %get3A_476 = tpu.vector_load %arg10[%get3A_474, %get3A_475] {strides = array<i32>} : memref<32x1024xf32, #tpu.memory_space<vmem>>, vector<1x16xf32>,
        %get3A_477 = vector.shape_cast %get3A_476 : vector<1x16xf32> to vector<16xf32>
        %mul3A_478 = arith.mulf %gather3A_183, %get3A_477 : vector<16xf32>
        %add3A_479 = arith.addf %add3A_473, %mul3A_478 : vector<16xf32>
        %get3A_480 = arith.index_cast %scan3A_132 : i32 to index
        %get3A_481 = arith.constant 736 : index
        %get3A_482 = tpu.vector_load %arg10[%get3A_480, %get3A_481] {strides = array<i32>} : memref<32x1024xf32, #tpu.memory_space<vmem>>, vector<1x16xf32>,
        %get3A_483 = vector.shape_cast %get3A_482 : vector<1x16xf32> to vector<16xf32>
        %mul3A_484 = arith.mulf %gather3A_187, %get3A_483 : vector<16xf32>
        %add3A_485 = arith.addf %add3A_479, %mul3A_484 : vector<16xf32>
        %get3A_486 = arith.index_cast %scan3A_132 : i32 to index
        %get3A_487 = arith.constant 800 : index
        %get3A_488 = tpu.vector_load %arg10[%get3A_486, %get3A_487] {strides = array<i32>} : memref<32x1024xf32, #tpu.memory_space<vmem>>, vector<1x16xf32>,
        %get3A_489 = vector.shape_cast %get3A_488 : vector<1x16xf32> to vector<16xf32>
        %mul3A_490 = arith.mulf %gather3A_191, %get3A_489 : vector<16xf32>
        %add3A_491 = arith.addf %add3A_485, %mul3A_490 : vector<16xf32>
        %get3A_492 = arith.index_cast %scan3A_132 : i32 to index
        %get3A_493 = arith.constant 864 : index
        %get3A_494 = tpu.vector_load %arg10[%get3A_492, %get3A_493] {strides = array<i32>} : memref<32x1024xf32, #tpu.memory_space<vmem>>, vector<1x16xf32>,
        %get3A_495 = vector.shape_cast %get3A_494 : vector<1x16xf32> to vector<16xf32>
        %mul3A_496 = arith.mulf %gather3A_195, %get3A_495 : vector<16xf32>
        %add3A_497 = arith.addf %add3A_491, %mul3A_496 : vector<16xf32>
        %get3A_498 = arith.index_cast %scan3A_132 : i32 to index
        %get3A_499 = arith.constant 928 : index
        %get3A_500 = tpu.vector_load %arg10[%get3A_498, %get3A_499] {strides = array<i32>} : memref<32x1024xf32, #tpu.memory_space<vmem>>, vector<1x16xf32>,
        %get3A_501 = vector.shape_cast %get3A_500 : vector<1x16xf32> to vector<16xf32>
        %mul3A_502 = arith.mulf %gather3A_199, %get3A_501 : vector<16xf32>
        %add3A_503 = arith.addf %add3A_497, %mul3A_502 : vector<16xf32>
        %get3A_504 = arith.index_cast %scan3A_132 : i32 to index
        %get3A_505 = arith.constant 992 : index
        %get3A_506 = tpu.vector_load %arg10[%get3A_504, %get3A_505] {strides = array<i32>} : memref<32x1024xf32, #tpu.memory_space<vmem>>, vector<1x16xf32>,
        %get3A_507 = vector.shape_cast %get3A_506 : vector<1x16xf32> to vector<16xf32>
        %mul3A_508 = arith.mulf %gather3A_203, %get3A_507 : vector<16xf32>
        %add3A_509 = arith.addf %add3A_503, %mul3A_508 : vector<16xf32>
        %shift_right_logical3A_510 = arith.constant 1 : i32
        %shift_right_logical3A_511 = arith.shrui %scan3A_132, %shift_right_logical3A_510 : i32
        %add3A_512 = arith.constant 32 : i32
        %add3A_513 = arith.addi %mul3A_207, %add3A_512 : i32
        %swap3A_514 = arith.index_cast %shift_right_logical3A_511 : i32 to index
        %swap3A_515 = arith.index_cast %add3A_513 : i32 to index
        %swap3A_516 = tpu.vector_load %arg8[%swap3A_514, %swap3A_515] {strides = array<i32>} : memref<16x128xf32, #tpu.memory_space<vmem>>, vector<1x16xf32>,
        %swap3A_517 = vector.shape_cast %swap3A_516 : vector<1x16xf32> to vector<16xf32>
        %swap3A_518 = vector.shape_cast %add3A_509 : vector<16xf32> to vector<1x16xf32>
        tpu.vector_store %arg8[%swap3A_514, %swap3A_515], %swap3A_518 {strides = array<i32>} : memref<16x128xf32, #tpu.memory_space<vmem>>, vector<1x16xf32>,
        %get3A_519 = arith.index_cast %scan3A_132 : i32 to index
        %get3A_520 = arith.constant 48 : index
        %get3A_521 = tpu.vector_load %arg10[%get3A_519, %get3A_520] {strides = array<i32>} : memref<32x1024xf32, #tpu.memory_space<vmem>>, vector<1x16xf32>,
        %get3A_522 = vector.shape_cast %get3A_521 : vector<1x16xf32> to vector<16xf32>
        %mul3A_523 = arith.mulf %gather3A_143, %get3A_522 : vector<16xf32>
        %get3A_524 = arith.index_cast %scan3A_132 : i32 to index
        %get3A_525 = arith.constant 112 : index
        %get3A_526 = tpu.vector_load %arg10[%get3A_524, %get3A_525] {strides = array<i32>} : memref<32x1024xf32, #tpu.memory_space<vmem>>, vector<1x16xf32>,
        %get3A_527 = vector.shape_cast %get3A_526 : vector<1x16xf32> to vector<16xf32>
        %mul3A_528 = arith.mulf %gather3A_147, %get3A_527 : vector<16xf32>
        %add3A_529 = arith.addf %mul3A_523, %mul3A_528 : vector<16xf32>
        %get3A_530 = arith.index_cast %scan3A_132 : i32 to index
        %get3A_531 = arith.constant 176 : index
        %get3A_532 = tpu.vector_load %arg10[%get3A_530, %get3A_531] {strides = array<i32>} : memref<32x1024xf32, #tpu.memory_space<vmem>>, vector<1x16xf32>,
        %get3A_533 = vector.shape_cast %get3A_532 : vector<1x16xf32> to vector<16xf32>
        %mul3A_534 = arith.mulf %gather3A_151, %get3A_533 : vector<16xf32>
        %add3A_535 = arith.addf %add3A_529, %mul3A_534 : vector<16xf32>
        %get3A_536 = arith.index_cast %scan3A_132 : i32 to index
        %get3A_537 = arith.constant 240 : index
        %get3A_538 = tpu.vector_load %arg10[%get3A_536, %get3A_537] {strides = array<i32>} : memref<32x1024xf32, #tpu.memory_space<vmem>>, vector<1x16xf32>,
        %get3A_539 = vector.shape_cast %get3A_538 : vector<1x16xf32> to vector<16xf32>
        %mul3A_540 = arith.mulf %gather3A_155, %get3A_539 : vector<16xf32>
        %add3A_541 = arith.addf %add3A_535, %mul3A_540 : vector<16xf32>
        %get3A_542 = arith.index_cast %scan3A_132 : i32 to index
        %get3A_543 = arith.constant 304 : index
        %get3A_544 = tpu.vector_load %arg10[%get3A_542, %get3A_543] {strides = array<i32>} : memref<32x1024xf32, #tpu.memory_space<vmem>>, vector<1x16xf32>,
        %get3A_545 = vector.shape_cast %get3A_544 : vector<1x16xf32> to vector<16xf32>
        %mul3A_546 = arith.mulf %gather3A_159, %get3A_545 : vector<16xf32>
        %add3A_547 = arith.addf %add3A_541, %mul3A_546 : vector<16xf32>
        %get3A_548 = arith.index_cast %scan3A_132 : i32 to index
        %get3A_549 = arith.constant 368 : index
        %get3A_550 = tpu.vector_load %arg10[%get3A_548, %get3A_549] {strides = array<i32>} : memref<32x1024xf32, #tpu.memory_space<vmem>>, vector<1x16xf32>,
        %get3A_551 = vector.shape_cast %get3A_550 : vector<1x16xf32> to vector<16xf32>
        %mul3A_552 = arith.mulf %gather3A_163, %get3A_551 : vector<16xf32>
        %add3A_553 = arith.addf %add3A_547, %mul3A_552 : vector<16xf32>
        %get3A_554 = arith.index_cast %scan3A_132 : i32 to index
        %get3A_555 = arith.constant 432 : index
        %get3A_556 = tpu.vector_load %arg10[%get3A_554, %get3A_555] {strides = array<i32>} : memref<32x1024xf32, #tpu.memory_space<vmem>>, vector<1x16xf32>,
        %get3A_557 = vector.shape_cast %get3A_556 : vector<1x16xf32> to vector<16xf32>
        %mul3A_558 = arith.mulf %gather3A_167, %get3A_557 : vector<16xf32>
        %add3A_559 = arith.addf %add3A_553, %mul3A_558 : vector<16xf32>
        %get3A_560 = arith.index_cast %scan3A_132 : i32 to index
        %get3A_561 = arith.constant 496 : index
        %get3A_562 = tpu.vector_load %arg10[%get3A_560, %get3A_561] {strides = array<i32>} : memref<32x1024xf32, #tpu.memory_space<vmem>>, vector<1x16xf32>,
        %get3A_563 = vector.shape_cast %get3A_562 : vector<1x16xf32> to vector<16xf32>
        %mul3A_564 = arith.mulf %gather3A_171, %get3A_563 : vector<16xf32>
        %add3A_565 = arith.addf %add3A_559, %mul3A_564 : vector<16xf32>
        %get3A_566 = arith.index_cast %scan3A_132 : i32 to index
        %get3A_567 = arith.constant 560 : index
        %get3A_568 = tpu.vector_load %arg10[%get3A_566, %get3A_567] {strides = array<i32>} : memref<32x1024xf32, #tpu.memory_space<vmem>>, vector<1x16xf32>,
        %get3A_569 = vector.shape_cast %get3A_568 : vector<1x16xf32> to vector<16xf32>
        %mul3A_570 = arith.mulf %gather3A_175, %get3A_569 : vector<16xf32>
        %add3A_571 = arith.addf %add3A_565, %mul3A_570 : vector<16xf32>
        %get3A_572 = arith.index_cast %scan3A_132 : i32 to index
        %get3A_573 = arith.constant 624 : index
        %get3A_574 = tpu.vector_load %arg10[%get3A_572, %get3A_573] {strides = array<i32>} : memref<32x1024xf32, #tpu.memory_space<vmem>>, vector<1x16xf32>,
        %get3A_575 = vector.shape_cast %get3A_574 : vector<1x16xf32> to vector<16xf32>
        %mul3A_576 = arith.mulf %gather3A_179, %get3A_575 : vector<16xf32>
        %add3A_577 = arith.addf %add3A_571, %mul3A_576 : vector<16xf32>
        %get3A_578 = arith.index_cast %scan3A_132 : i32 to index
        %get3A_579 = arith.constant 688 : index
        %get3A_580 = tpu.vector_load %arg10[%get3A_578, %get3A_579] {strides = array<i32>} : memref<32x1024xf32, #tpu.memory_space<vmem>>, vector<1x16xf32>,
        %get3A_581 = vector.shape_cast %get3A_580 : vector<1x16xf32> to vector<16xf32>
        %mul3A_582 = arith.mulf %gather3A_183, %get3A_581 : vector<16xf32>
        %add3A_583 = arith.addf %add3A_577, %mul3A_582 : vector<16xf32>
        %get3A_584 = arith.index_cast %scan3A_132 : i32 to index
        %get3A_585 = arith.constant 752 : index
        %get3A_586 = tpu.vector_load %arg10[%get3A_584, %get3A_585] {strides = array<i32>} : memref<32x1024xf32, #tpu.memory_space<vmem>>, vector<1x16xf32>,
        %get3A_587 = vector.shape_cast %get3A_586 : vector<1x16xf32> to vector<16xf32>
        %mul3A_588 = arith.mulf %gather3A_187, %get3A_587 : vector<16xf32>
        %add3A_589 = arith.addf %add3A_583, %mul3A_588 : vector<16xf32>
        %get3A_590 = arith.index_cast %scan3A_132 : i32 to index
        %get3A_591 = arith.constant 816 : index
        %get3A_592 = tpu.vector_load %arg10[%get3A_590, %get3A_591] {strides = array<i32>} : memref<32x1024xf32, #tpu.memory_space<vmem>>, vector<1x16xf32>,
        %get3A_593 = vector.shape_cast %get3A_592 : vector<1x16xf32> to vector<16xf32>
        %mul3A_594 = arith.mulf %gather3A_191, %get3A_593 : vector<16xf32>
        %add3A_595 = arith.addf %add3A_589, %mul3A_594 : vector<16xf32>
        %get3A_596 = arith.index_cast %scan3A_132 : i32 to index
        %get3A_597 = arith.constant 880 : index
        %get3A_598 = tpu.vector_load %arg10[%get3A_596, %get3A_597] {strides = array<i32>} : memref<32x1024xf32, #tpu.memory_space<vmem>>, vector<1x16xf32>,
        %get3A_599 = vector.shape_cast %get3A_598 : vector<1x16xf32> to vector<16xf32>
        %mul3A_600 = arith.mulf %gather3A_195, %get3A_599 : vector<16xf32>
        %add3A_601 = arith.addf %add3A_595, %mul3A_600 : vector<16xf32>
        %get3A_602 = arith.index_cast %scan3A_132 : i32 to index
        %get3A_603 = arith.constant 944 : index
        %get3A_604 = tpu.vector_load %arg10[%get3A_602, %get3A_603] {strides = array<i32>} : memref<32x1024xf32, #tpu.memory_space<vmem>>, vector<1x16xf32>,
        %get3A_605 = vector.shape_cast %get3A_604 : vector<1x16xf32> to vector<16xf32>
        %mul3A_606 = arith.mulf %gather3A_199, %get3A_605 : vector<16xf32>
        %add3A_607 = arith.addf %add3A_601, %mul3A_606 : vector<16xf32>
        %get3A_608 = arith.index_cast %scan3A_132 : i32 to index
        %get3A_609 = arith.constant 1008 : index
        %get3A_610 = tpu.vector_load %arg10[%get3A_608, %get3A_609] {strides = array<i32>} : memref<32x1024xf32, #tpu.memory_space<vmem>>, vector<1x16xf32>,
        %get3A_611 = vector.shape_cast %get3A_610 : vector<1x16xf32> to vector<16xf32>
        %mul3A_612 = arith.mulf %gather3A_203, %get3A_611 : vector<16xf32>
        %add3A_613 = arith.addf %add3A_607, %mul3A_612 : vector<16xf32>
        %shift_right_logical3A_614 = arith.constant 1 : i32
        %shift_right_logical3A_615 = arith.shrui %scan3A_132, %shift_right_logical3A_614 : i32
        %add3A_616 = arith.constant 48 : i32
        %add3A_617 = arith.addi %mul3A_207, %add3A_616 : i32
        %swap3A_618 = arith.index_cast %shift_right_logical3A_615 : i32 to index
        %swap3A_619 = arith.index_cast %add3A_617 : i32 to index
        %swap3A_620 = tpu.vector_load %arg8[%swap3A_618, %swap3A_619] {strides = array<i32>} : memref<16x128xf32, #tpu.memory_space<vmem>>, vector<1x16xf32>,
        %swap3A_621 = vector.shape_cast %swap3A_620 : vector<1x16xf32> to vector<16xf32>
        %swap3A_622 = vector.shape_cast %add3A_613 : vector<16xf32> to vector<1x16xf32>
        tpu.vector_store %arg8[%swap3A_618, %swap3A_619], %swap3A_622 {strides = array<i32>} : memref<16x128xf32, #tpu.memory_space<vmem>>, vector<1x16xf32>,
      }
      %scan3A_98 = arith.constant 32 : i32
      %add3A_99 = arith.addi %mul3A_2, %mul3A_92 : i32
      %jit3A_100 = arith.constant 2 : i32
      %div3A_101 = arith.divsi %add3A_99, %jit3A_100 : i32
      %sign3A_102 = arith.constant 0 : i32
      %sign3A_103 = arith.cmpi sgt, %add3A_99, %sign3A_102 : i32
      %sign3A_104 = arith.extui %sign3A_103 : i1 to i32
      %sign3A_105 = arith.constant 0 : i32
      %sign3A_106 = arith.cmpi slt, %add3A_99, %sign3A_105 : i32
      %sign3A_107 = arith.extui %sign3A_106 : i1 to i32
      %sign3A_108 = arith.subi %sign3A_104, %sign3A_107 : i32
      %sign3A_109 = arith.constant 0 : i32
      %sign3A_110 = arith.cmpi sgt, %jit3A_100, %sign3A_109 : i32
      %sign3A_111 = arith.extui %sign3A_110 : i1 to i32
      %sign3A_112 = arith.constant 0 : i32
      %sign3A_113 = arith.cmpi slt, %jit3A_100, %sign3A_112 : i32
      %sign3A_114 = arith.extui %sign3A_113 : i1 to i32
      %sign3A_115 = arith.subi %sign3A_111, %sign3A_114 : i32
      %ne3A_116 = arith.cmpi ne, %sign3A_108, %sign3A_115 : i32
      %rem3A_117 = arith.remsi %add3A_99, %jit3A_100 : i32
      %ne3A_118 = arith.constant 0 : i32
      %ne3A_119 = arith.cmpi ne, %rem3A_117, %ne3A_118 : i32
      %and3A_120 = arith.andi %ne3A_116, %ne3A_119 : i1
      %sub3A_121 = arith.constant 1 : i32
      %sub3A_122 = arith.subi %div3A_101, %sub3A_121 : i32
      %select_n3A_123 = arith.select %and3A_120, %sub3A_122, %div3A_101 : i32
      %multiple_of3A_124 = tpu.assume_multiple %select_n3A_123, 8 : i32
      "tpu.region"() ({
        %run_scoped3A = tpu.sem_alloc : memref<!tpu.dma_semaphore, #tpu.memory_space<semaphore_mem>>
        %dma_start3A_132 = arith.constant 0 : i32
        %dma_start3A_133 = tpu.memref_slice %arg5[%multiple_of3A_124, %dma_start3A_132] : memref<8192x128xf32, #tpu.memory_space<hbm>> -> memref<16x128xf32, #tpu.memory_space<hbm>>
        %dma_start3A_134 = arith.constant 0 : i32
        %dma_start3A_135 = tpu.memref_slice %arg5[%multiple_of3A_124, %dma_start3A_134] : memref<8192x128xf32, #tpu.memory_space<hbm>> -> memref<16x128xf32, #tpu.memory_space<hbm>>
        tpu.enqueue_dma source(%arg8 : memref<16x128xf32, #tpu.memory_space<vmem>>) target(%dma_start3A_135 : memref<16x128xf32, #tpu.memory_space<hbm>>) target_semaphore(%run_scoped3A : memref<!tpu.dma_semaphore, #tpu.memory_space<semaphore_mem>>)
        %dma_wait3A_136 = arith.constant 0 : i32
        %dma_wait3A_137 = tpu.memref_slice %arg5[%multiple_of3A_124, %dma_wait3A_136] : memref<8192x128xf32, #tpu.memory_space<hbm>> -> memref<16x128xf32, #tpu.memory_space<hbm>>
        %dma_wait3A_138 = arith.constant 0 : i32
        %dma_wait3A_139 = tpu.memref_slice %arg5[%multiple_of3A_124, %dma_wait3A_138] : memref<8192x128xf32, #tpu.memory_space<hbm>> -> memref<16x128xf32, #tpu.memory_space<hbm>>
        tpu.wait_dma2 semaphore(%run_scoped3A : memref<!tpu.dma_semaphore, #tpu.memory_space<semaphore_mem>>) src(%arg8 : memref<16x128xf32, #tpu.memory_space<vmem>>) dst(%dma_wait3A_139 : memref<16x128xf32, #tpu.memory_space<hbm>>)
        tpu.yield
      }) : () -> ()
      %add3A_125 = arith.constant 2 : i32
      %add3A_126 = arith.addi %add3A_84, %add3A_125 : i32
      %lt3A_127 = arith.constant 16 : i32
      %lt3A_128 = arith.cmpi slt, %add3A_126, %lt3A_127 : i32
      %convert_element_type3A_129 = arith.extui %lt3A_128 : i1 to i32
      %cond3A_130 = arith.constant 0 : i32
      %cond3A_131 = arith.cmpi ne, %convert_element_type3A_129, %cond3A_130 : i32
      scf.if %cond3A_131 {
        %add3A_132 = arith.constant 2 : i32
        %add3A_133 = arith.addi %add3A_84, %add3A_132 : i32
        %mul3A_134 = arith.constant 32 : i32
        %mul3A_135 = arith.muli %add3A_133, %mul3A_134 : i32
        %dma_start3A_136 = tpu.memref_slice %arg6[%mul3A_135] : memref<512xi32, #tpu.memory_space<vmem>> -> memref<32xi32, #tpu.memory_space<vmem>>
        %dma_start3A_137 = arith.constant 0 : i32
        %dma_start3A_138 = arith.constant 0 : i32
        %dma_start3A_139 = tpu.memref_slice %arg2[%dma_start3A_137, %dma_start3A_138] : memref<100000x1024xf32, #tpu.memory_space<hbm>> -> memref<100000x1024xf32, #tpu.memory_space<hbm>>
        tpu.enqueue_indirect_dma source(%dma_start3A_139 : memref<100000x1024xf32, #tpu.memory_space<hbm>>) target(%arg10 : memref<32x1024xf32, #tpu.memory_space<vmem>>) offsets(%dma_start3A_136 : memref<32xi32, #tpu.memory_space<vmem>>) semaphore(%arg12 : memref<!tpu.dma_semaphore, #tpu.memory_space<semaphore_mem>>)
      } else {
      }
    }
    %scan3A_32 = arith.constant 8 : i32
    return
  }
}

#map = affine_map<(d0, d1) -> (0, 0)>
#map1 = affine_map<(d0, d1) -> (0)>
module attributes {stable_mosaic.version = 14 : i64} {
  func.func @_k2_body(%arg0: i32, %arg1: i32, %arg2: memref<50000x128xf32, #tpu.memory_space<hbm>>, %arg3: memref<16384xi32, #tpu.memory_space<hbm>>, %arg4: memref<8192x128xf32, #tpu.memory_space<hbm>>, %arg5: memref<16384x64xf32, #tpu.memory_space<hbm>>, %arg6: memref<512xi32, #tpu.memory_space<vmem>>, %arg7: memref<512xi32, #tpu.memory_space<vmem>>, %arg8: memref<512xf32, #tpu.memory_space<vmem>>, %arg9: memref<64x128xf32, #tpu.memory_space<vmem>>, %arg10: memref<64x128xf32, #tpu.memory_space<vmem>>, %arg11: memref<32x128xf32, #tpu.memory_space<vmem>>, %arg12: memref<32x128xf32, #tpu.memory_space<vmem>>, %arg13: memref<64x64xf32, #tpu.memory_space<vmem>>, %arg14: memref<64x64xf32, #tpu.memory_space<vmem>>, %arg15: memref<!tpu.dma_semaphore, #tpu.memory_space<semaphore_mem>>, %arg16: memref<!tpu.dma_semaphore, #tpu.memory_space<semaphore_mem>>, %arg17: memref<!tpu.dma_semaphore, #tpu.memory_space<semaphore_mem>>, %arg18: memref<!tpu.dma_semaphore, #tpu.memory_space<semaphore_mem>>) attributes {dimension_semantics = [#tpu.dimension_semantics<core_parallel>, #tpu.dimension_semantics<subcore_parallel>], iteration_bounds = array<i64: 2, 16>, scalar_prefetch = 0 : i64, scratch_operands = 13 : i64, tpu.core_type = #tpu.core_type<sc_vector_subcore>, window_params = [{transform_indices = #map}, {transform_indices = #map1}, {transform_indices = #map}, {transform_indices = #map}]} {
    %mul3A = arith.constant 2 : i32
    %mul3A_0 = arith.muli %arg1, %mul3A : i32
    %add3A = arith.addi %mul3A_0, %arg0 : i32
    %mul3A_1 = arith.constant 512 : i32
    %mul3A_2 = arith.muli %add3A, %mul3A_1 : i32
    "tpu.region"() ({
      %run_scoped3A = tpu.sem_alloc : memref<!tpu.dma_semaphore, #tpu.memory_space<semaphore_mem>>
      %dma_start3A_1203 = tpu.memref_slice %arg3[%mul3A_2] : memref<16384xi32, #tpu.memory_space<hbm>> -> memref<512xi32, #tpu.memory_space<hbm>>
      %dma_start3A_1204 = tpu.memref_slice %arg3[%mul3A_2] : memref<16384xi32, #tpu.memory_space<hbm>> -> memref<512xi32, #tpu.memory_space<hbm>>
      tpu.enqueue_dma source(%dma_start3A_1204 : memref<512xi32, #tpu.memory_space<hbm>>) target(%arg6 : memref<512xi32, #tpu.memory_space<vmem>>) target_semaphore(%run_scoped3A : memref<!tpu.dma_semaphore, #tpu.memory_space<semaphore_mem>>)
      %dma_wait3A_1205 = tpu.memref_slice %arg3[%mul3A_2] : memref<16384xi32, #tpu.memory_space<hbm>> -> memref<512xi32, #tpu.memory_space<hbm>>
      %dma_wait3A_1206 = tpu.memref_slice %arg3[%mul3A_2] : memref<16384xi32, #tpu.memory_space<hbm>> -> memref<512xi32, #tpu.memory_space<hbm>>
      tpu.wait_dma2 semaphore(%run_scoped3A : memref<!tpu.dma_semaphore, #tpu.memory_space<semaphore_mem>>) src(%dma_wait3A_1206 : memref<512xi32, #tpu.memory_space<hbm>>) dst(%arg6 : memref<512xi32, #tpu.memory_space<vmem>>)
      tpu.yield
    }) : () -> ()
    %get3A = arith.constant 0 : index
    %get3A_3 = tpu.vector_load %arg6[%get3A] {strides = array<i32>} : memref<512xi32, #tpu.memory_space<vmem>>, vector<16xi32>,
    %get3A_4 = vector.shape_cast %get3A_3 : vector<16xi32> to vector<16xi32>
    %shift_right_logical3A = arith.constant 1 : i32
    %shift_right_logical3A_5 = vector.broadcast %shift_right_logical3A : i32 to vector<16xi32>
    %shift_right_logical3A_6 = arith.shrui %get3A_4, %shift_right_logical3A_5 : vector<16xi32>
    %swap3A = arith.constant 0 : index
    %swap3A_7 = tpu.vector_load %arg7[%swap3A] {strides = array<i32>} : memref<512xi32, #tpu.memory_space<vmem>>, vector<16xi32>,
    %swap3A_8 = vector.shape_cast %swap3A_7 : vector<16xi32> to vector<16xi32>
    %swap3A_9 = vector.shape_cast %shift_right_logical3A_6 : vector<16xi32> to vector<16xi32>
    tpu.vector_store %arg7[%swap3A], %swap3A_9 {strides = array<i32>} : memref<512xi32, #tpu.memory_space<vmem>>, vector<16xi32>,
    %and3A = arith.constant 1 : i32
    %and3A_10 = vector.broadcast %and3A : i32 to vector<16xi32>
    %and3A_11 = arith.andi %get3A_4, %and3A_10 : vector<16xi32>
    %convert_element_type3A = arith.sitofp %and3A_11 : vector<16xi32> to vector<16xf32>
    %swap3A_12 = arith.constant 0 : index
    %swap3A_13 = tpu.vector_load %arg8[%swap3A_12] {strides = array<i32>} : memref<512xf32, #tpu.memory_space<vmem>>, vector<16xf32>,
    %swap3A_14 = vector.shape_cast %swap3A_13 : vector<16xf32> to vector<16xf32>
    %swap3A_15 = vector.shape_cast %convert_element_type3A : vector<16xf32> to vector<16xf32>
    tpu.vector_store %arg8[%swap3A_12], %swap3A_15 {strides = array<i32>} : memref<512xf32, #tpu.memory_space<vmem>>, vector<16xf32>,
    %get3A_16 = arith.constant 16 : index
    %get3A_17 = tpu.vector_load %arg6[%get3A_16] {strides = array<i32>} : memref<512xi32, #tpu.memory_space<vmem>>, vector<16xi32>,
    %get3A_18 = vector.shape_cast %get3A_17 : vector<16xi32> to vector<16xi32>
    %shift_right_logical3A_19 = arith.constant 1 : i32
    %shift_right_logical3A_20 = vector.broadcast %shift_right_logical3A_19 : i32 to vector<16xi32>
    %shift_right_logical3A_21 = arith.shrui %get3A_18, %shift_right_logical3A_20 : vector<16xi32>
    %swap3A_22 = arith.constant 16 : index
    %swap3A_23 = tpu.vector_load %arg7[%swap3A_22] {strides = array<i32>} : memref<512xi32, #tpu.memory_space<vmem>>, vector<16xi32>,
    %swap3A_24 = vector.shape_cast %swap3A_23 : vector<16xi32> to vector<16xi32>
    %swap3A_25 = vector.shape_cast %shift_right_logical3A_21 : vector<16xi32> to vector<16xi32>
    tpu.vector_store %arg7[%swap3A_22], %swap3A_25 {strides = array<i32>} : memref<512xi32, #tpu.memory_space<vmem>>, vector<16xi32>,
    %and3A_26 = arith.constant 1 : i32
    %and3A_27 = vector.broadcast %and3A_26 : i32 to vector<16xi32>
    %and3A_28 = arith.andi %get3A_18, %and3A_27 : vector<16xi32>
    %convert_element_type3A_29 = arith.sitofp %and3A_28 : vector<16xi32> to vector<16xf32>
    %swap3A_30 = arith.constant 16 : index
    %swap3A_31 = tpu.vector_load %arg8[%swap3A_30] {strides = array<i32>} : memref<512xf32, #tpu.memory_space<vmem>>, vector<16xf32>,
    %swap3A_32 = vector.shape_cast %swap3A_31 : vector<16xf32> to vector<16xf32>
    %swap3A_33 = vector.shape_cast %convert_element_type3A_29 : vector<16xf32> to vector<16xf32>
    tpu.vector_store %arg8[%swap3A_30], %swap3A_33 {strides = array<i32>} : memref<512xf32, #tpu.memory_space<vmem>>, vector<16xf32>,
    %get3A_34 = arith.constant 32 : index
    %get3A_35 = tpu.vector_load %arg6[%get3A_34] {strides = array<i32>} : memref<512xi32, #tpu.memory_space<vmem>>, vector<16xi32>,
    %get3A_36 = vector.shape_cast %get3A_35 : vector<16xi32> to vector<16xi32>
    %shift_right_logical3A_37 = arith.constant 1 : i32
    %shift_right_logical3A_38 = vector.broadcast %shift_right_logical3A_37 : i32 to vector<16xi32>
    %shift_right_logical3A_39 = arith.shrui %get3A_36, %shift_right_logical3A_38 : vector<16xi32>
    %swap3A_40 = arith.constant 32 : index
    %swap3A_41 = tpu.vector_load %arg7[%swap3A_40] {strides = array<i32>} : memref<512xi32, #tpu.memory_space<vmem>>, vector<16xi32>,
    %swap3A_42 = vector.shape_cast %swap3A_41 : vector<16xi32> to vector<16xi32>
    %swap3A_43 = vector.shape_cast %shift_right_logical3A_39 : vector<16xi32> to vector<16xi32>
    tpu.vector_store %arg7[%swap3A_40], %swap3A_43 {strides = array<i32>} : memref<512xi32, #tpu.memory_space<vmem>>, vector<16xi32>,
    %and3A_44 = arith.constant 1 : i32
    %and3A_45 = vector.broadcast %and3A_44 : i32 to vector<16xi32>
    %and3A_46 = arith.andi %get3A_36, %and3A_45 : vector<16xi32>
    %convert_element_type3A_47 = arith.sitofp %and3A_46 : vector<16xi32> to vector<16xf32>
    %swap3A_48 = arith.constant 32 : index
    %swap3A_49 = tpu.vector_load %arg8[%swap3A_48] {strides = array<i32>} : memref<512xf32, #tpu.memory_space<vmem>>, vector<16xf32>,
    %swap3A_50 = vector.shape_cast %swap3A_49 : vector<16xf32> to vector<16xf32>
    %swap3A_51 = vector.shape_cast %convert_element_type3A_47 : vector<16xf32> to vector<16xf32>
    tpu.vector_store %arg8[%swap3A_48], %swap3A_51 {strides = array<i32>} : memref<512xf32, #tpu.memory_space<vmem>>, vector<16xf32>,
    %get3A_52 = arith.constant 48 : index
    %get3A_53 = tpu.vector_load %arg6[%get3A_52] {strides = array<i32>} : memref<512xi32, #tpu.memory_space<vmem>>, vector<16xi32>,
    %get3A_54 = vector.shape_cast %get3A_53 : vector<16xi32> to vector<16xi32>
    %shift_right_logical3A_55 = arith.constant 1 : i32
    %shift_right_logical3A_56 = vector.broadcast %shift_right_logical3A_55 : i32 to vector<16xi32>
    %shift_right_logical3A_57 = arith.shrui %get3A_54, %shift_right_logical3A_56 : vector<16xi32>
    %swap3A_58 = arith.constant 48 : index
    %swap3A_59 = tpu.vector_load %arg7[%swap3A_58] {strides = array<i32>} : memref<512xi32, #tpu.memory_space<vmem>>, vector<16xi32>,
    %swap3A_60 = vector.shape_cast %swap3A_59 : vector<16xi32> to vector<16xi32>
    %swap3A_61 = vector.shape_cast %shift_right_logical3A_57 : vector<16xi32> to vector<16xi32>
    tpu.vector_store %arg7[%swap3A_58], %swap3A_61 {strides = array<i32>} : memref<512xi32, #tpu.memory_space<vmem>>, vector<16xi32>,
    %and3A_62 = arith.constant 1 : i32
    %and3A_63 = vector.broadcast %and3A_62 : i32 to vector<16xi32>
    %and3A_64 = arith.andi %get3A_54, %and3A_63 : vector<16xi32>
    %convert_element_type3A_65 = arith.sitofp %and3A_64 : vector<16xi32> to vector<16xf32>
    %swap3A_66 = arith.constant 48 : index
    %swap3A_67 = tpu.vector_load %arg8[%swap3A_66] {strides = array<i32>} : memref<512xf32, #tpu.memory_space<vmem>>, vector<16xf32>,
    %swap3A_68 = vector.shape_cast %swap3A_67 : vector<16xf32> to vector<16xf32>
    %swap3A_69 = vector.shape_cast %convert_element_type3A_65 : vector<16xf32> to vector<16xf32>
    tpu.vector_store %arg8[%swap3A_66], %swap3A_69 {strides = array<i32>} : memref<512xf32, #tpu.memory_space<vmem>>, vector<16xf32>,
    %get3A_70 = arith.constant 64 : index
    %get3A_71 = tpu.vector_load %arg6[%get3A_70] {strides = array<i32>} : memref<512xi32, #tpu.memory_space<vmem>>, vector<16xi32>,
    %get3A_72 = vector.shape_cast %get3A_71 : vector<16xi32> to vector<16xi32>
    %shift_right_logical3A_73 = arith.constant 1 : i32
    %shift_right_logical3A_74 = vector.broadcast %shift_right_logical3A_73 : i32 to vector<16xi32>
    %shift_right_logical3A_75 = arith.shrui %get3A_72, %shift_right_logical3A_74 : vector<16xi32>
    %swap3A_76 = arith.constant 64 : index
    %swap3A_77 = tpu.vector_load %arg7[%swap3A_76] {strides = array<i32>} : memref<512xi32, #tpu.memory_space<vmem>>, vector<16xi32>,
    %swap3A_78 = vector.shape_cast %swap3A_77 : vector<16xi32> to vector<16xi32>
    %swap3A_79 = vector.shape_cast %shift_right_logical3A_75 : vector<16xi32> to vector<16xi32>
    tpu.vector_store %arg7[%swap3A_76], %swap3A_79 {strides = array<i32>} : memref<512xi32, #tpu.memory_space<vmem>>, vector<16xi32>,
    %and3A_80 = arith.constant 1 : i32
    %and3A_81 = vector.broadcast %and3A_80 : i32 to vector<16xi32>
    %and3A_82 = arith.andi %get3A_72, %and3A_81 : vector<16xi32>
    %convert_element_type3A_83 = arith.sitofp %and3A_82 : vector<16xi32> to vector<16xf32>
    %swap3A_84 = arith.constant 64 : index
    %swap3A_85 = tpu.vector_load %arg8[%swap3A_84] {strides = array<i32>} : memref<512xf32, #tpu.memory_space<vmem>>, vector<16xf32>,
    %swap3A_86 = vector.shape_cast %swap3A_85 : vector<16xf32> to vector<16xf32>
    %swap3A_87 = vector.shape_cast %convert_element_type3A_83 : vector<16xf32> to vector<16xf32>
    tpu.vector_store %arg8[%swap3A_84], %swap3A_87 {strides = array<i32>} : memref<512xf32, #tpu.memory_space<vmem>>, vector<16xf32>,
    %get3A_88 = arith.constant 80 : index
    %get3A_89 = tpu.vector_load %arg6[%get3A_88] {strides = array<i32>} : memref<512xi32, #tpu.memory_space<vmem>>, vector<16xi32>,
    %get3A_90 = vector.shape_cast %get3A_89 : vector<16xi32> to vector<16xi32>
    %shift_right_logical3A_91 = arith.constant 1 : i32
    %shift_right_logical3A_92 = vector.broadcast %shift_right_logical3A_91 : i32 to vector<16xi32>
    %shift_right_logical3A_93 = arith.shrui %get3A_90, %shift_right_logical3A_92 : vector<16xi32>
    %swap3A_94 = arith.constant 80 : index
    %swap3A_95 = tpu.vector_load %arg7[%swap3A_94] {strides = array<i32>} : memref<512xi32, #tpu.memory_space<vmem>>, vector<16xi32>,
    %swap3A_96 = vector.shape_cast %swap3A_95 : vector<16xi32> to vector<16xi32>
    %swap3A_97 = vector.shape_cast %shift_right_logical3A_93 : vector<16xi32> to vector<16xi32>
    tpu.vector_store %arg7[%swap3A_94], %swap3A_97 {strides = array<i32>} : memref<512xi32, #tpu.memory_space<vmem>>, vector<16xi32>,
    %and3A_98 = arith.constant 1 : i32
    %and3A_99 = vector.broadcast %and3A_98 : i32 to vector<16xi32>
    %and3A_100 = arith.andi %get3A_90, %and3A_99 : vector<16xi32>
    %convert_element_type3A_101 = arith.sitofp %and3A_100 : vector<16xi32> to vector<16xf32>
    %swap3A_102 = arith.constant 80 : index
    %swap3A_103 = tpu.vector_load %arg8[%swap3A_102] {strides = array<i32>} : memref<512xf32, #tpu.memory_space<vmem>>, vector<16xf32>,
    %swap3A_104 = vector.shape_cast %swap3A_103 : vector<16xf32> to vector<16xf32>
    %swap3A_105 = vector.shape_cast %convert_element_type3A_101 : vector<16xf32> to vector<16xf32>
    tpu.vector_store %arg8[%swap3A_102], %swap3A_105 {strides = array<i32>} : memref<512xf32, #tpu.memory_space<vmem>>, vector<16xf32>,
    %get3A_106 = arith.constant 96 : index
    %get3A_107 = tpu.vector_load %arg6[%get3A_106] {strides = array<i32>} : memref<512xi32, #tpu.memory_space<vmem>>, vector<16xi32>,
    %get3A_108 = vector.shape_cast %get3A_107 : vector<16xi32> to vector<16xi32>
    %shift_right_logical3A_109 = arith.constant 1 : i32
    %shift_right_logical3A_110 = vector.broadcast %shift_right_logical3A_109 : i32 to vector<16xi32>
    %shift_right_logical3A_111 = arith.shrui %get3A_108, %shift_right_logical3A_110 : vector<16xi32>
    %swap3A_112 = arith.constant 96 : index
    %swap3A_113 = tpu.vector_load %arg7[%swap3A_112] {strides = array<i32>} : memref<512xi32, #tpu.memory_space<vmem>>, vector<16xi32>,
    %swap3A_114 = vector.shape_cast %swap3A_113 : vector<16xi32> to vector<16xi32>
    %swap3A_115 = vector.shape_cast %shift_right_logical3A_111 : vector<16xi32> to vector<16xi32>
    tpu.vector_store %arg7[%swap3A_112], %swap3A_115 {strides = array<i32>} : memref<512xi32, #tpu.memory_space<vmem>>, vector<16xi32>,
    %and3A_116 = arith.constant 1 : i32
    %and3A_117 = vector.broadcast %and3A_116 : i32 to vector<16xi32>
    %and3A_118 = arith.andi %get3A_108, %and3A_117 : vector<16xi32>
    %convert_element_type3A_119 = arith.sitofp %and3A_118 : vector<16xi32> to vector<16xf32>
    %swap3A_120 = arith.constant 96 : index
    %swap3A_121 = tpu.vector_load %arg8[%swap3A_120] {strides = array<i32>} : memref<512xf32, #tpu.memory_space<vmem>>, vector<16xf32>,
    %swap3A_122 = vector.shape_cast %swap3A_121 : vector<16xf32> to vector<16xf32>
    %swap3A_123 = vector.shape_cast %convert_element_type3A_119 : vector<16xf32> to vector<16xf32>
    tpu.vector_store %arg8[%swap3A_120], %swap3A_123 {strides = array<i32>} : memref<512xf32, #tpu.memory_space<vmem>>, vector<16xf32>,
    %get3A_124 = arith.constant 112 : index
    %get3A_125 = tpu.vector_load %arg6[%get3A_124] {strides = array<i32>} : memref<512xi32, #tpu.memory_space<vmem>>, vector<16xi32>,
    %get3A_126 = vector.shape_cast %get3A_125 : vector<16xi32> to vector<16xi32>
    %shift_right_logical3A_127 = arith.constant 1 : i32
    %shift_right_logical3A_128 = vector.broadcast %shift_right_logical3A_127 : i32 to vector<16xi32>
    %shift_right_logical3A_129 = arith.shrui %get3A_126, %shift_right_logical3A_128 : vector<16xi32>
    %swap3A_130 = arith.constant 112 : index
    %swap3A_131 = tpu.vector_load %arg7[%swap3A_130] {strides = array<i32>} : memref<512xi32, #tpu.memory_space<vmem>>, vector<16xi32>,
    %swap3A_132 = vector.shape_cast %swap3A_131 : vector<16xi32> to vector<16xi32>
    %swap3A_133 = vector.shape_cast %shift_right_logical3A_129 : vector<16xi32> to vector<16xi32>
    tpu.vector_store %arg7[%swap3A_130], %swap3A_133 {strides = array<i32>} : memref<512xi32, #tpu.memory_space<vmem>>, vector<16xi32>,
    %and3A_134 = arith.constant 1 : i32
    %and3A_135 = vector.broadcast %and3A_134 : i32 to vector<16xi32>
    %and3A_136 = arith.andi %get3A_126, %and3A_135 : vector<16xi32>
    %convert_element_type3A_137 = arith.sitofp %and3A_136 : vector<16xi32> to vector<16xf32>
    %swap3A_138 = arith.constant 112 : index
    %swap3A_139 = tpu.vector_load %arg8[%swap3A_138] {strides = array<i32>} : memref<512xf32, #tpu.memory_space<vmem>>, vector<16xf32>,
    %swap3A_140 = vector.shape_cast %swap3A_139 : vector<16xf32> to vector<16xf32>
    %swap3A_141 = vector.shape_cast %convert_element_type3A_137 : vector<16xf32> to vector<16xf32>
    tpu.vector_store %arg8[%swap3A_138], %swap3A_141 {strides = array<i32>} : memref<512xf32, #tpu.memory_space<vmem>>, vector<16xf32>,
    %get3A_142 = arith.constant 128 : index
    %get3A_143 = tpu.vector_load %arg6[%get3A_142] {strides = array<i32>} : memref<512xi32, #tpu.memory_space<vmem>>, vector<16xi32>,
    %get3A_144 = vector.shape_cast %get3A_143 : vector<16xi32> to vector<16xi32>
    %shift_right_logical3A_145 = arith.constant 1 : i32
    %shift_right_logical3A_146 = vector.broadcast %shift_right_logical3A_145 : i32 to vector<16xi32>
    %shift_right_logical3A_147 = arith.shrui %get3A_144, %shift_right_logical3A_146 : vector<16xi32>
    %swap3A_148 = arith.constant 128 : index
    %swap3A_149 = tpu.vector_load %arg7[%swap3A_148] {strides = array<i32>} : memref<512xi32, #tpu.memory_space<vmem>>, vector<16xi32>,
    %swap3A_150 = vector.shape_cast %swap3A_149 : vector<16xi32> to vector<16xi32>
    %swap3A_151 = vector.shape_cast %shift_right_logical3A_147 : vector<16xi32> to vector<16xi32>
    tpu.vector_store %arg7[%swap3A_148], %swap3A_151 {strides = array<i32>} : memref<512xi32, #tpu.memory_space<vmem>>, vector<16xi32>,
    %and3A_152 = arith.constant 1 : i32
    %and3A_153 = vector.broadcast %and3A_152 : i32 to vector<16xi32>
    %and3A_154 = arith.andi %get3A_144, %and3A_153 : vector<16xi32>
    %convert_element_type3A_155 = arith.sitofp %and3A_154 : vector<16xi32> to vector<16xf32>
    %swap3A_156 = arith.constant 128 : index
    %swap3A_157 = tpu.vector_load %arg8[%swap3A_156] {strides = array<i32>} : memref<512xf32, #tpu.memory_space<vmem>>, vector<16xf32>,
    %swap3A_158 = vector.shape_cast %swap3A_157 : vector<16xf32> to vector<16xf32>
    %swap3A_159 = vector.shape_cast %convert_element_type3A_155 : vector<16xf32> to vector<16xf32>
    tpu.vector_store %arg8[%swap3A_156], %swap3A_159 {strides = array<i32>} : memref<512xf32, #tpu.memory_space<vmem>>, vector<16xf32>,
    %get3A_160 = arith.constant 144 : index
    %get3A_161 = tpu.vector_load %arg6[%get3A_160] {strides = array<i32>} : memref<512xi32, #tpu.memory_space<vmem>>, vector<16xi32>,
    %get3A_162 = vector.shape_cast %get3A_161 : vector<16xi32> to vector<16xi32>
    %shift_right_logical3A_163 = arith.constant 1 : i32
    %shift_right_logical3A_164 = vector.broadcast %shift_right_logical3A_163 : i32 to vector<16xi32>
    %shift_right_logical3A_165 = arith.shrui %get3A_162, %shift_right_logical3A_164 : vector<16xi32>
    %swap3A_166 = arith.constant 144 : index
    %swap3A_167 = tpu.vector_load %arg7[%swap3A_166] {strides = array<i32>} : memref<512xi32, #tpu.memory_space<vmem>>, vector<16xi32>,
    %swap3A_168 = vector.shape_cast %swap3A_167 : vector<16xi32> to vector<16xi32>
    %swap3A_169 = vector.shape_cast %shift_right_logical3A_165 : vector<16xi32> to vector<16xi32>
    tpu.vector_store %arg7[%swap3A_166], %swap3A_169 {strides = array<i32>} : memref<512xi32, #tpu.memory_space<vmem>>, vector<16xi32>,
    %and3A_170 = arith.constant 1 : i32
    %and3A_171 = vector.broadcast %and3A_170 : i32 to vector<16xi32>
    %and3A_172 = arith.andi %get3A_162, %and3A_171 : vector<16xi32>
    %convert_element_type3A_173 = arith.sitofp %and3A_172 : vector<16xi32> to vector<16xf32>
    %swap3A_174 = arith.constant 144 : index
    %swap3A_175 = tpu.vector_load %arg8[%swap3A_174] {strides = array<i32>} : memref<512xf32, #tpu.memory_space<vmem>>, vector<16xf32>,
    %swap3A_176 = vector.shape_cast %swap3A_175 : vector<16xf32> to vector<16xf32>
    %swap3A_177 = vector.shape_cast %convert_element_type3A_173 : vector<16xf32> to vector<16xf32>
    tpu.vector_store %arg8[%swap3A_174], %swap3A_177 {strides = array<i32>} : memref<512xf32, #tpu.memory_space<vmem>>, vector<16xf32>,
    %get3A_178 = arith.constant 160 : index
    %get3A_179 = tpu.vector_load %arg6[%get3A_178] {strides = array<i32>} : memref<512xi32, #tpu.memory_space<vmem>>, vector<16xi32>,
    %get3A_180 = vector.shape_cast %get3A_179 : vector<16xi32> to vector<16xi32>
    %shift_right_logical3A_181 = arith.constant 1 : i32
    %shift_right_logical3A_182 = vector.broadcast %shift_right_logical3A_181 : i32 to vector<16xi32>
    %shift_right_logical3A_183 = arith.shrui %get3A_180, %shift_right_logical3A_182 : vector<16xi32>
    %swap3A_184 = arith.constant 160 : index
    %swap3A_185 = tpu.vector_load %arg7[%swap3A_184] {strides = array<i32>} : memref<512xi32, #tpu.memory_space<vmem>>, vector<16xi32>,
    %swap3A_186 = vector.shape_cast %swap3A_185 : vector<16xi32> to vector<16xi32>
    %swap3A_187 = vector.shape_cast %shift_right_logical3A_183 : vector<16xi32> to vector<16xi32>
    tpu.vector_store %arg7[%swap3A_184], %swap3A_187 {strides = array<i32>} : memref<512xi32, #tpu.memory_space<vmem>>, vector<16xi32>,
    %and3A_188 = arith.constant 1 : i32
    %and3A_189 = vector.broadcast %and3A_188 : i32 to vector<16xi32>
    %and3A_190 = arith.andi %get3A_180, %and3A_189 : vector<16xi32>
    %convert_element_type3A_191 = arith.sitofp %and3A_190 : vector<16xi32> to vector<16xf32>
    %swap3A_192 = arith.constant 160 : index
    %swap3A_193 = tpu.vector_load %arg8[%swap3A_192] {strides = array<i32>} : memref<512xf32, #tpu.memory_space<vmem>>, vector<16xf32>,
    %swap3A_194 = vector.shape_cast %swap3A_193 : vector<16xf32> to vector<16xf32>
    %swap3A_195 = vector.shape_cast %convert_element_type3A_191 : vector<16xf32> to vector<16xf32>
    tpu.vector_store %arg8[%swap3A_192], %swap3A_195 {strides = array<i32>} : memref<512xf32, #tpu.memory_space<vmem>>, vector<16xf32>,
    %get3A_196 = arith.constant 176 : index
    %get3A_197 = tpu.vector_load %arg6[%get3A_196] {strides = array<i32>} : memref<512xi32, #tpu.memory_space<vmem>>, vector<16xi32>,
    %get3A_198 = vector.shape_cast %get3A_197 : vector<16xi32> to vector<16xi32>
    %shift_right_logical3A_199 = arith.constant 1 : i32
    %shift_right_logical3A_200 = vector.broadcast %shift_right_logical3A_199 : i32 to vector<16xi32>
    %shift_right_logical3A_201 = arith.shrui %get3A_198, %shift_right_logical3A_200 : vector<16xi32>
    %swap3A_202 = arith.constant 176 : index
    %swap3A_203 = tpu.vector_load %arg7[%swap3A_202] {strides = array<i32>} : memref<512xi32, #tpu.memory_space<vmem>>, vector<16xi32>,
    %swap3A_204 = vector.shape_cast %swap3A_203 : vector<16xi32> to vector<16xi32>
    %swap3A_205 = vector.shape_cast %shift_right_logical3A_201 : vector<16xi32> to vector<16xi32>
    tpu.vector_store %arg7[%swap3A_202], %swap3A_205 {strides = array<i32>} : memref<512xi32, #tpu.memory_space<vmem>>, vector<16xi32>,
    %and3A_206 = arith.constant 1 : i32
    %and3A_207 = vector.broadcast %and3A_206 : i32 to vector<16xi32>
    %and3A_208 = arith.andi %get3A_198, %and3A_207 : vector<16xi32>
    %convert_element_type3A_209 = arith.sitofp %and3A_208 : vector<16xi32> to vector<16xf32>
    %swap3A_210 = arith.constant 176 : index
    %swap3A_211 = tpu.vector_load %arg8[%swap3A_210] {strides = array<i32>} : memref<512xf32, #tpu.memory_space<vmem>>, vector<16xf32>,
    %swap3A_212 = vector.shape_cast %swap3A_211 : vector<16xf32> to vector<16xf32>
    %swap3A_213 = vector.shape_cast %convert_element_type3A_209 : vector<16xf32> to vector<16xf32>
    tpu.vector_store %arg8[%swap3A_210], %swap3A_213 {strides = array<i32>} : memref<512xf32, #tpu.memory_space<vmem>>, vector<16xf32>,
    %get3A_214 = arith.constant 192 : index
    %get3A_215 = tpu.vector_load %arg6[%get3A_214] {strides = array<i32>} : memref<512xi32, #tpu.memory_space<vmem>>, vector<16xi32>,
    %get3A_216 = vector.shape_cast %get3A_215 : vector<16xi32> to vector<16xi32>
    %shift_right_logical3A_217 = arith.constant 1 : i32
    %shift_right_logical3A_218 = vector.broadcast %shift_right_logical3A_217 : i32 to vector<16xi32>
    %shift_right_logical3A_219 = arith.shrui %get3A_216, %shift_right_logical3A_218 : vector<16xi32>
    %swap3A_220 = arith.constant 192 : index
    %swap3A_221 = tpu.vector_load %arg7[%swap3A_220] {strides = array<i32>} : memref<512xi32, #tpu.memory_space<vmem>>, vector<16xi32>,
    %swap3A_222 = vector.shape_cast %swap3A_221 : vector<16xi32> to vector<16xi32>
    %swap3A_223 = vector.shape_cast %shift_right_logical3A_219 : vector<16xi32> to vector<16xi32>
    tpu.vector_store %arg7[%swap3A_220], %swap3A_223 {strides = array<i32>} : memref<512xi32, #tpu.memory_space<vmem>>, vector<16xi32>,
    %and3A_224 = arith.constant 1 : i32
    %and3A_225 = vector.broadcast %and3A_224 : i32 to vector<16xi32>
    %and3A_226 = arith.andi %get3A_216, %and3A_225 : vector<16xi32>
    %convert_element_type3A_227 = arith.sitofp %and3A_226 : vector<16xi32> to vector<16xf32>
    %swap3A_228 = arith.constant 192 : index
    %swap3A_229 = tpu.vector_load %arg8[%swap3A_228] {strides = array<i32>} : memref<512xf32, #tpu.memory_space<vmem>>, vector<16xf32>,
    %swap3A_230 = vector.shape_cast %swap3A_229 : vector<16xf32> to vector<16xf32>
    %swap3A_231 = vector.shape_cast %convert_element_type3A_227 : vector<16xf32> to vector<16xf32>
    tpu.vector_store %arg8[%swap3A_228], %swap3A_231 {strides = array<i32>} : memref<512xf32, #tpu.memory_space<vmem>>, vector<16xf32>,
    %get3A_232 = arith.constant 208 : index
    %get3A_233 = tpu.vector_load %arg6[%get3A_232] {strides = array<i32>} : memref<512xi32, #tpu.memory_space<vmem>>, vector<16xi32>,
    %get3A_234 = vector.shape_cast %get3A_233 : vector<16xi32> to vector<16xi32>
    %shift_right_logical3A_235 = arith.constant 1 : i32
    %shift_right_logical3A_236 = vector.broadcast %shift_right_logical3A_235 : i32 to vector<16xi32>
    %shift_right_logical3A_237 = arith.shrui %get3A_234, %shift_right_logical3A_236 : vector<16xi32>
    %swap3A_238 = arith.constant 208 : index
    %swap3A_239 = tpu.vector_load %arg7[%swap3A_238] {strides = array<i32>} : memref<512xi32, #tpu.memory_space<vmem>>, vector<16xi32>,
    %swap3A_240 = vector.shape_cast %swap3A_239 : vector<16xi32> to vector<16xi32>
    %swap3A_241 = vector.shape_cast %shift_right_logical3A_237 : vector<16xi32> to vector<16xi32>
    tpu.vector_store %arg7[%swap3A_238], %swap3A_241 {strides = array<i32>} : memref<512xi32, #tpu.memory_space<vmem>>, vector<16xi32>,
    %and3A_242 = arith.constant 1 : i32
    %and3A_243 = vector.broadcast %and3A_242 : i32 to vector<16xi32>
    %and3A_244 = arith.andi %get3A_234, %and3A_243 : vector<16xi32>
    %convert_element_type3A_245 = arith.sitofp %and3A_244 : vector<16xi32> to vector<16xf32>
    %swap3A_246 = arith.constant 208 : index
    %swap3A_247 = tpu.vector_load %arg8[%swap3A_246] {strides = array<i32>} : memref<512xf32, #tpu.memory_space<vmem>>, vector<16xf32>,
    %swap3A_248 = vector.shape_cast %swap3A_247 : vector<16xf32> to vector<16xf32>
    %swap3A_249 = vector.shape_cast %convert_element_type3A_245 : vector<16xf32> to vector<16xf32>
    tpu.vector_store %arg8[%swap3A_246], %swap3A_249 {strides = array<i32>} : memref<512xf32, #tpu.memory_space<vmem>>, vector<16xf32>,
    %get3A_250 = arith.constant 224 : index
    %get3A_251 = tpu.vector_load %arg6[%get3A_250] {strides = array<i32>} : memref<512xi32, #tpu.memory_space<vmem>>, vector<16xi32>,
    %get3A_252 = vector.shape_cast %get3A_251 : vector<16xi32> to vector<16xi32>
    %shift_right_logical3A_253 = arith.constant 1 : i32
    %shift_right_logical3A_254 = vector.broadcast %shift_right_logical3A_253 : i32 to vector<16xi32>
    %shift_right_logical3A_255 = arith.shrui %get3A_252, %shift_right_logical3A_254 : vector<16xi32>
    %swap3A_256 = arith.constant 224 : index
    %swap3A_257 = tpu.vector_load %arg7[%swap3A_256] {strides = array<i32>} : memref<512xi32, #tpu.memory_space<vmem>>, vector<16xi32>,
    %swap3A_258 = vector.shape_cast %swap3A_257 : vector<16xi32> to vector<16xi32>
    %swap3A_259 = vector.shape_cast %shift_right_logical3A_255 : vector<16xi32> to vector<16xi32>
    tpu.vector_store %arg7[%swap3A_256], %swap3A_259 {strides = array<i32>} : memref<512xi32, #tpu.memory_space<vmem>>, vector<16xi32>,
    %and3A_260 = arith.constant 1 : i32
    %and3A_261 = vector.broadcast %and3A_260 : i32 to vector<16xi32>
    %and3A_262 = arith.andi %get3A_252, %and3A_261 : vector<16xi32>
    %convert_element_type3A_263 = arith.sitofp %and3A_262 : vector<16xi32> to vector<16xf32>
    %swap3A_264 = arith.constant 224 : index
    %swap3A_265 = tpu.vector_load %arg8[%swap3A_264] {strides = array<i32>} : memref<512xf32, #tpu.memory_space<vmem>>, vector<16xf32>,
    %swap3A_266 = vector.shape_cast %swap3A_265 : vector<16xf32> to vector<16xf32>
    %swap3A_267 = vector.shape_cast %convert_element_type3A_263 : vector<16xf32> to vector<16xf32>
    tpu.vector_store %arg8[%swap3A_264], %swap3A_267 {strides = array<i32>} : memref<512xf32, #tpu.memory_space<vmem>>, vector<16xf32>,
    %get3A_268 = arith.constant 240 : index
    %get3A_269 = tpu.vector_load %arg6[%get3A_268] {strides = array<i32>} : memref<512xi32, #tpu.memory_space<vmem>>, vector<16xi32>,
    %get3A_270 = vector.shape_cast %get3A_269 : vector<16xi32> to vector<16xi32>
    %shift_right_logical3A_271 = arith.constant 1 : i32
    %shift_right_logical3A_272 = vector.broadcast %shift_right_logical3A_271 : i32 to vector<16xi32>
    %shift_right_logical3A_273 = arith.shrui %get3A_270, %shift_right_logical3A_272 : vector<16xi32>
    %swap3A_274 = arith.constant 240 : index
    %swap3A_275 = tpu.vector_load %arg7[%swap3A_274] {strides = array<i32>} : memref<512xi32, #tpu.memory_space<vmem>>, vector<16xi32>,
    %swap3A_276 = vector.shape_cast %swap3A_275 : vector<16xi32> to vector<16xi32>
    %swap3A_277 = vector.shape_cast %shift_right_logical3A_273 : vector<16xi32> to vector<16xi32>
    tpu.vector_store %arg7[%swap3A_274], %swap3A_277 {strides = array<i32>} : memref<512xi32, #tpu.memory_space<vmem>>, vector<16xi32>,
    %and3A_278 = arith.constant 1 : i32
    %and3A_279 = vector.broadcast %and3A_278 : i32 to vector<16xi32>
    %and3A_280 = arith.andi %get3A_270, %and3A_279 : vector<16xi32>
    %convert_element_type3A_281 = arith.sitofp %and3A_280 : vector<16xi32> to vector<16xf32>
    %swap3A_282 = arith.constant 240 : index
    %swap3A_283 = tpu.vector_load %arg8[%swap3A_282] {strides = array<i32>} : memref<512xf32, #tpu.memory_space<vmem>>, vector<16xf32>,
    %swap3A_284 = vector.shape_cast %swap3A_283 : vector<16xf32> to vector<16xf32>
    %swap3A_285 = vector.shape_cast %convert_element_type3A_281 : vector<16xf32> to vector<16xf32>
    tpu.vector_store %arg8[%swap3A_282], %swap3A_285 {strides = array<i32>} : memref<512xf32, #tpu.memory_space<vmem>>, vector<16xf32>,
    %get3A_286 = arith.constant 256 : index
    %get3A_287 = tpu.vector_load %arg6[%get3A_286] {strides = array<i32>} : memref<512xi32, #tpu.memory_space<vmem>>, vector<16xi32>,
    %get3A_288 = vector.shape_cast %get3A_287 : vector<16xi32> to vector<16xi32>
    %shift_right_logical3A_289 = arith.constant 1 : i32
    %shift_right_logical3A_290 = vector.broadcast %shift_right_logical3A_289 : i32 to vector<16xi32>
    %shift_right_logical3A_291 = arith.shrui %get3A_288, %shift_right_logical3A_290 : vector<16xi32>
    %swap3A_292 = arith.constant 256 : index
    %swap3A_293 = tpu.vector_load %arg7[%swap3A_292] {strides = array<i32>} : memref<512xi32, #tpu.memory_space<vmem>>, vector<16xi32>,
    %swap3A_294 = vector.shape_cast %swap3A_293 : vector<16xi32> to vector<16xi32>
    %swap3A_295 = vector.shape_cast %shift_right_logical3A_291 : vector<16xi32> to vector<16xi32>
    tpu.vector_store %arg7[%swap3A_292], %swap3A_295 {strides = array<i32>} : memref<512xi32, #tpu.memory_space<vmem>>, vector<16xi32>,
    %and3A_296 = arith.constant 1 : i32
    %and3A_297 = vector.broadcast %and3A_296 : i32 to vector<16xi32>
    %and3A_298 = arith.andi %get3A_288, %and3A_297 : vector<16xi32>
    %convert_element_type3A_299 = arith.sitofp %and3A_298 : vector<16xi32> to vector<16xf32>
    %swap3A_300 = arith.constant 256 : index
    %swap3A_301 = tpu.vector_load %arg8[%swap3A_300] {strides = array<i32>} : memref<512xf32, #tpu.memory_space<vmem>>, vector<16xf32>,
    %swap3A_302 = vector.shape_cast %swap3A_301 : vector<16xf32> to vector<16xf32>
    %swap3A_303 = vector.shape_cast %convert_element_type3A_299 : vector<16xf32> to vector<16xf32>
    tpu.vector_store %arg8[%swap3A_300], %swap3A_303 {strides = array<i32>} : memref<512xf32, #tpu.memory_space<vmem>>, vector<16xf32>,
    %get3A_304 = arith.constant 272 : index
    %get3A_305 = tpu.vector_load %arg6[%get3A_304] {strides = array<i32>} : memref<512xi32, #tpu.memory_space<vmem>>, vector<16xi32>,
    %get3A_306 = vector.shape_cast %get3A_305 : vector<16xi32> to vector<16xi32>
    %shift_right_logical3A_307 = arith.constant 1 : i32
    %shift_right_logical3A_308 = vector.broadcast %shift_right_logical3A_307 : i32 to vector<16xi32>
    %shift_right_logical3A_309 = arith.shrui %get3A_306, %shift_right_logical3A_308 : vector<16xi32>
    %swap3A_310 = arith.constant 272 : index
    %swap3A_311 = tpu.vector_load %arg7[%swap3A_310] {strides = array<i32>} : memref<512xi32, #tpu.memory_space<vmem>>, vector<16xi32>,
    %swap3A_312 = vector.shape_cast %swap3A_311 : vector<16xi32> to vector<16xi32>
    %swap3A_313 = vector.shape_cast %shift_right_logical3A_309 : vector<16xi32> to vector<16xi32>
    tpu.vector_store %arg7[%swap3A_310], %swap3A_313 {strides = array<i32>} : memref<512xi32, #tpu.memory_space<vmem>>, vector<16xi32>,
    %and3A_314 = arith.constant 1 : i32
    %and3A_315 = vector.broadcast %and3A_314 : i32 to vector<16xi32>
    %and3A_316 = arith.andi %get3A_306, %and3A_315 : vector<16xi32>
    %convert_element_type3A_317 = arith.sitofp %and3A_316 : vector<16xi32> to vector<16xf32>
    %swap3A_318 = arith.constant 272 : index
    %swap3A_319 = tpu.vector_load %arg8[%swap3A_318] {strides = array<i32>} : memref<512xf32, #tpu.memory_space<vmem>>, vector<16xf32>,
    %swap3A_320 = vector.shape_cast %swap3A_319 : vector<16xf32> to vector<16xf32>
    %swap3A_321 = vector.shape_cast %convert_element_type3A_317 : vector<16xf32> to vector<16xf32>
    tpu.vector_store %arg8[%swap3A_318], %swap3A_321 {strides = array<i32>} : memref<512xf32, #tpu.memory_space<vmem>>, vector<16xf32>,
    %get3A_322 = arith.constant 288 : index
    %get3A_323 = tpu.vector_load %arg6[%get3A_322] {strides = array<i32>} : memref<512xi32, #tpu.memory_space<vmem>>, vector<16xi32>,
    %get3A_324 = vector.shape_cast %get3A_323 : vector<16xi32> to vector<16xi32>
    %shift_right_logical3A_325 = arith.constant 1 : i32
    %shift_right_logical3A_326 = vector.broadcast %shift_right_logical3A_325 : i32 to vector<16xi32>
    %shift_right_logical3A_327 = arith.shrui %get3A_324, %shift_right_logical3A_326 : vector<16xi32>
    %swap3A_328 = arith.constant 288 : index
    %swap3A_329 = tpu.vector_load %arg7[%swap3A_328] {strides = array<i32>} : memref<512xi32, #tpu.memory_space<vmem>>, vector<16xi32>,
    %swap3A_330 = vector.shape_cast %swap3A_329 : vector<16xi32> to vector<16xi32>
    %swap3A_331 = vector.shape_cast %shift_right_logical3A_327 : vector<16xi32> to vector<16xi32>
    tpu.vector_store %arg7[%swap3A_328], %swap3A_331 {strides = array<i32>} : memref<512xi32, #tpu.memory_space<vmem>>, vector<16xi32>,
    %and3A_332 = arith.constant 1 : i32
    %and3A_333 = vector.broadcast %and3A_332 : i32 to vector<16xi32>
    %and3A_334 = arith.andi %get3A_324, %and3A_333 : vector<16xi32>
    %convert_element_type3A_335 = arith.sitofp %and3A_334 : vector<16xi32> to vector<16xf32>
    %swap3A_336 = arith.constant 288 : index
    %swap3A_337 = tpu.vector_load %arg8[%swap3A_336] {strides = array<i32>} : memref<512xf32, #tpu.memory_space<vmem>>, vector<16xf32>,
    %swap3A_338 = vector.shape_cast %swap3A_337 : vector<16xf32> to vector<16xf32>
    %swap3A_339 = vector.shape_cast %convert_element_type3A_335 : vector<16xf32> to vector<16xf32>
    tpu.vector_store %arg8[%swap3A_336], %swap3A_339 {strides = array<i32>} : memref<512xf32, #tpu.memory_space<vmem>>, vector<16xf32>,
    %get3A_340 = arith.constant 304 : index
    %get3A_341 = tpu.vector_load %arg6[%get3A_340] {strides = array<i32>} : memref<512xi32, #tpu.memory_space<vmem>>, vector<16xi32>,
    %get3A_342 = vector.shape_cast %get3A_341 : vector<16xi32> to vector<16xi32>
    %shift_right_logical3A_343 = arith.constant 1 : i32
    %shift_right_logical3A_344 = vector.broadcast %shift_right_logical3A_343 : i32 to vector<16xi32>
    %shift_right_logical3A_345 = arith.shrui %get3A_342, %shift_right_logical3A_344 : vector<16xi32>
    %swap3A_346 = arith.constant 304 : index
    %swap3A_347 = tpu.vector_load %arg7[%swap3A_346] {strides = array<i32>} : memref<512xi32, #tpu.memory_space<vmem>>, vector<16xi32>,
    %swap3A_348 = vector.shape_cast %swap3A_347 : vector<16xi32> to vector<16xi32>
    %swap3A_349 = vector.shape_cast %shift_right_logical3A_345 : vector<16xi32> to vector<16xi32>
    tpu.vector_store %arg7[%swap3A_346], %swap3A_349 {strides = array<i32>} : memref<512xi32, #tpu.memory_space<vmem>>, vector<16xi32>,
    %and3A_350 = arith.constant 1 : i32
    %and3A_351 = vector.broadcast %and3A_350 : i32 to vector<16xi32>
    %and3A_352 = arith.andi %get3A_342, %and3A_351 : vector<16xi32>
    %convert_element_type3A_353 = arith.sitofp %and3A_352 : vector<16xi32> to vector<16xf32>
    %swap3A_354 = arith.constant 304 : index
    %swap3A_355 = tpu.vector_load %arg8[%swap3A_354] {strides = array<i32>} : memref<512xf32, #tpu.memory_space<vmem>>, vector<16xf32>,
    %swap3A_356 = vector.shape_cast %swap3A_355 : vector<16xf32> to vector<16xf32>
    %swap3A_357 = vector.shape_cast %convert_element_type3A_353 : vector<16xf32> to vector<16xf32>
    tpu.vector_store %arg8[%swap3A_354], %swap3A_357 {strides = array<i32>} : memref<512xf32, #tpu.memory_space<vmem>>, vector<16xf32>,
    %get3A_358 = arith.constant 320 : index
    %get3A_359 = tpu.vector_load %arg6[%get3A_358] {strides = array<i32>} : memref<512xi32, #tpu.memory_space<vmem>>, vector<16xi32>,
    %get3A_360 = vector.shape_cast %get3A_359 : vector<16xi32> to vector<16xi32>
    %shift_right_logical3A_361 = arith.constant 1 : i32
    %shift_right_logical3A_362 = vector.broadcast %shift_right_logical3A_361 : i32 to vector<16xi32>
    %shift_right_logical3A_363 = arith.shrui %get3A_360, %shift_right_logical3A_362 : vector<16xi32>
    %swap3A_364 = arith.constant 320 : index
    %swap3A_365 = tpu.vector_load %arg7[%swap3A_364] {strides = array<i32>} : memref<512xi32, #tpu.memory_space<vmem>>, vector<16xi32>,
    %swap3A_366 = vector.shape_cast %swap3A_365 : vector<16xi32> to vector<16xi32>
    %swap3A_367 = vector.shape_cast %shift_right_logical3A_363 : vector<16xi32> to vector<16xi32>
    tpu.vector_store %arg7[%swap3A_364], %swap3A_367 {strides = array<i32>} : memref<512xi32, #tpu.memory_space<vmem>>, vector<16xi32>,
    %and3A_368 = arith.constant 1 : i32
    %and3A_369 = vector.broadcast %and3A_368 : i32 to vector<16xi32>
    %and3A_370 = arith.andi %get3A_360, %and3A_369 : vector<16xi32>
    %convert_element_type3A_371 = arith.sitofp %and3A_370 : vector<16xi32> to vector<16xf32>
    %swap3A_372 = arith.constant 320 : index
    %swap3A_373 = tpu.vector_load %arg8[%swap3A_372] {strides = array<i32>} : memref<512xf32, #tpu.memory_space<vmem>>, vector<16xf32>,
    %swap3A_374 = vector.shape_cast %swap3A_373 : vector<16xf32> to vector<16xf32>
    %swap3A_375 = vector.shape_cast %convert_element_type3A_371 : vector<16xf32> to vector<16xf32>
    tpu.vector_store %arg8[%swap3A_372], %swap3A_375 {strides = array<i32>} : memref<512xf32, #tpu.memory_space<vmem>>, vector<16xf32>,
    %get3A_376 = arith.constant 336 : index
    %get3A_377 = tpu.vector_load %arg6[%get3A_376] {strides = array<i32>} : memref<512xi32, #tpu.memory_space<vmem>>, vector<16xi32>,
    %get3A_378 = vector.shape_cast %get3A_377 : vector<16xi32> to vector<16xi32>
    %shift_right_logical3A_379 = arith.constant 1 : i32
    %shift_right_logical3A_380 = vector.broadcast %shift_right_logical3A_379 : i32 to vector<16xi32>
    %shift_right_logical3A_381 = arith.shrui %get3A_378, %shift_right_logical3A_380 : vector<16xi32>
    %swap3A_382 = arith.constant 336 : index
    %swap3A_383 = tpu.vector_load %arg7[%swap3A_382] {strides = array<i32>} : memref<512xi32, #tpu.memory_space<vmem>>, vector<16xi32>,
    %swap3A_384 = vector.shape_cast %swap3A_383 : vector<16xi32> to vector<16xi32>
    %swap3A_385 = vector.shape_cast %shift_right_logical3A_381 : vector<16xi32> to vector<16xi32>
    tpu.vector_store %arg7[%swap3A_382], %swap3A_385 {strides = array<i32>} : memref<512xi32, #tpu.memory_space<vmem>>, vector<16xi32>,
    %and3A_386 = arith.constant 1 : i32
    %and3A_387 = vector.broadcast %and3A_386 : i32 to vector<16xi32>
    %and3A_388 = arith.andi %get3A_378, %and3A_387 : vector<16xi32>
    %convert_element_type3A_389 = arith.sitofp %and3A_388 : vector<16xi32> to vector<16xf32>
    %swap3A_390 = arith.constant 336 : index
    %swap3A_391 = tpu.vector_load %arg8[%swap3A_390] {strides = array<i32>} : memref<512xf32, #tpu.memory_space<vmem>>, vector<16xf32>,
    %swap3A_392 = vector.shape_cast %swap3A_391 : vector<16xf32> to vector<16xf32>
    %swap3A_393 = vector.shape_cast %convert_element_type3A_389 : vector<16xf32> to vector<16xf32>
    tpu.vector_store %arg8[%swap3A_390], %swap3A_393 {strides = array<i32>} : memref<512xf32, #tpu.memory_space<vmem>>, vector<16xf32>,
    %get3A_394 = arith.constant 352 : index
    %get3A_395 = tpu.vector_load %arg6[%get3A_394] {strides = array<i32>} : memref<512xi32, #tpu.memory_space<vmem>>, vector<16xi32>,
    %get3A_396 = vector.shape_cast %get3A_395 : vector<16xi32> to vector<16xi32>
    %shift_right_logical3A_397 = arith.constant 1 : i32
    %shift_right_logical3A_398 = vector.broadcast %shift_right_logical3A_397 : i32 to vector<16xi32>
    %shift_right_logical3A_399 = arith.shrui %get3A_396, %shift_right_logical3A_398 : vector<16xi32>
    %swap3A_400 = arith.constant 352 : index
    %swap3A_401 = tpu.vector_load %arg7[%swap3A_400] {strides = array<i32>} : memref<512xi32, #tpu.memory_space<vmem>>, vector<16xi32>,
    %swap3A_402 = vector.shape_cast %swap3A_401 : vector<16xi32> to vector<16xi32>
    %swap3A_403 = vector.shape_cast %shift_right_logical3A_399 : vector<16xi32> to vector<16xi32>
    tpu.vector_store %arg7[%swap3A_400], %swap3A_403 {strides = array<i32>} : memref<512xi32, #tpu.memory_space<vmem>>, vector<16xi32>,
    %and3A_404 = arith.constant 1 : i32
    %and3A_405 = vector.broadcast %and3A_404 : i32 to vector<16xi32>
    %and3A_406 = arith.andi %get3A_396, %and3A_405 : vector<16xi32>
    %convert_element_type3A_407 = arith.sitofp %and3A_406 : vector<16xi32> to vector<16xf32>
    %swap3A_408 = arith.constant 352 : index
    %swap3A_409 = tpu.vector_load %arg8[%swap3A_408] {strides = array<i32>} : memref<512xf32, #tpu.memory_space<vmem>>, vector<16xf32>,
    %swap3A_410 = vector.shape_cast %swap3A_409 : vector<16xf32> to vector<16xf32>
    %swap3A_411 = vector.shape_cast %convert_element_type3A_407 : vector<16xf32> to vector<16xf32>
    tpu.vector_store %arg8[%swap3A_408], %swap3A_411 {strides = array<i32>} : memref<512xf32, #tpu.memory_space<vmem>>, vector<16xf32>,
    %get3A_412 = arith.constant 368 : index
    %get3A_413 = tpu.vector_load %arg6[%get3A_412] {strides = array<i32>} : memref<512xi32, #tpu.memory_space<vmem>>, vector<16xi32>,
    %get3A_414 = vector.shape_cast %get3A_413 : vector<16xi32> to vector<16xi32>
    %shift_right_logical3A_415 = arith.constant 1 : i32
    %shift_right_logical3A_416 = vector.broadcast %shift_right_logical3A_415 : i32 to vector<16xi32>
    %shift_right_logical3A_417 = arith.shrui %get3A_414, %shift_right_logical3A_416 : vector<16xi32>
    %swap3A_418 = arith.constant 368 : index
    %swap3A_419 = tpu.vector_load %arg7[%swap3A_418] {strides = array<i32>} : memref<512xi32, #tpu.memory_space<vmem>>, vector<16xi32>,
    %swap3A_420 = vector.shape_cast %swap3A_419 : vector<16xi32> to vector<16xi32>
    %swap3A_421 = vector.shape_cast %shift_right_logical3A_417 : vector<16xi32> to vector<16xi32>
    tpu.vector_store %arg7[%swap3A_418], %swap3A_421 {strides = array<i32>} : memref<512xi32, #tpu.memory_space<vmem>>, vector<16xi32>,
    %and3A_422 = arith.constant 1 : i32
    %and3A_423 = vector.broadcast %and3A_422 : i32 to vector<16xi32>
    %and3A_424 = arith.andi %get3A_414, %and3A_423 : vector<16xi32>
    %convert_element_type3A_425 = arith.sitofp %and3A_424 : vector<16xi32> to vector<16xf32>
    %swap3A_426 = arith.constant 368 : index
    %swap3A_427 = tpu.vector_load %arg8[%swap3A_426] {strides = array<i32>} : memref<512xf32, #tpu.memory_space<vmem>>, vector<16xf32>,
    %swap3A_428 = vector.shape_cast %swap3A_427 : vector<16xf32> to vector<16xf32>
    %swap3A_429 = vector.shape_cast %convert_element_type3A_425 : vector<16xf32> to vector<16xf32>
    tpu.vector_store %arg8[%swap3A_426], %swap3A_429 {strides = array<i32>} : memref<512xf32, #tpu.memory_space<vmem>>, vector<16xf32>,
    %get3A_430 = arith.constant 384 : index
    %get3A_431 = tpu.vector_load %arg6[%get3A_430] {strides = array<i32>} : memref<512xi32, #tpu.memory_space<vmem>>, vector<16xi32>,
    %get3A_432 = vector.shape_cast %get3A_431 : vector<16xi32> to vector<16xi32>
    %shift_right_logical3A_433 = arith.constant 1 : i32
    %shift_right_logical3A_434 = vector.broadcast %shift_right_logical3A_433 : i32 to vector<16xi32>
    %shift_right_logical3A_435 = arith.shrui %get3A_432, %shift_right_logical3A_434 : vector<16xi32>
    %swap3A_436 = arith.constant 384 : index
    %swap3A_437 = tpu.vector_load %arg7[%swap3A_436] {strides = array<i32>} : memref<512xi32, #tpu.memory_space<vmem>>, vector<16xi32>,
    %swap3A_438 = vector.shape_cast %swap3A_437 : vector<16xi32> to vector<16xi32>
    %swap3A_439 = vector.shape_cast %shift_right_logical3A_435 : vector<16xi32> to vector<16xi32>
    tpu.vector_store %arg7[%swap3A_436], %swap3A_439 {strides = array<i32>} : memref<512xi32, #tpu.memory_space<vmem>>, vector<16xi32>,
    %and3A_440 = arith.constant 1 : i32
    %and3A_441 = vector.broadcast %and3A_440 : i32 to vector<16xi32>
    %and3A_442 = arith.andi %get3A_432, %and3A_441 : vector<16xi32>
    %convert_element_type3A_443 = arith.sitofp %and3A_442 : vector<16xi32> to vector<16xf32>
    %swap3A_444 = arith.constant 384 : index
    %swap3A_445 = tpu.vector_load %arg8[%swap3A_444] {strides = array<i32>} : memref<512xf32, #tpu.memory_space<vmem>>, vector<16xf32>,
    %swap3A_446 = vector.shape_cast %swap3A_445 : vector<16xf32> to vector<16xf32>
    %swap3A_447 = vector.shape_cast %convert_element_type3A_443 : vector<16xf32> to vector<16xf32>
    tpu.vector_store %arg8[%swap3A_444], %swap3A_447 {strides = array<i32>} : memref<512xf32, #tpu.memory_space<vmem>>, vector<16xf32>,
    %get3A_448 = arith.constant 400 : index
    %get3A_449 = tpu.vector_load %arg6[%get3A_448] {strides = array<i32>} : memref<512xi32, #tpu.memory_space<vmem>>, vector<16xi32>,
    %get3A_450 = vector.shape_cast %get3A_449 : vector<16xi32> to vector<16xi32>
    %shift_right_logical3A_451 = arith.constant 1 : i32
    %shift_right_logical3A_452 = vector.broadcast %shift_right_logical3A_451 : i32 to vector<16xi32>
    %shift_right_logical3A_453 = arith.shrui %get3A_450, %shift_right_logical3A_452 : vector<16xi32>
    %swap3A_454 = arith.constant 400 : index
    %swap3A_455 = tpu.vector_load %arg7[%swap3A_454] {strides = array<i32>} : memref<512xi32, #tpu.memory_space<vmem>>, vector<16xi32>,
    %swap3A_456 = vector.shape_cast %swap3A_455 : vector<16xi32> to vector<16xi32>
    %swap3A_457 = vector.shape_cast %shift_right_logical3A_453 : vector<16xi32> to vector<16xi32>
    tpu.vector_store %arg7[%swap3A_454], %swap3A_457 {strides = array<i32>} : memref<512xi32, #tpu.memory_space<vmem>>, vector<16xi32>,
    %and3A_458 = arith.constant 1 : i32
    %and3A_459 = vector.broadcast %and3A_458 : i32 to vector<16xi32>
    %and3A_460 = arith.andi %get3A_450, %and3A_459 : vector<16xi32>
    %convert_element_type3A_461 = arith.sitofp %and3A_460 : vector<16xi32> to vector<16xf32>
    %swap3A_462 = arith.constant 400 : index
    %swap3A_463 = tpu.vector_load %arg8[%swap3A_462] {strides = array<i32>} : memref<512xf32, #tpu.memory_space<vmem>>, vector<16xf32>,
    %swap3A_464 = vector.shape_cast %swap3A_463 : vector<16xf32> to vector<16xf32>
    %swap3A_465 = vector.shape_cast %convert_element_type3A_461 : vector<16xf32> to vector<16xf32>
    tpu.vector_store %arg8[%swap3A_462], %swap3A_465 {strides = array<i32>} : memref<512xf32, #tpu.memory_space<vmem>>, vector<16xf32>,
    %get3A_466 = arith.constant 416 : index
    %get3A_467 = tpu.vector_load %arg6[%get3A_466] {strides = array<i32>} : memref<512xi32, #tpu.memory_space<vmem>>, vector<16xi32>,
    %get3A_468 = vector.shape_cast %get3A_467 : vector<16xi32> to vector<16xi32>
    %shift_right_logical3A_469 = arith.constant 1 : i32
    %shift_right_logical3A_470 = vector.broadcast %shift_right_logical3A_469 : i32 to vector<16xi32>
    %shift_right_logical3A_471 = arith.shrui %get3A_468, %shift_right_logical3A_470 : vector<16xi32>
    %swap3A_472 = arith.constant 416 : index
    %swap3A_473 = tpu.vector_load %arg7[%swap3A_472] {strides = array<i32>} : memref<512xi32, #tpu.memory_space<vmem>>, vector<16xi32>,
    %swap3A_474 = vector.shape_cast %swap3A_473 : vector<16xi32> to vector<16xi32>
    %swap3A_475 = vector.shape_cast %shift_right_logical3A_471 : vector<16xi32> to vector<16xi32>
    tpu.vector_store %arg7[%swap3A_472], %swap3A_475 {strides = array<i32>} : memref<512xi32, #tpu.memory_space<vmem>>, vector<16xi32>,
    %and3A_476 = arith.constant 1 : i32
    %and3A_477 = vector.broadcast %and3A_476 : i32 to vector<16xi32>
    %and3A_478 = arith.andi %get3A_468, %and3A_477 : vector<16xi32>
    %convert_element_type3A_479 = arith.sitofp %and3A_478 : vector<16xi32> to vector<16xf32>
    %swap3A_480 = arith.constant 416 : index
    %swap3A_481 = tpu.vector_load %arg8[%swap3A_480] {strides = array<i32>} : memref<512xf32, #tpu.memory_space<vmem>>, vector<16xf32>,
    %swap3A_482 = vector.shape_cast %swap3A_481 : vector<16xf32> to vector<16xf32>
    %swap3A_483 = vector.shape_cast %convert_element_type3A_479 : vector<16xf32> to vector<16xf32>
    tpu.vector_store %arg8[%swap3A_480], %swap3A_483 {strides = array<i32>} : memref<512xf32, #tpu.memory_space<vmem>>, vector<16xf32>,
    %get3A_484 = arith.constant 432 : index
    %get3A_485 = tpu.vector_load %arg6[%get3A_484] {strides = array<i32>} : memref<512xi32, #tpu.memory_space<vmem>>, vector<16xi32>,
    %get3A_486 = vector.shape_cast %get3A_485 : vector<16xi32> to vector<16xi32>
    %shift_right_logical3A_487 = arith.constant 1 : i32
    %shift_right_logical3A_488 = vector.broadcast %shift_right_logical3A_487 : i32 to vector<16xi32>
    %shift_right_logical3A_489 = arith.shrui %get3A_486, %shift_right_logical3A_488 : vector<16xi32>
    %swap3A_490 = arith.constant 432 : index
    %swap3A_491 = tpu.vector_load %arg7[%swap3A_490] {strides = array<i32>} : memref<512xi32, #tpu.memory_space<vmem>>, vector<16xi32>,
    %swap3A_492 = vector.shape_cast %swap3A_491 : vector<16xi32> to vector<16xi32>
    %swap3A_493 = vector.shape_cast %shift_right_logical3A_489 : vector<16xi32> to vector<16xi32>
    tpu.vector_store %arg7[%swap3A_490], %swap3A_493 {strides = array<i32>} : memref<512xi32, #tpu.memory_space<vmem>>, vector<16xi32>,
    %and3A_494 = arith.constant 1 : i32
    %and3A_495 = vector.broadcast %and3A_494 : i32 to vector<16xi32>
    %and3A_496 = arith.andi %get3A_486, %and3A_495 : vector<16xi32>
    %convert_element_type3A_497 = arith.sitofp %and3A_496 : vector<16xi32> to vector<16xf32>
    %swap3A_498 = arith.constant 432 : index
    %swap3A_499 = tpu.vector_load %arg8[%swap3A_498] {strides = array<i32>} : memref<512xf32, #tpu.memory_space<vmem>>, vector<16xf32>,
    %swap3A_500 = vector.shape_cast %swap3A_499 : vector<16xf32> to vector<16xf32>
    %swap3A_501 = vector.shape_cast %convert_element_type3A_497 : vector<16xf32> to vector<16xf32>
    tpu.vector_store %arg8[%swap3A_498], %swap3A_501 {strides = array<i32>} : memref<512xf32, #tpu.memory_space<vmem>>, vector<16xf32>,
    %get3A_502 = arith.constant 448 : index
    %get3A_503 = tpu.vector_load %arg6[%get3A_502] {strides = array<i32>} : memref<512xi32, #tpu.memory_space<vmem>>, vector<16xi32>,
    %get3A_504 = vector.shape_cast %get3A_503 : vector<16xi32> to vector<16xi32>
    %shift_right_logical3A_505 = arith.constant 1 : i32
    %shift_right_logical3A_506 = vector.broadcast %shift_right_logical3A_505 : i32 to vector<16xi32>
    %shift_right_logical3A_507 = arith.shrui %get3A_504, %shift_right_logical3A_506 : vector<16xi32>
    %swap3A_508 = arith.constant 448 : index
    %swap3A_509 = tpu.vector_load %arg7[%swap3A_508] {strides = array<i32>} : memref<512xi32, #tpu.memory_space<vmem>>, vector<16xi32>,
    %swap3A_510 = vector.shape_cast %swap3A_509 : vector<16xi32> to vector<16xi32>
    %swap3A_511 = vector.shape_cast %shift_right_logical3A_507 : vector<16xi32> to vector<16xi32>
    tpu.vector_store %arg7[%swap3A_508], %swap3A_511 {strides = array<i32>} : memref<512xi32, #tpu.memory_space<vmem>>, vector<16xi32>,
    %and3A_512 = arith.constant 1 : i32
    %and3A_513 = vector.broadcast %and3A_512 : i32 to vector<16xi32>
    %and3A_514 = arith.andi %get3A_504, %and3A_513 : vector<16xi32>
    %convert_element_type3A_515 = arith.sitofp %and3A_514 : vector<16xi32> to vector<16xf32>
    %swap3A_516 = arith.constant 448 : index
    %swap3A_517 = tpu.vector_load %arg8[%swap3A_516] {strides = array<i32>} : memref<512xf32, #tpu.memory_space<vmem>>, vector<16xf32>,
    %swap3A_518 = vector.shape_cast %swap3A_517 : vector<16xf32> to vector<16xf32>
    %swap3A_519 = vector.shape_cast %convert_element_type3A_515 : vector<16xf32> to vector<16xf32>
    tpu.vector_store %arg8[%swap3A_516], %swap3A_519 {strides = array<i32>} : memref<512xf32, #tpu.memory_space<vmem>>, vector<16xf32>,
    %get3A_520 = arith.constant 464 : index
    %get3A_521 = tpu.vector_load %arg6[%get3A_520] {strides = array<i32>} : memref<512xi32, #tpu.memory_space<vmem>>, vector<16xi32>,
    %get3A_522 = vector.shape_cast %get3A_521 : vector<16xi32> to vector<16xi32>
    %shift_right_logical3A_523 = arith.constant 1 : i32
    %shift_right_logical3A_524 = vector.broadcast %shift_right_logical3A_523 : i32 to vector<16xi32>
    %shift_right_logical3A_525 = arith.shrui %get3A_522, %shift_right_logical3A_524 : vector<16xi32>
    %swap3A_526 = arith.constant 464 : index
    %swap3A_527 = tpu.vector_load %arg7[%swap3A_526] {strides = array<i32>} : memref<512xi32, #tpu.memory_space<vmem>>, vector<16xi32>,
    %swap3A_528 = vector.shape_cast %swap3A_527 : vector<16xi32> to vector<16xi32>
    %swap3A_529 = vector.shape_cast %shift_right_logical3A_525 : vector<16xi32> to vector<16xi32>
    tpu.vector_store %arg7[%swap3A_526], %swap3A_529 {strides = array<i32>} : memref<512xi32, #tpu.memory_space<vmem>>, vector<16xi32>,
    %and3A_530 = arith.constant 1 : i32
    %and3A_531 = vector.broadcast %and3A_530 : i32 to vector<16xi32>
    %and3A_532 = arith.andi %get3A_522, %and3A_531 : vector<16xi32>
    %convert_element_type3A_533 = arith.sitofp %and3A_532 : vector<16xi32> to vector<16xf32>
    %swap3A_534 = arith.constant 464 : index
    %swap3A_535 = tpu.vector_load %arg8[%swap3A_534] {strides = array<i32>} : memref<512xf32, #tpu.memory_space<vmem>>, vector<16xf32>,
    %swap3A_536 = vector.shape_cast %swap3A_535 : vector<16xf32> to vector<16xf32>
    %swap3A_537 = vector.shape_cast %convert_element_type3A_533 : vector<16xf32> to vector<16xf32>
    tpu.vector_store %arg8[%swap3A_534], %swap3A_537 {strides = array<i32>} : memref<512xf32, #tpu.memory_space<vmem>>, vector<16xf32>,
    %get3A_538 = arith.constant 480 : index
    %get3A_539 = tpu.vector_load %arg6[%get3A_538] {strides = array<i32>} : memref<512xi32, #tpu.memory_space<vmem>>, vector<16xi32>,
    %get3A_540 = vector.shape_cast %get3A_539 : vector<16xi32> to vector<16xi32>
    %shift_right_logical3A_541 = arith.constant 1 : i32
    %shift_right_logical3A_542 = vector.broadcast %shift_right_logical3A_541 : i32 to vector<16xi32>
    %shift_right_logical3A_543 = arith.shrui %get3A_540, %shift_right_logical3A_542 : vector<16xi32>
    %swap3A_544 = arith.constant 480 : index
    %swap3A_545 = tpu.vector_load %arg7[%swap3A_544] {strides = array<i32>} : memref<512xi32, #tpu.memory_space<vmem>>, vector<16xi32>,
    %swap3A_546 = vector.shape_cast %swap3A_545 : vector<16xi32> to vector<16xi32>
    %swap3A_547 = vector.shape_cast %shift_right_logical3A_543 : vector<16xi32> to vector<16xi32>
    tpu.vector_store %arg7[%swap3A_544], %swap3A_547 {strides = array<i32>} : memref<512xi32, #tpu.memory_space<vmem>>, vector<16xi32>,
    %and3A_548 = arith.constant 1 : i32
    %and3A_549 = vector.broadcast %and3A_548 : i32 to vector<16xi32>
    %and3A_550 = arith.andi %get3A_540, %and3A_549 : vector<16xi32>
    %convert_element_type3A_551 = arith.sitofp %and3A_550 : vector<16xi32> to vector<16xf32>
    %swap3A_552 = arith.constant 480 : index
    %swap3A_553 = tpu.vector_load %arg8[%swap3A_552] {strides = array<i32>} : memref<512xf32, #tpu.memory_space<vmem>>, vector<16xf32>,
    %swap3A_554 = vector.shape_cast %swap3A_553 : vector<16xf32> to vector<16xf32>
    %swap3A_555 = vector.shape_cast %convert_element_type3A_551 : vector<16xf32> to vector<16xf32>
    tpu.vector_store %arg8[%swap3A_552], %swap3A_555 {strides = array<i32>} : memref<512xf32, #tpu.memory_space<vmem>>, vector<16xf32>,
    %get3A_556 = arith.constant 496 : index
    %get3A_557 = tpu.vector_load %arg6[%get3A_556] {strides = array<i32>} : memref<512xi32, #tpu.memory_space<vmem>>, vector<16xi32>,
    %get3A_558 = vector.shape_cast %get3A_557 : vector<16xi32> to vector<16xi32>
    %shift_right_logical3A_559 = arith.constant 1 : i32
    %shift_right_logical3A_560 = vector.broadcast %shift_right_logical3A_559 : i32 to vector<16xi32>
    %shift_right_logical3A_561 = arith.shrui %get3A_558, %shift_right_logical3A_560 : vector<16xi32>
    %swap3A_562 = arith.constant 496 : index
    %swap3A_563 = tpu.vector_load %arg7[%swap3A_562] {strides = array<i32>} : memref<512xi32, #tpu.memory_space<vmem>>, vector<16xi32>,
    %swap3A_564 = vector.shape_cast %swap3A_563 : vector<16xi32> to vector<16xi32>
    %swap3A_565 = vector.shape_cast %shift_right_logical3A_561 : vector<16xi32> to vector<16xi32>
    tpu.vector_store %arg7[%swap3A_562], %swap3A_565 {strides = array<i32>} : memref<512xi32, #tpu.memory_space<vmem>>, vector<16xi32>,
    %and3A_566 = arith.constant 1 : i32
    %and3A_567 = vector.broadcast %and3A_566 : i32 to vector<16xi32>
    %and3A_568 = arith.andi %get3A_558, %and3A_567 : vector<16xi32>
    %convert_element_type3A_569 = arith.sitofp %and3A_568 : vector<16xi32> to vector<16xf32>
    %swap3A_570 = arith.constant 496 : index
    %swap3A_571 = tpu.vector_load %arg8[%swap3A_570] {strides = array<i32>} : memref<512xf32, #tpu.memory_space<vmem>>, vector<16xf32>,
    %swap3A_572 = vector.shape_cast %swap3A_571 : vector<16xf32> to vector<16xf32>
    %swap3A_573 = vector.shape_cast %convert_element_type3A_569 : vector<16xf32> to vector<16xf32>
    tpu.vector_store %arg8[%swap3A_570], %swap3A_573 {strides = array<i32>} : memref<512xf32, #tpu.memory_space<vmem>>, vector<16xf32>,
    %dma_start3A = arith.constant 0 : i32
    %dma_start3A_574 = tpu.memref_slice %arg7[%dma_start3A] : memref<512xi32, #tpu.memory_space<vmem>> -> memref<64xi32, #tpu.memory_space<vmem>>
    %dma_start3A_575 = arith.constant 0 : i32
    %dma_start3A_576 = arith.constant 0 : i32
    %dma_start3A_577 = tpu.memref_slice %arg2[%dma_start3A_575, %dma_start3A_576] : memref<50000x128xf32, #tpu.memory_space<hbm>> -> memref<50000x128xf32, #tpu.memory_space<hbm>>
    tpu.enqueue_indirect_dma source(%dma_start3A_577 : memref<50000x128xf32, #tpu.memory_space<hbm>>) target(%arg9 : memref<64x128xf32, #tpu.memory_space<vmem>>) offsets(%dma_start3A_574 : memref<64xi32, #tpu.memory_space<vmem>>) semaphore(%arg15 : memref<!tpu.dma_semaphore, #tpu.memory_space<semaphore_mem>>)
    %add3A_578 = arith.constant 0 : i32
    %add3A_579 = arith.addi %mul3A_2, %add3A_578 : i32
    %jit3A = arith.constant 2 : i32
    %div3A = arith.divsi %add3A_579, %jit3A : i32
    %sign3A = arith.constant 0 : i32
    %sign3A_580 = arith.cmpi sgt, %add3A_579, %sign3A : i32
    %sign3A_581 = arith.extui %sign3A_580 : i1 to i32
    %sign3A_582 = arith.constant 0 : i32
    %sign3A_583 = arith.cmpi slt, %add3A_579, %sign3A_582 : i32
    %sign3A_584 = arith.extui %sign3A_583 : i1 to i32
    %sign3A_585 = arith.subi %sign3A_581, %sign3A_584 : i32
    %sign3A_586 = arith.constant 0 : i32
    %sign3A_587 = arith.cmpi sgt, %jit3A, %sign3A_586 : i32
    %sign3A_588 = arith.extui %sign3A_587 : i1 to i32
    %sign3A_589 = arith.constant 0 : i32
    %sign3A_590 = arith.cmpi slt, %jit3A, %sign3A_589 : i32
    %sign3A_591 = arith.extui %sign3A_590 : i1 to i32
    %sign3A_592 = arith.subi %sign3A_588, %sign3A_591 : i32
    %ne3A = arith.cmpi ne, %sign3A_585, %sign3A_592 : i32
    %rem3A = arith.remsi %add3A_579, %jit3A : i32
    %ne3A_593 = arith.constant 0 : i32
    %ne3A_594 = arith.cmpi ne, %rem3A, %ne3A_593 : i32
    %and3A_595 = arith.andi %ne3A, %ne3A_594 : i1
    %sub3A = arith.constant 1 : i32
    %sub3A_596 = arith.subi %div3A, %sub3A : i32
    %select_n3A = arith.select %and3A_595, %sub3A_596, %div3A : i32
    %multiple_of3A = tpu.assume_multiple %select_n3A, 8 : i32
    %dma_start3A_597 = arith.constant 0 : i32
    %dma_start3A_598 = tpu.memref_slice %arg4[%multiple_of3A, %dma_start3A_597] : memref<8192x128xf32, #tpu.memory_space<hbm>> -> memref<32x128xf32, #tpu.memory_space<hbm>>
    %dma_start3A_599 = arith.constant 0 : i32
    %dma_start3A_600 = tpu.memref_slice %arg4[%multiple_of3A, %dma_start3A_599] : memref<8192x128xf32, #tpu.memory_space<hbm>> -> memref<32x128xf32, #tpu.memory_space<hbm>>
    tpu.enqueue_dma source(%dma_start3A_600 : memref<32x128xf32, #tpu.memory_space<hbm>>) target(%arg11 : memref<32x128xf32, #tpu.memory_space<vmem>>) target_semaphore(%arg17 : memref<!tpu.dma_semaphore, #tpu.memory_space<semaphore_mem>>)
    %dma_start3A_601 = arith.constant 64 : i32
    %dma_start3A_602 = tpu.memref_slice %arg7[%dma_start3A_601] : memref<512xi32, #tpu.memory_space<vmem>> -> memref<64xi32, #tpu.memory_space<vmem>>
    %dma_start3A_603 = arith.constant 0 : i32
    %dma_start3A_604 = arith.constant 0 : i32
    %dma_start3A_605 = tpu.memref_slice %arg2[%dma_start3A_603, %dma_start3A_604] : memref<50000x128xf32, #tpu.memory_space<hbm>> -> memref<50000x128xf32, #tpu.memory_space<hbm>>
    tpu.enqueue_indirect_dma source(%dma_start3A_605 : memref<50000x128xf32, #tpu.memory_space<hbm>>) target(%arg10 : memref<64x128xf32, #tpu.memory_space<vmem>>) offsets(%dma_start3A_602 : memref<64xi32, #tpu.memory_space<vmem>>) semaphore(%arg16 : memref<!tpu.dma_semaphore, #tpu.memory_space<semaphore_mem>>)
    %add3A_606 = arith.constant 64 : i32
    %add3A_607 = arith.addi %mul3A_2, %add3A_606 : i32
    %jit3A_608 = arith.constant 2 : i32
    %div3A_609 = arith.divsi %add3A_607, %jit3A_608 : i32
    %sign3A_610 = arith.constant 0 : i32
    %sign3A_611 = arith.cmpi sgt, %add3A_607, %sign3A_610 : i32
    %sign3A_612 = arith.extui %sign3A_611 : i1 to i32
    %sign3A_613 = arith.constant 0 : i32
    %sign3A_614 = arith.cmpi slt, %add3A_607, %sign3A_613 : i32
    %sign3A_615 = arith.extui %sign3A_614 : i1 to i32
    %sign3A_616 = arith.subi %sign3A_612, %sign3A_615 : i32
    %sign3A_617 = arith.constant 0 : i32
    %sign3A_618 = arith.cmpi sgt, %jit3A_608, %sign3A_617 : i32
    %sign3A_619 = arith.extui %sign3A_618 : i1 to i32
    %sign3A_620 = arith.constant 0 : i32
    %sign3A_621 = arith.cmpi slt, %jit3A_608, %sign3A_620 : i32
    %sign3A_622 = arith.extui %sign3A_621 : i1 to i32
    %sign3A_623 = arith.subi %sign3A_619, %sign3A_622 : i32
    %ne3A_624 = arith.cmpi ne, %sign3A_616, %sign3A_623 : i32
    %rem3A_625 = arith.remsi %add3A_607, %jit3A_608 : i32
    %ne3A_626 = arith.constant 0 : i32
    %ne3A_627 = arith.cmpi ne, %rem3A_625, %ne3A_626 : i32
    %and3A_628 = arith.andi %ne3A_624, %ne3A_627 : i1
    %sub3A_629 = arith.constant 1 : i32
    %sub3A_630 = arith.subi %div3A_609, %sub3A_629 : i32
    %select_n3A_631 = arith.select %and3A_628, %sub3A_630, %div3A_609 : i32
    %multiple_of3A_632 = tpu.assume_multiple %select_n3A_631, 8 : i32
    %dma_start3A_633 = arith.constant 0 : i32
    %dma_start3A_634 = tpu.memref_slice %arg4[%multiple_of3A_632, %dma_start3A_633] : memref<8192x128xf32, #tpu.memory_space<hbm>> -> memref<32x128xf32, #tpu.memory_space<hbm>>
    %dma_start3A_635 = arith.constant 0 : i32
    %dma_start3A_636 = tpu.memref_slice %arg4[%multiple_of3A_632, %dma_start3A_635] : memref<8192x128xf32, #tpu.memory_space<hbm>> -> memref<32x128xf32, #tpu.memory_space<hbm>>
    tpu.enqueue_dma source(%dma_start3A_636 : memref<32x128xf32, #tpu.memory_space<hbm>>) target(%arg12 : memref<32x128xf32, #tpu.memory_space<vmem>>) target_semaphore(%arg18 : memref<!tpu.dma_semaphore, #tpu.memory_space<semaphore_mem>>)
    %dma_wait3A = arith.constant 0 : i32
    %dma_wait3A_637 = tpu.memref_slice %arg7[%dma_wait3A] : memref<512xi32, #tpu.memory_space<vmem>> -> memref<64xi32, #tpu.memory_space<vmem>>
    %dma_wait3A_638 = arith.constant 0 : i32
    %dma_wait3A_639 = arith.constant 0 : i32
    %dma_wait3A_640 = tpu.memref_slice %arg2[%dma_wait3A_638, %dma_wait3A_639] : memref<50000x128xf32, #tpu.memory_space<hbm>> -> memref<50000x128xf32, #tpu.memory_space<hbm>>
    tpu.wait_indirect_dma semaphore(%arg15 : memref<!tpu.dma_semaphore, #tpu.memory_space<semaphore_mem>>) src(%dma_wait3A_640 : memref<50000x128xf32, #tpu.memory_space<hbm>>) dst(%arg9 : memref<64x128xf32, #tpu.memory_space<vmem>>)
    %add3A_641 = arith.constant 0 : i32
    %add3A_642 = arith.addi %mul3A_2, %add3A_641 : i32
    %jit3A_643 = arith.constant 2 : i32
    %div3A_644 = arith.divsi %add3A_642, %jit3A_643 : i32
    %sign3A_645 = arith.constant 0 : i32
    %sign3A_646 = arith.cmpi sgt, %add3A_642, %sign3A_645 : i32
    %sign3A_647 = arith.extui %sign3A_646 : i1 to i32
    %sign3A_648 = arith.constant 0 : i32
    %sign3A_649 = arith.cmpi slt, %add3A_642, %sign3A_648 : i32
    %sign3A_650 = arith.extui %sign3A_649 : i1 to i32
    %sign3A_651 = arith.subi %sign3A_647, %sign3A_650 : i32
    %sign3A_652 = arith.constant 0 : i32
    %sign3A_653 = arith.cmpi sgt, %jit3A_643, %sign3A_652 : i32
    %sign3A_654 = arith.extui %sign3A_653 : i1 to i32
    %sign3A_655 = arith.constant 0 : i32
    %sign3A_656 = arith.cmpi slt, %jit3A_643, %sign3A_655 : i32
    %sign3A_657 = arith.extui %sign3A_656 : i1 to i32
    %sign3A_658 = arith.subi %sign3A_654, %sign3A_657 : i32
    %ne3A_659 = arith.cmpi ne, %sign3A_651, %sign3A_658 : i32
    %rem3A_660 = arith.remsi %add3A_642, %jit3A_643 : i32
    %ne3A_661 = arith.constant 0 : i32
    %ne3A_662 = arith.cmpi ne, %rem3A_660, %ne3A_661 : i32
    %and3A_663 = arith.andi %ne3A_659, %ne3A_662 : i1
    %sub3A_664 = arith.constant 1 : i32
    %sub3A_665 = arith.subi %div3A_644, %sub3A_664 : i32
    %select_n3A_666 = arith.select %and3A_663, %sub3A_665, %div3A_644 : i32
    %multiple_of3A_667 = tpu.assume_multiple %select_n3A_666, 8 : i32
    %dma_wait3A_668 = arith.constant 0 : i32
    %dma_wait3A_669 = tpu.memref_slice %arg4[%multiple_of3A_667, %dma_wait3A_668] : memref<8192x128xf32, #tpu.memory_space<hbm>> -> memref<32x128xf32, #tpu.memory_space<hbm>>
    %dma_wait3A_670 = arith.constant 0 : i32
    %dma_wait3A_671 = tpu.memref_slice %arg4[%multiple_of3A_667, %dma_wait3A_670] : memref<8192x128xf32, #tpu.memory_space<hbm>> -> memref<32x128xf32, #tpu.memory_space<hbm>>
    tpu.wait_dma2 semaphore(%arg17 : memref<!tpu.dma_semaphore, #tpu.memory_space<semaphore_mem>>) src(%dma_wait3A_671 : memref<32x128xf32, #tpu.memory_space<hbm>>) dst(%arg11 : memref<32x128xf32, #tpu.memory_space<vmem>>)
    %scan3A = arith.constant 0 : i32
    %scan3A_672 = arith.constant 0 : i32
    %scan3A_673 = arith.constant 64 : i32
    %scan3A_674 = arith.addi %scan3A_672, %scan3A_673 : i32
    %scan3A_675 = arith.constant 1 : i32
    scf.for %scan3A_1203 = %scan3A_672 to %scan3A_674 step %scan3A_675  : i32 {
      %add3A_1204 = arith.constant 0 : i32
      %add3A_1205 = arith.addi %add3A_1204, %scan3A_1203 : i32
      %and3A_1206 = arith.constant -16 : i32
      %and3A_1207 = arith.andi %add3A_1205, %and3A_1206 : i32
      %get3A_1208 = arith.index_cast %and3A_1207 : i32 to index
      %get3A_1209 = tpu.vector_load %arg8[%get3A_1208] {strides = array<i32>} : memref<512xf32, #tpu.memory_space<vmem>>, vector<16xf32>,
      %get3A_1210 = vector.shape_cast %get3A_1209 : vector<16xf32> to vector<16xf32>
      %and3A_1211 = arith.constant 15 : i32
      %and3A_1212 = arith.andi %add3A_1205, %and3A_1211 : i32
      %broadcast_in_dim3A = vector.broadcast %and3A_1212 : i32 to vector<16x1xi32>
      %gather3A = vector.shape_cast %broadcast_in_dim3A : vector<16x1xi32> to vector<16xi32>
      %gather3A_1213 = tpu.dynamic_gather %get3A_1210[%gather3A] in [0] : vector<16xf32>, vector<16xi32> -> vector<16xf32>
      %and3A_1214 = arith.constant 1 : i32
      %and3A_1215 = arith.andi %scan3A_1203, %and3A_1214 : i32
      %mul3A_1216 = arith.constant 64 : i32
      %mul3A_1217 = arith.muli %and3A_1215, %mul3A_1216 : i32
      %get3A_1218 = arith.index_cast %scan3A_1203 : i32 to index
      %get3A_1219 = arith.constant 0 : index
      %get3A_1220 = tpu.vector_load %arg9[%get3A_1218, %get3A_1219] {strides = array<i32>} : memref<64x128xf32, #tpu.memory_space<vmem>>, vector<1x16xf32>,
      %get3A_1221 = vector.shape_cast %get3A_1220 : vector<1x16xf32> to vector<16xf32>
      %get3A_1222 = arith.index_cast %scan3A_1203 : i32 to index
      %get3A_1223 = arith.constant 64 : index
      %get3A_1224 = tpu.vector_load %arg9[%get3A_1222, %get3A_1223] {strides = array<i32>} : memref<64x128xf32, #tpu.memory_space<vmem>>, vector<1x16xf32>,
      %get3A_1225 = vector.shape_cast %get3A_1224 : vector<1x16xf32> to vector<16xf32>
      %shift_right_logical3A_1226 = arith.constant 1 : i32
      %shift_right_logical3A_1227 = arith.shrui %scan3A_1203, %shift_right_logical3A_1226 : i32
      %add3A_1228 = arith.constant 0 : i32
      %add3A_1229 = arith.addi %mul3A_1217, %add3A_1228 : i32
      %get3A_1230 = arith.index_cast %shift_right_logical3A_1227 : i32 to index
      %get3A_1231 = arith.index_cast %add3A_1229 : i32 to index
      %get3A_1232 = tpu.vector_load %arg11[%get3A_1230, %get3A_1231] {strides = array<i32>} : memref<32x128xf32, #tpu.memory_space<vmem>>, vector<1x16xf32>,
      %get3A_1233 = vector.shape_cast %get3A_1232 : vector<1x16xf32> to vector<16xf32>
      %add3A_1234 = arith.addf %get3A_1233, %get3A_1221 : vector<16xf32>
      %sub3A_1235 = arith.subf %get3A_1225, %get3A_1221 : vector<16xf32>
      %mul3A_1236 = arith.mulf %gather3A_1213, %sub3A_1235 : vector<16xf32>
      %add3A_1237 = arith.addf %add3A_1234, %mul3A_1236 : vector<16xf32>
      %swap3A_1238 = arith.index_cast %scan3A_1203 : i32 to index
      %swap3A_1239 = arith.constant 0 : index
      %swap3A_1240 = tpu.vector_load %arg13[%swap3A_1238, %swap3A_1239] {strides = array<i32>} : memref<64x64xf32, #tpu.memory_space<vmem>>, vector<1x16xf32>,
      %swap3A_1241 = vector.shape_cast %swap3A_1240 : vector<1x16xf32> to vector<16xf32>
      %swap3A_1242 = vector.shape_cast %add3A_1237 : vector<16xf32> to vector<1x16xf32>
      tpu.vector_store %arg13[%swap3A_1238, %swap3A_1239], %swap3A_1242 {strides = array<i32>} : memref<64x64xf32, #tpu.memory_space<vmem>>, vector<1x16xf32>,
      %get3A_1243 = arith.index_cast %scan3A_1203 : i32 to index
      %get3A_1244 = arith.constant 16 : index
      %get3A_1245 = tpu.vector_load %arg9[%get3A_1243, %get3A_1244] {strides = array<i32>} : memref<64x128xf32, #tpu.memory_space<vmem>>, vector<1x16xf32>,
      %get3A_1246 = vector.shape_cast %get3A_1245 : vector<1x16xf32> to vector<16xf32>
      %get3A_1247 = arith.index_cast %scan3A_1203 : i32 to index
      %get3A_1248 = arith.constant 80 : index
      %get3A_1249 = tpu.vector_load %arg9[%get3A_1247, %get3A_1248] {strides = array<i32>} : memref<64x128xf32, #tpu.memory_space<vmem>>, vector<1x16xf32>,
      %get3A_1250 = vector.shape_cast %get3A_1249 : vector<1x16xf32> to vector<16xf32>
      %shift_right_logical3A_1251 = arith.constant 1 : i32
      %shift_right_logical3A_1252 = arith.shrui %scan3A_1203, %shift_right_logical3A_1251 : i32
      %add3A_1253 = arith.constant 16 : i32
      %add3A_1254 = arith.addi %mul3A_1217, %add3A_1253 : i32
      %get3A_1255 = arith.index_cast %shift_right_logical3A_1252 : i32 to index
      %get3A_1256 = arith.index_cast %add3A_1254 : i32 to index
      %get3A_1257 = tpu.vector_load %arg11[%get3A_1255, %get3A_1256] {strides = array<i32>} : memref<32x128xf32, #tpu.memory_space<vmem>>, vector<1x16xf32>,
      %get3A_1258 = vector.shape_cast %get3A_1257 : vector<1x16xf32> to vector<16xf32>
      %add3A_1259 = arith.addf %get3A_1258, %get3A_1246 : vector<16xf32>
      %sub3A_1260 = arith.subf %get3A_1250, %get3A_1246 : vector<16xf32>
      %mul3A_1261 = arith.mulf %gather3A_1213, %sub3A_1260 : vector<16xf32>
      %add3A_1262 = arith.addf %add3A_1259, %mul3A_1261 : vector<16xf32>
      %swap3A_1263 = arith.index_cast %scan3A_1203 : i32 to index
      %swap3A_1264 = arith.constant 16 : index
      %swap3A_1265 = tpu.vector_load %arg13[%swap3A_1263, %swap3A_1264] {strides = array<i32>} : memref<64x64xf32, #tpu.memory_space<vmem>>, vector<1x16xf32>,
      %swap3A_1266 = vector.shape_cast %swap3A_1265 : vector<1x16xf32> to vector<16xf32>
      %swap3A_1267 = vector.shape_cast %add3A_1262 : vector<16xf32> to vector<1x16xf32>
      tpu.vector_store %arg13[%swap3A_1263, %swap3A_1264], %swap3A_1267 {strides = array<i32>} : memref<64x64xf32, #tpu.memory_space<vmem>>, vector<1x16xf32>,
      %get3A_1268 = arith.index_cast %scan3A_1203 : i32 to index
      %get3A_1269 = arith.constant 32 : index
      %get3A_1270 = tpu.vector_load %arg9[%get3A_1268, %get3A_1269] {strides = array<i32>} : memref<64x128xf32, #tpu.memory_space<vmem>>, vector<1x16xf32>,
      %get3A_1271 = vector.shape_cast %get3A_1270 : vector<1x16xf32> to vector<16xf32>
      %get3A_1272 = arith.index_cast %scan3A_1203 : i32 to index
      %get3A_1273 = arith.constant 96 : index
      %get3A_1274 = tpu.vector_load %arg9[%get3A_1272, %get3A_1273] {strides = array<i32>} : memref<64x128xf32, #tpu.memory_space<vmem>>, vector<1x16xf32>,
      %get3A_1275 = vector.shape_cast %get3A_1274 : vector<1x16xf32> to vector<16xf32>
      %shift_right_logical3A_1276 = arith.constant 1 : i32
      %shift_right_logical3A_1277 = arith.shrui %scan3A_1203, %shift_right_logical3A_1276 : i32
      %add3A_1278 = arith.constant 32 : i32
      %add3A_1279 = arith.addi %mul3A_1217, %add3A_1278 : i32
      %get3A_1280 = arith.index_cast %shift_right_logical3A_1277 : i32 to index
      %get3A_1281 = arith.index_cast %add3A_1279 : i32 to index
      %get3A_1282 = tpu.vector_load %arg11[%get3A_1280, %get3A_1281] {strides = array<i32>} : memref<32x128xf32, #tpu.memory_space<vmem>>, vector<1x16xf32>,
      %get3A_1283 = vector.shape_cast %get3A_1282 : vector<1x16xf32> to vector<16xf32>
      %add3A_1284 = arith.addf %get3A_1283, %get3A_1271 : vector<16xf32>
      %sub3A_1285 = arith.subf %get3A_1275, %get3A_1271 : vector<16xf32>
      %mul3A_1286 = arith.mulf %gather3A_1213, %sub3A_1285 : vector<16xf32>
      %add3A_1287 = arith.addf %add3A_1284, %mul3A_1286 : vector<16xf32>
      %swap3A_1288 = arith.index_cast %scan3A_1203 : i32 to index
      %swap3A_1289 = arith.constant 32 : index
      %swap3A_1290 = tpu.vector_load %arg13[%swap3A_1288, %swap3A_1289] {strides = array<i32>} : memref<64x64xf32, #tpu.memory_space<vmem>>, vector<1x16xf32>,
      %swap3A_1291 = vector.shape_cast %swap3A_1290 : vector<1x16xf32> to vector<16xf32>
      %swap3A_1292 = vector.shape_cast %add3A_1287 : vector<16xf32> to vector<1x16xf32>
      tpu.vector_store %arg13[%swap3A_1288, %swap3A_1289], %swap3A_1292 {strides = array<i32>} : memref<64x64xf32, #tpu.memory_space<vmem>>, vector<1x16xf32>,
      %get3A_1293 = arith.index_cast %scan3A_1203 : i32 to index
      %get3A_1294 = arith.constant 48 : index
      %get3A_1295 = tpu.vector_load %arg9[%get3A_1293, %get3A_1294] {strides = array<i32>} : memref<64x128xf32, #tpu.memory_space<vmem>>, vector<1x16xf32>,
      %get3A_1296 = vector.shape_cast %get3A_1295 : vector<1x16xf32> to vector<16xf32>
      %get3A_1297 = arith.index_cast %scan3A_1203 : i32 to index
      %get3A_1298 = arith.constant 112 : index
      %get3A_1299 = tpu.vector_load %arg9[%get3A_1297, %get3A_1298] {strides = array<i32>} : memref<64x128xf32, #tpu.memory_space<vmem>>, vector<1x16xf32>,
      %get3A_1300 = vector.shape_cast %get3A_1299 : vector<1x16xf32> to vector<16xf32>
      %shift_right_logical3A_1301 = arith.constant 1 : i32
      %shift_right_logical3A_1302 = arith.shrui %scan3A_1203, %shift_right_logical3A_1301 : i32
      %add3A_1303 = arith.constant 48 : i32
      %add3A_1304 = arith.addi %mul3A_1217, %add3A_1303 : i32
      %get3A_1305 = arith.index_cast %shift_right_logical3A_1302 : i32 to index
      %get3A_1306 = arith.index_cast %add3A_1304 : i32 to index
      %get3A_1307 = tpu.vector_load %arg11[%get3A_1305, %get3A_1306] {strides = array<i32>} : memref<32x128xf32, #tpu.memory_space<vmem>>, vector<1x16xf32>,
      %get3A_1308 = vector.shape_cast %get3A_1307 : vector<1x16xf32> to vector<16xf32>
      %add3A_1309 = arith.addf %get3A_1308, %get3A_1296 : vector<16xf32>
      %sub3A_1310 = arith.subf %get3A_1300, %get3A_1296 : vector<16xf32>
      %mul3A_1311 = arith.mulf %gather3A_1213, %sub3A_1310 : vector<16xf32>
      %add3A_1312 = arith.addf %add3A_1309, %mul3A_1311 : vector<16xf32>
      %swap3A_1313 = arith.index_cast %scan3A_1203 : i32 to index
      %swap3A_1314 = arith.constant 48 : index
      %swap3A_1315 = tpu.vector_load %arg13[%swap3A_1313, %swap3A_1314] {strides = array<i32>} : memref<64x64xf32, #tpu.memory_space<vmem>>, vector<1x16xf32>,
      %swap3A_1316 = vector.shape_cast %swap3A_1315 : vector<1x16xf32> to vector<16xf32>
      %swap3A_1317 = vector.shape_cast %add3A_1312 : vector<16xf32> to vector<1x16xf32>
      tpu.vector_store %arg13[%swap3A_1313, %swap3A_1314], %swap3A_1317 {strides = array<i32>} : memref<64x64xf32, #tpu.memory_space<vmem>>, vector<1x16xf32>,
    }
    %scan3A_676 = arith.constant 64 : i32
    %add3A_677 = arith.constant 0 : i32
    %add3A_678 = arith.addi %mul3A_2, %add3A_677 : i32
    "tpu.region"() ({
      %run_scoped3A = tpu.sem_alloc : memref<!tpu.dma_semaphore, #tpu.memory_space<semaphore_mem>>
      %dma_start3A_1203 = arith.constant 0 : i32
      %dma_start3A_1204 = tpu.memref_slice %arg5[%add3A_678, %dma_start3A_1203] : memref<16384x64xf32, #tpu.memory_space<hbm>> -> memref<64x64xf32, #tpu.memory_space<hbm>>
      %dma_start3A_1205 = arith.constant 0 : i32
      %dma_start3A_1206 = tpu.memref_slice %arg5[%add3A_678, %dma_start3A_1205] : memref<16384x64xf32, #tpu.memory_space<hbm>> -> memref<64x64xf32, #tpu.memory_space<hbm>>
      tpu.enqueue_dma source(%arg13 : memref<64x64xf32, #tpu.memory_space<vmem>>) target(%dma_start3A_1206 : memref<64x64xf32, #tpu.memory_space<hbm>>) target_semaphore(%run_scoped3A : memref<!tpu.dma_semaphore, #tpu.memory_space<semaphore_mem>>)
      %dma_wait3A_1207 = arith.constant 0 : i32
      %dma_wait3A_1208 = tpu.memref_slice %arg5[%add3A_678, %dma_wait3A_1207] : memref<16384x64xf32, #tpu.memory_space<hbm>> -> memref<64x64xf32, #tpu.memory_space<hbm>>
      %dma_wait3A_1209 = arith.constant 0 : i32
      %dma_wait3A_1210 = tpu.memref_slice %arg5[%add3A_678, %dma_wait3A_1209] : memref<16384x64xf32, #tpu.memory_space<hbm>> -> memref<64x64xf32, #tpu.memory_space<hbm>>
      tpu.wait_dma2 semaphore(%run_scoped3A : memref<!tpu.dma_semaphore, #tpu.memory_space<semaphore_mem>>) src(%arg13 : memref<64x64xf32, #tpu.memory_space<vmem>>) dst(%dma_wait3A_1210 : memref<64x64xf32, #tpu.memory_space<hbm>>)
      tpu.yield
    }) : () -> ()
    %dma_start3A_679 = arith.constant 128 : i32
    %dma_start3A_680 = tpu.memref_slice %arg7[%dma_start3A_679] : memref<512xi32, #tpu.memory_space<vmem>> -> memref<64xi32, #tpu.memory_space<vmem>>
    %dma_start3A_681 = arith.constant 0 : i32
    %dma_start3A_682 = arith.constant 0 : i32
    %dma_start3A_683 = tpu.memref_slice %arg2[%dma_start3A_681, %dma_start3A_682] : memref<50000x128xf32, #tpu.memory_space<hbm>> -> memref<50000x128xf32, #tpu.memory_space<hbm>>
    tpu.enqueue_indirect_dma source(%dma_start3A_683 : memref<50000x128xf32, #tpu.memory_space<hbm>>) target(%arg9 : memref<64x128xf32, #tpu.memory_space<vmem>>) offsets(%dma_start3A_680 : memref<64xi32, #tpu.memory_space<vmem>>) semaphore(%arg15 : memref<!tpu.dma_semaphore, #tpu.memory_space<semaphore_mem>>)
    %add3A_684 = arith.constant 128 : i32
    %add3A_685 = arith.addi %mul3A_2, %add3A_684 : i32
    %jit3A_686 = arith.constant 2 : i32
    %div3A_687 = arith.divsi %add3A_685, %jit3A_686 : i32
    %sign3A_688 = arith.constant 0 : i32
    %sign3A_689 = arith.cmpi sgt, %add3A_685, %sign3A_688 : i32
    %sign3A_690 = arith.extui %sign3A_689 : i1 to i32
    %sign3A_691 = arith.constant 0 : i32
    %sign3A_692 = arith.cmpi slt, %add3A_685, %sign3A_691 : i32
    %sign3A_693 = arith.extui %sign3A_692 : i1 to i32
    %sign3A_694 = arith.subi %sign3A_690, %sign3A_693 : i32
    %sign3A_695 = arith.constant 0 : i32
    %sign3A_696 = arith.cmpi sgt, %jit3A_686, %sign3A_695 : i32
    %sign3A_697 = arith.extui %sign3A_696 : i1 to i32
    %sign3A_698 = arith.constant 0 : i32
    %sign3A_699 = arith.cmpi slt, %jit3A_686, %sign3A_698 : i32
    %sign3A_700 = arith.extui %sign3A_699 : i1 to i32
    %sign3A_701 = arith.subi %sign3A_697, %sign3A_700 : i32
    %ne3A_702 = arith.cmpi ne, %sign3A_694, %sign3A_701 : i32
    %rem3A_703 = arith.remsi %add3A_685, %jit3A_686 : i32
    %ne3A_704 = arith.constant 0 : i32
    %ne3A_705 = arith.cmpi ne, %rem3A_703, %ne3A_704 : i32
    %and3A_706 = arith.andi %ne3A_702, %ne3A_705 : i1
    %sub3A_707 = arith.constant 1 : i32
    %sub3A_708 = arith.subi %div3A_687, %sub3A_707 : i32
    %select_n3A_709 = arith.select %and3A_706, %sub3A_708, %div3A_687 : i32
    %multiple_of3A_710 = tpu.assume_multiple %select_n3A_709, 8 : i32
    %dma_start3A_711 = arith.constant 0 : i32
    %dma_start3A_712 = tpu.memref_slice %arg4[%multiple_of3A_710, %dma_start3A_711] : memref<8192x128xf32, #tpu.memory_space<hbm>> -> memref<32x128xf32, #tpu.memory_space<hbm>>
    %dma_start3A_713 = arith.constant 0 : i32
    %dma_start3A_714 = tpu.memref_slice %arg4[%multiple_of3A_710, %dma_start3A_713] : memref<8192x128xf32, #tpu.memory_space<hbm>> -> memref<32x128xf32, #tpu.memory_space<hbm>>
    tpu.enqueue_dma source(%dma_start3A_714 : memref<32x128xf32, #tpu.memory_space<hbm>>) target(%arg11 : memref<32x128xf32, #tpu.memory_space<vmem>>) target_semaphore(%arg17 : memref<!tpu.dma_semaphore, #tpu.memory_space<semaphore_mem>>)
    %dma_wait3A_715 = arith.constant 64 : i32
    %dma_wait3A_716 = tpu.memref_slice %arg7[%dma_wait3A_715] : memref<512xi32, #tpu.memory_space<vmem>> -> memref<64xi32, #tpu.memory_space<vmem>>
    %dma_wait3A_717 = arith.constant 0 : i32
    %dma_wait3A_718 = arith.constant 0 : i32
    %dma_wait3A_719 = tpu.memref_slice %arg2[%dma_wait3A_717, %dma_wait3A_718] : memref<50000x128xf32, #tpu.memory_space<hbm>> -> memref<50000x128xf32, #tpu.memory_space<hbm>>
    tpu.wait_indirect_dma semaphore(%arg16 : memref<!tpu.dma_semaphore, #tpu.memory_space<semaphore_mem>>) src(%dma_wait3A_719 : memref<50000x128xf32, #tpu.memory_space<hbm>>) dst(%arg10 : memref<64x128xf32, #tpu.memory_space<vmem>>)
    %add3A_720 = arith.constant 64 : i32
    %add3A_721 = arith.addi %mul3A_2, %add3A_720 : i32
    %jit3A_722 = arith.constant 2 : i32
    %div3A_723 = arith.divsi %add3A_721, %jit3A_722 : i32
    %sign3A_724 = arith.constant 0 : i32
    %sign3A_725 = arith.cmpi sgt, %add3A_721, %sign3A_724 : i32
    %sign3A_726 = arith.extui %sign3A_725 : i1 to i32
    %sign3A_727 = arith.constant 0 : i32
    %sign3A_728 = arith.cmpi slt, %add3A_721, %sign3A_727 : i32
    %sign3A_729 = arith.extui %sign3A_728 : i1 to i32
    %sign3A_730 = arith.subi %sign3A_726, %sign3A_729 : i32
    %sign3A_731 = arith.constant 0 : i32
    %sign3A_732 = arith.cmpi sgt, %jit3A_722, %sign3A_731 : i32
    %sign3A_733 = arith.extui %sign3A_732 : i1 to i32
    %sign3A_734 = arith.constant 0 : i32
    %sign3A_735 = arith.cmpi slt, %jit3A_722, %sign3A_734 : i32
    %sign3A_736 = arith.extui %sign3A_735 : i1 to i32
    %sign3A_737 = arith.subi %sign3A_733, %sign3A_736 : i32
    %ne3A_738 = arith.cmpi ne, %sign3A_730, %sign3A_737 : i32
    %rem3A_739 = arith.remsi %add3A_721, %jit3A_722 : i32
    %ne3A_740 = arith.constant 0 : i32
    %ne3A_741 = arith.cmpi ne, %rem3A_739, %ne3A_740 : i32
    %and3A_742 = arith.andi %ne3A_738, %ne3A_741 : i1
    %sub3A_743 = arith.constant 1 : i32
    %sub3A_744 = arith.subi %div3A_723, %sub3A_743 : i32
    %select_n3A_745 = arith.select %and3A_742, %sub3A_744, %div3A_723 : i32
    %multiple_of3A_746 = tpu.assume_multiple %select_n3A_745, 8 : i32
    %dma_wait3A_747 = arith.constant 0 : i32
    %dma_wait3A_748 = tpu.memref_slice %arg4[%multiple_of3A_746, %dma_wait3A_747] : memref<8192x128xf32, #tpu.memory_space<hbm>> -> memref<32x128xf32, #tpu.memory_space<hbm>>
    %dma_wait3A_749 = arith.constant 0 : i32
    %dma_wait3A_750 = tpu.memref_slice %arg4[%multiple_of3A_746, %dma_wait3A_749] : memref<8192x128xf32, #tpu.memory_space<hbm>> -> memref<32x128xf32, #tpu.memory_space<hbm>>
    tpu.wait_dma2 semaphore(%arg18 : memref<!tpu.dma_semaphore, #tpu.memory_space<semaphore_mem>>) src(%dma_wait3A_750 : memref<32x128xf32, #tpu.memory_space<hbm>>) dst(%arg12 : memref<32x128xf32, #tpu.memory_space<vmem>>)
    %scan3A_751 = arith.constant 0 : i32
    %scan3A_752 = arith.constant 0 : i32
    %scan3A_753 = arith.constant 64 : i32
    %scan3A_754 = arith.addi %scan3A_752, %scan3A_753 : i32
    %scan3A_755 = arith.constant 1 : i32
    scf.for %scan3A_1203 = %scan3A_752 to %scan3A_754 step %scan3A_755  : i32 {
      %add3A_1204 = arith.constant 64 : i32
      %add3A_1205 = arith.addi %add3A_1204, %scan3A_1203 : i32
      %and3A_1206 = arith.constant -16 : i32
      %and3A_1207 = arith.andi %add3A_1205, %and3A_1206 : i32
      %get3A_1208 = arith.index_cast %and3A_1207 : i32 to index
      %get3A_1209 = tpu.vector_load %arg8[%get3A_1208] {strides = array<i32>} : memref<512xf32, #tpu.memory_space<vmem>>, vector<16xf32>,
      %get3A_1210 = vector.shape_cast %get3A_1209 : vector<16xf32> to vector<16xf32>
      %and3A_1211 = arith.constant 15 : i32
      %and3A_1212 = arith.andi %add3A_1205, %and3A_1211 : i32
      %broadcast_in_dim3A = vector.broadcast %and3A_1212 : i32 to vector<16x1xi32>
      %gather3A = vector.shape_cast %broadcast_in_dim3A : vector<16x1xi32> to vector<16xi32>
      %gather3A_1213 = tpu.dynamic_gather %get3A_1210[%gather3A] in [0] : vector<16xf32>, vector<16xi32> -> vector<16xf32>
      %and3A_1214 = arith.constant 1 : i32
      %and3A_1215 = arith.andi %scan3A_1203, %and3A_1214 : i32
      %mul3A_1216 = arith.constant 64 : i32
      %mul3A_1217 = arith.muli %and3A_1215, %mul3A_1216 : i32
      %get3A_1218 = arith.index_cast %scan3A_1203 : i32 to index
      %get3A_1219 = arith.constant 0 : index
      %get3A_1220 = tpu.vector_load %arg10[%get3A_1218, %get3A_1219] {strides = array<i32>} : memref<64x128xf32, #tpu.memory_space<vmem>>, vector<1x16xf32>,
      %get3A_1221 = vector.shape_cast %get3A_1220 : vector<1x16xf32> to vector<16xf32>
      %get3A_1222 = arith.index_cast %scan3A_1203 : i32 to index
      %get3A_1223 = arith.constant 64 : index
      %get3A_1224 = tpu.vector_load %arg10[%get3A_1222, %get3A_1223] {strides = array<i32>} : memref<64x128xf32, #tpu.memory_space<vmem>>, vector<1x16xf32>,
      %get3A_1225 = vector.shape_cast %get3A_1224 : vector<1x16xf32> to vector<16xf32>
      %shift_right_logical3A_1226 = arith.constant 1 : i32
      %shift_right_logical3A_1227 = arith.shrui %scan3A_1203, %shift_right_logical3A_1226 : i32
      %add3A_1228 = arith.constant 0 : i32
      %add3A_1229 = arith.addi %mul3A_1217, %add3A_1228 : i32
      %get3A_1230 = arith.index_cast %shift_right_logical3A_1227 : i32 to index
      %get3A_1231 = arith.index_cast %add3A_1229 : i32 to index
      %get3A_1232 = tpu.vector_load %arg12[%get3A_1230, %get3A_1231] {strides = array<i32>} : memref<32x128xf32, #tpu.memory_space<vmem>>, vector<1x16xf32>,
      %get3A_1233 = vector.shape_cast %get3A_1232 : vector<1x16xf32> to vector<16xf32>
      %add3A_1234 = arith.addf %get3A_1233, %get3A_1221 : vector<16xf32>
      %sub3A_1235 = arith.subf %get3A_1225, %get3A_1221 : vector<16xf32>
      %mul3A_1236 = arith.mulf %gather3A_1213, %sub3A_1235 : vector<16xf32>
      %add3A_1237 = arith.addf %add3A_1234, %mul3A_1236 : vector<16xf32>
      %swap3A_1238 = arith.index_cast %scan3A_1203 : i32 to index
      %swap3A_1239 = arith.constant 0 : index
      %swap3A_1240 = tpu.vector_load %arg14[%swap3A_1238, %swap3A_1239] {strides = array<i32>} : memref<64x64xf32, #tpu.memory_space<vmem>>, vector<1x16xf32>,
      %swap3A_1241 = vector.shape_cast %swap3A_1240 : vector<1x16xf32> to vector<16xf32>
      %swap3A_1242 = vector.shape_cast %add3A_1237 : vector<16xf32> to vector<1x16xf32>
      tpu.vector_store %arg14[%swap3A_1238, %swap3A_1239], %swap3A_1242 {strides = array<i32>} : memref<64x64xf32, #tpu.memory_space<vmem>>, vector<1x16xf32>,
      %get3A_1243 = arith.index_cast %scan3A_1203 : i32 to index
      %get3A_1244 = arith.constant 16 : index
      %get3A_1245 = tpu.vector_load %arg10[%get3A_1243, %get3A_1244] {strides = array<i32>} : memref<64x128xf32, #tpu.memory_space<vmem>>, vector<1x16xf32>,
      %get3A_1246 = vector.shape_cast %get3A_1245 : vector<1x16xf32> to vector<16xf32>
      %get3A_1247 = arith.index_cast %scan3A_1203 : i32 to index
      %get3A_1248 = arith.constant 80 : index
      %get3A_1249 = tpu.vector_load %arg10[%get3A_1247, %get3A_1248] {strides = array<i32>} : memref<64x128xf32, #tpu.memory_space<vmem>>, vector<1x16xf32>,
      %get3A_1250 = vector.shape_cast %get3A_1249 : vector<1x16xf32> to vector<16xf32>
      %shift_right_logical3A_1251 = arith.constant 1 : i32
      %shift_right_logical3A_1252 = arith.shrui %scan3A_1203, %shift_right_logical3A_1251 : i32
      %add3A_1253 = arith.constant 16 : i32
      %add3A_1254 = arith.addi %mul3A_1217, %add3A_1253 : i32
      %get3A_1255 = arith.index_cast %shift_right_logical3A_1252 : i32 to index
      %get3A_1256 = arith.index_cast %add3A_1254 : i32 to index
      %get3A_1257 = tpu.vector_load %arg12[%get3A_1255, %get3A_1256] {strides = array<i32>} : memref<32x128xf32, #tpu.memory_space<vmem>>, vector<1x16xf32>,
      %get3A_1258 = vector.shape_cast %get3A_1257 : vector<1x16xf32> to vector<16xf32>
      %add3A_1259 = arith.addf %get3A_1258, %get3A_1246 : vector<16xf32>
      %sub3A_1260 = arith.subf %get3A_1250, %get3A_1246 : vector<16xf32>
      %mul3A_1261 = arith.mulf %gather3A_1213, %sub3A_1260 : vector<16xf32>
      %add3A_1262 = arith.addf %add3A_1259, %mul3A_1261 : vector<16xf32>
      %swap3A_1263 = arith.index_cast %scan3A_1203 : i32 to index
      %swap3A_1264 = arith.constant 16 : index
      %swap3A_1265 = tpu.vector_load %arg14[%swap3A_1263, %swap3A_1264] {strides = array<i32>} : memref<64x64xf32, #tpu.memory_space<vmem>>, vector<1x16xf32>,
      %swap3A_1266 = vector.shape_cast %swap3A_1265 : vector<1x16xf32> to vector<16xf32>
      %swap3A_1267 = vector.shape_cast %add3A_1262 : vector<16xf32> to vector<1x16xf32>
      tpu.vector_store %arg14[%swap3A_1263, %swap3A_1264], %swap3A_1267 {strides = array<i32>} : memref<64x64xf32, #tpu.memory_space<vmem>>, vector<1x16xf32>,
      %get3A_1268 = arith.index_cast %scan3A_1203 : i32 to index
      %get3A_1269 = arith.constant 32 : index
      %get3A_1270 = tpu.vector_load %arg10[%get3A_1268, %get3A_1269] {strides = array<i32>} : memref<64x128xf32, #tpu.memory_space<vmem>>, vector<1x16xf32>,
      %get3A_1271 = vector.shape_cast %get3A_1270 : vector<1x16xf32> to vector<16xf32>
      %get3A_1272 = arith.index_cast %scan3A_1203 : i32 to index
      %get3A_1273 = arith.constant 96 : index
      %get3A_1274 = tpu.vector_load %arg10[%get3A_1272, %get3A_1273] {strides = array<i32>} : memref<64x128xf32, #tpu.memory_space<vmem>>, vector<1x16xf32>,
      %get3A_1275 = vector.shape_cast %get3A_1274 : vector<1x16xf32> to vector<16xf32>
      %shift_right_logical3A_1276 = arith.constant 1 : i32
      %shift_right_logical3A_1277 = arith.shrui %scan3A_1203, %shift_right_logical3A_1276 : i32
      %add3A_1278 = arith.constant 32 : i32
      %add3A_1279 = arith.addi %mul3A_1217, %add3A_1278 : i32
      %get3A_1280 = arith.index_cast %shift_right_logical3A_1277 : i32 to index
      %get3A_1281 = arith.index_cast %add3A_1279 : i32 to index
      %get3A_1282 = tpu.vector_load %arg12[%get3A_1280, %get3A_1281] {strides = array<i32>} : memref<32x128xf32, #tpu.memory_space<vmem>>, vector<1x16xf32>,
      %get3A_1283 = vector.shape_cast %get3A_1282 : vector<1x16xf32> to vector<16xf32>
      %add3A_1284 = arith.addf %get3A_1283, %get3A_1271 : vector<16xf32>
      %sub3A_1285 = arith.subf %get3A_1275, %get3A_1271 : vector<16xf32>
      %mul3A_1286 = arith.mulf %gather3A_1213, %sub3A_1285 : vector<16xf32>
      %add3A_1287 = arith.addf %add3A_1284, %mul3A_1286 : vector<16xf32>
      %swap3A_1288 = arith.index_cast %scan3A_1203 : i32 to index
      %swap3A_1289 = arith.constant 32 : index
      %swap3A_1290 = tpu.vector_load %arg14[%swap3A_1288, %swap3A_1289] {strides = array<i32>} : memref<64x64xf32, #tpu.memory_space<vmem>>, vector<1x16xf32>,
      %swap3A_1291 = vector.shape_cast %swap3A_1290 : vector<1x16xf32> to vector<16xf32>
      %swap3A_1292 = vector.shape_cast %add3A_1287 : vector<16xf32> to vector<1x16xf32>
      tpu.vector_store %arg14[%swap3A_1288, %swap3A_1289], %swap3A_1292 {strides = array<i32>} : memref<64x64xf32, #tpu.memory_space<vmem>>, vector<1x16xf32>,
      %get3A_1293 = arith.index_cast %scan3A_1203 : i32 to index
      %get3A_1294 = arith.constant 48 : index
      %get3A_1295 = tpu.vector_load %arg10[%get3A_1293, %get3A_1294] {strides = array<i32>} : memref<64x128xf32, #tpu.memory_space<vmem>>, vector<1x16xf32>,
      %get3A_1296 = vector.shape_cast %get3A_1295 : vector<1x16xf32> to vector<16xf32>
      %get3A_1297 = arith.index_cast %scan3A_1203 : i32 to index
      %get3A_1298 = arith.constant 112 : index
      %get3A_1299 = tpu.vector_load %arg10[%get3A_1297, %get3A_1298] {strides = array<i32>} : memref<64x128xf32, #tpu.memory_space<vmem>>, vector<1x16xf32>,
      %get3A_1300 = vector.shape_cast %get3A_1299 : vector<1x16xf32> to vector<16xf32>
      %shift_right_logical3A_1301 = arith.constant 1 : i32
      %shift_right_logical3A_1302 = arith.shrui %scan3A_1203, %shift_right_logical3A_1301 : i32
      %add3A_1303 = arith.constant 48 : i32
      %add3A_1304 = arith.addi %mul3A_1217, %add3A_1303 : i32
      %get3A_1305 = arith.index_cast %shift_right_logical3A_1302 : i32 to index
      %get3A_1306 = arith.index_cast %add3A_1304 : i32 to index
      %get3A_1307 = tpu.vector_load %arg12[%get3A_1305, %get3A_1306] {strides = array<i32>} : memref<32x128xf32, #tpu.memory_space<vmem>>, vector<1x16xf32>,
      %get3A_1308 = vector.shape_cast %get3A_1307 : vector<1x16xf32> to vector<16xf32>
      %add3A_1309 = arith.addf %get3A_1308, %get3A_1296 : vector<16xf32>
      %sub3A_1310 = arith.subf %get3A_1300, %get3A_1296 : vector<16xf32>
      %mul3A_1311 = arith.mulf %gather3A_1213, %sub3A_1310 : vector<16xf32>
      %add3A_1312 = arith.addf %add3A_1309, %mul3A_1311 : vector<16xf32>
      %swap3A_1313 = arith.index_cast %scan3A_1203 : i32 to index
      %swap3A_1314 = arith.constant 48 : index
      %swap3A_1315 = tpu.vector_load %arg14[%swap3A_1313, %swap3A_1314] {strides = array<i32>} : memref<64x64xf32, #tpu.memory_space<vmem>>, vector<1x16xf32>,
      %swap3A_1316 = vector.shape_cast %swap3A_1315 : vector<1x16xf32> to vector<16xf32>
      %swap3A_1317 = vector.shape_cast %add3A_1312 : vector<16xf32> to vector<1x16xf32>
      tpu.vector_store %arg14[%swap3A_1313, %swap3A_1314], %swap3A_1317 {strides = array<i32>} : memref<64x64xf32, #tpu.memory_space<vmem>>, vector<1x16xf32>,
    }
    %scan3A_756 = arith.constant 64 : i32
    %add3A_757 = arith.constant 64 : i32
    %add3A_758 = arith.addi %mul3A_2, %add3A_757 : i32
    "tpu.region"() ({
      %run_scoped3A = tpu.sem_alloc : memref<!tpu.dma_semaphore, #tpu.memory_space<semaphore_mem>>
      %dma_start3A_1203 = arith.constant 0 : i32
      %dma_start3A_1204 = tpu.memref_slice %arg5[%add3A_758, %dma_start3A_1203] : memref<16384x64xf32, #tpu.memory_space<hbm>> -> memref<64x64xf32, #tpu.memory_space<hbm>>
      %dma_start3A_1205 = arith.constant 0 : i32
      %dma_start3A_1206 = tpu.memref_slice %arg5[%add3A_758, %dma_start3A_1205] : memref<16384x64xf32, #tpu.memory_space<hbm>> -> memref<64x64xf32, #tpu.memory_space<hbm>>
      tpu.enqueue_dma source(%arg14 : memref<64x64xf32, #tpu.memory_space<vmem>>) target(%dma_start3A_1206 : memref<64x64xf32, #tpu.memory_space<hbm>>) target_semaphore(%run_scoped3A : memref<!tpu.dma_semaphore, #tpu.memory_space<semaphore_mem>>)
      %dma_wait3A_1207 = arith.constant 0 : i32
      %dma_wait3A_1208 = tpu.memref_slice %arg5[%add3A_758, %dma_wait3A_1207] : memref<16384x64xf32, #tpu.memory_space<hbm>> -> memref<64x64xf32, #tpu.memory_space<hbm>>
      %dma_wait3A_1209 = arith.constant 0 : i32
      %dma_wait3A_1210 = tpu.memref_slice %arg5[%add3A_758, %dma_wait3A_1209] : memref<16384x64xf32, #tpu.memory_space<hbm>> -> memref<64x64xf32, #tpu.memory_space<hbm>>
      tpu.wait_dma2 semaphore(%run_scoped3A : memref<!tpu.dma_semaphore, #tpu.memory_space<semaphore_mem>>) src(%arg14 : memref<64x64xf32, #tpu.memory_space<vmem>>) dst(%dma_wait3A_1210 : memref<64x64xf32, #tpu.memory_space<hbm>>)
      tpu.yield
    }) : () -> ()
    %dma_start3A_759 = arith.constant 192 : i32
    %dma_start3A_760 = tpu.memref_slice %arg7[%dma_start3A_759] : memref<512xi32, #tpu.memory_space<vmem>> -> memref<64xi32, #tpu.memory_space<vmem>>
    %dma_start3A_761 = arith.constant 0 : i32
    %dma_start3A_762 = arith.constant 0 : i32
    %dma_start3A_763 = tpu.memref_slice %arg2[%dma_start3A_761, %dma_start3A_762] : memref<50000x128xf32, #tpu.memory_space<hbm>> -> memref<50000x128xf32, #tpu.memory_space<hbm>>
    tpu.enqueue_indirect_dma source(%dma_start3A_763 : memref<50000x128xf32, #tpu.memory_space<hbm>>) target(%arg10 : memref<64x128xf32, #tpu.memory_space<vmem>>) offsets(%dma_start3A_760 : memref<64xi32, #tpu.memory_space<vmem>>) semaphore(%arg16 : memref<!tpu.dma_semaphore, #tpu.memory_space<semaphore_mem>>)
    %add3A_764 = arith.constant 192 : i32
    %add3A_765 = arith.addi %mul3A_2, %add3A_764 : i32
    %jit3A_766 = arith.constant 2 : i32
    %div3A_767 = arith.divsi %add3A_765, %jit3A_766 : i32
    %sign3A_768 = arith.constant 0 : i32
    %sign3A_769 = arith.cmpi sgt, %add3A_765, %sign3A_768 : i32
    %sign3A_770 = arith.extui %sign3A_769 : i1 to i32
    %sign3A_771 = arith.constant 0 : i32
    %sign3A_772 = arith.cmpi slt, %add3A_765, %sign3A_771 : i32
    %sign3A_773 = arith.extui %sign3A_772 : i1 to i32
    %sign3A_774 = arith.subi %sign3A_770, %sign3A_773 : i32
    %sign3A_775 = arith.constant 0 : i32
    %sign3A_776 = arith.cmpi sgt, %jit3A_766, %sign3A_775 : i32
    %sign3A_777 = arith.extui %sign3A_776 : i1 to i32
    %sign3A_778 = arith.constant 0 : i32
    %sign3A_779 = arith.cmpi slt, %jit3A_766, %sign3A_778 : i32
    %sign3A_780 = arith.extui %sign3A_779 : i1 to i32
    %sign3A_781 = arith.subi %sign3A_777, %sign3A_780 : i32
    %ne3A_782 = arith.cmpi ne, %sign3A_774, %sign3A_781 : i32
    %rem3A_783 = arith.remsi %add3A_765, %jit3A_766 : i32
    %ne3A_784 = arith.constant 0 : i32
    %ne3A_785 = arith.cmpi ne, %rem3A_783, %ne3A_784 : i32
    %and3A_786 = arith.andi %ne3A_782, %ne3A_785 : i1
    %sub3A_787 = arith.constant 1 : i32
    %sub3A_788 = arith.subi %div3A_767, %sub3A_787 : i32
    %select_n3A_789 = arith.select %and3A_786, %sub3A_788, %div3A_767 : i32
    %multiple_of3A_790 = tpu.assume_multiple %select_n3A_789, 8 : i32
    %dma_start3A_791 = arith.constant 0 : i32
    %dma_start3A_792 = tpu.memref_slice %arg4[%multiple_of3A_790, %dma_start3A_791] : memref<8192x128xf32, #tpu.memory_space<hbm>> -> memref<32x128xf32, #tpu.memory_space<hbm>>
    %dma_start3A_793 = arith.constant 0 : i32
    %dma_start3A_794 = tpu.memref_slice %arg4[%multiple_of3A_790, %dma_start3A_793] : memref<8192x128xf32, #tpu.memory_space<hbm>> -> memref<32x128xf32, #tpu.memory_space<hbm>>
    tpu.enqueue_dma source(%dma_start3A_794 : memref<32x128xf32, #tpu.memory_space<hbm>>) target(%arg12 : memref<32x128xf32, #tpu.memory_space<vmem>>) target_semaphore(%arg18 : memref<!tpu.dma_semaphore, #tpu.memory_space<semaphore_mem>>)
    %dma_wait3A_795 = arith.constant 128 : i32
    %dma_wait3A_796 = tpu.memref_slice %arg7[%dma_wait3A_795] : memref<512xi32, #tpu.memory_space<vmem>> -> memref<64xi32, #tpu.memory_space<vmem>>
    %dma_wait3A_797 = arith.constant 0 : i32
    %dma_wait3A_798 = arith.constant 0 : i32
    %dma_wait3A_799 = tpu.memref_slice %arg2[%dma_wait3A_797, %dma_wait3A_798] : memref<50000x128xf32, #tpu.memory_space<hbm>> -> memref<50000x128xf32, #tpu.memory_space<hbm>>
    tpu.wait_indirect_dma semaphore(%arg15 : memref<!tpu.dma_semaphore, #tpu.memory_space<semaphore_mem>>) src(%dma_wait3A_799 : memref<50000x128xf32, #tpu.memory_space<hbm>>) dst(%arg9 : memref<64x128xf32, #tpu.memory_space<vmem>>)
    %add3A_800 = arith.constant 128 : i32
    %add3A_801 = arith.addi %mul3A_2, %add3A_800 : i32
    %jit3A_802 = arith.constant 2 : i32
    %div3A_803 = arith.divsi %add3A_801, %jit3A_802 : i32
    %sign3A_804 = arith.constant 0 : i32
    %sign3A_805 = arith.cmpi sgt, %add3A_801, %sign3A_804 : i32
    %sign3A_806 = arith.extui %sign3A_805 : i1 to i32
    %sign3A_807 = arith.constant 0 : i32
    %sign3A_808 = arith.cmpi slt, %add3A_801, %sign3A_807 : i32
    %sign3A_809 = arith.extui %sign3A_808 : i1 to i32
    %sign3A_810 = arith.subi %sign3A_806, %sign3A_809 : i32
    %sign3A_811 = arith.constant 0 : i32
    %sign3A_812 = arith.cmpi sgt, %jit3A_802, %sign3A_811 : i32
    %sign3A_813 = arith.extui %sign3A_812 : i1 to i32
    %sign3A_814 = arith.constant 0 : i32
    %sign3A_815 = arith.cmpi slt, %jit3A_802, %sign3A_814 : i32
    %sign3A_816 = arith.extui %sign3A_815 : i1 to i32
    %sign3A_817 = arith.subi %sign3A_813, %sign3A_816 : i32
    %ne3A_818 = arith.cmpi ne, %sign3A_810, %sign3A_817 : i32
    %rem3A_819 = arith.remsi %add3A_801, %jit3A_802 : i32
    %ne3A_820 = arith.constant 0 : i32
    %ne3A_821 = arith.cmpi ne, %rem3A_819, %ne3A_820 : i32
    %and3A_822 = arith.andi %ne3A_818, %ne3A_821 : i1
    %sub3A_823 = arith.constant 1 : i32
    %sub3A_824 = arith.subi %div3A_803, %sub3A_823 : i32
    %select_n3A_825 = arith.select %and3A_822, %sub3A_824, %div3A_803 : i32
    %multiple_of3A_826 = tpu.assume_multiple %select_n3A_825, 8 : i32
    %dma_wait3A_827 = arith.constant 0 : i32
    %dma_wait3A_828 = tpu.memref_slice %arg4[%multiple_of3A_826, %dma_wait3A_827] : memref<8192x128xf32, #tpu.memory_space<hbm>> -> memref<32x128xf32, #tpu.memory_space<hbm>>
    %dma_wait3A_829 = arith.constant 0 : i32
    %dma_wait3A_830 = tpu.memref_slice %arg4[%multiple_of3A_826, %dma_wait3A_829] : memref<8192x128xf32, #tpu.memory_space<hbm>> -> memref<32x128xf32, #tpu.memory_space<hbm>>
    tpu.wait_dma2 semaphore(%arg17 : memref<!tpu.dma_semaphore, #tpu.memory_space<semaphore_mem>>) src(%dma_wait3A_830 : memref<32x128xf32, #tpu.memory_space<hbm>>) dst(%arg11 : memref<32x128xf32, #tpu.memory_space<vmem>>)
    %scan3A_831 = arith.constant 0 : i32
    %scan3A_832 = arith.constant 0 : i32
    %scan3A_833 = arith.constant 64 : i32
    %scan3A_834 = arith.addi %scan3A_832, %scan3A_833 : i32
    %scan3A_835 = arith.constant 1 : i32
    scf.for %scan3A_1203 = %scan3A_832 to %scan3A_834 step %scan3A_835  : i32 {
      %add3A_1204 = arith.constant 128 : i32
      %add3A_1205 = arith.addi %add3A_1204, %scan3A_1203 : i32
      %and3A_1206 = arith.constant -16 : i32
      %and3A_1207 = arith.andi %add3A_1205, %and3A_1206 : i32
      %get3A_1208 = arith.index_cast %and3A_1207 : i32 to index
      %get3A_1209 = tpu.vector_load %arg8[%get3A_1208] {strides = array<i32>} : memref<512xf32, #tpu.memory_space<vmem>>, vector<16xf32>,
      %get3A_1210 = vector.shape_cast %get3A_1209 : vector<16xf32> to vector<16xf32>
      %and3A_1211 = arith.constant 15 : i32
      %and3A_1212 = arith.andi %add3A_1205, %and3A_1211 : i32
      %broadcast_in_dim3A = vector.broadcast %and3A_1212 : i32 to vector<16x1xi32>
      %gather3A = vector.shape_cast %broadcast_in_dim3A : vector<16x1xi32> to vector<16xi32>
      %gather3A_1213 = tpu.dynamic_gather %get3A_1210[%gather3A] in [0] : vector<16xf32>, vector<16xi32> -> vector<16xf32>
      %and3A_1214 = arith.constant 1 : i32
      %and3A_1215 = arith.andi %scan3A_1203, %and3A_1214 : i32
      %mul3A_1216 = arith.constant 64 : i32
      %mul3A_1217 = arith.muli %and3A_1215, %mul3A_1216 : i32
      %get3A_1218 = arith.index_cast %scan3A_1203 : i32 to index
      %get3A_1219 = arith.constant 0 : index
      %get3A_1220 = tpu.vector_load %arg9[%get3A_1218, %get3A_1219] {strides = array<i32>} : memref<64x128xf32, #tpu.memory_space<vmem>>, vector<1x16xf32>,
      %get3A_1221 = vector.shape_cast %get3A_1220 : vector<1x16xf32> to vector<16xf32>
      %get3A_1222 = arith.index_cast %scan3A_1203 : i32 to index
      %get3A_1223 = arith.constant 64 : index
      %get3A_1224 = tpu.vector_load %arg9[%get3A_1222, %get3A_1223] {strides = array<i32>} : memref<64x128xf32, #tpu.memory_space<vmem>>, vector<1x16xf32>,
      %get3A_1225 = vector.shape_cast %get3A_1224 : vector<1x16xf32> to vector<16xf32>
      %shift_right_logical3A_1226 = arith.constant 1 : i32
      %shift_right_logical3A_1227 = arith.shrui %scan3A_1203, %shift_right_logical3A_1226 : i32
      %add3A_1228 = arith.constant 0 : i32
      %add3A_1229 = arith.addi %mul3A_1217, %add3A_1228 : i32
      %get3A_1230 = arith.index_cast %shift_right_logical3A_1227 : i32 to index
      %get3A_1231 = arith.index_cast %add3A_1229 : i32 to index
      %get3A_1232 = tpu.vector_load %arg11[%get3A_1230, %get3A_1231] {strides = array<i32>} : memref<32x128xf32, #tpu.memory_space<vmem>>, vector<1x16xf32>,
      %get3A_1233 = vector.shape_cast %get3A_1232 : vector<1x16xf32> to vector<16xf32>
      %add3A_1234 = arith.addf %get3A_1233, %get3A_1221 : vector<16xf32>
      %sub3A_1235 = arith.subf %get3A_1225, %get3A_1221 : vector<16xf32>
      %mul3A_1236 = arith.mulf %gather3A_1213, %sub3A_1235 : vector<16xf32>
      %add3A_1237 = arith.addf %add3A_1234, %mul3A_1236 : vector<16xf32>
      %swap3A_1238 = arith.index_cast %scan3A_1203 : i32 to index
      %swap3A_1239 = arith.constant 0 : index
      %swap3A_1240 = tpu.vector_load %arg13[%swap3A_1238, %swap3A_1239] {strides = array<i32>} : memref<64x64xf32, #tpu.memory_space<vmem>>, vector<1x16xf32>,
      %swap3A_1241 = vector.shape_cast %swap3A_1240 : vector<1x16xf32> to vector<16xf32>
      %swap3A_1242 = vector.shape_cast %add3A_1237 : vector<16xf32> to vector<1x16xf32>
      tpu.vector_store %arg13[%swap3A_1238, %swap3A_1239], %swap3A_1242 {strides = array<i32>} : memref<64x64xf32, #tpu.memory_space<vmem>>, vector<1x16xf32>,
      %get3A_1243 = arith.index_cast %scan3A_1203 : i32 to index
      %get3A_1244 = arith.constant 16 : index
      %get3A_1245 = tpu.vector_load %arg9[%get3A_1243, %get3A_1244] {strides = array<i32>} : memref<64x128xf32, #tpu.memory_space<vmem>>, vector<1x16xf32>,
      %get3A_1246 = vector.shape_cast %get3A_1245 : vector<1x16xf32> to vector<16xf32>
      %get3A_1247 = arith.index_cast %scan3A_1203 : i32 to index
      %get3A_1248 = arith.constant 80 : index
      %get3A_1249 = tpu.vector_load %arg9[%get3A_1247, %get3A_1248] {strides = array<i32>} : memref<64x128xf32, #tpu.memory_space<vmem>>, vector<1x16xf32>,
      %get3A_1250 = vector.shape_cast %get3A_1249 : vector<1x16xf32> to vector<16xf32>
      %shift_right_logical3A_1251 = arith.constant 1 : i32
      %shift_right_logical3A_1252 = arith.shrui %scan3A_1203, %shift_right_logical3A_1251 : i32
      %add3A_1253 = arith.constant 16 : i32
      %add3A_1254 = arith.addi %mul3A_1217, %add3A_1253 : i32
      %get3A_1255 = arith.index_cast %shift_right_logical3A_1252 : i32 to index
      %get3A_1256 = arith.index_cast %add3A_1254 : i32 to index
      %get3A_1257 = tpu.vector_load %arg11[%get3A_1255, %get3A_1256] {strides = array<i32>} : memref<32x128xf32, #tpu.memory_space<vmem>>, vector<1x16xf32>,
      %get3A_1258 = vector.shape_cast %get3A_1257 : vector<1x16xf32> to vector<16xf32>
      %add3A_1259 = arith.addf %get3A_1258, %get3A_1246 : vector<16xf32>
      %sub3A_1260 = arith.subf %get3A_1250, %get3A_1246 : vector<16xf32>
      %mul3A_1261 = arith.mulf %gather3A_1213, %sub3A_1260 : vector<16xf32>
      %add3A_1262 = arith.addf %add3A_1259, %mul3A_1261 : vector<16xf32>
      %swap3A_1263 = arith.index_cast %scan3A_1203 : i32 to index
      %swap3A_1264 = arith.constant 16 : index
      %swap3A_1265 = tpu.vector_load %arg13[%swap3A_1263, %swap3A_1264] {strides = array<i32>} : memref<64x64xf32, #tpu.memory_space<vmem>>, vector<1x16xf32>,
      %swap3A_1266 = vector.shape_cast %swap3A_1265 : vector<1x16xf32> to vector<16xf32>
      %swap3A_1267 = vector.shape_cast %add3A_1262 : vector<16xf32> to vector<1x16xf32>
      tpu.vector_store %arg13[%swap3A_1263, %swap3A_1264], %swap3A_1267 {strides = array<i32>} : memref<64x64xf32, #tpu.memory_space<vmem>>, vector<1x16xf32>,
      %get3A_1268 = arith.index_cast %scan3A_1203 : i32 to index
      %get3A_1269 = arith.constant 32 : index
      %get3A_1270 = tpu.vector_load %arg9[%get3A_1268, %get3A_1269] {strides = array<i32>} : memref<64x128xf32, #tpu.memory_space<vmem>>, vector<1x16xf32>,
      %get3A_1271 = vector.shape_cast %get3A_1270 : vector<1x16xf32> to vector<16xf32>
      %get3A_1272 = arith.index_cast %scan3A_1203 : i32 to index
      %get3A_1273 = arith.constant 96 : index
      %get3A_1274 = tpu.vector_load %arg9[%get3A_1272, %get3A_1273] {strides = array<i32>} : memref<64x128xf32, #tpu.memory_space<vmem>>, vector<1x16xf32>,
      %get3A_1275 = vector.shape_cast %get3A_1274 : vector<1x16xf32> to vector<16xf32>
      %shift_right_logical3A_1276 = arith.constant 1 : i32
      %shift_right_logical3A_1277 = arith.shrui %scan3A_1203, %shift_right_logical3A_1276 : i32
      %add3A_1278 = arith.constant 32 : i32
      %add3A_1279 = arith.addi %mul3A_1217, %add3A_1278 : i32
      %get3A_1280 = arith.index_cast %shift_right_logical3A_1277 : i32 to index
      %get3A_1281 = arith.index_cast %add3A_1279 : i32 to index
      %get3A_1282 = tpu.vector_load %arg11[%get3A_1280, %get3A_1281] {strides = array<i32>} : memref<32x128xf32, #tpu.memory_space<vmem>>, vector<1x16xf32>,
      %get3A_1283 = vector.shape_cast %get3A_1282 : vector<1x16xf32> to vector<16xf32>
      %add3A_1284 = arith.addf %get3A_1283, %get3A_1271 : vector<16xf32>
      %sub3A_1285 = arith.subf %get3A_1275, %get3A_1271 : vector<16xf32>
      %mul3A_1286 = arith.mulf %gather3A_1213, %sub3A_1285 : vector<16xf32>
      %add3A_1287 = arith.addf %add3A_1284, %mul3A_1286 : vector<16xf32>
      %swap3A_1288 = arith.index_cast %scan3A_1203 : i32 to index
      %swap3A_1289 = arith.constant 32 : index
      %swap3A_1290 = tpu.vector_load %arg13[%swap3A_1288, %swap3A_1289] {strides = array<i32>} : memref<64x64xf32, #tpu.memory_space<vmem>>, vector<1x16xf32>,
      %swap3A_1291 = vector.shape_cast %swap3A_1290 : vector<1x16xf32> to vector<16xf32>
      %swap3A_1292 = vector.shape_cast %add3A_1287 : vector<16xf32> to vector<1x16xf32>
      tpu.vector_store %arg13[%swap3A_1288, %swap3A_1289], %swap3A_1292 {strides = array<i32>} : memref<64x64xf32, #tpu.memory_space<vmem>>, vector<1x16xf32>,
      %get3A_1293 = arith.index_cast %scan3A_1203 : i32 to index
      %get3A_1294 = arith.constant 48 : index
      %get3A_1295 = tpu.vector_load %arg9[%get3A_1293, %get3A_1294] {strides = array<i32>} : memref<64x128xf32, #tpu.memory_space<vmem>>, vector<1x16xf32>,
      %get3A_1296 = vector.shape_cast %get3A_1295 : vector<1x16xf32> to vector<16xf32>
      %get3A_1297 = arith.index_cast %scan3A_1203 : i32 to index
      %get3A_1298 = arith.constant 112 : index
      %get3A_1299 = tpu.vector_load %arg9[%get3A_1297, %get3A_1298] {strides = array<i32>} : memref<64x128xf32, #tpu.memory_space<vmem>>, vector<1x16xf32>,
      %get3A_1300 = vector.shape_cast %get3A_1299 : vector<1x16xf32> to vector<16xf32>
      %shift_right_logical3A_1301 = arith.constant 1 : i32
      %shift_right_logical3A_1302 = arith.shrui %scan3A_1203, %shift_right_logical3A_1301 : i32
      %add3A_1303 = arith.constant 48 : i32
      %add3A_1304 = arith.addi %mul3A_1217, %add3A_1303 : i32
      %get3A_1305 = arith.index_cast %shift_right_logical3A_1302 : i32 to index
      %get3A_1306 = arith.index_cast %add3A_1304 : i32 to index
      %get3A_1307 = tpu.vector_load %arg11[%get3A_1305, %get3A_1306] {strides = array<i32>} : memref<32x128xf32, #tpu.memory_space<vmem>>, vector<1x16xf32>,
      %get3A_1308 = vector.shape_cast %get3A_1307 : vector<1x16xf32> to vector<16xf32>
      %add3A_1309 = arith.addf %get3A_1308, %get3A_1296 : vector<16xf32>
      %sub3A_1310 = arith.subf %get3A_1300, %get3A_1296 : vector<16xf32>
      %mul3A_1311 = arith.mulf %gather3A_1213, %sub3A_1310 : vector<16xf32>
      %add3A_1312 = arith.addf %add3A_1309, %mul3A_1311 : vector<16xf32>
      %swap3A_1313 = arith.index_cast %scan3A_1203 : i32 to index
      %swap3A_1314 = arith.constant 48 : index
      %swap3A_1315 = tpu.vector_load %arg13[%swap3A_1313, %swap3A_1314] {strides = array<i32>} : memref<64x64xf32, #tpu.memory_space<vmem>>, vector<1x16xf32>,
      %swap3A_1316 = vector.shape_cast %swap3A_1315 : vector<1x16xf32> to vector<16xf32>
      %swap3A_1317 = vector.shape_cast %add3A_1312 : vector<16xf32> to vector<1x16xf32>
      tpu.vector_store %arg13[%swap3A_1313, %swap3A_1314], %swap3A_1317 {strides = array<i32>} : memref<64x64xf32, #tpu.memory_space<vmem>>, vector<1x16xf32>,
    }
    %scan3A_836 = arith.constant 64 : i32
    %add3A_837 = arith.constant 128 : i32
    %add3A_838 = arith.addi %mul3A_2, %add3A_837 : i32
    "tpu.region"() ({
      %run_scoped3A = tpu.sem_alloc : memref<!tpu.dma_semaphore, #tpu.memory_space<semaphore_mem>>
      %dma_start3A_1203 = arith.constant 0 : i32
      %dma_start3A_1204 = tpu.memref_slice %arg5[%add3A_838, %dma_start3A_1203] : memref<16384x64xf32, #tpu.memory_space<hbm>> -> memref<64x64xf32, #tpu.memory_space<hbm>>
      %dma_start3A_1205 = arith.constant 0 : i32
      %dma_start3A_1206 = tpu.memref_slice %arg5[%add3A_838, %dma_start3A_1205] : memref<16384x64xf32, #tpu.memory_space<hbm>> -> memref<64x64xf32, #tpu.memory_space<hbm>>
      tpu.enqueue_dma source(%arg13 : memref<64x64xf32, #tpu.memory_space<vmem>>) target(%dma_start3A_1206 : memref<64x64xf32, #tpu.memory_space<hbm>>) target_semaphore(%run_scoped3A : memref<!tpu.dma_semaphore, #tpu.memory_space<semaphore_mem>>)
      %dma_wait3A_1207 = arith.constant 0 : i32
      %dma_wait3A_1208 = tpu.memref_slice %arg5[%add3A_838, %dma_wait3A_1207] : memref<16384x64xf32, #tpu.memory_space<hbm>> -> memref<64x64xf32, #tpu.memory_space<hbm>>
      %dma_wait3A_1209 = arith.constant 0 : i32
      %dma_wait3A_1210 = tpu.memref_slice %arg5[%add3A_838, %dma_wait3A_1209] : memref<16384x64xf32, #tpu.memory_space<hbm>> -> memref<64x64xf32, #tpu.memory_space<hbm>>
      tpu.wait_dma2 semaphore(%run_scoped3A : memref<!tpu.dma_semaphore, #tpu.memory_space<semaphore_mem>>) src(%arg13 : memref<64x64xf32, #tpu.memory_space<vmem>>) dst(%dma_wait3A_1210 : memref<64x64xf32, #tpu.memory_space<hbm>>)
      tpu.yield
    }) : () -> ()
    %dma_start3A_839 = arith.constant 256 : i32
    %dma_start3A_840 = tpu.memref_slice %arg7[%dma_start3A_839] : memref<512xi32, #tpu.memory_space<vmem>> -> memref<64xi32, #tpu.memory_space<vmem>>
    %dma_start3A_841 = arith.constant 0 : i32
    %dma_start3A_842 = arith.constant 0 : i32
    %dma_start3A_843 = tpu.memref_slice %arg2[%dma_start3A_841, %dma_start3A_842] : memref<50000x128xf32, #tpu.memory_space<hbm>> -> memref<50000x128xf32, #tpu.memory_space<hbm>>
    tpu.enqueue_indirect_dma source(%dma_start3A_843 : memref<50000x128xf32, #tpu.memory_space<hbm>>) target(%arg9 : memref<64x128xf32, #tpu.memory_space<vmem>>) offsets(%dma_start3A_840 : memref<64xi32, #tpu.memory_space<vmem>>) semaphore(%arg15 : memref<!tpu.dma_semaphore, #tpu.memory_space<semaphore_mem>>)
    %add3A_844 = arith.constant 256 : i32
    %add3A_845 = arith.addi %mul3A_2, %add3A_844 : i32
    %jit3A_846 = arith.constant 2 : i32
    %div3A_847 = arith.divsi %add3A_845, %jit3A_846 : i32
    %sign3A_848 = arith.constant 0 : i32
    %sign3A_849 = arith.cmpi sgt, %add3A_845, %sign3A_848 : i32
    %sign3A_850 = arith.extui %sign3A_849 : i1 to i32
    %sign3A_851 = arith.constant 0 : i32
    %sign3A_852 = arith.cmpi slt, %add3A_845, %sign3A_851 : i32
    %sign3A_853 = arith.extui %sign3A_852 : i1 to i32
    %sign3A_854 = arith.subi %sign3A_850, %sign3A_853 : i32
    %sign3A_855 = arith.constant 0 : i32
    %sign3A_856 = arith.cmpi sgt, %jit3A_846, %sign3A_855 : i32
    %sign3A_857 = arith.extui %sign3A_856 : i1 to i32
    %sign3A_858 = arith.constant 0 : i32
    %sign3A_859 = arith.cmpi slt, %jit3A_846, %sign3A_858 : i32
    %sign3A_860 = arith.extui %sign3A_859 : i1 to i32
    %sign3A_861 = arith.subi %sign3A_857, %sign3A_860 : i32
    %ne3A_862 = arith.cmpi ne, %sign3A_854, %sign3A_861 : i32
    %rem3A_863 = arith.remsi %add3A_845, %jit3A_846 : i32
    %ne3A_864 = arith.constant 0 : i32
    %ne3A_865 = arith.cmpi ne, %rem3A_863, %ne3A_864 : i32
    %and3A_866 = arith.andi %ne3A_862, %ne3A_865 : i1
    %sub3A_867 = arith.constant 1 : i32
    %sub3A_868 = arith.subi %div3A_847, %sub3A_867 : i32
    %select_n3A_869 = arith.select %and3A_866, %sub3A_868, %div3A_847 : i32
    %multiple_of3A_870 = tpu.assume_multiple %select_n3A_869, 8 : i32
    %dma_start3A_871 = arith.constant 0 : i32
    %dma_start3A_872 = tpu.memref_slice %arg4[%multiple_of3A_870, %dma_start3A_871] : memref<8192x128xf32, #tpu.memory_space<hbm>> -> memref<32x128xf32, #tpu.memory_space<hbm>>
    %dma_start3A_873 = arith.constant 0 : i32
    %dma_start3A_874 = tpu.memref_slice %arg4[%multiple_of3A_870, %dma_start3A_873] : memref<8192x128xf32, #tpu.memory_space<hbm>> -> memref<32x128xf32, #tpu.memory_space<hbm>>
    tpu.enqueue_dma source(%dma_start3A_874 : memref<32x128xf32, #tpu.memory_space<hbm>>) target(%arg11 : memref<32x128xf32, #tpu.memory_space<vmem>>) target_semaphore(%arg17 : memref<!tpu.dma_semaphore, #tpu.memory_space<semaphore_mem>>)
    %dma_wait3A_875 = arith.constant 192 : i32
    %dma_wait3A_876 = tpu.memref_slice %arg7[%dma_wait3A_875] : memref<512xi32, #tpu.memory_space<vmem>> -> memref<64xi32, #tpu.memory_space<vmem>>
    %dma_wait3A_877 = arith.constant 0 : i32
    %dma_wait3A_878 = arith.constant 0 : i32
    %dma_wait3A_879 = tpu.memref_slice %arg2[%dma_wait3A_877, %dma_wait3A_878] : memref<50000x128xf32, #tpu.memory_space<hbm>> -> memref<50000x128xf32, #tpu.memory_space<hbm>>
    tpu.wait_indirect_dma semaphore(%arg16 : memref<!tpu.dma_semaphore, #tpu.memory_space<semaphore_mem>>) src(%dma_wait3A_879 : memref<50000x128xf32, #tpu.memory_space<hbm>>) dst(%arg10 : memref<64x128xf32, #tpu.memory_space<vmem>>)
    %add3A_880 = arith.constant 192 : i32
    %add3A_881 = arith.addi %mul3A_2, %add3A_880 : i32
    %jit3A_882 = arith.constant 2 : i32
    %div3A_883 = arith.divsi %add3A_881, %jit3A_882 : i32
    %sign3A_884 = arith.constant 0 : i32
    %sign3A_885 = arith.cmpi sgt, %add3A_881, %sign3A_884 : i32
    %sign3A_886 = arith.extui %sign3A_885 : i1 to i32
    %sign3A_887 = arith.constant 0 : i32
    %sign3A_888 = arith.cmpi slt, %add3A_881, %sign3A_887 : i32
    %sign3A_889 = arith.extui %sign3A_888 : i1 to i32
    %sign3A_890 = arith.subi %sign3A_886, %sign3A_889 : i32
    %sign3A_891 = arith.constant 0 : i32
    %sign3A_892 = arith.cmpi sgt, %jit3A_882, %sign3A_891 : i32
    %sign3A_893 = arith.extui %sign3A_892 : i1 to i32
    %sign3A_894 = arith.constant 0 : i32
    %sign3A_895 = arith.cmpi slt, %jit3A_882, %sign3A_894 : i32
    %sign3A_896 = arith.extui %sign3A_895 : i1 to i32
    %sign3A_897 = arith.subi %sign3A_893, %sign3A_896 : i32
    %ne3A_898 = arith.cmpi ne, %sign3A_890, %sign3A_897 : i32
    %rem3A_899 = arith.remsi %add3A_881, %jit3A_882 : i32
    %ne3A_900 = arith.constant 0 : i32
    %ne3A_901 = arith.cmpi ne, %rem3A_899, %ne3A_900 : i32
    %and3A_902 = arith.andi %ne3A_898, %ne3A_901 : i1
    %sub3A_903 = arith.constant 1 : i32
    %sub3A_904 = arith.subi %div3A_883, %sub3A_903 : i32
    %select_n3A_905 = arith.select %and3A_902, %sub3A_904, %div3A_883 : i32
    %multiple_of3A_906 = tpu.assume_multiple %select_n3A_905, 8 : i32
    %dma_wait3A_907 = arith.constant 0 : i32
    %dma_wait3A_908 = tpu.memref_slice %arg4[%multiple_of3A_906, %dma_wait3A_907] : memref<8192x128xf32, #tpu.memory_space<hbm>> -> memref<32x128xf32, #tpu.memory_space<hbm>>
    %dma_wait3A_909 = arith.constant 0 : i32
    %dma_wait3A_910 = tpu.memref_slice %arg4[%multiple_of3A_906, %dma_wait3A_909] : memref<8192x128xf32, #tpu.memory_space<hbm>> -> memref<32x128xf32, #tpu.memory_space<hbm>>
    tpu.wait_dma2 semaphore(%arg18 : memref<!tpu.dma_semaphore, #tpu.memory_space<semaphore_mem>>) src(%dma_wait3A_910 : memref<32x128xf32, #tpu.memory_space<hbm>>) dst(%arg12 : memref<32x128xf32, #tpu.memory_space<vmem>>)
    %scan3A_911 = arith.constant 0 : i32
    %scan3A_912 = arith.constant 0 : i32
    %scan3A_913 = arith.constant 64 : i32
    %scan3A_914 = arith.addi %scan3A_912, %scan3A_913 : i32
    %scan3A_915 = arith.constant 1 : i32
    scf.for %scan3A_1203 = %scan3A_912 to %scan3A_914 step %scan3A_915  : i32 {
      %add3A_1204 = arith.constant 192 : i32
      %add3A_1205 = arith.addi %add3A_1204, %scan3A_1203 : i32
      %and3A_1206 = arith.constant -16 : i32
      %and3A_1207 = arith.andi %add3A_1205, %and3A_1206 : i32
      %get3A_1208 = arith.index_cast %and3A_1207 : i32 to index
      %get3A_1209 = tpu.vector_load %arg8[%get3A_1208] {strides = array<i32>} : memref<512xf32, #tpu.memory_space<vmem>>, vector<16xf32>,
      %get3A_1210 = vector.shape_cast %get3A_1209 : vector<16xf32> to vector<16xf32>
      %and3A_1211 = arith.constant 15 : i32
      %and3A_1212 = arith.andi %add3A_1205, %and3A_1211 : i32
      %broadcast_in_dim3A = vector.broadcast %and3A_1212 : i32 to vector<16x1xi32>
      %gather3A = vector.shape_cast %broadcast_in_dim3A : vector<16x1xi32> to vector<16xi32>
      %gather3A_1213 = tpu.dynamic_gather %get3A_1210[%gather3A] in [0] : vector<16xf32>, vector<16xi32> -> vector<16xf32>
      %and3A_1214 = arith.constant 1 : i32
      %and3A_1215 = arith.andi %scan3A_1203, %and3A_1214 : i32
      %mul3A_1216 = arith.constant 64 : i32
      %mul3A_1217 = arith.muli %and3A_1215, %mul3A_1216 : i32
      %get3A_1218 = arith.index_cast %scan3A_1203 : i32 to index
      %get3A_1219 = arith.constant 0 : index
      %get3A_1220 = tpu.vector_load %arg10[%get3A_1218, %get3A_1219] {strides = array<i32>} : memref<64x128xf32, #tpu.memory_space<vmem>>, vector<1x16xf32>,
      %get3A_1221 = vector.shape_cast %get3A_1220 : vector<1x16xf32> to vector<16xf32>
      %get3A_1222 = arith.index_cast %scan3A_1203 : i32 to index
      %get3A_1223 = arith.constant 64 : index
      %get3A_1224 = tpu.vector_load %arg10[%get3A_1222, %get3A_1223] {strides = array<i32>} : memref<64x128xf32, #tpu.memory_space<vmem>>, vector<1x16xf32>,
      %get3A_1225 = vector.shape_cast %get3A_1224 : vector<1x16xf32> to vector<16xf32>
      %shift_right_logical3A_1226 = arith.constant 1 : i32
      %shift_right_logical3A_1227 = arith.shrui %scan3A_1203, %shift_right_logical3A_1226 : i32
      %add3A_1228 = arith.constant 0 : i32
      %add3A_1229 = arith.addi %mul3A_1217, %add3A_1228 : i32
      %get3A_1230 = arith.index_cast %shift_right_logical3A_1227 : i32 to index
      %get3A_1231 = arith.index_cast %add3A_1229 : i32 to index
      %get3A_1232 = tpu.vector_load %arg12[%get3A_1230, %get3A_1231] {strides = array<i32>} : memref<32x128xf32, #tpu.memory_space<vmem>>, vector<1x16xf32>,
      %get3A_1233 = vector.shape_cast %get3A_1232 : vector<1x16xf32> to vector<16xf32>
      %add3A_1234 = arith.addf %get3A_1233, %get3A_1221 : vector<16xf32>
      %sub3A_1235 = arith.subf %get3A_1225, %get3A_1221 : vector<16xf32>
      %mul3A_1236 = arith.mulf %gather3A_1213, %sub3A_1235 : vector<16xf32>
      %add3A_1237 = arith.addf %add3A_1234, %mul3A_1236 : vector<16xf32>
      %swap3A_1238 = arith.index_cast %scan3A_1203 : i32 to index
      %swap3A_1239 = arith.constant 0 : index
      %swap3A_1240 = tpu.vector_load %arg14[%swap3A_1238, %swap3A_1239] {strides = array<i32>} : memref<64x64xf32, #tpu.memory_space<vmem>>, vector<1x16xf32>,
      %swap3A_1241 = vector.shape_cast %swap3A_1240 : vector<1x16xf32> to vector<16xf32>
      %swap3A_1242 = vector.shape_cast %add3A_1237 : vector<16xf32> to vector<1x16xf32>
      tpu.vector_store %arg14[%swap3A_1238, %swap3A_1239], %swap3A_1242 {strides = array<i32>} : memref<64x64xf32, #tpu.memory_space<vmem>>, vector<1x16xf32>,
      %get3A_1243 = arith.index_cast %scan3A_1203 : i32 to index
      %get3A_1244 = arith.constant 16 : index
      %get3A_1245 = tpu.vector_load %arg10[%get3A_1243, %get3A_1244] {strides = array<i32>} : memref<64x128xf32, #tpu.memory_space<vmem>>, vector<1x16xf32>,
      %get3A_1246 = vector.shape_cast %get3A_1245 : vector<1x16xf32> to vector<16xf32>
      %get3A_1247 = arith.index_cast %scan3A_1203 : i32 to index
      %get3A_1248 = arith.constant 80 : index
      %get3A_1249 = tpu.vector_load %arg10[%get3A_1247, %get3A_1248] {strides = array<i32>} : memref<64x128xf32, #tpu.memory_space<vmem>>, vector<1x16xf32>,
      %get3A_1250 = vector.shape_cast %get3A_1249 : vector<1x16xf32> to vector<16xf32>
      %shift_right_logical3A_1251 = arith.constant 1 : i32
      %shift_right_logical3A_1252 = arith.shrui %scan3A_1203, %shift_right_logical3A_1251 : i32
      %add3A_1253 = arith.constant 16 : i32
      %add3A_1254 = arith.addi %mul3A_1217, %add3A_1253 : i32
      %get3A_1255 = arith.index_cast %shift_right_logical3A_1252 : i32 to index
      %get3A_1256 = arith.index_cast %add3A_1254 : i32 to index
      %get3A_1257 = tpu.vector_load %arg12[%get3A_1255, %get3A_1256] {strides = array<i32>} : memref<32x128xf32, #tpu.memory_space<vmem>>, vector<1x16xf32>,
      %get3A_1258 = vector.shape_cast %get3A_1257 : vector<1x16xf32> to vector<16xf32>
      %add3A_1259 = arith.addf %get3A_1258, %get3A_1246 : vector<16xf32>
      %sub3A_1260 = arith.subf %get3A_1250, %get3A_1246 : vector<16xf32>
      %mul3A_1261 = arith.mulf %gather3A_1213, %sub3A_1260 : vector<16xf32>
      %add3A_1262 = arith.addf %add3A_1259, %mul3A_1261 : vector<16xf32>
      %swap3A_1263 = arith.index_cast %scan3A_1203 : i32 to index
      %swap3A_1264 = arith.constant 16 : index
      %swap3A_1265 = tpu.vector_load %arg14[%swap3A_1263, %swap3A_1264] {strides = array<i32>} : memref<64x64xf32, #tpu.memory_space<vmem>>, vector<1x16xf32>,
      %swap3A_1266 = vector.shape_cast %swap3A_1265 : vector<1x16xf32> to vector<16xf32>
      %swap3A_1267 = vector.shape_cast %add3A_1262 : vector<16xf32> to vector<1x16xf32>
      tpu.vector_store %arg14[%swap3A_1263, %swap3A_1264], %swap3A_1267 {strides = array<i32>} : memref<64x64xf32, #tpu.memory_space<vmem>>, vector<1x16xf32>,
      %get3A_1268 = arith.index_cast %scan3A_1203 : i32 to index
      %get3A_1269 = arith.constant 32 : index
      %get3A_1270 = tpu.vector_load %arg10[%get3A_1268, %get3A_1269] {strides = array<i32>} : memref<64x128xf32, #tpu.memory_space<vmem>>, vector<1x16xf32>,
      %get3A_1271 = vector.shape_cast %get3A_1270 : vector<1x16xf32> to vector<16xf32>
      %get3A_1272 = arith.index_cast %scan3A_1203 : i32 to index
      %get3A_1273 = arith.constant 96 : index
      %get3A_1274 = tpu.vector_load %arg10[%get3A_1272, %get3A_1273] {strides = array<i32>} : memref<64x128xf32, #tpu.memory_space<vmem>>, vector<1x16xf32>,
      %get3A_1275 = vector.shape_cast %get3A_1274 : vector<1x16xf32> to vector<16xf32>
      %shift_right_logical3A_1276 = arith.constant 1 : i32
      %shift_right_logical3A_1277 = arith.shrui %scan3A_1203, %shift_right_logical3A_1276 : i32
      %add3A_1278 = arith.constant 32 : i32
      %add3A_1279 = arith.addi %mul3A_1217, %add3A_1278 : i32
      %get3A_1280 = arith.index_cast %shift_right_logical3A_1277 : i32 to index
      %get3A_1281 = arith.index_cast %add3A_1279 : i32 to index
      %get3A_1282 = tpu.vector_load %arg12[%get3A_1280, %get3A_1281] {strides = array<i32>} : memref<32x128xf32, #tpu.memory_space<vmem>>, vector<1x16xf32>,
      %get3A_1283 = vector.shape_cast %get3A_1282 : vector<1x16xf32> to vector<16xf32>
      %add3A_1284 = arith.addf %get3A_1283, %get3A_1271 : vector<16xf32>
      %sub3A_1285 = arith.subf %get3A_1275, %get3A_1271 : vector<16xf32>
      %mul3A_1286 = arith.mulf %gather3A_1213, %sub3A_1285 : vector<16xf32>
      %add3A_1287 = arith.addf %add3A_1284, %mul3A_1286 : vector<16xf32>
      %swap3A_1288 = arith.index_cast %scan3A_1203 : i32 to index
      %swap3A_1289 = arith.constant 32 : index
      %swap3A_1290 = tpu.vector_load %arg14[%swap3A_1288, %swap3A_1289] {strides = array<i32>} : memref<64x64xf32, #tpu.memory_space<vmem>>, vector<1x16xf32>,
      %swap3A_1291 = vector.shape_cast %swap3A_1290 : vector<1x16xf32> to vector<16xf32>
      %swap3A_1292 = vector.shape_cast %add3A_1287 : vector<16xf32> to vector<1x16xf32>
      tpu.vector_store %arg14[%swap3A_1288, %swap3A_1289], %swap3A_1292 {strides = array<i32>} : memref<64x64xf32, #tpu.memory_space<vmem>>, vector<1x16xf32>,
      %get3A_1293 = arith.index_cast %scan3A_1203 : i32 to index
      %get3A_1294 = arith.constant 48 : index
      %get3A_1295 = tpu.vector_load %arg10[%get3A_1293, %get3A_1294] {strides = array<i32>} : memref<64x128xf32, #tpu.memory_space<vmem>>, vector<1x16xf32>,
      %get3A_1296 = vector.shape_cast %get3A_1295 : vector<1x16xf32> to vector<16xf32>
      %get3A_1297 = arith.index_cast %scan3A_1203 : i32 to index
      %get3A_1298 = arith.constant 112 : index
      %get3A_1299 = tpu.vector_load %arg10[%get3A_1297, %get3A_1298] {strides = array<i32>} : memref<64x128xf32, #tpu.memory_space<vmem>>, vector<1x16xf32>,
      %get3A_1300 = vector.shape_cast %get3A_1299 : vector<1x16xf32> to vector<16xf32>
      %shift_right_logical3A_1301 = arith.constant 1 : i32
      %shift_right_logical3A_1302 = arith.shrui %scan3A_1203, %shift_right_logical3A_1301 : i32
      %add3A_1303 = arith.constant 48 : i32
      %add3A_1304 = arith.addi %mul3A_1217, %add3A_1303 : i32
      %get3A_1305 = arith.index_cast %shift_right_logical3A_1302 : i32 to index
      %get3A_1306 = arith.index_cast %add3A_1304 : i32 to index
      %get3A_1307 = tpu.vector_load %arg12[%get3A_1305, %get3A_1306] {strides = array<i32>} : memref<32x128xf32, #tpu.memory_space<vmem>>, vector<1x16xf32>,
      %get3A_1308 = vector.shape_cast %get3A_1307 : vector<1x16xf32> to vector<16xf32>
      %add3A_1309 = arith.addf %get3A_1308, %get3A_1296 : vector<16xf32>
      %sub3A_1310 = arith.subf %get3A_1300, %get3A_1296 : vector<16xf32>
      %mul3A_1311 = arith.mulf %gather3A_1213, %sub3A_1310 : vector<16xf32>
      %add3A_1312 = arith.addf %add3A_1309, %mul3A_1311 : vector<16xf32>
      %swap3A_1313 = arith.index_cast %scan3A_1203 : i32 to index
      %swap3A_1314 = arith.constant 48 : index
      %swap3A_1315 = tpu.vector_load %arg14[%swap3A_1313, %swap3A_1314] {strides = array<i32>} : memref<64x64xf32, #tpu.memory_space<vmem>>, vector<1x16xf32>,
      %swap3A_1316 = vector.shape_cast %swap3A_1315 : vector<1x16xf32> to vector<16xf32>
      %swap3A_1317 = vector.shape_cast %add3A_1312 : vector<16xf32> to vector<1x16xf32>
      tpu.vector_store %arg14[%swap3A_1313, %swap3A_1314], %swap3A_1317 {strides = array<i32>} : memref<64x64xf32, #tpu.memory_space<vmem>>, vector<1x16xf32>,
    }
    %scan3A_916 = arith.constant 64 : i32
    %add3A_917 = arith.constant 192 : i32
    %add3A_918 = arith.addi %mul3A_2, %add3A_917 : i32
    "tpu.region"() ({
      %run_scoped3A = tpu.sem_alloc : memref<!tpu.dma_semaphore, #tpu.memory_space<semaphore_mem>>
      %dma_start3A_1203 = arith.constant 0 : i32
      %dma_start3A_1204 = tpu.memref_slice %arg5[%add3A_918, %dma_start3A_1203] : memref<16384x64xf32, #tpu.memory_space<hbm>> -> memref<64x64xf32, #tpu.memory_space<hbm>>
      %dma_start3A_1205 = arith.constant 0 : i32
      %dma_start3A_1206 = tpu.memref_slice %arg5[%add3A_918, %dma_start3A_1205] : memref<16384x64xf32, #tpu.memory_space<hbm>> -> memref<64x64xf32, #tpu.memory_space<hbm>>
      tpu.enqueue_dma source(%arg14 : memref<64x64xf32, #tpu.memory_space<vmem>>) target(%dma_start3A_1206 : memref<64x64xf32, #tpu.memory_space<hbm>>) target_semaphore(%run_scoped3A : memref<!tpu.dma_semaphore, #tpu.memory_space<semaphore_mem>>)
      %dma_wait3A_1207 = arith.constant 0 : i32
      %dma_wait3A_1208 = tpu.memref_slice %arg5[%add3A_918, %dma_wait3A_1207] : memref<16384x64xf32, #tpu.memory_space<hbm>> -> memref<64x64xf32, #tpu.memory_space<hbm>>
      %dma_wait3A_1209 = arith.constant 0 : i32
      %dma_wait3A_1210 = tpu.memref_slice %arg5[%add3A_918, %dma_wait3A_1209] : memref<16384x64xf32, #tpu.memory_space<hbm>> -> memref<64x64xf32, #tpu.memory_space<hbm>>
      tpu.wait_dma2 semaphore(%run_scoped3A : memref<!tpu.dma_semaphore, #tpu.memory_space<semaphore_mem>>) src(%arg14 : memref<64x64xf32, #tpu.memory_space<vmem>>) dst(%dma_wait3A_1210 : memref<64x64xf32, #tpu.memory_space<hbm>>)
      tpu.yield
    }) : () -> ()
    %dma_start3A_919 = arith.constant 320 : i32
    %dma_start3A_920 = tpu.memref_slice %arg7[%dma_start3A_919] : memref<512xi32, #tpu.memory_space<vmem>> -> memref<64xi32, #tpu.memory_space<vmem>>
    %dma_start3A_921 = arith.constant 0 : i32
    %dma_start3A_922 = arith.constant 0 : i32
    %dma_start3A_923 = tpu.memref_slice %arg2[%dma_start3A_921, %dma_start3A_922] : memref<50000x128xf32, #tpu.memory_space<hbm>> -> memref<50000x128xf32, #tpu.memory_space<hbm>>
    tpu.enqueue_indirect_dma source(%dma_start3A_923 : memref<50000x128xf32, #tpu.memory_space<hbm>>) target(%arg10 : memref<64x128xf32, #tpu.memory_space<vmem>>) offsets(%dma_start3A_920 : memref<64xi32, #tpu.memory_space<vmem>>) semaphore(%arg16 : memref<!tpu.dma_semaphore, #tpu.memory_space<semaphore_mem>>)
    %add3A_924 = arith.constant 320 : i32
    %add3A_925 = arith.addi %mul3A_2, %add3A_924 : i32
    %jit3A_926 = arith.constant 2 : i32
    %div3A_927 = arith.divsi %add3A_925, %jit3A_926 : i32
    %sign3A_928 = arith.constant 0 : i32
    %sign3A_929 = arith.cmpi sgt, %add3A_925, %sign3A_928 : i32
    %sign3A_930 = arith.extui %sign3A_929 : i1 to i32
    %sign3A_931 = arith.constant 0 : i32
    %sign3A_932 = arith.cmpi slt, %add3A_925, %sign3A_931 : i32
    %sign3A_933 = arith.extui %sign3A_932 : i1 to i32
    %sign3A_934 = arith.subi %sign3A_930, %sign3A_933 : i32
    %sign3A_935 = arith.constant 0 : i32
    %sign3A_936 = arith.cmpi sgt, %jit3A_926, %sign3A_935 : i32
    %sign3A_937 = arith.extui %sign3A_936 : i1 to i32
    %sign3A_938 = arith.constant 0 : i32
    %sign3A_939 = arith.cmpi slt, %jit3A_926, %sign3A_938 : i32
    %sign3A_940 = arith.extui %sign3A_939 : i1 to i32
    %sign3A_941 = arith.subi %sign3A_937, %sign3A_940 : i32
    %ne3A_942 = arith.cmpi ne, %sign3A_934, %sign3A_941 : i32
    %rem3A_943 = arith.remsi %add3A_925, %jit3A_926 : i32
    %ne3A_944 = arith.constant 0 : i32
    %ne3A_945 = arith.cmpi ne, %rem3A_943, %ne3A_944 : i32
    %and3A_946 = arith.andi %ne3A_942, %ne3A_945 : i1
    %sub3A_947 = arith.constant 1 : i32
    %sub3A_948 = arith.subi %div3A_927, %sub3A_947 : i32
    %select_n3A_949 = arith.select %and3A_946, %sub3A_948, %div3A_927 : i32
    %multiple_of3A_950 = tpu.assume_multiple %select_n3A_949, 8 : i32
    %dma_start3A_951 = arith.constant 0 : i32
    %dma_start3A_952 = tpu.memref_slice %arg4[%multiple_of3A_950, %dma_start3A_951] : memref<8192x128xf32, #tpu.memory_space<hbm>> -> memref<32x128xf32, #tpu.memory_space<hbm>>
    %dma_start3A_953 = arith.constant 0 : i32
    %dma_start3A_954 = tpu.memref_slice %arg4[%multiple_of3A_950, %dma_start3A_953] : memref<8192x128xf32, #tpu.memory_space<hbm>> -> memref<32x128xf32, #tpu.memory_space<hbm>>
    tpu.enqueue_dma source(%dma_start3A_954 : memref<32x128xf32, #tpu.memory_space<hbm>>) target(%arg12 : memref<32x128xf32, #tpu.memory_space<vmem>>) target_semaphore(%arg18 : memref<!tpu.dma_semaphore, #tpu.memory_space<semaphore_mem>>)
    %dma_wait3A_955 = arith.constant 256 : i32
    %dma_wait3A_956 = tpu.memref_slice %arg7[%dma_wait3A_955] : memref<512xi32, #tpu.memory_space<vmem>> -> memref<64xi32, #tpu.memory_space<vmem>>
    %dma_wait3A_957 = arith.constant 0 : i32
    %dma_wait3A_958 = arith.constant 0 : i32
    %dma_wait3A_959 = tpu.memref_slice %arg2[%dma_wait3A_957, %dma_wait3A_958] : memref<50000x128xf32, #tpu.memory_space<hbm>> -> memref<50000x128xf32, #tpu.memory_space<hbm>>
    tpu.wait_indirect_dma semaphore(%arg15 : memref<!tpu.dma_semaphore, #tpu.memory_space<semaphore_mem>>) src(%dma_wait3A_959 : memref<50000x128xf32, #tpu.memory_space<hbm>>) dst(%arg9 : memref<64x128xf32, #tpu.memory_space<vmem>>)
    %add3A_960 = arith.constant 256 : i32
    %add3A_961 = arith.addi %mul3A_2, %add3A_960 : i32
    %jit3A_962 = arith.constant 2 : i32
    %div3A_963 = arith.divsi %add3A_961, %jit3A_962 : i32
    %sign3A_964 = arith.constant 0 : i32
    %sign3A_965 = arith.cmpi sgt, %add3A_961, %sign3A_964 : i32
    %sign3A_966 = arith.extui %sign3A_965 : i1 to i32
    %sign3A_967 = arith.constant 0 : i32
    %sign3A_968 = arith.cmpi slt, %add3A_961, %sign3A_967 : i32
    %sign3A_969 = arith.extui %sign3A_968 : i1 to i32
    %sign3A_970 = arith.subi %sign3A_966, %sign3A_969 : i32
    %sign3A_971 = arith.constant 0 : i32
    %sign3A_972 = arith.cmpi sgt, %jit3A_962, %sign3A_971 : i32
    %sign3A_973 = arith.extui %sign3A_972 : i1 to i32
    %sign3A_974 = arith.constant 0 : i32
    %sign3A_975 = arith.cmpi slt, %jit3A_962, %sign3A_974 : i32
    %sign3A_976 = arith.extui %sign3A_975 : i1 to i32
    %sign3A_977 = arith.subi %sign3A_973, %sign3A_976 : i32
    %ne3A_978 = arith.cmpi ne, %sign3A_970, %sign3A_977 : i32
    %rem3A_979 = arith.remsi %add3A_961, %jit3A_962 : i32
    %ne3A_980 = arith.constant 0 : i32
    %ne3A_981 = arith.cmpi ne, %rem3A_979, %ne3A_980 : i32
    %and3A_982 = arith.andi %ne3A_978, %ne3A_981 : i1
    %sub3A_983 = arith.constant 1 : i32
    %sub3A_984 = arith.subi %div3A_963, %sub3A_983 : i32
    %select_n3A_985 = arith.select %and3A_982, %sub3A_984, %div3A_963 : i32
    %multiple_of3A_986 = tpu.assume_multiple %select_n3A_985, 8 : i32
    %dma_wait3A_987 = arith.constant 0 : i32
    %dma_wait3A_988 = tpu.memref_slice %arg4[%multiple_of3A_986, %dma_wait3A_987] : memref<8192x128xf32, #tpu.memory_space<hbm>> -> memref<32x128xf32, #tpu.memory_space<hbm>>
    %dma_wait3A_989 = arith.constant 0 : i32
    %dma_wait3A_990 = tpu.memref_slice %arg4[%multiple_of3A_986, %dma_wait3A_989] : memref<8192x128xf32, #tpu.memory_space<hbm>> -> memref<32x128xf32, #tpu.memory_space<hbm>>
    tpu.wait_dma2 semaphore(%arg17 : memref<!tpu.dma_semaphore, #tpu.memory_space<semaphore_mem>>) src(%dma_wait3A_990 : memref<32x128xf32, #tpu.memory_space<hbm>>) dst(%arg11 : memref<32x128xf32, #tpu.memory_space<vmem>>)
    %scan3A_991 = arith.constant 0 : i32
    %scan3A_992 = arith.constant 0 : i32
    %scan3A_993 = arith.constant 64 : i32
    %scan3A_994 = arith.addi %scan3A_992, %scan3A_993 : i32
    %scan3A_995 = arith.constant 1 : i32
    scf.for %scan3A_1203 = %scan3A_992 to %scan3A_994 step %scan3A_995  : i32 {
      %add3A_1204 = arith.constant 256 : i32
      %add3A_1205 = arith.addi %add3A_1204, %scan3A_1203 : i32
      %and3A_1206 = arith.constant -16 : i32
      %and3A_1207 = arith.andi %add3A_1205, %and3A_1206 : i32
      %get3A_1208 = arith.index_cast %and3A_1207 : i32 to index
      %get3A_1209 = tpu.vector_load %arg8[%get3A_1208] {strides = array<i32>} : memref<512xf32, #tpu.memory_space<vmem>>, vector<16xf32>,
      %get3A_1210 = vector.shape_cast %get3A_1209 : vector<16xf32> to vector<16xf32>
      %and3A_1211 = arith.constant 15 : i32
      %and3A_1212 = arith.andi %add3A_1205, %and3A_1211 : i32
      %broadcast_in_dim3A = vector.broadcast %and3A_1212 : i32 to vector<16x1xi32>
      %gather3A = vector.shape_cast %broadcast_in_dim3A : vector<16x1xi32> to vector<16xi32>
      %gather3A_1213 = tpu.dynamic_gather %get3A_1210[%gather3A] in [0] : vector<16xf32>, vector<16xi32> -> vector<16xf32>
      %and3A_1214 = arith.constant 1 : i32
      %and3A_1215 = arith.andi %scan3A_1203, %and3A_1214 : i32
      %mul3A_1216 = arith.constant 64 : i32
      %mul3A_1217 = arith.muli %and3A_1215, %mul3A_1216 : i32
      %get3A_1218 = arith.index_cast %scan3A_1203 : i32 to index
      %get3A_1219 = arith.constant 0 : index
      %get3A_1220 = tpu.vector_load %arg9[%get3A_1218, %get3A_1219] {strides = array<i32>} : memref<64x128xf32, #tpu.memory_space<vmem>>, vector<1x16xf32>,
      %get3A_1221 = vector.shape_cast %get3A_1220 : vector<1x16xf32> to vector<16xf32>
      %get3A_1222 = arith.index_cast %scan3A_1203 : i32 to index
      %get3A_1223 = arith.constant 64 : index
      %get3A_1224 = tpu.vector_load %arg9[%get3A_1222, %get3A_1223] {strides = array<i32>} : memref<64x128xf32, #tpu.memory_space<vmem>>, vector<1x16xf32>,
      %get3A_1225 = vector.shape_cast %get3A_1224 : vector<1x16xf32> to vector<16xf32>
      %shift_right_logical3A_1226 = arith.constant 1 : i32
      %shift_right_logical3A_1227 = arith.shrui %scan3A_1203, %shift_right_logical3A_1226 : i32
      %add3A_1228 = arith.constant 0 : i32
      %add3A_1229 = arith.addi %mul3A_1217, %add3A_1228 : i32
      %get3A_1230 = arith.index_cast %shift_right_logical3A_1227 : i32 to index
      %get3A_1231 = arith.index_cast %add3A_1229 : i32 to index
      %get3A_1232 = tpu.vector_load %arg11[%get3A_1230, %get3A_1231] {strides = array<i32>} : memref<32x128xf32, #tpu.memory_space<vmem>>, vector<1x16xf32>,
      %get3A_1233 = vector.shape_cast %get3A_1232 : vector<1x16xf32> to vector<16xf32>
      %add3A_1234 = arith.addf %get3A_1233, %get3A_1221 : vector<16xf32>
      %sub3A_1235 = arith.subf %get3A_1225, %get3A_1221 : vector<16xf32>
      %mul3A_1236 = arith.mulf %gather3A_1213, %sub3A_1235 : vector<16xf32>
      %add3A_1237 = arith.addf %add3A_1234, %mul3A_1236 : vector<16xf32>
      %swap3A_1238 = arith.index_cast %scan3A_1203 : i32 to index
      %swap3A_1239 = arith.constant 0 : index
      %swap3A_1240 = tpu.vector_load %arg13[%swap3A_1238, %swap3A_1239] {strides = array<i32>} : memref<64x64xf32, #tpu.memory_space<vmem>>, vector<1x16xf32>,
      %swap3A_1241 = vector.shape_cast %swap3A_1240 : vector<1x16xf32> to vector<16xf32>
      %swap3A_1242 = vector.shape_cast %add3A_1237 : vector<16xf32> to vector<1x16xf32>
      tpu.vector_store %arg13[%swap3A_1238, %swap3A_1239], %swap3A_1242 {strides = array<i32>} : memref<64x64xf32, #tpu.memory_space<vmem>>, vector<1x16xf32>,
      %get3A_1243 = arith.index_cast %scan3A_1203 : i32 to index
      %get3A_1244 = arith.constant 16 : index
      %get3A_1245 = tpu.vector_load %arg9[%get3A_1243, %get3A_1244] {strides = array<i32>} : memref<64x128xf32, #tpu.memory_space<vmem>>, vector<1x16xf32>,
      %get3A_1246 = vector.shape_cast %get3A_1245 : vector<1x16xf32> to vector<16xf32>
      %get3A_1247 = arith.index_cast %scan3A_1203 : i32 to index
      %get3A_1248 = arith.constant 80 : index
      %get3A_1249 = tpu.vector_load %arg9[%get3A_1247, %get3A_1248] {strides = array<i32>} : memref<64x128xf32, #tpu.memory_space<vmem>>, vector<1x16xf32>,
      %get3A_1250 = vector.shape_cast %get3A_1249 : vector<1x16xf32> to vector<16xf32>
      %shift_right_logical3A_1251 = arith.constant 1 : i32
      %shift_right_logical3A_1252 = arith.shrui %scan3A_1203, %shift_right_logical3A_1251 : i32
      %add3A_1253 = arith.constant 16 : i32
      %add3A_1254 = arith.addi %mul3A_1217, %add3A_1253 : i32
      %get3A_1255 = arith.index_cast %shift_right_logical3A_1252 : i32 to index
      %get3A_1256 = arith.index_cast %add3A_1254 : i32 to index
      %get3A_1257 = tpu.vector_load %arg11[%get3A_1255, %get3A_1256] {strides = array<i32>} : memref<32x128xf32, #tpu.memory_space<vmem>>, vector<1x16xf32>,
      %get3A_1258 = vector.shape_cast %get3A_1257 : vector<1x16xf32> to vector<16xf32>
      %add3A_1259 = arith.addf %get3A_1258, %get3A_1246 : vector<16xf32>
      %sub3A_1260 = arith.subf %get3A_1250, %get3A_1246 : vector<16xf32>
      %mul3A_1261 = arith.mulf %gather3A_1213, %sub3A_1260 : vector<16xf32>
      %add3A_1262 = arith.addf %add3A_1259, %mul3A_1261 : vector<16xf32>
      %swap3A_1263 = arith.index_cast %scan3A_1203 : i32 to index
      %swap3A_1264 = arith.constant 16 : index
      %swap3A_1265 = tpu.vector_load %arg13[%swap3A_1263, %swap3A_1264] {strides = array<i32>} : memref<64x64xf32, #tpu.memory_space<vmem>>, vector<1x16xf32>,
      %swap3A_1266 = vector.shape_cast %swap3A_1265 : vector<1x16xf32> to vector<16xf32>
      %swap3A_1267 = vector.shape_cast %add3A_1262 : vector<16xf32> to vector<1x16xf32>
      tpu.vector_store %arg13[%swap3A_1263, %swap3A_1264], %swap3A_1267 {strides = array<i32>} : memref<64x64xf32, #tpu.memory_space<vmem>>, vector<1x16xf32>,
      %get3A_1268 = arith.index_cast %scan3A_1203 : i32 to index
      %get3A_1269 = arith.constant 32 : index
      %get3A_1270 = tpu.vector_load %arg9[%get3A_1268, %get3A_1269] {strides = array<i32>} : memref<64x128xf32, #tpu.memory_space<vmem>>, vector<1x16xf32>,
      %get3A_1271 = vector.shape_cast %get3A_1270 : vector<1x16xf32> to vector<16xf32>
      %get3A_1272 = arith.index_cast %scan3A_1203 : i32 to index
      %get3A_1273 = arith.constant 96 : index
      %get3A_1274 = tpu.vector_load %arg9[%get3A_1272, %get3A_1273] {strides = array<i32>} : memref<64x128xf32, #tpu.memory_space<vmem>>, vector<1x16xf32>,
      %get3A_1275 = vector.shape_cast %get3A_1274 : vector<1x16xf32> to vector<16xf32>
      %shift_right_logical3A_1276 = arith.constant 1 : i32
      %shift_right_logical3A_1277 = arith.shrui %scan3A_1203, %shift_right_logical3A_1276 : i32
      %add3A_1278 = arith.constant 32 : i32
      %add3A_1279 = arith.addi %mul3A_1217, %add3A_1278 : i32
      %get3A_1280 = arith.index_cast %shift_right_logical3A_1277 : i32 to index
      %get3A_1281 = arith.index_cast %add3A_1279 : i32 to index
      %get3A_1282 = tpu.vector_load %arg11[%get3A_1280, %get3A_1281] {strides = array<i32>} : memref<32x128xf32, #tpu.memory_space<vmem>>, vector<1x16xf32>,
      %get3A_1283 = vector.shape_cast %get3A_1282 : vector<1x16xf32> to vector<16xf32>
      %add3A_1284 = arith.addf %get3A_1283, %get3A_1271 : vector<16xf32>
      %sub3A_1285 = arith.subf %get3A_1275, %get3A_1271 : vector<16xf32>
      %mul3A_1286 = arith.mulf %gather3A_1213, %sub3A_1285 : vector<16xf32>
      %add3A_1287 = arith.addf %add3A_1284, %mul3A_1286 : vector<16xf32>
      %swap3A_1288 = arith.index_cast %scan3A_1203 : i32 to index
      %swap3A_1289 = arith.constant 32 : index
      %swap3A_1290 = tpu.vector_load %arg13[%swap3A_1288, %swap3A_1289] {strides = array<i32>} : memref<64x64xf32, #tpu.memory_space<vmem>>, vector<1x16xf32>,
      %swap3A_1291 = vector.shape_cast %swap3A_1290 : vector<1x16xf32> to vector<16xf32>
      %swap3A_1292 = vector.shape_cast %add3A_1287 : vector<16xf32> to vector<1x16xf32>
      tpu.vector_store %arg13[%swap3A_1288, %swap3A_1289], %swap3A_1292 {strides = array<i32>} : memref<64x64xf32, #tpu.memory_space<vmem>>, vector<1x16xf32>,
      %get3A_1293 = arith.index_cast %scan3A_1203 : i32 to index
      %get3A_1294 = arith.constant 48 : index
      %get3A_1295 = tpu.vector_load %arg9[%get3A_1293, %get3A_1294] {strides = array<i32>} : memref<64x128xf32, #tpu.memory_space<vmem>>, vector<1x16xf32>,
      %get3A_1296 = vector.shape_cast %get3A_1295 : vector<1x16xf32> to vector<16xf32>
      %get3A_1297 = arith.index_cast %scan3A_1203 : i32 to index
      %get3A_1298 = arith.constant 112 : index
      %get3A_1299 = tpu.vector_load %arg9[%get3A_1297, %get3A_1298] {strides = array<i32>} : memref<64x128xf32, #tpu.memory_space<vmem>>, vector<1x16xf32>,
      %get3A_1300 = vector.shape_cast %get3A_1299 : vector<1x16xf32> to vector<16xf32>
      %shift_right_logical3A_1301 = arith.constant 1 : i32
      %shift_right_logical3A_1302 = arith.shrui %scan3A_1203, %shift_right_logical3A_1301 : i32
      %add3A_1303 = arith.constant 48 : i32
      %add3A_1304 = arith.addi %mul3A_1217, %add3A_1303 : i32
      %get3A_1305 = arith.index_cast %shift_right_logical3A_1302 : i32 to index
      %get3A_1306 = arith.index_cast %add3A_1304 : i32 to index
      %get3A_1307 = tpu.vector_load %arg11[%get3A_1305, %get3A_1306] {strides = array<i32>} : memref<32x128xf32, #tpu.memory_space<vmem>>, vector<1x16xf32>,
      %get3A_1308 = vector.shape_cast %get3A_1307 : vector<1x16xf32> to vector<16xf32>
      %add3A_1309 = arith.addf %get3A_1308, %get3A_1296 : vector<16xf32>
      %sub3A_1310 = arith.subf %get3A_1300, %get3A_1296 : vector<16xf32>
      %mul3A_1311 = arith.mulf %gather3A_1213, %sub3A_1310 : vector<16xf32>
      %add3A_1312 = arith.addf %add3A_1309, %mul3A_1311 : vector<16xf32>
      %swap3A_1313 = arith.index_cast %scan3A_1203 : i32 to index
      %swap3A_1314 = arith.constant 48 : index
      %swap3A_1315 = tpu.vector_load %arg13[%swap3A_1313, %swap3A_1314] {strides = array<i32>} : memref<64x64xf32, #tpu.memory_space<vmem>>, vector<1x16xf32>,
      %swap3A_1316 = vector.shape_cast %swap3A_1315 : vector<1x16xf32> to vector<16xf32>
      %swap3A_1317 = vector.shape_cast %add3A_1312 : vector<16xf32> to vector<1x16xf32>
      tpu.vector_store %arg13[%swap3A_1313, %swap3A_1314], %swap3A_1317 {strides = array<i32>} : memref<64x64xf32, #tpu.memory_space<vmem>>, vector<1x16xf32>,
    }
    %scan3A_996 = arith.constant 64 : i32
    %add3A_997 = arith.constant 256 : i32
    %add3A_998 = arith.addi %mul3A_2, %add3A_997 : i32
    "tpu.region"() ({
      %run_scoped3A = tpu.sem_alloc : memref<!tpu.dma_semaphore, #tpu.memory_space<semaphore_mem>>
      %dma_start3A_1203 = arith.constant 0 : i32
      %dma_start3A_1204 = tpu.memref_slice %arg5[%add3A_998, %dma_start3A_1203] : memref<16384x64xf32, #tpu.memory_space<hbm>> -> memref<64x64xf32, #tpu.memory_space<hbm>>
      %dma_start3A_1205 = arith.constant 0 : i32
      %dma_start3A_1206 = tpu.memref_slice %arg5[%add3A_998, %dma_start3A_1205] : memref<16384x64xf32, #tpu.memory_space<hbm>> -> memref<64x64xf32, #tpu.memory_space<hbm>>
      tpu.enqueue_dma source(%arg13 : memref<64x64xf32, #tpu.memory_space<vmem>>) target(%dma_start3A_1206 : memref<64x64xf32, #tpu.memory_space<hbm>>) target_semaphore(%run_scoped3A : memref<!tpu.dma_semaphore, #tpu.memory_space<semaphore_mem>>)
      %dma_wait3A_1207 = arith.constant 0 : i32
      %dma_wait3A_1208 = tpu.memref_slice %arg5[%add3A_998, %dma_wait3A_1207] : memref<16384x64xf32, #tpu.memory_space<hbm>> -> memref<64x64xf32, #tpu.memory_space<hbm>>
      %dma_wait3A_1209 = arith.constant 0 : i32
      %dma_wait3A_1210 = tpu.memref_slice %arg5[%add3A_998, %dma_wait3A_1209] : memref<16384x64xf32, #tpu.memory_space<hbm>> -> memref<64x64xf32, #tpu.memory_space<hbm>>
      tpu.wait_dma2 semaphore(%run_scoped3A : memref<!tpu.dma_semaphore, #tpu.memory_space<semaphore_mem>>) src(%arg13 : memref<64x64xf32, #tpu.memory_space<vmem>>) dst(%dma_wait3A_1210 : memref<64x64xf32, #tpu.memory_space<hbm>>)
      tpu.yield
    }) : () -> ()
    %dma_start3A_999 = arith.constant 384 : i32
    %dma_start3A_1000 = tpu.memref_slice %arg7[%dma_start3A_999] : memref<512xi32, #tpu.memory_space<vmem>> -> memref<64xi32, #tpu.memory_space<vmem>>
    %dma_start3A_1001 = arith.constant 0 : i32
    %dma_start3A_1002 = arith.constant 0 : i32
    %dma_start3A_1003 = tpu.memref_slice %arg2[%dma_start3A_1001, %dma_start3A_1002] : memref<50000x128xf32, #tpu.memory_space<hbm>> -> memref<50000x128xf32, #tpu.memory_space<hbm>>
    tpu.enqueue_indirect_dma source(%dma_start3A_1003 : memref<50000x128xf32, #tpu.memory_space<hbm>>) target(%arg9 : memref<64x128xf32, #tpu.memory_space<vmem>>) offsets(%dma_start3A_1000 : memref<64xi32, #tpu.memory_space<vmem>>) semaphore(%arg15 : memref<!tpu.dma_semaphore, #tpu.memory_space<semaphore_mem>>)
    %add3A_1004 = arith.constant 384 : i32
    %add3A_1005 = arith.addi %mul3A_2, %add3A_1004 : i32
    %jit3A_1006 = arith.constant 2 : i32
    %div3A_1007 = arith.divsi %add3A_1005, %jit3A_1006 : i32
    %sign3A_1008 = arith.constant 0 : i32
    %sign3A_1009 = arith.cmpi sgt, %add3A_1005, %sign3A_1008 : i32
    %sign3A_1010 = arith.extui %sign3A_1009 : i1 to i32
    %sign3A_1011 = arith.constant 0 : i32
    %sign3A_1012 = arith.cmpi slt, %add3A_1005, %sign3A_1011 : i32
    %sign3A_1013 = arith.extui %sign3A_1012 : i1 to i32
    %sign3A_1014 = arith.subi %sign3A_1010, %sign3A_1013 : i32
    %sign3A_1015 = arith.constant 0 : i32
    %sign3A_1016 = arith.cmpi sgt, %jit3A_1006, %sign3A_1015 : i32
    %sign3A_1017 = arith.extui %sign3A_1016 : i1 to i32
    %sign3A_1018 = arith.constant 0 : i32
    %sign3A_1019 = arith.cmpi slt, %jit3A_1006, %sign3A_1018 : i32
    %sign3A_1020 = arith.extui %sign3A_1019 : i1 to i32
    %sign3A_1021 = arith.subi %sign3A_1017, %sign3A_1020 : i32
    %ne3A_1022 = arith.cmpi ne, %sign3A_1014, %sign3A_1021 : i32
    %rem3A_1023 = arith.remsi %add3A_1005, %jit3A_1006 : i32
    %ne3A_1024 = arith.constant 0 : i32
    %ne3A_1025 = arith.cmpi ne, %rem3A_1023, %ne3A_1024 : i32
    %and3A_1026 = arith.andi %ne3A_1022, %ne3A_1025 : i1
    %sub3A_1027 = arith.constant 1 : i32
    %sub3A_1028 = arith.subi %div3A_1007, %sub3A_1027 : i32
    %select_n3A_1029 = arith.select %and3A_1026, %sub3A_1028, %div3A_1007 : i32
    %multiple_of3A_1030 = tpu.assume_multiple %select_n3A_1029, 8 : i32
    %dma_start3A_1031 = arith.constant 0 : i32
    %dma_start3A_1032 = tpu.memref_slice %arg4[%multiple_of3A_1030, %dma_start3A_1031] : memref<8192x128xf32, #tpu.memory_space<hbm>> -> memref<32x128xf32, #tpu.memory_space<hbm>>
    %dma_start3A_1033 = arith.constant 0 : i32
    %dma_start3A_1034 = tpu.memref_slice %arg4[%multiple_of3A_1030, %dma_start3A_1033] : memref<8192x128xf32, #tpu.memory_space<hbm>> -> memref<32x128xf32, #tpu.memory_space<hbm>>
    tpu.enqueue_dma source(%dma_start3A_1034 : memref<32x128xf32, #tpu.memory_space<hbm>>) target(%arg11 : memref<32x128xf32, #tpu.memory_space<vmem>>) target_semaphore(%arg17 : memref<!tpu.dma_semaphore, #tpu.memory_space<semaphore_mem>>)
    %dma_wait3A_1035 = arith.constant 320 : i32
    %dma_wait3A_1036 = tpu.memref_slice %arg7[%dma_wait3A_1035] : memref<512xi32, #tpu.memory_space<vmem>> -> memref<64xi32, #tpu.memory_space<vmem>>
    %dma_wait3A_1037 = arith.constant 0 : i32
    %dma_wait3A_1038 = arith.constant 0 : i32
    %dma_wait3A_1039 = tpu.memref_slice %arg2[%dma_wait3A_1037, %dma_wait3A_1038] : memref<50000x128xf32, #tpu.memory_space<hbm>> -> memref<50000x128xf32, #tpu.memory_space<hbm>>
    tpu.wait_indirect_dma semaphore(%arg16 : memref<!tpu.dma_semaphore, #tpu.memory_space<semaphore_mem>>) src(%dma_wait3A_1039 : memref<50000x128xf32, #tpu.memory_space<hbm>>) dst(%arg10 : memref<64x128xf32, #tpu.memory_space<vmem>>)
    %add3A_1040 = arith.constant 320 : i32
    %add3A_1041 = arith.addi %mul3A_2, %add3A_1040 : i32
    %jit3A_1042 = arith.constant 2 : i32
    %div3A_1043 = arith.divsi %add3A_1041, %jit3A_1042 : i32
    %sign3A_1044 = arith.constant 0 : i32
    %sign3A_1045 = arith.cmpi sgt, %add3A_1041, %sign3A_1044 : i32
    %sign3A_1046 = arith.extui %sign3A_1045 : i1 to i32
    %sign3A_1047 = arith.constant 0 : i32
    %sign3A_1048 = arith.cmpi slt, %add3A_1041, %sign3A_1047 : i32
    %sign3A_1049 = arith.extui %sign3A_1048 : i1 to i32
    %sign3A_1050 = arith.subi %sign3A_1046, %sign3A_1049 : i32
    %sign3A_1051 = arith.constant 0 : i32
    %sign3A_1052 = arith.cmpi sgt, %jit3A_1042, %sign3A_1051 : i32
    %sign3A_1053 = arith.extui %sign3A_1052 : i1 to i32
    %sign3A_1054 = arith.constant 0 : i32
    %sign3A_1055 = arith.cmpi slt, %jit3A_1042, %sign3A_1054 : i32
    %sign3A_1056 = arith.extui %sign3A_1055 : i1 to i32
    %sign3A_1057 = arith.subi %sign3A_1053, %sign3A_1056 : i32
    %ne3A_1058 = arith.cmpi ne, %sign3A_1050, %sign3A_1057 : i32
    %rem3A_1059 = arith.remsi %add3A_1041, %jit3A_1042 : i32
    %ne3A_1060 = arith.constant 0 : i32
    %ne3A_1061 = arith.cmpi ne, %rem3A_1059, %ne3A_1060 : i32
    %and3A_1062 = arith.andi %ne3A_1058, %ne3A_1061 : i1
    %sub3A_1063 = arith.constant 1 : i32
    %sub3A_1064 = arith.subi %div3A_1043, %sub3A_1063 : i32
    %select_n3A_1065 = arith.select %and3A_1062, %sub3A_1064, %div3A_1043 : i32
    %multiple_of3A_1066 = tpu.assume_multiple %select_n3A_1065, 8 : i32
    %dma_wait3A_1067 = arith.constant 0 : i32
    %dma_wait3A_1068 = tpu.memref_slice %arg4[%multiple_of3A_1066, %dma_wait3A_1067] : memref<8192x128xf32, #tpu.memory_space<hbm>> -> memref<32x128xf32, #tpu.memory_space<hbm>>
    %dma_wait3A_1069 = arith.constant 0 : i32
    %dma_wait3A_1070 = tpu.memref_slice %arg4[%multiple_of3A_1066, %dma_wait3A_1069] : memref<8192x128xf32, #tpu.memory_space<hbm>> -> memref<32x128xf32, #tpu.memory_space<hbm>>
    tpu.wait_dma2 semaphore(%arg18 : memref<!tpu.dma_semaphore, #tpu.memory_space<semaphore_mem>>) src(%dma_wait3A_1070 : memref<32x128xf32, #tpu.memory_space<hbm>>) dst(%arg12 : memref<32x128xf32, #tpu.memory_space<vmem>>)
    %scan3A_1071 = arith.constant 0 : i32
    %scan3A_1072 = arith.constant 0 : i32
    %scan3A_1073 = arith.constant 64 : i32
    %scan3A_1074 = arith.addi %scan3A_1072, %scan3A_1073 : i32
    %scan3A_1075 = arith.constant 1 : i32
    scf.for %scan3A_1203 = %scan3A_1072 to %scan3A_1074 step %scan3A_1075  : i32 {
      %add3A_1204 = arith.constant 320 : i32
      %add3A_1205 = arith.addi %add3A_1204, %scan3A_1203 : i32
      %and3A_1206 = arith.constant -16 : i32
      %and3A_1207 = arith.andi %add3A_1205, %and3A_1206 : i32
      %get3A_1208 = arith.index_cast %and3A_1207 : i32 to index
      %get3A_1209 = tpu.vector_load %arg8[%get3A_1208] {strides = array<i32>} : memref<512xf32, #tpu.memory_space<vmem>>, vector<16xf32>,
      %get3A_1210 = vector.shape_cast %get3A_1209 : vector<16xf32> to vector<16xf32>
      %and3A_1211 = arith.constant 15 : i32
      %and3A_1212 = arith.andi %add3A_1205, %and3A_1211 : i32
      %broadcast_in_dim3A = vector.broadcast %and3A_1212 : i32 to vector<16x1xi32>
      %gather3A = vector.shape_cast %broadcast_in_dim3A : vector<16x1xi32> to vector<16xi32>
      %gather3A_1213 = tpu.dynamic_gather %get3A_1210[%gather3A] in [0] : vector<16xf32>, vector<16xi32> -> vector<16xf32>
      %and3A_1214 = arith.constant 1 : i32
      %and3A_1215 = arith.andi %scan3A_1203, %and3A_1214 : i32
      %mul3A_1216 = arith.constant 64 : i32
      %mul3A_1217 = arith.muli %and3A_1215, %mul3A_1216 : i32
      %get3A_1218 = arith.index_cast %scan3A_1203 : i32 to index
      %get3A_1219 = arith.constant 0 : index
      %get3A_1220 = tpu.vector_load %arg10[%get3A_1218, %get3A_1219] {strides = array<i32>} : memref<64x128xf32, #tpu.memory_space<vmem>>, vector<1x16xf32>,
      %get3A_1221 = vector.shape_cast %get3A_1220 : vector<1x16xf32> to vector<16xf32>
      %get3A_1222 = arith.index_cast %scan3A_1203 : i32 to index
      %get3A_1223 = arith.constant 64 : index
      %get3A_1224 = tpu.vector_load %arg10[%get3A_1222, %get3A_1223] {strides = array<i32>} : memref<64x128xf32, #tpu.memory_space<vmem>>, vector<1x16xf32>,
      %get3A_1225 = vector.shape_cast %get3A_1224 : vector<1x16xf32> to vector<16xf32>
      %shift_right_logical3A_1226 = arith.constant 1 : i32
      %shift_right_logical3A_1227 = arith.shrui %scan3A_1203, %shift_right_logical3A_1226 : i32
      %add3A_1228 = arith.constant 0 : i32
      %add3A_1229 = arith.addi %mul3A_1217, %add3A_1228 : i32
      %get3A_1230 = arith.index_cast %shift_right_logical3A_1227 : i32 to index
      %get3A_1231 = arith.index_cast %add3A_1229 : i32 to index
      %get3A_1232 = tpu.vector_load %arg12[%get3A_1230, %get3A_1231] {strides = array<i32>} : memref<32x128xf32, #tpu.memory_space<vmem>>, vector<1x16xf32>,
      %get3A_1233 = vector.shape_cast %get3A_1232 : vector<1x16xf32> to vector<16xf32>
      %add3A_1234 = arith.addf %get3A_1233, %get3A_1221 : vector<16xf32>
      %sub3A_1235 = arith.subf %get3A_1225, %get3A_1221 : vector<16xf32>
      %mul3A_1236 = arith.mulf %gather3A_1213, %sub3A_1235 : vector<16xf32>
      %add3A_1237 = arith.addf %add3A_1234, %mul3A_1236 : vector<16xf32>
      %swap3A_1238 = arith.index_cast %scan3A_1203 : i32 to index
      %swap3A_1239 = arith.constant 0 : index
      %swap3A_1240 = tpu.vector_load %arg14[%swap3A_1238, %swap3A_1239] {strides = array<i32>} : memref<64x64xf32, #tpu.memory_space<vmem>>, vector<1x16xf32>,
      %swap3A_1241 = vector.shape_cast %swap3A_1240 : vector<1x16xf32> to vector<16xf32>
      %swap3A_1242 = vector.shape_cast %add3A_1237 : vector<16xf32> to vector<1x16xf32>
      tpu.vector_store %arg14[%swap3A_1238, %swap3A_1239], %swap3A_1242 {strides = array<i32>} : memref<64x64xf32, #tpu.memory_space<vmem>>, vector<1x16xf32>,
      %get3A_1243 = arith.index_cast %scan3A_1203 : i32 to index
      %get3A_1244 = arith.constant 16 : index
      %get3A_1245 = tpu.vector_load %arg10[%get3A_1243, %get3A_1244] {strides = array<i32>} : memref<64x128xf32, #tpu.memory_space<vmem>>, vector<1x16xf32>,
      %get3A_1246 = vector.shape_cast %get3A_1245 : vector<1x16xf32> to vector<16xf32>
      %get3A_1247 = arith.index_cast %scan3A_1203 : i32 to index
      %get3A_1248 = arith.constant 80 : index
      %get3A_1249 = tpu.vector_load %arg10[%get3A_1247, %get3A_1248] {strides = array<i32>} : memref<64x128xf32, #tpu.memory_space<vmem>>, vector<1x16xf32>,
      %get3A_1250 = vector.shape_cast %get3A_1249 : vector<1x16xf32> to vector<16xf32>
      %shift_right_logical3A_1251 = arith.constant 1 : i32
      %shift_right_logical3A_1252 = arith.shrui %scan3A_1203, %shift_right_logical3A_1251 : i32
      %add3A_1253 = arith.constant 16 : i32
      %add3A_1254 = arith.addi %mul3A_1217, %add3A_1253 : i32
      %get3A_1255 = arith.index_cast %shift_right_logical3A_1252 : i32 to index
      %get3A_1256 = arith.index_cast %add3A_1254 : i32 to index
      %get3A_1257 = tpu.vector_load %arg12[%get3A_1255, %get3A_1256] {strides = array<i32>} : memref<32x128xf32, #tpu.memory_space<vmem>>, vector<1x16xf32>,
      %get3A_1258 = vector.shape_cast %get3A_1257 : vector<1x16xf32> to vector<16xf32>
      %add3A_1259 = arith.addf %get3A_1258, %get3A_1246 : vector<16xf32>
      %sub3A_1260 = arith.subf %get3A_1250, %get3A_1246 : vector<16xf32>
      %mul3A_1261 = arith.mulf %gather3A_1213, %sub3A_1260 : vector<16xf32>
      %add3A_1262 = arith.addf %add3A_1259, %mul3A_1261 : vector<16xf32>
      %swap3A_1263 = arith.index_cast %scan3A_1203 : i32 to index
      %swap3A_1264 = arith.constant 16 : index
      %swap3A_1265 = tpu.vector_load %arg14[%swap3A_1263, %swap3A_1264] {strides = array<i32>} : memref<64x64xf32, #tpu.memory_space<vmem>>, vector<1x16xf32>,
      %swap3A_1266 = vector.shape_cast %swap3A_1265 : vector<1x16xf32> to vector<16xf32>
      %swap3A_1267 = vector.shape_cast %add3A_1262 : vector<16xf32> to vector<1x16xf32>
      tpu.vector_store %arg14[%swap3A_1263, %swap3A_1264], %swap3A_1267 {strides = array<i32>} : memref<64x64xf32, #tpu.memory_space<vmem>>, vector<1x16xf32>,
      %get3A_1268 = arith.index_cast %scan3A_1203 : i32 to index
      %get3A_1269 = arith.constant 32 : index
      %get3A_1270 = tpu.vector_load %arg10[%get3A_1268, %get3A_1269] {strides = array<i32>} : memref<64x128xf32, #tpu.memory_space<vmem>>, vector<1x16xf32>,
      %get3A_1271 = vector.shape_cast %get3A_1270 : vector<1x16xf32> to vector<16xf32>
      %get3A_1272 = arith.index_cast %scan3A_1203 : i32 to index
      %get3A_1273 = arith.constant 96 : index
      %get3A_1274 = tpu.vector_load %arg10[%get3A_1272, %get3A_1273] {strides = array<i32>} : memref<64x128xf32, #tpu.memory_space<vmem>>, vector<1x16xf32>,
      %get3A_1275 = vector.shape_cast %get3A_1274 : vector<1x16xf32> to vector<16xf32>
      %shift_right_logical3A_1276 = arith.constant 1 : i32
      %shift_right_logical3A_1277 = arith.shrui %scan3A_1203, %shift_right_logical3A_1276 : i32
      %add3A_1278 = arith.constant 32 : i32
      %add3A_1279 = arith.addi %mul3A_1217, %add3A_1278 : i32
      %get3A_1280 = arith.index_cast %shift_right_logical3A_1277 : i32 to index
      %get3A_1281 = arith.index_cast %add3A_1279 : i32 to index
      %get3A_1282 = tpu.vector_load %arg12[%get3A_1280, %get3A_1281] {strides = array<i32>} : memref<32x128xf32, #tpu.memory_space<vmem>>, vector<1x16xf32>,
      %get3A_1283 = vector.shape_cast %get3A_1282 : vector<1x16xf32> to vector<16xf32>
      %add3A_1284 = arith.addf %get3A_1283, %get3A_1271 : vector<16xf32>
      %sub3A_1285 = arith.subf %get3A_1275, %get3A_1271 : vector<16xf32>
      %mul3A_1286 = arith.mulf %gather3A_1213, %sub3A_1285 : vector<16xf32>
      %add3A_1287 = arith.addf %add3A_1284, %mul3A_1286 : vector<16xf32>
      %swap3A_1288 = arith.index_cast %scan3A_1203 : i32 to index
      %swap3A_1289 = arith.constant 32 : index
      %swap3A_1290 = tpu.vector_load %arg14[%swap3A_1288, %swap3A_1289] {strides = array<i32>} : memref<64x64xf32, #tpu.memory_space<vmem>>, vector<1x16xf32>,
      %swap3A_1291 = vector.shape_cast %swap3A_1290 : vector<1x16xf32> to vector<16xf32>
      %swap3A_1292 = vector.shape_cast %add3A_1287 : vector<16xf32> to vector<1x16xf32>
      tpu.vector_store %arg14[%swap3A_1288, %swap3A_1289], %swap3A_1292 {strides = array<i32>} : memref<64x64xf32, #tpu.memory_space<vmem>>, vector<1x16xf32>,
      %get3A_1293 = arith.index_cast %scan3A_1203 : i32 to index
      %get3A_1294 = arith.constant 48 : index
      %get3A_1295 = tpu.vector_load %arg10[%get3A_1293, %get3A_1294] {strides = array<i32>} : memref<64x128xf32, #tpu.memory_space<vmem>>, vector<1x16xf32>,
      %get3A_1296 = vector.shape_cast %get3A_1295 : vector<1x16xf32> to vector<16xf32>
      %get3A_1297 = arith.index_cast %scan3A_1203 : i32 to index
      %get3A_1298 = arith.constant 112 : index
      %get3A_1299 = tpu.vector_load %arg10[%get3A_1297, %get3A_1298] {strides = array<i32>} : memref<64x128xf32, #tpu.memory_space<vmem>>, vector<1x16xf32>,
      %get3A_1300 = vector.shape_cast %get3A_1299 : vector<1x16xf32> to vector<16xf32>
      %shift_right_logical3A_1301 = arith.constant 1 : i32
      %shift_right_logical3A_1302 = arith.shrui %scan3A_1203, %shift_right_logical3A_1301 : i32
      %add3A_1303 = arith.constant 48 : i32
      %add3A_1304 = arith.addi %mul3A_1217, %add3A_1303 : i32
      %get3A_1305 = arith.index_cast %shift_right_logical3A_1302 : i32 to index
      %get3A_1306 = arith.index_cast %add3A_1304 : i32 to index
      %get3A_1307 = tpu.vector_load %arg12[%get3A_1305, %get3A_1306] {strides = array<i32>} : memref<32x128xf32, #tpu.memory_space<vmem>>, vector<1x16xf32>,
      %get3A_1308 = vector.shape_cast %get3A_1307 : vector<1x16xf32> to vector<16xf32>
      %add3A_1309 = arith.addf %get3A_1308, %get3A_1296 : vector<16xf32>
      %sub3A_1310 = arith.subf %get3A_1300, %get3A_1296 : vector<16xf32>
      %mul3A_1311 = arith.mulf %gather3A_1213, %sub3A_1310 : vector<16xf32>
      %add3A_1312 = arith.addf %add3A_1309, %mul3A_1311 : vector<16xf32>
      %swap3A_1313 = arith.index_cast %scan3A_1203 : i32 to index
      %swap3A_1314 = arith.constant 48 : index
      %swap3A_1315 = tpu.vector_load %arg14[%swap3A_1313, %swap3A_1314] {strides = array<i32>} : memref<64x64xf32, #tpu.memory_space<vmem>>, vector<1x16xf32>,
      %swap3A_1316 = vector.shape_cast %swap3A_1315 : vector<1x16xf32> to vector<16xf32>
      %swap3A_1317 = vector.shape_cast %add3A_1312 : vector<16xf32> to vector<1x16xf32>
      tpu.vector_store %arg14[%swap3A_1313, %swap3A_1314], %swap3A_1317 {strides = array<i32>} : memref<64x64xf32, #tpu.memory_space<vmem>>, vector<1x16xf32>,
    }
    %scan3A_1076 = arith.constant 64 : i32
    %add3A_1077 = arith.constant 320 : i32
    %add3A_1078 = arith.addi %mul3A_2, %add3A_1077 : i32
    "tpu.region"() ({
      %run_scoped3A = tpu.sem_alloc : memref<!tpu.dma_semaphore, #tpu.memory_space<semaphore_mem>>
      %dma_start3A_1203 = arith.constant 0 : i32
      %dma_start3A_1204 = tpu.memref_slice %arg5[%add3A_1078, %dma_start3A_1203] : memref<16384x64xf32, #tpu.memory_space<hbm>> -> memref<64x64xf32, #tpu.memory_space<hbm>>
      %dma_start3A_1205 = arith.constant 0 : i32
      %dma_start3A_1206 = tpu.memref_slice %arg5[%add3A_1078, %dma_start3A_1205] : memref<16384x64xf32, #tpu.memory_space<hbm>> -> memref<64x64xf32, #tpu.memory_space<hbm>>
      tpu.enqueue_dma source(%arg14 : memref<64x64xf32, #tpu.memory_space<vmem>>) target(%dma_start3A_1206 : memref<64x64xf32, #tpu.memory_space<hbm>>) target_semaphore(%run_scoped3A : memref<!tpu.dma_semaphore, #tpu.memory_space<semaphore_mem>>)
      %dma_wait3A_1207 = arith.constant 0 : i32
      %dma_wait3A_1208 = tpu.memref_slice %arg5[%add3A_1078, %dma_wait3A_1207] : memref<16384x64xf32, #tpu.memory_space<hbm>> -> memref<64x64xf32, #tpu.memory_space<hbm>>
      %dma_wait3A_1209 = arith.constant 0 : i32
      %dma_wait3A_1210 = tpu.memref_slice %arg5[%add3A_1078, %dma_wait3A_1209] : memref<16384x64xf32, #tpu.memory_space<hbm>> -> memref<64x64xf32, #tpu.memory_space<hbm>>
      tpu.wait_dma2 semaphore(%run_scoped3A : memref<!tpu.dma_semaphore, #tpu.memory_space<semaphore_mem>>) src(%arg14 : memref<64x64xf32, #tpu.memory_space<vmem>>) dst(%dma_wait3A_1210 : memref<64x64xf32, #tpu.memory_space<hbm>>)
      tpu.yield
    }) : () -> ()
    %dma_start3A_1079 = arith.constant 448 : i32
    %dma_start3A_1080 = tpu.memref_slice %arg7[%dma_start3A_1079] : memref<512xi32, #tpu.memory_space<vmem>> -> memref<64xi32, #tpu.memory_space<vmem>>
    %dma_start3A_1081 = arith.constant 0 : i32
    %dma_start3A_1082 = arith.constant 0 : i32
    %dma_start3A_1083 = tpu.memref_slice %arg2[%dma_start3A_1081, %dma_start3A_1082] : memref<50000x128xf32, #tpu.memory_space<hbm>> -> memref<50000x128xf32, #tpu.memory_space<hbm>>
    tpu.enqueue_indirect_dma source(%dma_start3A_1083 : memref<50000x128xf32, #tpu.memory_space<hbm>>) target(%arg10 : memref<64x128xf32, #tpu.memory_space<vmem>>) offsets(%dma_start3A_1080 : memref<64xi32, #tpu.memory_space<vmem>>) semaphore(%arg16 : memref<!tpu.dma_semaphore, #tpu.memory_space<semaphore_mem>>)
    %add3A_1084 = arith.constant 448 : i32
    %add3A_1085 = arith.addi %mul3A_2, %add3A_1084 : i32
    %jit3A_1086 = arith.constant 2 : i32
    %div3A_1087 = arith.divsi %add3A_1085, %jit3A_1086 : i32
    %sign3A_1088 = arith.constant 0 : i32
    %sign3A_1089 = arith.cmpi sgt, %add3A_1085, %sign3A_1088 : i32
    %sign3A_1090 = arith.extui %sign3A_1089 : i1 to i32
    %sign3A_1091 = arith.constant 0 : i32
    %sign3A_1092 = arith.cmpi slt, %add3A_1085, %sign3A_1091 : i32
    %sign3A_1093 = arith.extui %sign3A_1092 : i1 to i32
    %sign3A_1094 = arith.subi %sign3A_1090, %sign3A_1093 : i32
    %sign3A_1095 = arith.constant 0 : i32
    %sign3A_1096 = arith.cmpi sgt, %jit3A_1086, %sign3A_1095 : i32
    %sign3A_1097 = arith.extui %sign3A_1096 : i1 to i32
    %sign3A_1098 = arith.constant 0 : i32
    %sign3A_1099 = arith.cmpi slt, %jit3A_1086, %sign3A_1098 : i32
    %sign3A_1100 = arith.extui %sign3A_1099 : i1 to i32
    %sign3A_1101 = arith.subi %sign3A_1097, %sign3A_1100 : i32
    %ne3A_1102 = arith.cmpi ne, %sign3A_1094, %sign3A_1101 : i32
    %rem3A_1103 = arith.remsi %add3A_1085, %jit3A_1086 : i32
    %ne3A_1104 = arith.constant 0 : i32
    %ne3A_1105 = arith.cmpi ne, %rem3A_1103, %ne3A_1104 : i32
    %and3A_1106 = arith.andi %ne3A_1102, %ne3A_1105 : i1
    %sub3A_1107 = arith.constant 1 : i32
    %sub3A_1108 = arith.subi %div3A_1087, %sub3A_1107 : i32
    %select_n3A_1109 = arith.select %and3A_1106, %sub3A_1108, %div3A_1087 : i32
    %multiple_of3A_1110 = tpu.assume_multiple %select_n3A_1109, 8 : i32
    %dma_start3A_1111 = arith.constant 0 : i32
    %dma_start3A_1112 = tpu.memref_slice %arg4[%multiple_of3A_1110, %dma_start3A_1111] : memref<8192x128xf32, #tpu.memory_space<hbm>> -> memref<32x128xf32, #tpu.memory_space<hbm>>
    %dma_start3A_1113 = arith.constant 0 : i32
    %dma_start3A_1114 = tpu.memref_slice %arg4[%multiple_of3A_1110, %dma_start3A_1113] : memref<8192x128xf32, #tpu.memory_space<hbm>> -> memref<32x128xf32, #tpu.memory_space<hbm>>
    tpu.enqueue_dma source(%dma_start3A_1114 : memref<32x128xf32, #tpu.memory_space<hbm>>) target(%arg12 : memref<32x128xf32, #tpu.memory_space<vmem>>) target_semaphore(%arg18 : memref<!tpu.dma_semaphore, #tpu.memory_space<semaphore_mem>>)
    %dma_wait3A_1115 = arith.constant 384 : i32
    %dma_wait3A_1116 = tpu.memref_slice %arg7[%dma_wait3A_1115] : memref<512xi32, #tpu.memory_space<vmem>> -> memref<64xi32, #tpu.memory_space<vmem>>
    %dma_wait3A_1117 = arith.constant 0 : i32
    %dma_wait3A_1118 = arith.constant 0 : i32
    %dma_wait3A_1119 = tpu.memref_slice %arg2[%dma_wait3A_1117, %dma_wait3A_1118] : memref<50000x128xf32, #tpu.memory_space<hbm>> -> memref<50000x128xf32, #tpu.memory_space<hbm>>
    tpu.wait_indirect_dma semaphore(%arg15 : memref<!tpu.dma_semaphore, #tpu.memory_space<semaphore_mem>>) src(%dma_wait3A_1119 : memref<50000x128xf32, #tpu.memory_space<hbm>>) dst(%arg9 : memref<64x128xf32, #tpu.memory_space<vmem>>)
    %add3A_1120 = arith.constant 384 : i32
    %add3A_1121 = arith.addi %mul3A_2, %add3A_1120 : i32
    %jit3A_1122 = arith.constant 2 : i32
    %div3A_1123 = arith.divsi %add3A_1121, %jit3A_1122 : i32
    %sign3A_1124 = arith.constant 0 : i32
    %sign3A_1125 = arith.cmpi sgt, %add3A_1121, %sign3A_1124 : i32
    %sign3A_1126 = arith.extui %sign3A_1125 : i1 to i32
    %sign3A_1127 = arith.constant 0 : i32
    %sign3A_1128 = arith.cmpi slt, %add3A_1121, %sign3A_1127 : i32
    %sign3A_1129 = arith.extui %sign3A_1128 : i1 to i32
    %sign3A_1130 = arith.subi %sign3A_1126, %sign3A_1129 : i32
    %sign3A_1131 = arith.constant 0 : i32
    %sign3A_1132 = arith.cmpi sgt, %jit3A_1122, %sign3A_1131 : i32
    %sign3A_1133 = arith.extui %sign3A_1132 : i1 to i32
    %sign3A_1134 = arith.constant 0 : i32
    %sign3A_1135 = arith.cmpi slt, %jit3A_1122, %sign3A_1134 : i32
    %sign3A_1136 = arith.extui %sign3A_1135 : i1 to i32
    %sign3A_1137 = arith.subi %sign3A_1133, %sign3A_1136 : i32
    %ne3A_1138 = arith.cmpi ne, %sign3A_1130, %sign3A_1137 : i32
    %rem3A_1139 = arith.remsi %add3A_1121, %jit3A_1122 : i32
    %ne3A_1140 = arith.constant 0 : i32
    %ne3A_1141 = arith.cmpi ne, %rem3A_1139, %ne3A_1140 : i32
    %and3A_1142 = arith.andi %ne3A_1138, %ne3A_1141 : i1
    %sub3A_1143 = arith.constant 1 : i32
    %sub3A_1144 = arith.subi %div3A_1123, %sub3A_1143 : i32
    %select_n3A_1145 = arith.select %and3A_1142, %sub3A_1144, %div3A_1123 : i32
    %multiple_of3A_1146 = tpu.assume_multiple %select_n3A_1145, 8 : i32
    %dma_wait3A_1147 = arith.constant 0 : i32
    %dma_wait3A_1148 = tpu.memref_slice %arg4[%multiple_of3A_1146, %dma_wait3A_1147] : memref<8192x128xf32, #tpu.memory_space<hbm>> -> memref<32x128xf32, #tpu.memory_space<hbm>>
    %dma_wait3A_1149 = arith.constant 0 : i32
    %dma_wait3A_1150 = tpu.memref_slice %arg4[%multiple_of3A_1146, %dma_wait3A_1149] : memref<8192x128xf32, #tpu.memory_space<hbm>> -> memref<32x128xf32, #tpu.memory_space<hbm>>
    tpu.wait_dma2 semaphore(%arg17 : memref<!tpu.dma_semaphore, #tpu.memory_space<semaphore_mem>>) src(%dma_wait3A_1150 : memref<32x128xf32, #tpu.memory_space<hbm>>) dst(%arg11 : memref<32x128xf32, #tpu.memory_space<vmem>>)
    %scan3A_1151 = arith.constant 0 : i32
    %scan3A_1152 = arith.constant 0 : i32
    %scan3A_1153 = arith.constant 64 : i32
    %scan3A_1154 = arith.addi %scan3A_1152, %scan3A_1153 : i32
    %scan3A_1155 = arith.constant 1 : i32
    scf.for %scan3A_1203 = %scan3A_1152 to %scan3A_1154 step %scan3A_1155  : i32 {
      %add3A_1204 = arith.constant 384 : i32
      %add3A_1205 = arith.addi %add3A_1204, %scan3A_1203 : i32
      %and3A_1206 = arith.constant -16 : i32
      %and3A_1207 = arith.andi %add3A_1205, %and3A_1206 : i32
      %get3A_1208 = arith.index_cast %and3A_1207 : i32 to index
      %get3A_1209 = tpu.vector_load %arg8[%get3A_1208] {strides = array<i32>} : memref<512xf32, #tpu.memory_space<vmem>>, vector<16xf32>,
      %get3A_1210 = vector.shape_cast %get3A_1209 : vector<16xf32> to vector<16xf32>
      %and3A_1211 = arith.constant 15 : i32
      %and3A_1212 = arith.andi %add3A_1205, %and3A_1211 : i32
      %broadcast_in_dim3A = vector.broadcast %and3A_1212 : i32 to vector<16x1xi32>
      %gather3A = vector.shape_cast %broadcast_in_dim3A : vector<16x1xi32> to vector<16xi32>
      %gather3A_1213 = tpu.dynamic_gather %get3A_1210[%gather3A] in [0] : vector<16xf32>, vector<16xi32> -> vector<16xf32>
      %and3A_1214 = arith.constant 1 : i32
      %and3A_1215 = arith.andi %scan3A_1203, %and3A_1214 : i32
      %mul3A_1216 = arith.constant 64 : i32
      %mul3A_1217 = arith.muli %and3A_1215, %mul3A_1216 : i32
      %get3A_1218 = arith.index_cast %scan3A_1203 : i32 to index
      %get3A_1219 = arith.constant 0 : index
      %get3A_1220 = tpu.vector_load %arg9[%get3A_1218, %get3A_1219] {strides = array<i32>} : memref<64x128xf32, #tpu.memory_space<vmem>>, vector<1x16xf32>,
      %get3A_1221 = vector.shape_cast %get3A_1220 : vector<1x16xf32> to vector<16xf32>
      %get3A_1222 = arith.index_cast %scan3A_1203 : i32 to index
      %get3A_1223 = arith.constant 64 : index
      %get3A_1224 = tpu.vector_load %arg9[%get3A_1222, %get3A_1223] {strides = array<i32>} : memref<64x128xf32, #tpu.memory_space<vmem>>, vector<1x16xf32>,
      %get3A_1225 = vector.shape_cast %get3A_1224 : vector<1x16xf32> to vector<16xf32>
      %shift_right_logical3A_1226 = arith.constant 1 : i32
      %shift_right_logical3A_1227 = arith.shrui %scan3A_1203, %shift_right_logical3A_1226 : i32
      %add3A_1228 = arith.constant 0 : i32
      %add3A_1229 = arith.addi %mul3A_1217, %add3A_1228 : i32
      %get3A_1230 = arith.index_cast %shift_right_logical3A_1227 : i32 to index
      %get3A_1231 = arith.index_cast %add3A_1229 : i32 to index
      %get3A_1232 = tpu.vector_load %arg11[%get3A_1230, %get3A_1231] {strides = array<i32>} : memref<32x128xf32, #tpu.memory_space<vmem>>, vector<1x16xf32>,
      %get3A_1233 = vector.shape_cast %get3A_1232 : vector<1x16xf32> to vector<16xf32>
      %add3A_1234 = arith.addf %get3A_1233, %get3A_1221 : vector<16xf32>
      %sub3A_1235 = arith.subf %get3A_1225, %get3A_1221 : vector<16xf32>
      %mul3A_1236 = arith.mulf %gather3A_1213, %sub3A_1235 : vector<16xf32>
      %add3A_1237 = arith.addf %add3A_1234, %mul3A_1236 : vector<16xf32>
      %swap3A_1238 = arith.index_cast %scan3A_1203 : i32 to index
      %swap3A_1239 = arith.constant 0 : index
      %swap3A_1240 = tpu.vector_load %arg13[%swap3A_1238, %swap3A_1239] {strides = array<i32>} : memref<64x64xf32, #tpu.memory_space<vmem>>, vector<1x16xf32>,
      %swap3A_1241 = vector.shape_cast %swap3A_1240 : vector<1x16xf32> to vector<16xf32>
      %swap3A_1242 = vector.shape_cast %add3A_1237 : vector<16xf32> to vector<1x16xf32>
      tpu.vector_store %arg13[%swap3A_1238, %swap3A_1239], %swap3A_1242 {strides = array<i32>} : memref<64x64xf32, #tpu.memory_space<vmem>>, vector<1x16xf32>,
      %get3A_1243 = arith.index_cast %scan3A_1203 : i32 to index
      %get3A_1244 = arith.constant 16 : index
      %get3A_1245 = tpu.vector_load %arg9[%get3A_1243, %get3A_1244] {strides = array<i32>} : memref<64x128xf32, #tpu.memory_space<vmem>>, vector<1x16xf32>,
      %get3A_1246 = vector.shape_cast %get3A_1245 : vector<1x16xf32> to vector<16xf32>
      %get3A_1247 = arith.index_cast %scan3A_1203 : i32 to index
      %get3A_1248 = arith.constant 80 : index
      %get3A_1249 = tpu.vector_load %arg9[%get3A_1247, %get3A_1248] {strides = array<i32>} : memref<64x128xf32, #tpu.memory_space<vmem>>, vector<1x16xf32>,
      %get3A_1250 = vector.shape_cast %get3A_1249 : vector<1x16xf32> to vector<16xf32>
      %shift_right_logical3A_1251 = arith.constant 1 : i32
      %shift_right_logical3A_1252 = arith.shrui %scan3A_1203, %shift_right_logical3A_1251 : i32
      %add3A_1253 = arith.constant 16 : i32
      %add3A_1254 = arith.addi %mul3A_1217, %add3A_1253 : i32
      %get3A_1255 = arith.index_cast %shift_right_logical3A_1252 : i32 to index
      %get3A_1256 = arith.index_cast %add3A_1254 : i32 to index
      %get3A_1257 = tpu.vector_load %arg11[%get3A_1255, %get3A_1256] {strides = array<i32>} : memref<32x128xf32, #tpu.memory_space<vmem>>, vector<1x16xf32>,
      %get3A_1258 = vector.shape_cast %get3A_1257 : vector<1x16xf32> to vector<16xf32>
      %add3A_1259 = arith.addf %get3A_1258, %get3A_1246 : vector<16xf32>
      %sub3A_1260 = arith.subf %get3A_1250, %get3A_1246 : vector<16xf32>
      %mul3A_1261 = arith.mulf %gather3A_1213, %sub3A_1260 : vector<16xf32>
      %add3A_1262 = arith.addf %add3A_1259, %mul3A_1261 : vector<16xf32>
      %swap3A_1263 = arith.index_cast %scan3A_1203 : i32 to index
      %swap3A_1264 = arith.constant 16 : index
      %swap3A_1265 = tpu.vector_load %arg13[%swap3A_1263, %swap3A_1264] {strides = array<i32>} : memref<64x64xf32, #tpu.memory_space<vmem>>, vector<1x16xf32>,
      %swap3A_1266 = vector.shape_cast %swap3A_1265 : vector<1x16xf32> to vector<16xf32>
      %swap3A_1267 = vector.shape_cast %add3A_1262 : vector<16xf32> to vector<1x16xf32>
      tpu.vector_store %arg13[%swap3A_1263, %swap3A_1264], %swap3A_1267 {strides = array<i32>} : memref<64x64xf32, #tpu.memory_space<vmem>>, vector<1x16xf32>,
      %get3A_1268 = arith.index_cast %scan3A_1203 : i32 to index
      %get3A_1269 = arith.constant 32 : index
      %get3A_1270 = tpu.vector_load %arg9[%get3A_1268, %get3A_1269] {strides = array<i32>} : memref<64x128xf32, #tpu.memory_space<vmem>>, vector<1x16xf32>,
      %get3A_1271 = vector.shape_cast %get3A_1270 : vector<1x16xf32> to vector<16xf32>
      %get3A_1272 = arith.index_cast %scan3A_1203 : i32 to index
      %get3A_1273 = arith.constant 96 : index
      %get3A_1274 = tpu.vector_load %arg9[%get3A_1272, %get3A_1273] {strides = array<i32>} : memref<64x128xf32, #tpu.memory_space<vmem>>, vector<1x16xf32>,
      %get3A_1275 = vector.shape_cast %get3A_1274 : vector<1x16xf32> to vector<16xf32>
      %shift_right_logical3A_1276 = arith.constant 1 : i32
      %shift_right_logical3A_1277 = arith.shrui %scan3A_1203, %shift_right_logical3A_1276 : i32
      %add3A_1278 = arith.constant 32 : i32
      %add3A_1279 = arith.addi %mul3A_1217, %add3A_1278 : i32
      %get3A_1280 = arith.index_cast %shift_right_logical3A_1277 : i32 to index
      %get3A_1281 = arith.index_cast %add3A_1279 : i32 to index
      %get3A_1282 = tpu.vector_load %arg11[%get3A_1280, %get3A_1281] {strides = array<i32>} : memref<32x128xf32, #tpu.memory_space<vmem>>, vector<1x16xf32>,
      %get3A_1283 = vector.shape_cast %get3A_1282 : vector<1x16xf32> to vector<16xf32>
      %add3A_1284 = arith.addf %get3A_1283, %get3A_1271 : vector<16xf32>
      %sub3A_1285 = arith.subf %get3A_1275, %get3A_1271 : vector<16xf32>
      %mul3A_1286 = arith.mulf %gather3A_1213, %sub3A_1285 : vector<16xf32>
      %add3A_1287 = arith.addf %add3A_1284, %mul3A_1286 : vector<16xf32>
      %swap3A_1288 = arith.index_cast %scan3A_1203 : i32 to index
      %swap3A_1289 = arith.constant 32 : index
      %swap3A_1290 = tpu.vector_load %arg13[%swap3A_1288, %swap3A_1289] {strides = array<i32>} : memref<64x64xf32, #tpu.memory_space<vmem>>, vector<1x16xf32>,
      %swap3A_1291 = vector.shape_cast %swap3A_1290 : vector<1x16xf32> to vector<16xf32>
      %swap3A_1292 = vector.shape_cast %add3A_1287 : vector<16xf32> to vector<1x16xf32>
      tpu.vector_store %arg13[%swap3A_1288, %swap3A_1289], %swap3A_1292 {strides = array<i32>} : memref<64x64xf32, #tpu.memory_space<vmem>>, vector<1x16xf32>,
      %get3A_1293 = arith.index_cast %scan3A_1203 : i32 to index
      %get3A_1294 = arith.constant 48 : index
      %get3A_1295 = tpu.vector_load %arg9[%get3A_1293, %get3A_1294] {strides = array<i32>} : memref<64x128xf32, #tpu.memory_space<vmem>>, vector<1x16xf32>,
      %get3A_1296 = vector.shape_cast %get3A_1295 : vector<1x16xf32> to vector<16xf32>
      %get3A_1297 = arith.index_cast %scan3A_1203 : i32 to index
      %get3A_1298 = arith.constant 112 : index
      %get3A_1299 = tpu.vector_load %arg9[%get3A_1297, %get3A_1298] {strides = array<i32>} : memref<64x128xf32, #tpu.memory_space<vmem>>, vector<1x16xf32>,
      %get3A_1300 = vector.shape_cast %get3A_1299 : vector<1x16xf32> to vector<16xf32>
      %shift_right_logical3A_1301 = arith.constant 1 : i32
      %shift_right_logical3A_1302 = arith.shrui %scan3A_1203, %shift_right_logical3A_1301 : i32
      %add3A_1303 = arith.constant 48 : i32
      %add3A_1304 = arith.addi %mul3A_1217, %add3A_1303 : i32
      %get3A_1305 = arith.index_cast %shift_right_logical3A_1302 : i32 to index
      %get3A_1306 = arith.index_cast %add3A_1304 : i32 to index
      %get3A_1307 = tpu.vector_load %arg11[%get3A_1305, %get3A_1306] {strides = array<i32>} : memref<32x128xf32, #tpu.memory_space<vmem>>, vector<1x16xf32>,
      %get3A_1308 = vector.shape_cast %get3A_1307 : vector<1x16xf32> to vector<16xf32>
      %add3A_1309 = arith.addf %get3A_1308, %get3A_1296 : vector<16xf32>
      %sub3A_1310 = arith.subf %get3A_1300, %get3A_1296 : vector<16xf32>
      %mul3A_1311 = arith.mulf %gather3A_1213, %sub3A_1310 : vector<16xf32>
      %add3A_1312 = arith.addf %add3A_1309, %mul3A_1311 : vector<16xf32>
      %swap3A_1313 = arith.index_cast %scan3A_1203 : i32 to index
      %swap3A_1314 = arith.constant 48 : index
      %swap3A_1315 = tpu.vector_load %arg13[%swap3A_1313, %swap3A_1314] {strides = array<i32>} : memref<64x64xf32, #tpu.memory_space<vmem>>, vector<1x16xf32>,
      %swap3A_1316 = vector.shape_cast %swap3A_1315 : vector<1x16xf32> to vector<16xf32>
      %swap3A_1317 = vector.shape_cast %add3A_1312 : vector<16xf32> to vector<1x16xf32>
      tpu.vector_store %arg13[%swap3A_1313, %swap3A_1314], %swap3A_1317 {strides = array<i32>} : memref<64x64xf32, #tpu.memory_space<vmem>>, vector<1x16xf32>,
    }
    %scan3A_1156 = arith.constant 64 : i32
    %add3A_1157 = arith.constant 384 : i32
    %add3A_1158 = arith.addi %mul3A_2, %add3A_1157 : i32
    "tpu.region"() ({
      %run_scoped3A = tpu.sem_alloc : memref<!tpu.dma_semaphore, #tpu.memory_space<semaphore_mem>>
      %dma_start3A_1203 = arith.constant 0 : i32
      %dma_start3A_1204 = tpu.memref_slice %arg5[%add3A_1158, %dma_start3A_1203] : memref<16384x64xf32, #tpu.memory_space<hbm>> -> memref<64x64xf32, #tpu.memory_space<hbm>>
      %dma_start3A_1205 = arith.constant 0 : i32
      %dma_start3A_1206 = tpu.memref_slice %arg5[%add3A_1158, %dma_start3A_1205] : memref<16384x64xf32, #tpu.memory_space<hbm>> -> memref<64x64xf32, #tpu.memory_space<hbm>>
      tpu.enqueue_dma source(%arg13 : memref<64x64xf32, #tpu.memory_space<vmem>>) target(%dma_start3A_1206 : memref<64x64xf32, #tpu.memory_space<hbm>>) target_semaphore(%run_scoped3A : memref<!tpu.dma_semaphore, #tpu.memory_space<semaphore_mem>>)
      %dma_wait3A_1207 = arith.constant 0 : i32
      %dma_wait3A_1208 = tpu.memref_slice %arg5[%add3A_1158, %dma_wait3A_1207] : memref<16384x64xf32, #tpu.memory_space<hbm>> -> memref<64x64xf32, #tpu.memory_space<hbm>>
      %dma_wait3A_1209 = arith.constant 0 : i32
      %dma_wait3A_1210 = tpu.memref_slice %arg5[%add3A_1158, %dma_wait3A_1209] : memref<16384x64xf32, #tpu.memory_space<hbm>> -> memref<64x64xf32, #tpu.memory_space<hbm>>
      tpu.wait_dma2 semaphore(%run_scoped3A : memref<!tpu.dma_semaphore, #tpu.memory_space<semaphore_mem>>) src(%arg13 : memref<64x64xf32, #tpu.memory_space<vmem>>) dst(%dma_wait3A_1210 : memref<64x64xf32, #tpu.memory_space<hbm>>)
      tpu.yield
    }) : () -> ()
    %dma_wait3A_1159 = arith.constant 448 : i32
    %dma_wait3A_1160 = tpu.memref_slice %arg7[%dma_wait3A_1159] : memref<512xi32, #tpu.memory_space<vmem>> -> memref<64xi32, #tpu.memory_space<vmem>>
    %dma_wait3A_1161 = arith.constant 0 : i32
    %dma_wait3A_1162 = arith.constant 0 : i32
    %dma_wait3A_1163 = tpu.memref_slice %arg2[%dma_wait3A_1161, %dma_wait3A_1162] : memref<50000x128xf32, #tpu.memory_space<hbm>> -> memref<50000x128xf32, #tpu.memory_space<hbm>>
    tpu.wait_indirect_dma semaphore(%arg16 : memref<!tpu.dma_semaphore, #tpu.memory_space<semaphore_mem>>) src(%dma_wait3A_1163 : memref<50000x128xf32, #tpu.memory_space<hbm>>) dst(%arg10 : memref<64x128xf32, #tpu.memory_space<vmem>>)
    %add3A_1164 = arith.constant 448 : i32
    %add3A_1165 = arith.addi %mul3A_2, %add3A_1164 : i32
    %jit3A_1166 = arith.constant 2 : i32
    %div3A_1167 = arith.divsi %add3A_1165, %jit3A_1166 : i32
    %sign3A_1168 = arith.constant 0 : i32
    %sign3A_1169 = arith.cmpi sgt, %add3A_1165, %sign3A_1168 : i32
    %sign3A_1170 = arith.extui %sign3A_1169 : i1 to i32
    %sign3A_1171 = arith.constant 0 : i32
    %sign3A_1172 = arith.cmpi slt, %add3A_1165, %sign3A_1171 : i32
    %sign3A_1173 = arith.extui %sign3A_1172 : i1 to i32
    %sign3A_1174 = arith.subi %sign3A_1170, %sign3A_1173 : i32
    %sign3A_1175 = arith.constant 0 : i32
    %sign3A_1176 = arith.cmpi sgt, %jit3A_1166, %sign3A_1175 : i32
    %sign3A_1177 = arith.extui %sign3A_1176 : i1 to i32
    %sign3A_1178 = arith.constant 0 : i32
    %sign3A_1179 = arith.cmpi slt, %jit3A_1166, %sign3A_1178 : i32
    %sign3A_1180 = arith.extui %sign3A_1179 : i1 to i32
    %sign3A_1181 = arith.subi %sign3A_1177, %sign3A_1180 : i32
    %ne3A_1182 = arith.cmpi ne, %sign3A_1174, %sign3A_1181 : i32
    %rem3A_1183 = arith.remsi %add3A_1165, %jit3A_1166 : i32
    %ne3A_1184 = arith.constant 0 : i32
    %ne3A_1185 = arith.cmpi ne, %rem3A_1183, %ne3A_1184 : i32
    %and3A_1186 = arith.andi %ne3A_1182, %ne3A_1185 : i1
    %sub3A_1187 = arith.constant 1 : i32
    %sub3A_1188 = arith.subi %div3A_1167, %sub3A_1187 : i32
    %select_n3A_1189 = arith.select %and3A_1186, %sub3A_1188, %div3A_1167 : i32
    %multiple_of3A_1190 = tpu.assume_multiple %select_n3A_1189, 8 : i32
    %dma_wait3A_1191 = arith.constant 0 : i32
    %dma_wait3A_1192 = tpu.memref_slice %arg4[%multiple_of3A_1190, %dma_wait3A_1191] : memref<8192x128xf32, #tpu.memory_space<hbm>> -> memref<32x128xf32, #tpu.memory_space<hbm>>
    %dma_wait3A_1193 = arith.constant 0 : i32
    %dma_wait3A_1194 = tpu.memref_slice %arg4[%multiple_of3A_1190, %dma_wait3A_1193] : memref<8192x128xf32, #tpu.memory_space<hbm>> -> memref<32x128xf32, #tpu.memory_space<hbm>>
    tpu.wait_dma2 semaphore(%arg18 : memref<!tpu.dma_semaphore, #tpu.memory_space<semaphore_mem>>) src(%dma_wait3A_1194 : memref<32x128xf32, #tpu.memory_space<hbm>>) dst(%arg12 : memref<32x128xf32, #tpu.memory_space<vmem>>)
    %scan3A_1195 = arith.constant 0 : i32
    %scan3A_1196 = arith.constant 0 : i32
    %scan3A_1197 = arith.constant 64 : i32
    %scan3A_1198 = arith.addi %scan3A_1196, %scan3A_1197 : i32
    %scan3A_1199 = arith.constant 1 : i32
    scf.for %scan3A_1203 = %scan3A_1196 to %scan3A_1198 step %scan3A_1199  : i32 {
      %add3A_1204 = arith.constant 448 : i32
      %add3A_1205 = arith.addi %add3A_1204, %scan3A_1203 : i32
      %and3A_1206 = arith.constant -16 : i32
      %and3A_1207 = arith.andi %add3A_1205, %and3A_1206 : i32
      %get3A_1208 = arith.index_cast %and3A_1207 : i32 to index
      %get3A_1209 = tpu.vector_load %arg8[%get3A_1208] {strides = array<i32>} : memref<512xf32, #tpu.memory_space<vmem>>, vector<16xf32>,
      %get3A_1210 = vector.shape_cast %get3A_1209 : vector<16xf32> to vector<16xf32>
      %and3A_1211 = arith.constant 15 : i32
      %and3A_1212 = arith.andi %add3A_1205, %and3A_1211 : i32
      %broadcast_in_dim3A = vector.broadcast %and3A_1212 : i32 to vector<16x1xi32>
      %gather3A = vector.shape_cast %broadcast_in_dim3A : vector<16x1xi32> to vector<16xi32>
      %gather3A_1213 = tpu.dynamic_gather %get3A_1210[%gather3A] in [0] : vector<16xf32>, vector<16xi32> -> vector<16xf32>
      %and3A_1214 = arith.constant 1 : i32
      %and3A_1215 = arith.andi %scan3A_1203, %and3A_1214 : i32
      %mul3A_1216 = arith.constant 64 : i32
      %mul3A_1217 = arith.muli %and3A_1215, %mul3A_1216 : i32
      %get3A_1218 = arith.index_cast %scan3A_1203 : i32 to index
      %get3A_1219 = arith.constant 0 : index
      %get3A_1220 = tpu.vector_load %arg10[%get3A_1218, %get3A_1219] {strides = array<i32>} : memref<64x128xf32, #tpu.memory_space<vmem>>, vector<1x16xf32>,
      %get3A_1221 = vector.shape_cast %get3A_1220 : vector<1x16xf32> to vector<16xf32>
      %get3A_1222 = arith.index_cast %scan3A_1203 : i32 to index
      %get3A_1223 = arith.constant 64 : index
      %get3A_1224 = tpu.vector_load %arg10[%get3A_1222, %get3A_1223] {strides = array<i32>} : memref<64x128xf32, #tpu.memory_space<vmem>>, vector<1x16xf32>,
      %get3A_1225 = vector.shape_cast %get3A_1224 : vector<1x16xf32> to vector<16xf32>
      %shift_right_logical3A_1226 = arith.constant 1 : i32
      %shift_right_logical3A_1227 = arith.shrui %scan3A_1203, %shift_right_logical3A_1226 : i32
      %add3A_1228 = arith.constant 0 : i32
      %add3A_1229 = arith.addi %mul3A_1217, %add3A_1228 : i32
      %get3A_1230 = arith.index_cast %shift_right_logical3A_1227 : i32 to index
      %get3A_1231 = arith.index_cast %add3A_1229 : i32 to index
      %get3A_1232 = tpu.vector_load %arg12[%get3A_1230, %get3A_1231] {strides = array<i32>} : memref<32x128xf32, #tpu.memory_space<vmem>>, vector<1x16xf32>,
      %get3A_1233 = vector.shape_cast %get3A_1232 : vector<1x16xf32> to vector<16xf32>
      %add3A_1234 = arith.addf %get3A_1233, %get3A_1221 : vector<16xf32>
      %sub3A_1235 = arith.subf %get3A_1225, %get3A_1221 : vector<16xf32>
      %mul3A_1236 = arith.mulf %gather3A_1213, %sub3A_1235 : vector<16xf32>
      %add3A_1237 = arith.addf %add3A_1234, %mul3A_1236 : vector<16xf32>
      %swap3A_1238 = arith.index_cast %scan3A_1203 : i32 to index
      %swap3A_1239 = arith.constant 0 : index
      %swap3A_1240 = tpu.vector_load %arg14[%swap3A_1238, %swap3A_1239] {strides = array<i32>} : memref<64x64xf32, #tpu.memory_space<vmem>>, vector<1x16xf32>,
      %swap3A_1241 = vector.shape_cast %swap3A_1240 : vector<1x16xf32> to vector<16xf32>
      %swap3A_1242 = vector.shape_cast %add3A_1237 : vector<16xf32> to vector<1x16xf32>
      tpu.vector_store %arg14[%swap3A_1238, %swap3A_1239], %swap3A_1242 {strides = array<i32>} : memref<64x64xf32, #tpu.memory_space<vmem>>, vector<1x16xf32>,
      %get3A_1243 = arith.index_cast %scan3A_1203 : i32 to index
      %get3A_1244 = arith.constant 16 : index
      %get3A_1245 = tpu.vector_load %arg10[%get3A_1243, %get3A_1244] {strides = array<i32>} : memref<64x128xf32, #tpu.memory_space<vmem>>, vector<1x16xf32>,
      %get3A_1246 = vector.shape_cast %get3A_1245 : vector<1x16xf32> to vector<16xf32>
      %get3A_1247 = arith.index_cast %scan3A_1203 : i32 to index
      %get3A_1248 = arith.constant 80 : index
      %get3A_1249 = tpu.vector_load %arg10[%get3A_1247, %get3A_1248] {strides = array<i32>} : memref<64x128xf32, #tpu.memory_space<vmem>>, vector<1x16xf32>,
      %get3A_1250 = vector.shape_cast %get3A_1249 : vector<1x16xf32> to vector<16xf32>
      %shift_right_logical3A_1251 = arith.constant 1 : i32
      %shift_right_logical3A_1252 = arith.shrui %scan3A_1203, %shift_right_logical3A_1251 : i32
      %add3A_1253 = arith.constant 16 : i32
      %add3A_1254 = arith.addi %mul3A_1217, %add3A_1253 : i32
      %get3A_1255 = arith.index_cast %shift_right_logical3A_1252 : i32 to index
      %get3A_1256 = arith.index_cast %add3A_1254 : i32 to index
      %get3A_1257 = tpu.vector_load %arg12[%get3A_1255, %get3A_1256] {strides = array<i32>} : memref<32x128xf32, #tpu.memory_space<vmem>>, vector<1x16xf32>,
      %get3A_1258 = vector.shape_cast %get3A_1257 : vector<1x16xf32> to vector<16xf32>
      %add3A_1259 = arith.addf %get3A_1258, %get3A_1246 : vector<16xf32>
      %sub3A_1260 = arith.subf %get3A_1250, %get3A_1246 : vector<16xf32>
      %mul3A_1261 = arith.mulf %gather3A_1213, %sub3A_1260 : vector<16xf32>
      %add3A_1262 = arith.addf %add3A_1259, %mul3A_1261 : vector<16xf32>
      %swap3A_1263 = arith.index_cast %scan3A_1203 : i32 to index
      %swap3A_1264 = arith.constant 16 : index
      %swap3A_1265 = tpu.vector_load %arg14[%swap3A_1263, %swap3A_1264] {strides = array<i32>} : memref<64x64xf32, #tpu.memory_space<vmem>>, vector<1x16xf32>,
      %swap3A_1266 = vector.shape_cast %swap3A_1265 : vector<1x16xf32> to vector<16xf32>
      %swap3A_1267 = vector.shape_cast %add3A_1262 : vector<16xf32> to vector<1x16xf32>
      tpu.vector_store %arg14[%swap3A_1263, %swap3A_1264], %swap3A_1267 {strides = array<i32>} : memref<64x64xf32, #tpu.memory_space<vmem>>, vector<1x16xf32>,
      %get3A_1268 = arith.index_cast %scan3A_1203 : i32 to index
      %get3A_1269 = arith.constant 32 : index
      %get3A_1270 = tpu.vector_load %arg10[%get3A_1268, %get3A_1269] {strides = array<i32>} : memref<64x128xf32, #tpu.memory_space<vmem>>, vector<1x16xf32>,
      %get3A_1271 = vector.shape_cast %get3A_1270 : vector<1x16xf32> to vector<16xf32>
      %get3A_1272 = arith.index_cast %scan3A_1203 : i32 to index
      %get3A_1273 = arith.constant 96 : index
      %get3A_1274 = tpu.vector_load %arg10[%get3A_1272, %get3A_1273] {strides = array<i32>} : memref<64x128xf32, #tpu.memory_space<vmem>>, vector<1x16xf32>,
      %get3A_1275 = vector.shape_cast %get3A_1274 : vector<1x16xf32> to vector<16xf32>
      %shift_right_logical3A_1276 = arith.constant 1 : i32
      %shift_right_logical3A_1277 = arith.shrui %scan3A_1203, %shift_right_logical3A_1276 : i32
      %add3A_1278 = arith.constant 32 : i32
      %add3A_1279 = arith.addi %mul3A_1217, %add3A_1278 : i32
      %get3A_1280 = arith.index_cast %shift_right_logical3A_1277 : i32 to index
      %get3A_1281 = arith.index_cast %add3A_1279 : i32 to index
      %get3A_1282 = tpu.vector_load %arg12[%get3A_1280, %get3A_1281] {strides = array<i32>} : memref<32x128xf32, #tpu.memory_space<vmem>>, vector<1x16xf32>,
      %get3A_1283 = vector.shape_cast %get3A_1282 : vector<1x16xf32> to vector<16xf32>
      %add3A_1284 = arith.addf %get3A_1283, %get3A_1271 : vector<16xf32>
      %sub3A_1285 = arith.subf %get3A_1275, %get3A_1271 : vector<16xf32>
      %mul3A_1286 = arith.mulf %gather3A_1213, %sub3A_1285 : vector<16xf32>
      %add3A_1287 = arith.addf %add3A_1284, %mul3A_1286 : vector<16xf32>
      %swap3A_1288 = arith.index_cast %scan3A_1203 : i32 to index
      %swap3A_1289 = arith.constant 32 : index
      %swap3A_1290 = tpu.vector_load %arg14[%swap3A_1288, %swap3A_1289] {strides = array<i32>} : memref<64x64xf32, #tpu.memory_space<vmem>>, vector<1x16xf32>,
      %swap3A_1291 = vector.shape_cast %swap3A_1290 : vector<1x16xf32> to vector<16xf32>
      %swap3A_1292 = vector.shape_cast %add3A_1287 : vector<16xf32> to vector<1x16xf32>
      tpu.vector_store %arg14[%swap3A_1288, %swap3A_1289], %swap3A_1292 {strides = array<i32>} : memref<64x64xf32, #tpu.memory_space<vmem>>, vector<1x16xf32>,
      %get3A_1293 = arith.index_cast %scan3A_1203 : i32 to index
      %get3A_1294 = arith.constant 48 : index
      %get3A_1295 = tpu.vector_load %arg10[%get3A_1293, %get3A_1294] {strides = array<i32>} : memref<64x128xf32, #tpu.memory_space<vmem>>, vector<1x16xf32>,
      %get3A_1296 = vector.shape_cast %get3A_1295 : vector<1x16xf32> to vector<16xf32>
      %get3A_1297 = arith.index_cast %scan3A_1203 : i32 to index
      %get3A_1298 = arith.constant 112 : index
      %get3A_1299 = tpu.vector_load %arg10[%get3A_1297, %get3A_1298] {strides = array<i32>} : memref<64x128xf32, #tpu.memory_space<vmem>>, vector<1x16xf32>,
      %get3A_1300 = vector.shape_cast %get3A_1299 : vector<1x16xf32> to vector<16xf32>
      %shift_right_logical3A_1301 = arith.constant 1 : i32
      %shift_right_logical3A_1302 = arith.shrui %scan3A_1203, %shift_right_logical3A_1301 : i32
      %add3A_1303 = arith.constant 48 : i32
      %add3A_1304 = arith.addi %mul3A_1217, %add3A_1303 : i32
      %get3A_1305 = arith.index_cast %shift_right_logical3A_1302 : i32 to index
      %get3A_1306 = arith.index_cast %add3A_1304 : i32 to index
      %get3A_1307 = tpu.vector_load %arg12[%get3A_1305, %get3A_1306] {strides = array<i32>} : memref<32x128xf32, #tpu.memory_space<vmem>>, vector<1x16xf32>,
      %get3A_1308 = vector.shape_cast %get3A_1307 : vector<1x16xf32> to vector<16xf32>
      %add3A_1309 = arith.addf %get3A_1308, %get3A_1296 : vector<16xf32>
      %sub3A_1310 = arith.subf %get3A_1300, %get3A_1296 : vector<16xf32>
      %mul3A_1311 = arith.mulf %gather3A_1213, %sub3A_1310 : vector<16xf32>
      %add3A_1312 = arith.addf %add3A_1309, %mul3A_1311 : vector<16xf32>
      %swap3A_1313 = arith.index_cast %scan3A_1203 : i32 to index
      %swap3A_1314 = arith.constant 48 : index
      %swap3A_1315 = tpu.vector_load %arg14[%swap3A_1313, %swap3A_1314] {strides = array<i32>} : memref<64x64xf32, #tpu.memory_space<vmem>>, vector<1x16xf32>,
      %swap3A_1316 = vector.shape_cast %swap3A_1315 : vector<1x16xf32> to vector<16xf32>
      %swap3A_1317 = vector.shape_cast %add3A_1312 : vector<16xf32> to vector<1x16xf32>
      tpu.vector_store %arg14[%swap3A_1313, %swap3A_1314], %swap3A_1317 {strides = array<i32>} : memref<64x64xf32, #tpu.memory_space<vmem>>, vector<1x16xf32>,
    }
    %scan3A_1200 = arith.constant 64 : i32
    %add3A_1201 = arith.constant 448 : i32
    %add3A_1202 = arith.addi %mul3A_2, %add3A_1201 : i32
    "tpu.region"() ({
      %run_scoped3A = tpu.sem_alloc : memref<!tpu.dma_semaphore, #tpu.memory_space<semaphore_mem>>
      %dma_start3A_1203 = arith.constant 0 : i32
      %dma_start3A_1204 = tpu.memref_slice %arg5[%add3A_1202, %dma_start3A_1203] : memref<16384x64xf32, #tpu.memory_space<hbm>> -> memref<64x64xf32, #tpu.memory_space<hbm>>
      %dma_start3A_1205 = arith.constant 0 : i32
      %dma_start3A_1206 = tpu.memref_slice %arg5[%add3A_1202, %dma_start3A_1205] : memref<16384x64xf32, #tpu.memory_space<hbm>> -> memref<64x64xf32, #tpu.memory_space<hbm>>
      tpu.enqueue_dma source(%arg14 : memref<64x64xf32, #tpu.memory_space<vmem>>) target(%dma_start3A_1206 : memref<64x64xf32, #tpu.memory_space<hbm>>) target_semaphore(%run_scoped3A : memref<!tpu.dma_semaphore, #tpu.memory_space<semaphore_mem>>)
      %dma_wait3A_1207 = arith.constant 0 : i32
      %dma_wait3A_1208 = tpu.memref_slice %arg5[%add3A_1202, %dma_wait3A_1207] : memref<16384x64xf32, #tpu.memory_space<hbm>> -> memref<64x64xf32, #tpu.memory_space<hbm>>
      %dma_wait3A_1209 = arith.constant 0 : i32
      %dma_wait3A_1210 = tpu.memref_slice %arg5[%add3A_1202, %dma_wait3A_1209] : memref<16384x64xf32, #tpu.memory_space<hbm>> -> memref<64x64xf32, #tpu.memory_space<hbm>>
      tpu.wait_dma2 semaphore(%run_scoped3A : memref<!tpu.dma_semaphore, #tpu.memory_space<semaphore_mem>>) src(%arg14 : memref<64x64xf32, #tpu.memory_space<vmem>>) dst(%dma_wait3A_1210 : memref<64x64xf32, #tpu.memory_space<hbm>>)
      tpu.yield
    }) : () -> ()
    return
  }
}

module attributes {stable_mosaic.version = 14 : i64} {
  func.func @_alpha_body(%arg0: i32, %arg1: memref<2048x256xf32, #tpu.memory_space<vmem>>, %arg2: memref<256x16xf32, #tpu.memory_space<vmem>>, %arg3: memref<1x16xf32, #tpu.memory_space<vmem>>, %arg4: memref<2048x16xf32, #tpu.memory_space<vmem>>) attributes {dimension_semantics = [#tpu.dimension_semantics<arbitrary>], iteration_bounds = array<i64: 8>, scalar_prefetch = 0 : i64, scratch_operands = 0 : i64, tpu.core_type = #tpu.core_type<tc>, window_params = [{transform_indices = @transform_0, window_bounds = array<i64: 2048, 256>}, {pipeline_mode = #tpu.pipeline_mode<synchronous>, transform_indices = @transform_1, window_bounds = array<i64: 256, 16>}, {pipeline_mode = #tpu.pipeline_mode<synchronous>, transform_indices = @transform_2, window_bounds = array<i64: 1, 16>}, {transform_indices = @transform_3, window_bounds = array<i64: 2048, 16>}]} {
    %get3A = arith.constant 0 : index
    %get3A_0 = arith.constant 0 : index
    %get3A_1 = vector.load %arg1[%get3A, %get3A_0] : memref<2048x256xf32, #tpu.memory_space<vmem>>, vector<2048x256xf32>
    %get3A_2 = arith.constant 0 : index
    %get3A_3 = arith.constant 0 : index
    %get3A_4 = vector.load %arg2[%get3A_2, %get3A_3] : memref<256x16xf32, #tpu.memory_space<vmem>>, vector<256x16xf32>
    %dot_general3A = arith.constant dense<0.000000e+00> : vector<2048x16xf32>
    %dot_general3A_5 = tpu.matmul %get3A_1, %get3A_4, %dot_general3A {dimension_numbers = #tpu.dot_dimension_numbers<[1], [0], [0], [1], [0, 0, 1, 1], [], []>, transpose_lhs_hint = false} : vector<2048x256xf32>, vector<256x16xf32>, vector<2048x16xf32> -> vector<2048x16xf32>
    %get3A_6 = arith.constant 0 : index
    %get3A_7 = arith.constant 0 : index
    %get3A_8 = vector.load %arg3[%get3A_6, %get3A_7] : memref<1x16xf32, #tpu.memory_space<vmem>>, vector<1x16xf32>
    %add3A = vector.broadcast %get3A_8 : vector<1x16xf32> to vector<2048x16xf32>
    %add3A_9 = arith.addf %dot_general3A_5, %add3A : vector<2048x16xf32>
    %logistic3A = arith.negf %add3A_9 : vector<2048x16xf32>
    %logistic3A_10 = math.exp %logistic3A : vector<2048x16xf32>
    %logistic3A_11 = arith.constant 1.000000e+00 : f32
    %logistic3A_12 = vector.broadcast %logistic3A_11 : f32 to vector<2048x16xf32>
    %logistic3A_13 = arith.addf %logistic3A_12, %logistic3A_10 : vector<2048x16xf32>
    %logistic3A_14 = arith.divf %logistic3A_12, %logistic3A_13 : vector<2048x16xf32>
    %swap3A = arith.constant 0 : index
    %swap3A_15 = arith.constant 0 : index
    %swap3A_16 = vector.load %arg4[%swap3A, %swap3A_15] : memref<2048x16xf32, #tpu.memory_space<vmem>>, vector<2048x16xf32>
    tpu.vector_store %arg4[%swap3A, %swap3A_15], %logistic3A_14 {strides = array<i32>} : memref<2048x16xf32, #tpu.memory_space<vmem>>, vector<2048x16xf32>,
    return
  }
  func.func @transform_0(%arg0: i32) -> (i32, i32) {
    %c0_i32 = arith.constant 0 : i32
    %c0_i32_0 = arith.constant 0 : i32
    return %arg0, %c0_i32 : i32, i32
  }
  func.func @transform_1(%arg0: i32) -> (i32, i32) {
    %c0_i32 = arith.constant 0 : i32
    %c0_i32_0 = arith.constant 0 : i32
    %c0_i32_1 = arith.constant 0 : i32
    return %c0_i32, %c0_i32_0 : i32, i32
  }
  func.func @transform_2(%arg0: i32) -> (i32, i32) {
    %c0_i32 = arith.constant 0 : i32
    %c0_i32_0 = arith.constant 0 : i32
    %c0_i32_1 = arith.constant 0 : i32
    return %c0_i32, %c0_i32_0 : i32, i32
  }
  func.func @transform_3(%arg0: i32) -> (i32, i32) {
    %c0_i32 = arith.constant 0 : i32
    %c0_i32_0 = arith.constant 0 : i32
    return %arg0, %c0_i32 : i32, i32
  }
}

</mosaic_0001>

<sc_bundles>
// kernel: kernel.5.cloned.1.call-start
scs
__scs_entry_jumppad:
0x0: {  	(pc) =	sbr.rel $0x88, $3  }
0x1: {  	(tag) =	ssettag $0x0;
	lr =	simm.s32 $0x1  }
0x2: {  	[smem:$0x3F9B] =	sst lr;
	_ =	strace $0xD0000000  }
0x3: {  	_ = 	snop  }
0x4: {  	_ = 	snop  }
0x5: {  	_ = 	snop  }
0x6: {  	_ = 	snop  }
0x7: {  	_ = 	snop  }
__scs_overlays_trampoline_lowered:
0x8: {  	[smem:$0x3FAA] =	sst s0  }
0x9: {  	[smem:$0x3FAB] =	sst s1  }
0xa: {  	[smem:$0x3FAC] =	sst s2  }
0xb: {  	[smem:$0x3FAD] =	sst s3  }
0xc: {  	[smem:$0x3FAE] =	sst s4  }
0xd: {  	[smem:$0x3FAF] =	sst s5  }
0xe: {  	[smem:$0x3FB0] =	sst s6  }
0xf: {  	[smem:$0x3FB1] =	sst s7  }
0x10: {  	[smem:$0x3FB2] =	sst s8  }
0x11: {  	[smem:$0x3FB3] =	sst s9;
	s0 =	simm.s32 @!p0 $0x0  }
0x12: {  	s1 =	sld [smem:$0x3F99];
	s0 =	simm.s32 @p0 $0x1  }
0x13: {  	[smem:$0x3FB4] =	sst s0;
	s0 =	simm.s32 @!p1 $0x0  }
0x14: {  	s2 =	sld [smem:$0x3F98];
	s0 =	simm.s32 @p1 $0x1  }
0x15: {  	[smem:$0x3FB5] =	sst s0;
	s0 =	simm.s32 @!p2 $0x0  }
0x16: {  	s3 =	sld [smem:$0x3FDB];
	s0 =	simm.s32 @p2 $0x1  }
0x17: {  	s4 =	simm.s32 $0x1BF5;
	[smem:$0x3FB7] =	sst s0  }
0x18: {  	s0 =	sld [smem:$0x3F9A];
	_ =	swait.ge [sflag:s4], $0x0  }
0x19: {  	s7 =	sld [smem:$0x3F9B]  }
0x1a: {  	s8 =	sadd.s32 $0xFFFFE003, lr  }
0x1b: {  	s9 =	sadd.s32 $0xFFFFFEF7, lr;
	s5 =	simm.s32 $0xFFFFFFFF;
	p2 =	slt.u32 s8, $0xFFFFF086  }
0x1c: {  	p1 =	slt.u32 s9, $0xF7A;
	s5 =	simm.s32 @!p2 $0x0  }
0x1d: {  	s5 =	simm.s32 @p1 $0x1;
	p0 =	seq.s32 s7, s2  }
0x1e: {  	s7 =	smul.u32 @!p0 $0xF7A, s2;
	p2 =	seq.s32 @!p0 s5, $0x0  }
0x1f: {  	s9 =	smul.u32 $0xF7A, s1;
	s8 =	simm.s32 @!p0 $0x1BF5;
	p2 =	por !p2, p0  }
0x20: {  	[sflag:s8] =	ssyncset.s32 @!p0 $0xFFFFF086;
	s6 =	sadd.s32 @!p0 s3, s7;
	s7 =	simm.s32 @!p0 $0x108  }
0x21: {  	s3 =	sadd.s32 s3, s9;
	s6 =	sadd.s32 @!p0 $0x88, s6;
	s7 =	simm.s32 @p2 $0x1082  }
0x22: {  	[simem:s7], [sflag:s8] =	dma.local @!p0 [hbm:s6], $0xF7A  }
0x23: {  	s9 =	sor.u32 $0xD0000000, s2;
	s6 =	simm.s32 $0x108;
	_ =	swait.ge @!p0 [sflag:s8], $0x0  }
0x24: {  	s3 =	sadd.s32 $0x88, s3;
	s6 =	simm.s32 @!p1 $0x1082;
	[sflag:s4] =	ssyncset.s32 $0xFFFFF086  }
0x25: {  	[simem:s6], [sflag:s4] =	dma.local [hbm:s3], $0xF7A  }
0x26: {  	[smem:$0x3F9B] =	sst s1;
	(tag) =	ssettag s2;
	_ =	strace s9  }
0x27: {  	s1 =	sld [smem:$0x3FAB]  }
0x28: {  	s2 =	sld [smem:$0x3FAC]  }
0x29: {  	s4 =	sld [smem:$0x3FAE]  }
0x2a: {  	p0 =	seq.s32 s5, $0x0;
	s5 =	sld [smem:$0x3FAF]  }
0x2b: {  	s6 =	sld [smem:$0x3FB0]  }
0x2c: {  	s7 =	sld [smem:$0x3FB1]  }
0x2d: {  	s3 =	simm.s32 $0x108;
	s8 =	sld [smem:$0x3FB2]  }
0x2e: {  	s3 =	simm.s32 @!p0 $0x1082;
	s9 =	sld [smem:$0x3FB3]  }
0x2f: {  	lr =	sadd.s32 s0, s3;
	s0 =	sld [smem:$0x3FAA]  }
0x30: {  	s3 =	sld [smem:$0x3FAD]  }
0x31: {  	[smem:$0x3FB6] =	sst s10  }
0x32: {  	s10 =	sld [smem:$0x3FB4];
	_ =	sdelay $0x3  }
0x33: {  	p0 =	seq.s32 s10, $0x1;
	s10 =	sld [smem:$0x3FB6];
	_ =	sdelay $0x3  }
0x34: {  	[smem:$0x3FB6] =	sst s10  }
0x35: {  	s10 =	sld [smem:$0x3FB5];
	_ =	sdelay $0x3  }
0x36: {  	p1 =	seq.s32 s10, $0x1;
	s10 =	sld [smem:$0x3FB6];
	_ =	sdelay $0x3  }
0x37: {  	[smem:$0x3FB6] =	sst s10  }
0x38: {  	s10 =	sld [smem:$0x3FB7]  }
0x39: {  	_ = 	snop;
	(pc) =	sbr.ind lr, $3  }
0x3a: {  	_ = 	snop  }
0x3b: {  	_ = 	snop  }
0x3c: {  	p2 =	seq.s32 s10, $0x1;
	s10 =	sld [smem:$0x3FB6]  }
0x3d: {  	_ =	shalt  }
0x3e: {  	_ =	shalt  }
0x3f: {  	_ =	shalt  }
0x40: {  	_ =	shalt  }
0x41: {  	_ =	shalt  }
0x42: {  	_ =	shalt  }
0x43: {  	_ =	shalt  }
0x44: {  	_ =	shalt  }
0x45: {  	_ =	shalt  }
0x46: {  	_ =	shalt  }
0x47: {  	_ =	shalt  }
0x48: {  	_ =	shalt  }
0x49: {  	_ =	shalt  }
0x4a: {  	_ =	shalt  }
0x4b: {  	_ =	shalt  }
0x4c: {  	_ =	shalt  }
0x4d: {  	_ =	shalt  }
0x4e: {  	_ =	shalt  }
0x4f: {  	_ =	shalt  }
0x50: {  	_ =	shalt  }
0x51: {  	_ =	shalt  }
0x52: {  	_ =	shalt  }
0x53: {  	_ =	shalt  }
0x54: {  	_ =	shalt  }
0x55: {  	_ =	shalt  }
0x56: {  	_ =	shalt  }
0x57: {  	_ =	shalt  }
0x58: {  	_ =	shalt  }
0x59: {  	_ =	shalt  }
0x5a: {  	_ =	shalt  }
0x5b: {  	_ =	shalt  }
0x5c: {  	_ =	shalt  }
0x5d: {  	_ =	shalt  }
0x5e: {  	_ =	shalt  }
0x5f: {  	_ =	shalt  }
0x60: {  	_ =	shalt  }
0x61: {  	_ =	shalt  }
0x62: {  	_ =	shalt  }
0x63: {  	_ =	shalt  }
0x64: {  	_ =	shalt  }
0x65: {  	_ =	shalt  }
0x66: {  	_ =	shalt  }
0x67: {  	_ =	shalt  }
0x68: {  	_ =	shalt  }
0x69: {  	_ =	shalt  }
0x6a: {  	_ =	shalt  }
0x6b: {  	_ =	shalt  }
0x6c: {  	_ =	shalt  }
0x6d: {  	_ =	shalt  }
0x6e: {  	_ =	shalt  }
0x6f: {  	_ =	shalt  }
0x70: {  	_ =	shalt  }
0x71: {  	_ =	shalt  }
0x72: {  	_ =	shalt  }
0x73: {  	_ =	shalt  }
0x74: {  	_ =	shalt  }
0x75: {  	_ =	shalt  }
0x76: {  	_ =	shalt  }
0x77: {  	_ =	shalt  }
0x78: {  	_ =	shalt  }
0x79: {  	_ =	shalt  }
0x7a: {  	_ =	shalt  }
0x7b: {  	_ =	shalt  }
0x7c: {  	_ =	shalt  }
0x7d: {  	_ =	shalt  }
0x7e: {  	_ =	shalt  }
0x7f: {  	_ =	shalt  }
0x80: {  	_ =	shalt  }
0x81: {  	_ =	shalt  }
0x82: {  	_ =	shalt  }
0x83: {  	_ =	shalt  }
0x84: {  	_ =	shalt  }
0x85: {  	_ =	shalt  }
0x86: {  	_ =	shalt  }
0x87: {  	_ =	shalt  }
.Lfunc_end0:
.L_simem_size_0:
called_computation_lowered:
.L_overlay_start_0:
0x88: {  	s2 =	sld [smem:$0x3FD9]  }
0x89: {  	s3 =	sld [smem:$0x3FFE];
	_ =	sdelay $0x1  }
0x8a: {  	s1 =	srdreg.scid  }
0x8b: {  	s0 =	sand.u32 $0x1, s1  }
0x8c: {  	s17 =	sshll.u32 s0, $0xA;
	s2 =	sadd.s32 s3, s2  }
0x8d: {  	s2 =	sadd.s32 s2, s17  }
0x8e: {  	[smem:$0x3FC2] =	sst s2  }
0x8f: {  	_ = 	snop  }
0x90: {  	s2 =	sld [smem:$0x3FC8]  }
0x91: {  	s18 =	sld [smem:$0x3FC7]  }
0x92: {  	s4 =	sld [smem:$0x3FD0];
	(tm) =	ssettm $0x1  }
0x93: {  	s5 =	sld [smem:$0x3FFB];
	_ =	sdelay $0x3  }
0x94: {  	_ =	strace s5  }
0x95: {  	s5 =	sld [smem:$0x3FFC];
	_ =	sdelay $0x3  }
0x96: {  	_ =	strace s5  }
0x97: {  	s5 =	sld [smem:$0x3FFD];
	_ =	sdelay $0x3  }
0x98: {  	_ =	strace s5  }
0x99: {  	_ =	strace $0x8FFFFFFF  }
0x9a: {  	s19 =	sld [smem:$0x3FDB];
	_ =	sdelay $0x1  }
0x9b: {  	s6 =	simm.s32 $_scs_section_size  }
0x9c: {  	s7 =	simm.s32 $_size__tile_overlayer_lowered;
	s8 =	simm.s32 $_tile_overlayer_lowered  }
0x9d: {  	s22 =	simm.s32 $0x1BFF;
	s21 =	sshll.u32 s8, $0x1;
	s5 =	sadd.s32 s6, s19  }
0x9e: {  	s9 =	simm.s32 $0x0;
	s20 =	sshll.u32 s7, $0x1;
	s7 =	sadd.s32 s21, s5  }
0x9f: {  	[timem:s9], [sflag:s22] =	dma.local [hbm:s7], s20  }
0xa0: {  	_ =	swait.ge [sflag:s22], s20  }
0xa1: {  	s6 =	ssub.s32 $0x0, s20;
	[sflag:s22] =	ssyncset.done $0x0  }
0xa2: {  	[sflag:s22] =	ssyncadd.s32 s6;
	_ =	sdelay $0x1  }
0xa3: {  	s23 =	simm.s32 $0x1B8B  }
0xa4: {  	_ =	swait.ge [sflag:s23], $0x1  }
0xa5: {  	[sflag:s23] =	ssyncset.done $0x0  }
0xa6: {  	s25 =	simm.s32 $0x1B8E;
	s24 =	sld [smem:$0x3FFE];
	[sflag:s23] =	ssyncadd.s32 $0xFFFFFFFF  }
0xa7: {  	s26 =	simm.s32 $execute0_lowered;
	[smem:$0x3FD2] =	sst s25  }
0xa8: {  	s7 =	sshll.u32 s26, $0x1;
	_ =	strace $0x80000046;
	[dreg:$0x1] =	wrdreg $0xFFFFFFFF  }
0xa9: {  	s28 =	simm.s32 $_size_execute0_lowered;
	s5 =	sadd.s32 s5, s7;
	[dreg:$0x0] =	wrdreg $0x0  }
0xaa: {  	s7 =	sshll.u32 s28, $0x1;
	[dreg:$0x2] =	wrdreg s5  }
0xab: {  	[dreg:$0x3] =	wrdreg s7  }
0xac: {  	[dreg:$0x4] =	wrdreg $0xC0  }
0xad: {  	_ =	task [dreg:s9], $0x5FFFF  }
0xae: {  	[dreg:$0x1] =	wrdreg $0xFFFFFFFF  }
0xaf: {  	[dreg:$0x0] =	wrdreg $0x60  }
0xb0: {  	[dreg:$0x2] =	wrdreg s18  }
0xb1: {  	[dreg:$0x3] =	wrdreg s2  }
0xb2: {  	[dreg:$0x4] =	wrdreg s24  }
0xb3: {  	[dreg:$0x5] =	wrdreg s4  }
0xb4: {  	[dreg:$0x6] =	wrdreg $0x9  }
0xb5: {  	_ =	task.clear_ibuf [dreg:s9], $0x7FFFF;
	_ =	strace $0x90000046  }
0xb6: {  	s29 =	simm.s32 $0x9;
	_ =	strace $0x80000048  }
0xb7: {  	_ =	swait.ge [sflag:s29], $0x1  }
0xb8: {  	[sflag:s29] =	ssyncadd.s32 $0xFFFFFFFF  }
0xb9: {  	_ =	strace $0x90000048  }
0xba: {  	_ =	sfence  }
0xbb: {  	s30 =	sld [smem:$0x0];
	_ =	sdelay $0x2  }
0xbc: {  	s31 =	sshll.u32 s1, $0xD;
	s1 =	sshrl.u32 s1, $0x2  }
0xbd: {  	s3 =	sand.u32 $0x4000, s31;
	s1 =	sadd.s32 s1, s30  }
0xbe: {  	s0 =	sor.u32 s3, s0;
	s1 =	sshll.u32 s1, $0x11  }
0xbf: {  	s0 =	sor.u32 s1, s0  }
0xc0: {  	s0 =	sadd.s32 $0x8F2B, s0  }
0xc1: {  	[sflag:s0] =	ssyncadd.remote.s32 $0x1  }
0xc2: {  	_ =	sfence.sel $0xFFFF  }
0xc3: {  	[dreg:$0x0] =	wrdreg $0xFFFFFFFF;
	(pc) =	sbr.abs _section_cstart, $3  }
0xc4: {  	[dreg:$0x1] =	wrdreg $0xFFFFFFFF  }
0xc5: {  	_ =	task.clear_ibuf [dreg:s9], $0x2FFFF;
	_ =	strace $0x9FFFFFFF  }
0xc6: {  	(tm) =	ssettm $0x7FFFFFFF  }
0xc7: {  	_ =	shalt  }
tec
execute0_lowered:
.L_overlay_start_1:
0x0: {  	(tag) =	ssettag $0x1  }
0x1: {  	s1 =	rddreg [dreg:$0x0]  }
0x2: {  	s0 =	rddreg [dreg:$0x1]  }
0x3: {  	s2 =	rddreg [dreg:$0x2]  }
0x4: {  	s3 =	rddreg [dreg:$0x3]  }
0x5: {  	s5 =	srdreg.scid;
	s4 =	simm.s32 $0x0;
	s7 =	stileid.u32  }
0x6: {  	s12 =	simm.s32 $0x3;
	s19 =	simm.s32 $0xFA00;
	s20 =	simm.s32 $0x10200  }
0x7: {  	s21 =	simm.s32 $0x10A00;
	s22 =	simm.s32 $0x11200;
	s23 =	simm.s32 $0x11A00  }
0x8: {  	s24 =	simm.s32 $0x12200;
	s25 =	simm.s32 $0x1;
	s28 =	simm.s32 $0x2  }
0x9: {  	v2 =	vlaneseq.u32;
	s6 =	sand.u32 $0x1, s5;
	[smem:$0x7FF] =	sst s4;
	s26 =	sshll.u32 s7, $0xA  }
0xa: {  	vm0 =	vmmov $0xffff;
	v3 =	vimm.s32 $0x0;
	v4 =	vimm.s32 $0x1;
	s10 =	sadd.s32 $0x300, s1;
	s29 =	sshll.u32 s6, $0x9;
	s6 =	ssub.s32 $0x2, s6  }
0xb: {  	v5 =	vimm.s32 $0x2;
	v6 =	vimm.s32 $0x3;
	v7 =	vimm.s32 $0x4;
	_ =	strace $0x80000047;
	s5 =	sor.u32 s29, s26;
	s8 =	sshrl.u32 s6, $0x1  }
.Ltmp0:
0xc: {  	v8 =	vimm.s32 $0x5;
	v9 =	vimm.s32 $0x6;
	v10 =	vimm.s32 $0x7;
	s26 =	simm.s32 $0x2200;
	s9 =	sshrl.u32 s5, $0x3;
	(pc) =	sbr.rel .LBB2_1-.Ltmp0, $4  }
0xd: {  	v11 =	vimm.s32 $0x8;
	v12 =	vimm.s32 $0x9;
	v13 =	vimm.s32 $0xA;
	s7 =	sshll.u32 s5, $0x1;
	s6 =	ssub.s32 s6, s8;
	s0 =	sadd.s32 s0, s9  }
0xe: {  	v14 =	vimm.s32 $0xB;
	v15 =	vimm.s32 $0xC;
	v16 =	vimm.s32 $0xD;
	s2 =	sadd.s32 s7, s2;
	s31 =	smax.u32 s6, $0x1;
	[dreg:$0x5] =	wrdreg s0  }
0xf: {  	v17 =	vimm.s32 $0xE;
	v18 =	vimm.s32 $0xF;
	v1 =	vshrl.u32 v2, $0x3;
	s8 =	sadd.s32 $0x100, s1;
	s30 =	sadd.s32 $0xA00, s2;
	[dreg:$0x7] =	wrdreg s31  }
0x10: {  	v0 =	vand.u32 $0x7, v2;
	v2 =	vor.u32 $0x8, v2;
	v1 =	vmul.u32 $0x8, v1;
	s9 =	sadd.s32 $0x200, s1;
	s2 =	simm.s32 $0x0;
	[dreg:$0x6] =	wrdreg s30  }
.LBB2_8:
0x11: {  	s2 =	rddreg [dreg:$0x8]  }
0x12: {  	s0 =	rddreg [dreg:$0x7];
	s2 =	sadd.s32 $0x1, s2  }
0x13: {  	p0 =	sne.s32 s2, s0  }
.Ltmp1:
0x14: {  	_ = 	snop;
	(pc) =	sbr.rel @!p0 .LBB2_9-.Ltmp1, $1  }
0x15: {  	_ =	sdelay $0x3  }
.LBB2_1:
0x16: {  	[dreg:$0x8] =	wrdreg s2  }
0x17: {  	s0 =	rddreg [dreg:$0x5]  }
0x18: {  	[tilespmem:s4], [sflag:$0x3] =	stream.linear.gather [hbm4b:s0+s4], $0x200, $0x38;
	[tilespmem:$0x12A00] =	vst v63  }
0x19: {  	_ =	swait.ge [sflag:s12], $0x200  }
0x1a: {  	[sflag:s12] =	ssyncset.done $0x0  }
0x1b: {  	s6 =	simm.s32 $0x200;
	s29 =	rddreg [dreg:$0x6];
	[sflag:s12] =	ssyncadd.s32 $0xFFFFFE00  }
0x1c: {  	[tilespmem:s6], [sflag:$0x3] =	stream.linear.gather [hbm4b:s29+s4], $0x2000, $0x38;
	[tilespmem:$0x12A00] =	vst v63  }
0x1d: {  	_ =	swait.ge [sflag:s12], $0x2000  }
0x1e: {  	[sflag:s12] =	ssyncset.done $0x0  }
0x1f: {  	[sflag:s12] =	ssyncadd.s32 $0xFFFFE000  }
0x20: {  	v19 =	vld [tilespmem:$0x0];
	_ =	sdelay $0x4  }
0x21: {  	v20 =	vshll.u32 v19, $0x3  }
0x22: {  	v19 =	vand.u32 $0x7, v19;
	v20 =	vand.u32 $0xFFFFFFC0, v20  }
0x23: {  	v19 =	vor.u32 v19, v20  }
0x24: {  	v20 =	vperm.xlane v19, v0;
	_ =	sdelay $0x1  }
0x25: {  	v20 =	vadd.s32 v1, v20;
	_ =	sdelay $0x3  }
0x26: {  	s30 =	simm.s32 $0x2A00  }
0x27: {  	[tilespmem:s30], [sflag:$0x1] =	stream.indirect_vreg.gather [hbm4b:s1+s4], $0x80, v20, vm0, $0xb8;
	[tilespmem:$0x12A00] =	vst v63  }
0x28: {  	s31 =	simm.s32 $0x3200;
	v19 =	vperm.xlane v19, v2  }
0x29: {  	[tilespmem:s31], [sflag:$0x1] =	stream.indirect_vreg.gather [hbm4b:s8+s4], $0x80, v20, vm0, $0xb8;
	[tilespmem:$0x12A00] =	vst v63  }
0x2a: {  	s2 =	simm.s32 $0x3A00;
	v19 =	vadd.s32 v1, v19  }
0x2b: {  	[tilespmem:s2], [sflag:$0x1] =	stream.indirect_vreg.gather [hbm4b:s9+s4], $0x80, v20, vm0, $0xb8;
	[tilespmem:$0x12A00] =	vst v63  }
0x2c: {  	s7 =	simm.s32 $0x4200  }
0x2d: {  	[tilespmem:s7], [sflag:$0x1] =	stream.indirect_vreg.gather [hbm4b:s10+s4], $0x80, v20, vm0, $0xb8;
	[tilespmem:$0x12A00] =	vst v63  }
0x2e: {  	s11 =	simm.s32 $0x4A00  }
0x2f: {  	[tilespmem:s11], [sflag:$0x1] =	stream.indirect_vreg.gather [hbm4b:s1+s4], $0x80, v19, vm0, $0xb8;
	[tilespmem:$0x12A00] =	vst v63  }
0x30: {  	s13 =	simm.s32 $0x5200  }
0x31: {  	[tilespmem:s13], [sflag:$0x1] =	stream.indirect_vreg.gather [hbm4b:s8+s4], $0x80, v19, vm0, $0xb8;
	[tilespmem:$0x12A00] =	vst v63  }
0x32: {  	s14 =	simm.s32 $0x5A00  }
0x33: {  	[tilespmem:s14], [sflag:$0x1] =	stream.indirect_vreg.gather [hbm4b:s9+s4], $0x80, v19, vm0, $0xb8;
	[tilespmem:$0x12A00] =	vst v63  }
0x34: {  	s15 =	simm.s32 $0x6200  }
0x35: {  	[tilespmem:s15], [sflag:$0x1] =	stream.indirect_vreg.gather [hbm4b:s10+s4], $0x80, v19, vm0, $0xb8;
	[tilespmem:$0x12A00] =	vst v63  }
0x36: {  	v19 =	vld [tilespmem:$0x10];
	_ =	sdelay $0x4  }
0x37: {  	v20 =	vshll.u32 v19, $0x3  }
0x38: {  	v19 =	vand.u32 $0x7, v19;
	v20 =	vand.u32 $0xFFFFFFC0, v20  }
0x39: {  	v19 =	vor.u32 v19, v20  }
0x3a: {  	v20 =	vperm.xlane v19, v0;
	_ =	sdelay $0x1  }
0x3b: {  	v20 =	vadd.s32 v1, v20;
	_ =	sdelay $0x3  }
0x3c: {  	s16 =	simm.s32 $0x6A00  }
0x3d: {  	[tilespmem:s16], [sflag:$0x1] =	stream.indirect_vreg.gather [hbm4b:s1+s4], $0x80, v20, vm0, $0xb8;
	[tilespmem:$0x12A00] =	vst v63  }
0x3e: {  	s17 =	simm.s32 $0x7200;
	v19 =	vperm.xlane v19, v2  }
0x3f: {  	[tilespmem:s17], [sflag:$0x1] =	stream.indirect_vreg.gather [hbm4b:s8+s4], $0x80, v20, vm0, $0xb8;
	[tilespmem:$0x12A00] =	vst v63  }
0x40: {  	s18 =	simm.s32 $0x7A00;
	v19 =	vadd.s32 v1, v19  }
0x41: {  	[tilespmem:s18], [sflag:$0x1] =	stream.indirect_vreg.gather [hbm4b:s9+s4], $0x80, v20, vm0, $0xb8;
	[tilespmem:$0x12A00] =	vst v63  }
0x42: {  	s29 =	simm.s32 $0x8200  }
0x43: {  	[tilespmem:s29], [sflag:$0x1] =	stream.indirect_vreg.gather [hbm4b:s10+s4], $0x80, v20, vm0, $0xb8;
	[tilespmem:$0x12A00] =	vst v63  }
0x44: {  	s30 =	simm.s32 $0x8A00  }
0x45: {  	[tilespmem:s30], [sflag:$0x1] =	stream.indirect_vreg.gather [hbm4b:s1+s4], $0x80, v19, vm0, $0xb8;
	[tilespmem:$0x12A00] =	vst v63  }
0x46: {  	s31 =	simm.s32 $0x9200  }
0x47: {  	[tilespmem:s31], [sflag:$0x1] =	stream.indirect_vreg.gather [hbm4b:s8+s4], $0x80, v19, vm0, $0xb8;
	[tilespmem:$0x12A00] =	vst v63  }
0x48: {  	s2 =	simm.s32 $0x9A00  }
0x49: {  	[tilespmem:s2], [sflag:$0x1] =	stream.indirect_vreg.gather [hbm4b:s9+s4], $0x80, v19, vm0, $0xb8;
	[tilespmem:$0x12A00] =	vst v63  }
0x4a: {  	s7 =	simm.s32 $0xA200  }
0x4b: {  	[tilespmem:s7], [sflag:$0x1] =	stream.indirect_vreg.gather [hbm4b:s10+s4], $0x80, v19, vm0, $0xb8;
	[tilespmem:$0x12A00] =	vst v63  }
0x4c: {  	v19 =	vld [tilespmem:$0x20];
	_ =	sdelay $0x4  }
0x4d: {  	v20 =	vshll.u32 v19, $0x3  }
0x4e: {  	v19 =	vand.u32 $0x7, v19;
	v20 =	vand.u32 $0xFFFFFFC0, v20  }
0x4f: {  	v19 =	vor.u32 v19, v20  }
0x50: {  	v20 =	vperm.xlane v19, v0;
	_ =	sdelay $0x1  }
0x51: {  	v20 =	vadd.s32 v1, v20;
	_ =	sdelay $0x3  }
0x52: {  	s11 =	simm.s32 $0xAA00  }
0x53: {  	[tilespmem:s11], [sflag:$0x2] =	stream.indirect_vreg.gather [hbm4b:s1+s4], $0x80, v20, vm0, $0xb8;
	[tilespmem:$0x12A00] =	vst v63  }
0x54: {  	s13 =	simm.s32 $0xB200;
	v19 =	vperm.xlane v19, v2  }
0x55: {  	[tilespmem:s13], [sflag:$0x2] =	stream.indirect_vreg.gather [hbm4b:s8+s4], $0x80, v20, vm0, $0xb8;
	[tilespmem:$0x12A00] =	vst v63  }
0x56: {  	s14 =	simm.s32 $0xBA00;
	v19 =	vadd.s32 v1, v19  }
0x57: {  	[tilespmem:s14], [sflag:$0x2] =	stream.indirect_vreg.gather [hbm4b:s9+s4], $0x80, v20, vm0, $0xb8;
	[tilespmem:$0x12A00] =	vst v63  }
0x58: {  	s15 =	simm.s32 $0xC200  }
0x59: {  	[tilespmem:s15], [sflag:$0x2] =	stream.indirect_vreg.gather [hbm4b:s10+s4], $0x80, v20, vm0, $0xb8;
	[tilespmem:$0x12A00] =	vst v63  }
0x5a: {  	s16 =	simm.s32 $0xCA00  }
0x5b: {  	[tilespmem:s16], [sflag:$0x2] =	stream.indirect_vreg.gather [hbm4b:s1+s4], $0x80, v19, vm0, $0xb8;
	[tilespmem:$0x12A00] =	vst v63  }
0x5c: {  	s17 =	simm.s32 $0xD200  }
0x5d: {  	[tilespmem:s17], [sflag:$0x2] =	stream.indirect_vreg.gather [hbm4b:s8+s4], $0x80, v19, vm0, $0xb8;
	[tilespmem:$0x12A00] =	vst v63  }
0x5e: {  	s18 =	simm.s32 $0xDA00  }
0x5f: {  	[tilespmem:s18], [sflag:$0x2] =	stream.indirect_vreg.gather [hbm4b:s9+s4], $0x80, v19, vm0, $0xb8;
	[tilespmem:$0x12A00] =	vst v63  }
0x60: {  	s29 =	simm.s32 $0xE200  }
0x61: {  	[tilespmem:s29], [sflag:$0x2] =	stream.indirect_vreg.gather [hbm4b:s10+s4], $0x80, v19, vm0, $0xb8;
	[tilespmem:$0x12A00] =	vst v63  }
0x62: {  	v19 =	vld [tilespmem:$0x30];
	_ =	sdelay $0x4  }
0x63: {  	v20 =	vshll.u32 v19, $0x3  }
0x64: {  	v19 =	vand.u32 $0x7, v19;
	v20 =	vand.u32 $0xFFFFFFC0, v20  }
0x65: {  	v19 =	vor.u32 v19, v20  }
0x66: {  	v20 =	vperm.xlane v19, v0;
	_ =	sdelay $0x1  }
0x67: {  	v20 =	vadd.s32 v1, v20;
	_ =	sdelay $0x3  }
0x68: {  	s30 =	simm.s32 $0xEA00  }
0x69: {  	[tilespmem:s30], [sflag:$0x2] =	stream.indirect_vreg.gather [hbm4b:s1+s4], $0x80, v20, vm0, $0xb8;
	[tilespmem:$0x12A00] =	vst v63  }
0x6a: {  	s31 =	simm.s32 $0xF200;
	v19 =	vperm.xlane v19, v2  }
0x6b: {  	[tilespmem:s31], [sflag:$0x2] =	stream.indirect_vreg.gather [hbm4b:s8+s4], $0x80, v20, vm0, $0xb8;
	[tilespmem:$0x12A00] =	vst v63  }
0x6c: {  	v19 =	vadd.s32 v1, v19  }
0x6d: {  	[tilespmem:s19], [sflag:$0x2] =	stream.indirect_vreg.gather [hbm4b:s9+s4], $0x80, v20, vm0, $0xb8;
	[tilespmem:$0x12A00] =	vst v63  }
0x6e: {  	_ = 	snop  }
0x6f: {  	[tilespmem:s20], [sflag:$0x2] =	stream.indirect_vreg.gather [hbm4b:s10+s4], $0x80, v20, vm0, $0xb8;
	[tilespmem:$0x12A00] =	vst v63  }
0x70: {  	_ = 	snop  }
0x71: {  	[tilespmem:s21], [sflag:$0x2] =	stream.indirect_vreg.gather [hbm4b:s1+s4], $0x80, v19, vm0, $0xb8;
	[tilespmem:$0x12A00] =	vst v63  }
0x72: {  	_ = 	snop  }
0x73: {  	[tilespmem:s22], [sflag:$0x2] =	stream.indirect_vreg.gather [hbm4b:s8+s4], $0x80, v19, vm0, $0xb8;
	[tilespmem:$0x12A00] =	vst v63  }
0x74: {  	_ = 	snop  }
0x75: {  	[tilespmem:s23], [sflag:$0x2] =	stream.indirect_vreg.gather [hbm4b:s9+s4], $0x80, v19, vm0, $0xb8;
	[tilespmem:$0x12A00] =	vst v63  }
0x76: {  	s7 =	simm.s32 $0x0;
	s11 =	simm.s32 $0x0  }
0x77: {  	[tilespmem:s24], [sflag:$0x2] =	stream.indirect_vreg.gather [hbm4b:s10+s4], $0x80, v19, vm0, $0xb8;
	[tilespmem:$0x12A00] =	vst v63  }
.LBB2_2:
0x78: {  	_ =	swait.ge [sflag:s25], $0x8000  }
0x79: {  	s29 =	simm.s32 $0x0;
	s0 =	sadd.s32 $0x0, s7;
	[sflag:s25] =	ssyncset.done $0x0  }
0x7a: {  	s2 =	sand.u32 $0x70, s29;
	s0 =	sand.u32 $0x1D80, s0;
	s14 =	sand.u32 $0x6000, s29  }
0x7b: {  	s13 =	sand.u32 $0x380, s29;
	[sflag:s25] =	ssyncadd.s32 $0xFFFF8000;
	s0 =	sor.u32 s2, s0  }
0x7c: {  	v34 =	vld [tilespmem:s0+$0x200];
	s0 =	sor.u32 s13, s14  }
0x7d: {  	v22 =	vld [tilespmem:s0+$0x2A40]  }
0x7e: {  	v23 =	vld [tilespmem:s0+$0x2A00];
	_ =	sdelay $0x1  }
0x7f: {  	v24 =	vld [tilespmem:s0+$0x2E00]  }
0x80: {  	v20 =	vperm.xlane v34, v3;
	v21 =	vperm.xlane v34, v4  }
0x81: {  	v25 =	vld [tilespmem:s0+$0x2E40];
	v19 =	vperm.xlane v34, v5  }
0x82: {  	v23 =	vmul.f32 v23, v20;
	v26 =	vmul.f32 v22, v21  }
0x83: {  	v27 =	vld [tilespmem:s0+$0x3200]  }
0x84: {  	v22 =	vperm.xlane v34, v6;
	v24 =	vmul.f32 v24, v19;
	v26 =	vadd.f32 v26, v23  }
0x85: {  	v28 =	vld [tilespmem:s0+$0x3240]  }
0x86: {  	v23 =	vperm.xlane v34, v7;
	v25 =	vmul.f32 v25, v22;
	v26 =	vadd.f32 v24, v26  }
0x87: {  	v29 =	vld [tilespmem:s0+$0x3600]  }
0x88: {  	v24 =	vperm.xlane v34, v8;
	v27 =	vmul.f32 v27, v23;
	v25 =	vadd.f32 v25, v26  }
0x89: {  	v30 =	vld [tilespmem:s0+$0x3640]  }
0x8a: {  	v26 =	vperm.xlane v34, v9;
	v28 =	vmul.f32 v28, v24;
	v25 =	vadd.f32 v27, v25  }
0x8b: {  	v31 =	vld [tilespmem:s0+$0x3A00]  }
0x8c: {  	v27 =	vperm.xlane v34, v10;
	v29 =	vmul.f32 v29, v26;
	v25 =	vadd.f32 v28, v25  }
0x8d: {  	v32 =	vld [tilespmem:s0+$0x3A40]  }
0x8e: {  	v28 =	vperm.xlane v34, v11;
	v30 =	vmul.f32 v30, v27;
	v25 =	vadd.f32 v29, v25  }
0x8f: {  	v33 =	vld [tilespmem:s0+$0x3E00]  }
0x90: {  	v29 =	vperm.xlane v34, v12;
	v31 =	vmul.f32 v31, v28;
	v30 =	vadd.f32 v30, v25  }
0x91: {  	v35 =	vld [tilespmem:s0+$0x3E40]  }
0x92: {  	v25 =	vperm.xlane v34, v13;
	v32 =	vmul.f32 v32, v29;
	v31 =	vadd.f32 v31, v30  }
0x93: {  	s15 =	sand.u32 $0x7, s29;
	v36 =	vld [tilespmem:s0+$0x4200]  }
0x94: {  	s2 =	sshll.u32 s15, $0x7;
	v30 =	vperm.xlane v34, v14;
	v33 =	vmul.f32 v33, v25;
	v32 =	vadd.f32 v32, v31  }
0x95: {  	s2 =	sadd.s32 $0x0, s2;
	v37 =	vld [tilespmem:s0+$0x4240]  }
0x96: {  	s16 =	sor.u32 $0x1C00, s2;
	v31 =	vperm.xlane v34, v15;
	v35 =	vmul.f32 v35, v30;
	v33 =	vadd.f32 v33, v32  }
0x97: {  	v38 =	vld [tilespmem:s16+$0x2A00]  }
0x98: {  	s17 =	sor.u32 $0x1C40, s2;
	v32 =	vperm.xlane v34, v16;
	v36 =	vmul.f32 v36, v31;
	v35 =	vadd.f32 v35, v33  }
0x99: {  	v39 =	vld [tilespmem:s17+$0x2A00]  }
0x9a: {  	v33 =	vperm.xlane v34, v17;
	v51 =	vmul.f32 v37, v32;
	v35 =	vadd.f32 v36, v35;
	_ =	sdelay $0x1  }
0x9b: {  	v34 =	vperm.xlane v34, v18;
	v52 =	vmul.f32 v38, v33;
	v35 =	vadd.f32 v51, v35;
	_ =	sdelay $0x1  }
0x9c: {  	v53 =	vmul.f32 v39, v34;
	v35 =	vadd.f32 v52, v35;
	_ =	sdelay $0x1  }
0x9d: {  	v35 =	vadd.f32 v53, v35  }
0x9e: {  	s31 =	sand.u32 $0x7C0, s29  }
0x9f: {  	[tilespmem:s31+$0x2200] =	vst v35  }
0xa0: {  	v35 =	vld [tilespmem:s0+$0x2A10]  }
0xa1: {  	v54 =	vld [tilespmem:s0+$0x2A50];
	_ =	sdelay $0x1  }
0xa2: {  	v55 =	vld [tilespmem:s0+$0x2E10];
	_ =	sdelay $0x1  }
0xa3: {  	v56 =	vld [tilespmem:s0+$0x2E50]  }
0xa4: {  	v35 =	vmul.f32 v35, v20;
	v36 =	vmul.f32 v54, v21  }
0xa5: {  	v57 =	vld [tilespmem:s0+$0x3210]  }
0xa6: {  	v58 =	vmul.f32 v55, v19;
	v35 =	vadd.f32 v36, v35  }
0xa7: {  	v59 =	vld [tilespmem:s0+$0x3250]  }
0xa8: {  	v60 =	vmul.f32 v56, v22;
	v35 =	vadd.f32 v58, v35  }
0xa9: {  	v61 =	vld [tilespmem:s0+$0x3610]  }
0xaa: {  	v62 =	vmul.f32 v57, v23;
	v35 =	vadd.f32 v60, v35  }
0xab: {  	v63 =	vld [tilespmem:s0+$0x3650]  }
0xac: {  	v42 =	vmul.f32 v59, v24;
	v35 =	vadd.f32 v62, v35  }
0xad: {  	v43 =	vld [tilespmem:s0+$0x3A10]  }
0xae: {  	v44 =	vmul.f32 v61, v26;
	v35 =	vadd.f32 v42, v35  }
0xaf: {  	v45 =	vld [tilespmem:s0+$0x3A50]  }
0xb0: {  	v46 =	vmul.f32 v63, v27;
	v35 =	vadd.f32 v44, v35  }
0xb1: {  	v47 =	vld [tilespmem:s0+$0x3E10]  }
0xb2: {  	v48 =	vmul.f32 v43, v28;
	v35 =	vadd.f32 v46, v35  }
0xb3: {  	v49 =	vld [tilespmem:s0+$0x3E50]  }
0xb4: {  	v50 =	vmul.f32 v45, v29;
	v35 =	vadd.f32 v48, v35  }
0xb5: {  	v51 =	vld [tilespmem:s0+$0x4210]  }
0xb6: {  	v52 =	vmul.f32 v47, v25;
	v35 =	vadd.f32 v50, v35  }
0xb7: {  	v53 =	vld [tilespmem:s0+$0x4250]  }
0xb8: {  	s18 =	sor.u32 $0x1C10, s2;
	v54 =	vmul.f32 v49, v30;
	v35 =	vadd.f32 v52, v35  }
0xb9: {  	v55 =	vld [tilespmem:s18+$0x2A00]  }
0xba: {  	s14 =	sor.u32 $0x1C50, s2;
	v56 =	vmul.f32 v51, v31;
	v35 =	vadd.f32 v54, v35  }
0xbb: {  	v57 =	vld [tilespmem:s14+$0x2A00]  }
0xbc: {  	v58 =	vmul.f32 v53, v32;
	v35 =	vadd.f32 v56, v35;
	_ =	sdelay $0x1  }
0xbd: {  	v59 =	vmul.f32 v55, v33;
	v35 =	vadd.f32 v58, v35;
	_ =	sdelay $0x1  }
0xbe: {  	v60 =	vmul.f32 v57, v34;
	v35 =	vadd.f32 v59, v35;
	_ =	sdelay $0x1  }
0xbf: {  	v35 =	vadd.f32 v60, v35;
	_ =	sdelay $0x1  }
0xc0: {  	[tilespmem:s31+$0x2210] =	vst v35  }
0xc1: {  	v35 =	vld [tilespmem:s0+$0x2A20]  }
0xc2: {  	v61 =	vld [tilespmem:s0+$0x2A60];
	_ =	sdelay $0x1  }
0xc3: {  	v62 =	vld [tilespmem:s0+$0x2E20];
	_ =	sdelay $0x1  }
0xc4: {  	v63 =	vld [tilespmem:s0+$0x2E60]  }
0xc5: {  	v35 =	vmul.f32 v35, v20;
	v36 =	vmul.f32 v61, v21  }
0xc6: {  	v42 =	vld [tilespmem:s0+$0x3220]  }
0xc7: {  	v43 =	vmul.f32 v62, v19;
	v35 =	vadd.f32 v36, v35  }
0xc8: {  	v44 =	vld [tilespmem:s0+$0x3260]  }
0xc9: {  	v45 =	vmul.f32 v63, v22;
	v35 =	vadd.f32 v43, v35  }
0xca: {  	v46 =	vld [tilespmem:s0+$0x3620]  }
0xcb: {  	v47 =	vmul.f32 v42, v23;
	v35 =	vadd.f32 v45, v35  }
0xcc: {  	v48 =	vld [tilespmem:s0+$0x3660]  }
0xcd: {  	v37 =	vmul.f32 v44, v24;
	v35 =	vadd.f32 v47, v35  }
0xce: {  	v49 =	vld [tilespmem:s0+$0x3A20]  }
0xcf: {  	v38 =	vmul.f32 v46, v26;
	v35 =	vadd.f32 v37, v35  }
0xd0: {  	v50 =	vld [tilespmem:s0+$0x3A60]  }
0xd1: {  	v39 =	vmul.f32 v48, v27;
	v35 =	vadd.f32 v38, v35  }
0xd2: {  	v51 =	vld [tilespmem:s0+$0x3E20]  }
0xd3: {  	v36 =	vmul.f32 v49, v28;
	v35 =	vadd.f32 v39, v35  }
0xd4: {  	v52 =	vld [tilespmem:s0+$0x3E60]  }
0xd5: {  	v37 =	vmul.f32 v50, v29;
	v35 =	vadd.f32 v36, v35  }
0xd6: {  	v53 =	vld [tilespmem:s0+$0x4220]  }
0xd7: {  	v38 =	vmul.f32 v51, v25;
	v35 =	vadd.f32 v37, v35  }
0xd8: {  	v54 =	vld [tilespmem:s0+$0x4260]  }
0xd9: {  	s15 =	sor.u32 $0x1C20, s2;
	v39 =	vmul.f32 v52, v30;
	v35 =	vadd.f32 v38, v35  }
0xda: {  	v55 =	vld [tilespmem:s15+$0x2A00]  }
0xdb: {  	s16 =	sor.u32 $0x1C60, s2;
	v36 =	vmul.f32 v53, v31;
	v35 =	vadd.f32 v39, v35  }
0xdc: {  	v56 =	vld [tilespmem:s16+$0x2A00]  }
0xdd: {  	v37 =	vmul.f32 v54, v32;
	v35 =	vadd.f32 v36, v35;
	_ =	sdelay $0x1  }
0xde: {  	v57 =	vmul.f32 v55, v33;
	v35 =	vadd.f32 v37, v35;
	_ =	sdelay $0x1  }
0xdf: {  	v58 =	vmul.f32 v56, v34;
	v35 =	vadd.f32 v57, v35;
	_ =	sdelay $0x1  }
0xe0: {  	v35 =	vadd.f32 v58, v35;
	_ =	sdelay $0x1  }
0xe1: {  	[tilespmem:s31+$0x2220] =	vst v35  }
0xe2: {  	v35 =	vld [tilespmem:s0+$0x2A30]  }
0xe3: {  	v59 =	vld [tilespmem:s0+$0x2A70];
	_ =	sdelay $0x1  }
0xe4: {  	v60 =	vld [tilespmem:s0+$0x2E30];
	_ =	sdelay $0x1  }
0xe5: {  	v61 =	vld [tilespmem:s0+$0x2E70]  }
0xe6: {  	v20 =	vmul.f32 v35, v20;
	v21 =	vmul.f32 v59, v21  }
0xe7: {  	v62 =	vld [tilespmem:s0+$0x3230]  }
0xe8: {  	v19 =	vmul.f32 v60, v19;
	v20 =	vadd.f32 v21, v20  }
0xe9: {  	v21 =	vld [tilespmem:s0+$0x3270]  }
0xea: {  	v22 =	vmul.f32 v61, v22;
	v19 =	vadd.f32 v19, v20  }
0xeb: {  	v20 =	vld [tilespmem:s0+$0x3630]  }
0xec: {  	v23 =	vmul.f32 v62, v23;
	v19 =	vadd.f32 v22, v19  }
0xed: {  	v22 =	vld [tilespmem:s0+$0x3670]  }
0xee: {  	v21 =	vmul.f32 v21, v24;
	v19 =	vadd.f32 v23, v19  }
0xef: {  	v23 =	vld [tilespmem:s0+$0x3A30]  }
0xf0: {  	v20 =	vmul.f32 v20, v26;
	v19 =	vadd.f32 v21, v19  }
0xf1: {  	s18 =	sor.u32 $0x1C70, s2;
	v21 =	vld [tilespmem:s0+$0x3A70]  }
0xf2: {  	v63 =	vld [tilespmem:s18+$0x2A00];
	v22 =	vmul.f32 v22, v27;
	v19 =	vadd.f32 v20, v19  }
0xf3: {  	v24 =	vld [tilespmem:s0+$0x3E30]  }
0xf4: {  	v26 =	vld [tilespmem:s0+$0x4230];
	v23 =	vmul.f32 v23, v28;
	v19 =	vadd.f32 v22, v19  }
0xf5: {  	s17 =	sor.u32 $0x1C30, s2;
	v20 =	vld [tilespmem:s0+$0x3E70]  }
0xf6: {  	v27 =	vld [tilespmem:s17+$0x2A00];
	v21 =	vmul.f32 v21, v29;
	v19 =	vadd.f32 v23, v19  }
0xf7: {  	v22 =	vld [tilespmem:s0+$0x4270]  }
0xf8: {  	v23 =	vmul.f32 v24, v25;
	v19 =	vadd.f32 v21, v19;
	_ =	sdelay $0x1  }
0xf9: {  	v21 =	vmul.f32 v20, v30;
	v25 =	vadd.f32 v23, v19  }
0xfa: {  	s30 =	sshll.u32 s11, $0x6;
	s13 =	simm.s32 $0x0;
	v24 =	vmul.f32 v26, v31;
	v20 =	vmul.f32 v63, v34  }
0xfb: {  	s2 =	simm.s32 $0x40;
	s14 =	simm.s32 $0x0;
	s0 =	simm.s32 $0x10;
	v23 =	vmul.f32 v22, v32;
	v19 =	vmul.f32 v27, v33;
	v21 =	vadd.f32 v21, v25  }
.LBB2_3:
0xfc: {  	s29 =	sadd.s32 $0x80, s29  }
0xfd: {  	v21 =	vadd.f32 v24, v21;
	s13 =	sadd.s32 $0x400, s13;
	s14 =	sadd.s32 $0x1, s14;
	s15 =	smov.u32 s0  }
0xfe: {  	p0 =	sne.s32 s0, $0x1F0;
	s0 =	sadd.s32 $0x10, s0;
	s16 =	sadd.s32 s15, s7  }
0xff: {  	s15 =	sand.u32 $0x70, s15;
	s16 =	sand.u32 $0x1D80, s16;
	v21 =	vadd.f32 v23, v21  }
0x100: {  	s15 =	sor.u32 s15, s16  }
0x101: {  	v19 =	vadd.f32 v19, v21;
	_ =	sdelay $0x1  }
0x102: {  	v19 =	vadd.f32 v20, v19;
	_ =	sdelay $0x1  }
0x103: {  	s17 =	sand.u32 $0x380, s29;
	s16 =	sand.u32 $0x6000, s13;
	[tilespmem:s31+$0x2230] =	vst v19  }
0x104: {  	v22 =	vld [tilespmem:s15+$0x200];
	s15 =	sor.u32 s17, s16  }
0x105: {  	v19 =	vld [tilespmem:s15+$0x2A40]  }
0x106: {  	v20 =	vld [tilespmem:s15+$0x2A00];
	_ =	sdelay $0x1  }
0x107: {  	v21 =	vld [tilespmem:s15+$0x2E00]  }
0x108: {  	v34 =	vperm.xlane v22, v3;
	v33 =	vperm.xlane v22, v4  }
0x109: {  	v31 =	vperm.xlane v22, v5;
	v27 =	vperm.xlane v22, v6;
	v23 =	vld [tilespmem:s15+$0x2E40]  }
0x10a: {  	v20 =	vmul.f32 v20, v34;
	v19 =	vmul.f32 v19, v33  }
0x10b: {  	v32 =	vperm.xlane v22, v7;
	v28 =	vperm.xlane v22, v8;
	v35 =	vld [tilespmem:s15+$0x3200]  }
0x10c: {  	v29 =	vperm.xlane v22, v9;
	v19 =	vadd.f32 v19, v20;
	v20 =	vmul.f32 v21, v31  }
0x10d: {  	v30 =	vperm.xlane v22, v10;
	v26 =	vperm.xlane v22, v11;
	v36 =	vld [tilespmem:s15+$0x3240]  }
0x10e: {  	v24 =	vperm.xlane v22, v12;
	v21 =	vadd.f32 v20, v19;
	v23 =	vmul.f32 v23, v27  }
0x10f: {  	v25 =	vperm.xlane v22, v13;
	v19 =	vperm.xlane v22, v14;
	v37 =	vld [tilespmem:s15+$0x3600]  }
0x110: {  	v20 =	vperm.xlane v22, v15;
	v38 =	vadd.f32 v23, v21;
	v35 =	vmul.f32 v35, v32  }
0x111: {  	v23 =	vperm.xlane v22, v16;
	v21 =	vperm.xlane v22, v17;
	v39 =	vld [tilespmem:s15+$0x3640]  }
0x112: {  	v22 =	vperm.xlane v22, v18;
	v35 =	vadd.f32 v35, v38;
	v36 =	vmul.f32 v36, v28  }
0x113: {  	v38 =	vld [tilespmem:s15+$0x3A00]  }
0x114: {  	v35 =	vadd.f32 v36, v35;
	v36 =	vmul.f32 v37, v29  }
0x115: {  	v37 =	vld [tilespmem:s15+$0x3A40]  }
0x116: {  	v35 =	vadd.f32 v36, v35;
	v36 =	vmul.f32 v39, v30  }
0x117: {  	v39 =	vld [tilespmem:s15+$0x3E00]  }
0x118: {  	v35 =	vadd.f32 v36, v35;
	v36 =	vmul.f32 v38, v26  }
0x119: {  	v38 =	vld [tilespmem:s15+$0x3E40]  }
0x11a: {  	v35 =	vadd.f32 v36, v35;
	v36 =	vmul.f32 v37, v24  }
0x11b: {  	s16 =	sand.u32 $0x7, s14;
	v37 =	vld [tilespmem:s15+$0x4200]  }
0x11c: {  	s16 =	sshll.u32 s16, $0x7;
	v35 =	vadd.f32 v36, v35;
	v36 =	vmul.f32 v39, v25  }
0x11d: {  	s16 =	sadd.s32 s16, s13;
	v39 =	vld [tilespmem:s15+$0x4240]  }
0x11e: {  	s17 =	sor.u32 $0x1C00, s16;
	v35 =	vadd.f32 v36, v35;
	v36 =	vmul.f32 v38, v19  }
0x11f: {  	v38 =	vld [tilespmem:s17+$0x2A00]  }
0x120: {  	s17 =	sor.u32 $0x1C40, s16;
	v35 =	vadd.f32 v36, v35;
	v36 =	vmul.f32 v37, v20  }
0x121: {  	v37 =	vld [tilespmem:s17+$0x2A00]  }
0x122: {  	v35 =	vadd.f32 v36, v35;
	v36 =	vmul.f32 v39, v23;
	_ =	sdelay $0x1  }
0x123: {  	v35 =	vadd.f32 v36, v35;
	v36 =	vmul.f32 v38, v21;
	_ =	sdelay $0x1  }
0x124: {  	v35 =	vadd.f32 v36, v35;
	v36 =	vmul.f32 v37, v22;
	_ =	sdelay $0x1  }
0x125: {  	v35 =	vadd.f32 v36, v35  }
0x126: {  	s31 =	sand.u32 $0x7C0, s2  }
0x127: {  	[tilespmem:s31+$0x2200] =	vst v35  }
0x128: {  	v35 =	vld [tilespmem:s15+$0x2A10]  }
0x129: {  	v36 =	vld [tilespmem:s15+$0x2A50];
	_ =	sdelay $0x1  }
0x12a: {  	v37 =	vld [tilespmem:s15+$0x2E10];
	_ =	sdelay $0x1  }
0x12b: {  	v35 =	vmul.f32 v35, v34;
	v38 =	vld [tilespmem:s15+$0x2E50]  }
0x12c: {  	v36 =	vmul.f32 v36, v33  }
0x12d: {  	v39 =	vld [tilespmem:s15+$0x3210]  }
0x12e: {  	v35 =	vadd.f32 v36, v35;
	v36 =	vmul.f32 v37, v31  }
0x12f: {  	v37 =	vld [tilespmem:s15+$0x3250]  }
0x130: {  	v35 =	vadd.f32 v36, v35;
	v36 =	vmul.f32 v38, v27  }
0x131: {  	v38 =	vld [tilespmem:s15+$0x3610]  }
0x132: {  	v35 =	vadd.f32 v36, v35;
	v36 =	vmul.f32 v39, v32  }
0x133: {  	v39 =	vld [tilespmem:s15+$0x3650]  }
0x134: {  	v35 =	vadd.f32 v36, v35;
	v36 =	vmul.f32 v37, v28  }
0x135: {  	v37 =	vld [tilespmem:s15+$0x3A10]  }
0x136: {  	v35 =	vadd.f32 v36, v35;
	v36 =	vmul.f32 v38, v29  }
0x137: {  	v38 =	vld [tilespmem:s15+$0x3A50]  }
0x138: {  	v35 =	vadd.f32 v36, v35;
	v36 =	vmul.f32 v39, v30  }
0x139: {  	v39 =	vld [tilespmem:s15+$0x3E10]  }
0x13a: {  	v35 =	vadd.f32 v36, v35;
	v36 =	vmul.f32 v37, v26  }
0x13b: {  	v37 =	vld [tilespmem:s15+$0x3E50]  }
0x13c: {  	v35 =	vadd.f32 v36, v35;
	v36 =	vmul.f32 v38, v24  }
0x13d: {  	v38 =	vld [tilespmem:s15+$0x4210]  }
0x13e: {  	v35 =	vadd.f32 v36, v35;
	v36 =	vmul.f32 v39, v25  }
0x13f: {  	v39 =	vld [tilespmem:s15+$0x4250]  }
0x140: {  	s17 =	sor.u32 $0x1C10, s16;
	v35 =	vadd.f32 v36, v35;
	v36 =	vmul.f32 v37, v19  }
0x141: {  	v37 =	vld [tilespmem:s17+$0x2A00]  }
0x142: {  	s17 =	sor.u32 $0x1C50, s16;
	v35 =	vadd.f32 v36, v35;
	v36 =	vmul.f32 v38, v20  }
0x143: {  	v38 =	vld [tilespmem:s17+$0x2A00]  }
0x144: {  	v35 =	vadd.f32 v36, v35;
	v36 =	vmul.f32 v39, v23;
	_ =	sdelay $0x1  }
0x145: {  	v35 =	vadd.f32 v36, v35;
	v36 =	vmul.f32 v37, v21;
	_ =	sdelay $0x1  }
0x146: {  	v35 =	vadd.f32 v36, v35;
	v36 =	vmul.f32 v38, v22;
	_ =	sdelay $0x1  }
0x147: {  	v35 =	vadd.f32 v36, v35;
	_ =	sdelay $0x1  }
0x148: {  	[tilespmem:s31+$0x2210] =	vst v35  }
0x149: {  	v35 =	vld [tilespmem:s15+$0x2A20]  }
0x14a: {  	v36 =	vld [tilespmem:s15+$0x2A60]  }
0x14b: {  	v37 =	vld [tilespmem:s15+$0x3260]  }
0x14c: {  	v38 =	vld [tilespmem:s15+$0x2E20]  }
0x14d: {  	v39 =	vld [tilespmem:s15+$0x3620]  }
0x14e: {  	v35 =	vmul.f32 v35, v34;
	v40 =	vld [tilespmem:s15+$0x2E60]  }
0x14f: {  	v36 =	vmul.f32 v36, v33;
	v41 =	vld [tilespmem:s15+$0x3660]  }
0x150: {  	v42 =	vld [tilespmem:s15+$0x3220];
	v37 =	vmul.f32 v37, v28  }
0x151: {  	v35 =	vadd.f32 v36, v35;
	v36 =	vmul.f32 v38, v31;
	v38 =	vld [tilespmem:s15+$0x3A20]  }
0x152: {  	v39 =	vmul.f32 v39, v29;
	v43 =	vld [tilespmem:s15+$0x3A60]  }
0x153: {  	v35 =	vadd.f32 v36, v35;
	v36 =	vmul.f32 v40, v27;
	v40 =	vld [tilespmem:s15+$0x3E20]  }
0x154: {  	v41 =	vmul.f32 v41, v30;
	v44 =	vld [tilespmem:s15+$0x3E60]  }
0x155: {  	v35 =	vadd.f32 v36, v35;
	v36 =	vmul.f32 v42, v32;
	v42 =	vld [tilespmem:s15+$0x4220]  }
0x156: {  	v38 =	vmul.f32 v38, v26;
	v45 =	vld [tilespmem:s15+$0x4260]  }
0x157: {  	v35 =	vadd.f32 v36, v35;
	v36 =	vmul.f32 v43, v24  }
0x158: {  	v40 =	vmul.f32 v40, v25  }
0x159: {  	v35 =	vadd.f32 v37, v35;
	v37 =	vmul.f32 v44, v19  }
0x15a: {  	v42 =	vmul.f32 v42, v20  }
0x15b: {  	v35 =	vadd.f32 v39, v35;
	v39 =	vmul.f32 v45, v23;
	_ =	sdelay $0x1  }
0x15c: {  	v35 =	vadd.f32 v41, v35;
	_ =	sdelay $0x1  }
0x15d: {  	v35 =	vadd.f32 v38, v35;
	_ =	sdelay $0x1  }
0x15e: {  	v35 =	vadd.f32 v36, v35;
	_ =	sdelay $0x1  }
0x15f: {  	s17 =	sor.u32 $0x1C20, s16;
	v35 =	vadd.f32 v40, v35  }
0x160: {  	v36 =	vld [tilespmem:s17+$0x2A00]  }
0x161: {  	s17 =	sor.u32 $0x1C60, s16;
	v35 =	vadd.f32 v37, v35  }
0x162: {  	v37 =	vld [tilespmem:s17+$0x2A00]  }
0x163: {  	v35 =	vadd.f32 v42, v35;
	_ =	sdelay $0x1  }
0x164: {  	v35 =	vadd.f32 v39, v35;
	v36 =	vmul.f32 v36, v21;
	_ =	sdelay $0x1  }
0x165: {  	v35 =	vadd.f32 v36, v35;
	v36 =	vmul.f32 v37, v22;
	_ =	sdelay $0x1  }
0x166: {  	v35 =	vadd.f32 v36, v35;
	_ =	sdelay $0x1  }
0x167: {  	[tilespmem:s31+$0x2220] =	vst v35  }
0x168: {  	v35 =	vld [tilespmem:s15+$0x2A30]  }
0x169: {  	v36 =	vld [tilespmem:s15+$0x2A70]  }
0x16a: {  	v37 =	vld [tilespmem:s15+$0x2E30]  }
0x16b: {  	v38 =	vld [tilespmem:s15+$0x2E70]  }
0x16c: {  	v39 =	vld [tilespmem:s15+$0x3230]  }
0x16d: {  	v34 =	vmul.f32 v35, v34;
	v35 =	vld [tilespmem:s15+$0x3270]  }
0x16e: {  	v33 =	vmul.f32 v36, v33;
	v36 =	vld [tilespmem:s15+$0x3630]  }
0x16f: {  	v31 =	vmul.f32 v37, v31;
	v37 =	vld [tilespmem:s15+$0x3670]  }
0x170: {  	v33 =	vadd.f32 v33, v34;
	v27 =	vmul.f32 v38, v27;
	v34 =	vld [tilespmem:s15+$0x3A30]  }
0x171: {  	v32 =	vmul.f32 v39, v32;
	v38 =	vld [tilespmem:s15+$0x3A70]  }
0x172: {  	v31 =	vadd.f32 v31, v33;
	v28 =	vmul.f32 v35, v28;
	v33 =	vld [tilespmem:s15+$0x3E30]  }
0x173: {  	v29 =	vmul.f32 v36, v29;
	v35 =	vld [tilespmem:s15+$0x3E70]  }
0x174: {  	v27 =	vadd.f32 v27, v31;
	v30 =	vmul.f32 v37, v30;
	v31 =	vld [tilespmem:s15+$0x4230]  }
0x175: {  	v26 =	vmul.f32 v34, v26;
	v34 =	vld [tilespmem:s15+$0x4270];
	s15 =	sor.u32 $0x1C30, s16  }
0x176: {  	v27 =	vadd.f32 v32, v27;
	v32 =	vmul.f32 v38, v24;
	v36 =	vld [tilespmem:s15+$0x2A00];
	s15 =	sor.u32 $0x1C70, s16  }
0x177: {  	v25 =	vmul.f32 v33, v25;
	v33 =	vld [tilespmem:s15+$0x2A00]  }
0x178: {  	v27 =	vadd.f32 v28, v27;
	v28 =	vmul.f32 v35, v19  }
0x179: {  	v24 =	vmul.f32 v31, v20  }
0x17a: {  	v20 =	vadd.f32 v29, v27;
	v23 =	vmul.f32 v34, v23  }
0x17b: {  	v19 =	vmul.f32 v36, v21  }
0x17c: {  	v21 =	vadd.f32 v30, v20;
	v20 =	vmul.f32 v33, v22;
	_ =	sdelay $0x1  }
0x17d: {  	v21 =	vadd.f32 v26, v21;
	_ =	sdelay $0x1  }
0x17e: {  	v21 =	vadd.f32 v32, v21  }
.Ltmp2:
0x17f: {  	(pc) =	sbr.rel @p0 .LBB2_3-.Ltmp2, $3  }
0x180: {  	v21 =	vadd.f32 v25, v21;
	_ =	sdelay $0x1  }
0x181: {  	v21 =	vadd.f32 v28, v21  }
0x182: {  	s2 =	sadd.s32 $0x40, s2  }
0x183: {  	v21 =	vadd.f32 v24, v21;
	_ =	sdelay $0x1  }
0x184: {  	v21 =	vadd.f32 v23, v21;
	_ =	sdelay $0x1  }
0x185: {  	v19 =	vadd.f32 v19, v21;
	_ =	sdelay $0x1  }
0x186: {  	s0 =	sadd.s32 s5, s30;
	v19 =	vadd.f32 v20, v19  }
0x187: {  	s0 =	sshll.u32 s0, $0x3  }
0x188: {  	s0 =	sadd.s32 s3, s0;
	[tilespmem:s31+$0x2230] =	vst v19  }
0x189: {  	[hbm4b:s0+s4] =	stream.linear.scatter [tilespmem:s26], [sflag:$0x3], $0x800, $0x38;
	[tilespmem:$0x12A00] =	vst v63  }
0x18a: {  	_ =	swait.ge [sflag:s12], $0x800  }
0x18b: {  	s29 =	sshll.u32 s11, $0x8;
	p0 =	seq.s32 s11, $0x7;
	[sflag:s12] =	ssyncset.done $0x0  }
0x18c: {  	s0 =	sshrl.u32 @!p0 s29, $0x2;
	[sflag:s12] =	ssyncadd.s32 $0xFFFFF800  }
0x18d: {  	v19 =	vld @!p0 [tilespmem:s0+$0x40];
	_ =	sdelay $0x4  }
0x18e: {  	v20 =	vshll.u32 @!p0 v19, $0x3  }
0x18f: {  	v21 =	vlaneseq.u32 @!p0;
	v19 =	vand.u32 @!p0 $0x7, v19;
	v20 =	vand.u32 @!p0 $0xFFFFFFC0, v20  }
0x190: {  	v22 =	vshrl.u32 @!p0 v21, $0x3;
	v19 =	vor.u32 @!p0 v19, v20;
	v20 =	vand.u32 @!p0 $0x7, v21  }
0x191: {  	v22 =	vmul.u32 @!p0 $0x8, v22;
	v23 =	vperm.xlane @!p0 v19, v20;
	_ =	sdelay $0x1  }
0x192: {  	v23 =	vadd.s32 @!p0 v22, v23;
	_ =	sdelay $0x3  }
0x193: {  	vm1 =	vmmov @!p0 $0xffff;
	s2 =	simm.s32 @!p0 $0x0;
	s13 =	simm.s32 @!p0 $0x2A00  }
0x194: {  	v21 =	vor.u32 @!p0 $0x8, v21;
	[tilespmem:s13], [sflag:$0x1] =	stream.indirect_vreg.gather @!p0 [hbm4b:s1+s2], $0x80, v23, vm1, $0xb8;
	[tilespmem:$0x12A00] =	vst v63  }
0x195: {  	v19 =	vperm.xlane @!p0 v19, v21;
	s13 =	simm.s32 @!p0 $0x3200  }
0x196: {  	[tilespmem:s13], [sflag:$0x1] =	stream.indirect_vreg.gather @!p0 [hbm4b:s8+s2], $0x80, v23, vm1, $0xb8;
	[tilespmem:$0x12A00] =	vst v63  }
0x197: {  	v19 =	vadd.s32 @!p0 v22, v19;
	s13 =	simm.s32 @!p0 $0x3A00  }
0x198: {  	[tilespmem:s13], [sflag:$0x1] =	stream.indirect_vreg.gather @!p0 [hbm4b:s9+s2], $0x80, v23, vm1, $0xb8;
	[tilespmem:$0x12A00] =	vst v63  }
0x199: {  	s13 =	simm.s32 @!p0 $0x4200  }
0x19a: {  	[tilespmem:s13], [sflag:$0x1] =	stream.indirect_vreg.gather @!p0 [hbm4b:s10+s2], $0x80, v23, vm1, $0xb8;
	[tilespmem:$0x12A00] =	vst v63  }
0x19b: {  	s13 =	simm.s32 @!p0 $0x4A00  }
0x19c: {  	[tilespmem:s13], [sflag:$0x1] =	stream.indirect_vreg.gather @!p0 [hbm4b:s1+s2], $0x80, v19, vm1, $0xb8;
	[tilespmem:$0x12A00] =	vst v63  }
0x19d: {  	s13 =	simm.s32 @!p0 $0x5200  }
0x19e: {  	[tilespmem:s13], [sflag:$0x1] =	stream.indirect_vreg.gather @!p0 [hbm4b:s8+s2], $0x80, v19, vm1, $0xb8;
	[tilespmem:$0x12A00] =	vst v63  }
0x19f: {  	s13 =	simm.s32 @!p0 $0x5A00  }
0x1a0: {  	[tilespmem:s13], [sflag:$0x1] =	stream.indirect_vreg.gather @!p0 [hbm4b:s9+s2], $0x80, v19, vm1, $0xb8;
	[tilespmem:$0x12A00] =	vst v63  }
0x1a1: {  	s13 =	simm.s32 @!p0 $0x6200  }
0x1a2: {  	[tilespmem:s13], [sflag:$0x1] =	stream.indirect_vreg.gather @!p0 [hbm4b:s10+s2], $0x80, v19, vm1, $0xb8;
	[tilespmem:$0x12A00] =	vst v63  }
0x1a3: {  	v19 =	vld @!p0 [tilespmem:s0+$0x50];
	_ =	sdelay $0x4  }
0x1a4: {  	v23 =	vshll.u32 @!p0 v19, $0x3  }
0x1a5: {  	v19 =	vand.u32 @!p0 $0x7, v19;
	v23 =	vand.u32 @!p0 $0xFFFFFFC0, v23  }
0x1a6: {  	v19 =	vor.u32 @!p0 v19, v23  }
0x1a7: {  	v20 =	vperm.xlane @!p0 v19, v20;
	_ =	sdelay $0x1  }
0x1a8: {  	v20 =	vadd.s32 @!p0 v22, v20;
	_ =	sdelay $0x3  }
0x1a9: {  	s0 =	simm.s32 @!p0 $0x6A00  }
0x1aa: {  	[tilespmem:s0], [sflag:$0x1] =	stream.indirect_vreg.gather @!p0 [hbm4b:s1+s2], $0x80, v20, vm1, $0xb8;
	[tilespmem:$0x12A00] =	vst v63  }
0x1ab: {  	v19 =	vperm.xlane @!p0 v19, v21;
	s0 =	simm.s32 @!p0 $0x7200  }
0x1ac: {  	[tilespmem:s0], [sflag:$0x1] =	stream.indirect_vreg.gather @!p0 [hbm4b:s8+s2], $0x80, v20, vm1, $0xb8;
	[tilespmem:$0x12A00] =	vst v63  }
0x1ad: {  	v19 =	vadd.s32 @!p0 v22, v19;
	s0 =	simm.s32 @!p0 $0x7A00  }
0x1ae: {  	[tilespmem:s0], [sflag:$0x1] =	stream.indirect_vreg.gather @!p0 [hbm4b:s9+s2], $0x80, v20, vm1, $0xb8;
	[tilespmem:$0x12A00] =	vst v63  }
0x1af: {  	s0 =	simm.s32 @!p0 $0x8200  }
0x1b0: {  	[tilespmem:s0], [sflag:$0x1] =	stream.indirect_vreg.gather @!p0 [hbm4b:s10+s2], $0x80, v20, vm1, $0xb8;
	[tilespmem:$0x12A00] =	vst v63  }
0x1b1: {  	s0 =	simm.s32 @!p0 $0x8A00  }
0x1b2: {  	[tilespmem:s0], [sflag:$0x1] =	stream.indirect_vreg.gather @!p0 [hbm4b:s1+s2], $0x80, v19, vm1, $0xb8;
	[tilespmem:$0x12A00] =	vst v63  }
0x1b3: {  	s0 =	simm.s32 @!p0 $0x9200  }
0x1b4: {  	[tilespmem:s0], [sflag:$0x1] =	stream.indirect_vreg.gather @!p0 [hbm4b:s8+s2], $0x80, v19, vm1, $0xb8;
	[tilespmem:$0x12A00] =	vst v63  }
0x1b5: {  	s0 =	simm.s32 @!p0 $0x9A00  }
0x1b6: {  	[tilespmem:s0], [sflag:$0x1] =	stream.indirect_vreg.gather @!p0 [hbm4b:s9+s2], $0x80, v19, vm1, $0xb8;
	[tilespmem:$0x12A00] =	vst v63  }
0x1b7: {  	s31 =	simm.s32 $0x0;
	s0 =	simm.s32 @!p0 $0xA200  }
0x1b8: {  	[tilespmem:s0], [sflag:$0x1] =	stream.indirect_vreg.gather @!p0 [hbm4b:s10+s2], $0x80, v19, vm1, $0xb8;
	[tilespmem:$0x12A00] =	vst v63  }
0x1b9: {  	s14 =	sand.u32 $0x6000, s31;
	s2 =	sadd.s32 $0x0, s6;
	_ =	swait.ge [sflag:s28], $0x8000  }
0x1ba: {  	s13 =	sand.u32 $0x70, s31;
	s0 =	sand.u32 $0x1F80, s2;
	[sflag:s28] =	ssyncset.done $0x0  }
0x1bb: {  	s15 =	sand.u32 $0x380, s31;
	s0 =	sor.u32 s13, s0;
	[sflag:s28] =	ssyncadd.s32 $0xFFFF8000  }
0x1bc: {  	s2 =	sor.u32 s15, s14;
	v34 =	vld [tilespmem:s0+$0x200]  }
0x1bd: {  	v22 =	vld [tilespmem:s2+$0xAA40]  }
0x1be: {  	v23 =	vld [tilespmem:s2+$0xAA00];
	_ =	sdelay $0x1  }
0x1bf: {  	v24 =	vld [tilespmem:s2+$0xAE00]  }
0x1c0: {  	v20 =	vperm.xlane v34, v3;
	v21 =	vperm.xlane v34, v4  }
0x1c1: {  	v25 =	vld [tilespmem:s2+$0xAE40];
	v19 =	vperm.xlane v34, v5  }
0x1c2: {  	v23 =	vmul.f32 v23, v20;
	v26 =	vmul.f32 v22, v21  }
0x1c3: {  	v27 =	vld [tilespmem:s2+$0xB200]  }
0x1c4: {  	v22 =	vperm.xlane v34, v6;
	v24 =	vmul.f32 v24, v19;
	v26 =	vadd.f32 v26, v23  }
0x1c5: {  	v28 =	vld [tilespmem:s2+$0xB240]  }
0x1c6: {  	v23 =	vperm.xlane v34, v7;
	v25 =	vmul.f32 v25, v22;
	v26 =	vadd.f32 v24, v26  }
0x1c7: {  	v29 =	vld [tilespmem:s2+$0xB600]  }
0x1c8: {  	v24 =	vperm.xlane v34, v8;
	v27 =	vmul.f32 v27, v23;
	v25 =	vadd.f32 v25, v26  }
0x1c9: {  	v30 =	vld [tilespmem:s2+$0xB640]  }
0x1ca: {  	v26 =	vperm.xlane v34, v9;
	v28 =	vmul.f32 v28, v24;
	v25 =	vadd.f32 v27, v25  }
0x1cb: {  	v31 =	vld [tilespmem:s2+$0xBA00]  }
0x1cc: {  	v27 =	vperm.xlane v34, v10;
	v29 =	vmul.f32 v29, v26;
	v25 =	vadd.f32 v28, v25  }
0x1cd: {  	v32 =	vld [tilespmem:s2+$0xBA40]  }
0x1ce: {  	v28 =	vperm.xlane v34, v11;
	v30 =	vmul.f32 v30, v27;
	v25 =	vadd.f32 v29, v25  }
0x1cf: {  	v33 =	vld [tilespmem:s2+$0xBE00]  }
0x1d0: {  	v29 =	vperm.xlane v34, v12;
	v31 =	vmul.f32 v31, v28;
	v30 =	vadd.f32 v30, v25  }
0x1d1: {  	v35 =	vld [tilespmem:s2+$0xBE40]  }
0x1d2: {  	v25 =	vperm.xlane v34, v13;
	v32 =	vmul.f32 v32, v29;
	v31 =	vadd.f32 v31, v30  }
0x1d3: {  	s16 =	sand.u32 $0x7, s31;
	v36 =	vld [tilespmem:s2+$0xC200]  }
0x1d4: {  	s0 =	sshll.u32 s16, $0x7;
	v30 =	vperm.xlane v34, v14;
	v33 =	vmul.f32 v33, v25;
	v32 =	vadd.f32 v32, v31  }
0x1d5: {  	v37 =	vld [tilespmem:s2+$0xC240];
	s13 =	sadd.s32 $0x0, s0  }
0x1d6: {  	s0 =	sor.u32 $0x1C00, s13;
	v31 =	vperm.xlane v34, v15;
	v35 =	vmul.f32 v35, v30;
	v33 =	vadd.f32 v33, v32  }
0x1d7: {  	v38 =	vld [tilespmem:s0+$0xAA00]  }
0x1d8: {  	s17 =	sor.u32 $0x1C40, s13;
	v32 =	vperm.xlane v34, v16;
	v36 =	vmul.f32 v36, v31;
	v35 =	vadd.f32 v35, v33  }
0x1d9: {  	v39 =	vld [tilespmem:s17+$0xAA00]  }
0x1da: {  	v33 =	vperm.xlane v34, v17;
	v51 =	vmul.f32 v37, v32;
	v35 =	vadd.f32 v36, v35;
	_ =	sdelay $0x1  }
0x1db: {  	v34 =	vperm.xlane v34, v18;
	v52 =	vmul.f32 v38, v33;
	v35 =	vadd.f32 v51, v35;
	_ =	sdelay $0x1  }
0x1dc: {  	v53 =	vmul.f32 v39, v34;
	v35 =	vadd.f32 v52, v35;
	_ =	sdelay $0x1  }
0x1dd: {  	v35 =	vadd.f32 v53, v35  }
0x1de: {  	s0 =	sand.u32 $0x7C0, s31  }
0x1df: {  	[tilespmem:s0+$0x2200] =	vst v35  }
0x1e0: {  	v35 =	vld [tilespmem:s2+$0xAA10]  }
0x1e1: {  	v54 =	vld [tilespmem:s2+$0xAA50];
	_ =	sdelay $0x1  }
0x1e2: {  	v55 =	vld [tilespmem:s2+$0xAE10];
	_ =	sdelay $0x1  }
0x1e3: {  	v56 =	vld [tilespmem:s2+$0xAE50]  }
0x1e4: {  	v35 =	vmul.f32 v35, v20;
	v36 =	vmul.f32 v54, v21  }
0x1e5: {  	v57 =	vld [tilespmem:s2+$0xB210]  }
0x1e6: {  	v58 =	vmul.f32 v55, v19;
	v35 =	vadd.f32 v36, v35  }
0x1e7: {  	v59 =	vld [tilespmem:s2+$0xB250]  }
0x1e8: {  	v60 =	vmul.f32 v56, v22;
	v35 =	vadd.f32 v58, v35  }
0x1e9: {  	v61 =	vld [tilespmem:s2+$0xB610]  }
0x1ea: {  	v62 =	vmul.f32 v57, v23;
	v35 =	vadd.f32 v60, v35  }
0x1eb: {  	v63 =	vld [tilespmem:s2+$0xB650]  }
0x1ec: {  	v42 =	vmul.f32 v59, v24;
	v35 =	vadd.f32 v62, v35  }
0x1ed: {  	v43 =	vld [tilespmem:s2+$0xBA10]  }
0x1ee: {  	v44 =	vmul.f32 v61, v26;
	v35 =	vadd.f32 v42, v35  }
0x1ef: {  	v45 =	vld [tilespmem:s2+$0xBA50]  }
0x1f0: {  	v46 =	vmul.f32 v63, v27;
	v35 =	vadd.f32 v44, v35  }
0x1f1: {  	v47 =	vld [tilespmem:s2+$0xBE10]  }
0x1f2: {  	v48 =	vmul.f32 v43, v28;
	v35 =	vadd.f32 v46, v35  }
0x1f3: {  	v49 =	vld [tilespmem:s2+$0xBE50]  }
0x1f4: {  	v50 =	vmul.f32 v45, v29;
	v35 =	vadd.f32 v48, v35  }
0x1f5: {  	v51 =	vld [tilespmem:s2+$0xC210]  }
0x1f6: {  	v52 =	vmul.f32 v47, v25;
	v35 =	vadd.f32 v50, v35  }
0x1f7: {  	v53 =	vld [tilespmem:s2+$0xC250]  }
0x1f8: {  	s14 =	sor.u32 $0x1C10, s13;
	v54 =	vmul.f32 v49, v30;
	v35 =	vadd.f32 v52, v35  }
0x1f9: {  	v55 =	vld [tilespmem:s14+$0xAA00]  }
0x1fa: {  	s18 =	sor.u32 $0x1C50, s13;
	v56 =	vmul.f32 v51, v31;
	v35 =	vadd.f32 v54, v35  }
0x1fb: {  	v57 =	vld [tilespmem:s18+$0xAA00]  }
0x1fc: {  	v58 =	vmul.f32 v53, v32;
	v35 =	vadd.f32 v56, v35;
	_ =	sdelay $0x1  }
0x1fd: {  	v59 =	vmul.f32 v55, v33;
	v35 =	vadd.f32 v58, v35;
	_ =	sdelay $0x1  }
0x1fe: {  	v60 =	vmul.f32 v57, v34;
	v35 =	vadd.f32 v59, v35;
	_ =	sdelay $0x1  }
0x1ff: {  	v35 =	vadd.f32 v60, v35;
	_ =	sdelay $0x1  }
0x200: {  	[tilespmem:s0+$0x2210] =	vst v35  }
0x201: {  	v35 =	vld [tilespmem:s2+$0xAA20]  }
0x202: {  	v61 =	vld [tilespmem:s2+$0xAA60];
	_ =	sdelay $0x1  }
0x203: {  	v62 =	vld [tilespmem:s2+$0xAE20];
	_ =	sdelay $0x1  }
0x204: {  	v63 =	vld [tilespmem:s2+$0xAE60]  }
0x205: {  	v35 =	vmul.f32 v35, v20;
	v36 =	vmul.f32 v61, v21  }
0x206: {  	v42 =	vld [tilespmem:s2+$0xB220]  }
0x207: {  	v43 =	vmul.f32 v62, v19;
	v35 =	vadd.f32 v36, v35  }
0x208: {  	v44 =	vld [tilespmem:s2+$0xB260]  }
0x209: {  	v45 =	vmul.f32 v63, v22;
	v35 =	vadd.f32 v43, v35  }
0x20a: {  	v46 =	vld [tilespmem:s2+$0xB620]  }
0x20b: {  	v47 =	vmul.f32 v42, v23;
	v35 =	vadd.f32 v45, v35  }
0x20c: {  	v48 =	vld [tilespmem:s2+$0xB660]  }
0x20d: {  	v37 =	vmul.f32 v44, v24;
	v35 =	vadd.f32 v47, v35  }
0x20e: {  	v49 =	vld [tilespmem:s2+$0xBA20]  }
0x20f: {  	v38 =	vmul.f32 v46, v26;
	v35 =	vadd.f32 v37, v35  }
0x210: {  	v50 =	vld [tilespmem:s2+$0xBA60]  }
0x211: {  	v39 =	vmul.f32 v48, v27;
	v35 =	vadd.f32 v38, v35  }
0x212: {  	v51 =	vld [tilespmem:s2+$0xBE20]  }
0x213: {  	v36 =	vmul.f32 v49, v28;
	v35 =	vadd.f32 v39, v35  }
0x214: {  	v52 =	vld [tilespmem:s2+$0xBE60]  }
0x215: {  	v37 =	vmul.f32 v50, v29;
	v35 =	vadd.f32 v36, v35  }
0x216: {  	v53 =	vld [tilespmem:s2+$0xC220]  }
0x217: {  	v38 =	vmul.f32 v51, v25;
	v35 =	vadd.f32 v37, v35  }
0x218: {  	v54 =	vld [tilespmem:s2+$0xC260]  }
0x219: {  	s15 =	sor.u32 $0x1C20, s13;
	v39 =	vmul.f32 v52, v30;
	v35 =	vadd.f32 v38, v35  }
0x21a: {  	v55 =	vld [tilespmem:s15+$0xAA00]  }
0x21b: {  	s16 =	sor.u32 $0x1C60, s13;
	v36 =	vmul.f32 v53, v31;
	v35 =	vadd.f32 v39, v35  }
0x21c: {  	v56 =	vld [tilespmem:s16+$0xAA00]  }
0x21d: {  	v37 =	vmul.f32 v54, v32;
	v35 =	vadd.f32 v36, v35;
	_ =	sdelay $0x1  }
0x21e: {  	v57 =	vmul.f32 v55, v33;
	v35 =	vadd.f32 v37, v35;
	_ =	sdelay $0x1  }
0x21f: {  	v58 =	vmul.f32 v56, v34;
	v35 =	vadd.f32 v57, v35;
	_ =	sdelay $0x1  }
0x220: {  	v35 =	vadd.f32 v58, v35;
	_ =	sdelay $0x1  }
0x221: {  	[tilespmem:s0+$0x2220] =	vst v35  }
0x222: {  	v35 =	vld [tilespmem:s2+$0xAA30]  }
0x223: {  	v59 =	vld [tilespmem:s2+$0xAA70];
	_ =	sdelay $0x1  }
0x224: {  	v60 =	vld [tilespmem:s2+$0xAE30];
	_ =	sdelay $0x1  }
0x225: {  	v61 =	vld [tilespmem:s2+$0xAE70]  }
0x226: {  	v20 =	vmul.f32 v35, v20;
	v21 =	vmul.f32 v59, v21  }
0x227: {  	v62 =	vld [tilespmem:s2+$0xB230]  }
0x228: {  	v19 =	vmul.f32 v60, v19;
	v20 =	vadd.f32 v21, v20  }
0x229: {  	v21 =	vld [tilespmem:s2+$0xB270]  }
0x22a: {  	v22 =	vmul.f32 v61, v22;
	v19 =	vadd.f32 v19, v20  }
0x22b: {  	v20 =	vld [tilespmem:s2+$0xB630]  }
0x22c: {  	v23 =	vmul.f32 v62, v23;
	v19 =	vadd.f32 v22, v19  }
0x22d: {  	v22 =	vld [tilespmem:s2+$0xB670]  }
0x22e: {  	v21 =	vmul.f32 v21, v24;
	v19 =	vadd.f32 v23, v19  }
0x22f: {  	v23 =	vld [tilespmem:s2+$0xBA30]  }
0x230: {  	v20 =	vmul.f32 v20, v26;
	v19 =	vadd.f32 v21, v19  }
0x231: {  	s18 =	sor.u32 $0x1C70, s13;
	v21 =	vld [tilespmem:s2+$0xBA70]  }
0x232: {  	v63 =	vld [tilespmem:s18+$0xAA00];
	v22 =	vmul.f32 v22, v27;
	v19 =	vadd.f32 v20, v19  }
0x233: {  	v24 =	vld [tilespmem:s2+$0xBE30]  }
0x234: {  	v26 =	vld [tilespmem:s2+$0xC230];
	v23 =	vmul.f32 v23, v28;
	v19 =	vadd.f32 v22, v19  }
0x235: {  	s17 =	sor.u32 $0x1C30, s13;
	v20 =	vld [tilespmem:s2+$0xBE70]  }
0x236: {  	v27 =	vld [tilespmem:s17+$0xAA00];
	v21 =	vmul.f32 v21, v29;
	v19 =	vadd.f32 v23, v19  }
0x237: {  	v22 =	vld [tilespmem:s2+$0xC270]  }
0x238: {  	v23 =	vmul.f32 v24, v25;
	v19 =	vadd.f32 v21, v19;
	_ =	sdelay $0x1  }
0x239: {  	v21 =	vmul.f32 v20, v30;
	v25 =	vadd.f32 v23, v19  }
0x23a: {  	s30 =	sor.u32 $0x20, s30;
	s13 =	simm.s32 $0x40;
	v24 =	vmul.f32 v26, v31;
	v20 =	vmul.f32 v63, v34  }
0x23b: {  	s14 =	simm.s32 $0x0;
	s15 =	simm.s32 $0x0;
	s2 =	simm.s32 $0x10;
	v23 =	vmul.f32 v22, v32;
	v19 =	vmul.f32 v27, v33;
	v21 =	vadd.f32 v21, v25  }
.LBB2_5:
0x23c: {  	s31 =	sadd.s32 $0x80, s31  }
0x23d: {  	v21 =	vadd.f32 v24, v21;
	s14 =	sadd.s32 $0x400, s14;
	s15 =	sadd.s32 $0x1, s15;
	s16 =	smov.u32 s2  }
0x23e: {  	p1 =	sne.s32 s2, $0x1F0;
	s2 =	sadd.s32 $0x10, s2;
	s17 =	sadd.s32 s16, s6  }
0x23f: {  	s16 =	sand.u32 $0x70, s16;
	s17 =	sand.u32 $0x1F80, s17;
	v21 =	vadd.f32 v23, v21  }
0x240: {  	s16 =	sor.u32 s16, s17  }
0x241: {  	v19 =	vadd.f32 v19, v21;
	_ =	sdelay $0x1  }
0x242: {  	v19 =	vadd.f32 v20, v19;
	_ =	sdelay $0x1  }
0x243: {  	s18 =	sand.u32 $0x380, s31;
	s17 =	sand.u32 $0x6000, s14;
	[tilespmem:s0+$0x2230] =	vst v19  }
0x244: {  	v22 =	vld [tilespmem:s16+$0x200];
	s16 =	sor.u32 s18, s17  }
0x245: {  	v19 =	vld [tilespmem:s16+$0xAA40]  }
0x246: {  	v20 =	vld [tilespmem:s16+$0xAA00];
	_ =	sdelay $0x1  }
0x247: {  	v21 =	vld [tilespmem:s16+$0xAE00]  }
0x248: {  	v34 =	vperm.xlane v22, v3;
	v33 =	vperm.xlane v22, v4  }
0x249: {  	v31 =	vperm.xlane v22, v5;
	v27 =	vperm.xlane v22, v6;
	v23 =	vld [tilespmem:s16+$0xAE40]  }
0x24a: {  	v20 =	vmul.f32 v20, v34;
	v19 =	vmul.f32 v19, v33  }
0x24b: {  	v32 =	vperm.xlane v22, v7;
	v28 =	vperm.xlane v22, v8;
	v35 =	vld [tilespmem:s16+$0xB200]  }
0x24c: {  	v29 =	vperm.xlane v22, v9;
	v19 =	vadd.f32 v19, v20;
	v20 =	vmul.f32 v21, v31  }
0x24d: {  	v30 =	vperm.xlane v22, v10;
	v26 =	vperm.xlane v22, v11;
	v36 =	vld [tilespmem:s16+$0xB240]  }
0x24e: {  	v24 =	vperm.xlane v22, v12;
	v21 =	vadd.f32 v20, v19;
	v23 =	vmul.f32 v23, v27  }
0x24f: {  	v25 =	vperm.xlane v22, v13;
	v19 =	vperm.xlane v22, v14;
	v37 =	vld [tilespmem:s16+$0xB600]  }
0x250: {  	v20 =	vperm.xlane v22, v15;
	v38 =	vadd.f32 v23, v21;
	v35 =	vmul.f32 v35, v32  }
0x251: {  	v23 =	vperm.xlane v22, v16;
	v21 =	vperm.xlane v22, v17;
	v39 =	vld [tilespmem:s16+$0xB640]  }
0x252: {  	v22 =	vperm.xlane v22, v18;
	v35 =	vadd.f32 v35, v38;
	v36 =	vmul.f32 v36, v28  }
0x253: {  	v38 =	vld [tilespmem:s16+$0xBA00]  }
0x254: {  	v35 =	vadd.f32 v36, v35;
	v36 =	vmul.f32 v37, v29  }
0x255: {  	v37 =	vld [tilespmem:s16+$0xBA40]  }
0x256: {  	v35 =	vadd.f32 v36, v35;
	v36 =	vmul.f32 v39, v30  }
0x257: {  	v39 =	vld [tilespmem:s16+$0xBE00]  }
0x258: {  	v35 =	vadd.f32 v36, v35;
	v36 =	vmul.f32 v38, v26  }
0x259: {  	v38 =	vld [tilespmem:s16+$0xBE40]  }
0x25a: {  	v35 =	vadd.f32 v36, v35;
	v36 =	vmul.f32 v37, v24  }
0x25b: {  	s0 =	sand.u32 $0x7, s15;
	v37 =	vld [tilespmem:s16+$0xC200]  }
0x25c: {  	s0 =	sshll.u32 s0, $0x7;
	v35 =	vadd.f32 v36, v35;
	v36 =	vmul.f32 v39, v25  }
0x25d: {  	s17 =	sadd.s32 s0, s14;
	v39 =	vld [tilespmem:s16+$0xC240]  }
0x25e: {  	s0 =	sor.u32 $0x1C00, s17;
	v35 =	vadd.f32 v36, v35;
	v36 =	vmul.f32 v38, v19  }
0x25f: {  	v38 =	vld [tilespmem:s0+$0xAA00]  }
0x260: {  	s0 =	sor.u32 $0x1C40, s17;
	v35 =	vadd.f32 v36, v35;
	v36 =	vmul.f32 v37, v20  }
0x261: {  	v37 =	vld [tilespmem:s0+$0xAA00]  }
0x262: {  	v35 =	vadd.f32 v36, v35;
	v36 =	vmul.f32 v39, v23;
	_ =	sdelay $0x1  }
0x263: {  	v35 =	vadd.f32 v36, v35;
	v36 =	vmul.f32 v38, v21;
	_ =	sdelay $0x1  }
0x264: {  	v35 =	vadd.f32 v36, v35;
	v36 =	vmul.f32 v37, v22;
	_ =	sdelay $0x1  }
0x265: {  	v35 =	vadd.f32 v36, v35  }
0x266: {  	s0 =	sand.u32 $0x7C0, s13  }
0x267: {  	[tilespmem:s0+$0x2200] =	vst v35  }
0x268: {  	v35 =	vld [tilespmem:s16+$0xAA10]  }
0x269: {  	v36 =	vld [tilespmem:s16+$0xAA50];
	_ =	sdelay $0x1  }
0x26a: {  	v37 =	vld [tilespmem:s16+$0xAE10];
	_ =	sdelay $0x1  }
0x26b: {  	v35 =	vmul.f32 v35, v34;
	v38 =	vld [tilespmem:s16+$0xAE50]  }
0x26c: {  	v36 =	vmul.f32 v36, v33  }
0x26d: {  	v39 =	vld [tilespmem:s16+$0xB210]  }
0x26e: {  	v35 =	vadd.f32 v36, v35;
	v36 =	vmul.f32 v37, v31  }
0x26f: {  	v37 =	vld [tilespmem:s16+$0xB250]  }
0x270: {  	v35 =	vadd.f32 v36, v35;
	v36 =	vmul.f32 v38, v27  }
0x271: {  	v38 =	vld [tilespmem:s16+$0xB610]  }
0x272: {  	v35 =	vadd.f32 v36, v35;
	v36 =	vmul.f32 v39, v32  }
0x273: {  	v39 =	vld [tilespmem:s16+$0xB650]  }
0x274: {  	v35 =	vadd.f32 v36, v35;
	v36 =	vmul.f32 v37, v28  }
0x275: {  	v37 =	vld [tilespmem:s16+$0xBA10]  }
0x276: {  	v35 =	vadd.f32 v36, v35;
	v36 =	vmul.f32 v38, v29  }
0x277: {  	v38 =	vld [tilespmem:s16+$0xBA50]  }
0x278: {  	v35 =	vadd.f32 v36, v35;
	v36 =	vmul.f32 v39, v30  }
0x279: {  	v39 =	vld [tilespmem:s16+$0xBE10]  }
0x27a: {  	v35 =	vadd.f32 v36, v35;
	v36 =	vmul.f32 v37, v26  }
0x27b: {  	v37 =	vld [tilespmem:s16+$0xBE50]  }
0x27c: {  	v35 =	vadd.f32 v36, v35;
	v36 =	vmul.f32 v38, v24  }
0x27d: {  	v38 =	vld [tilespmem:s16+$0xC210]  }
0x27e: {  	v35 =	vadd.f32 v36, v35;
	v36 =	vmul.f32 v39, v25  }
0x27f: {  	v39 =	vld [tilespmem:s16+$0xC250]  }
0x280: {  	s18 =	sor.u32 $0x1C10, s17;
	v35 =	vadd.f32 v36, v35;
	v36 =	vmul.f32 v37, v19  }
0x281: {  	v37 =	vld [tilespmem:s18+$0xAA00]  }
0x282: {  	s18 =	sor.u32 $0x1C50, s17;
	v35 =	vadd.f32 v36, v35;
	v36 =	vmul.f32 v38, v20  }
0x283: {  	v38 =	vld [tilespmem:s18+$0xAA00]  }
0x284: {  	v35 =	vadd.f32 v36, v35;
	v36 =	vmul.f32 v39, v23;
	_ =	sdelay $0x1  }
0x285: {  	v35 =	vadd.f32 v36, v35;
	v36 =	vmul.f32 v37, v21;
	_ =	sdelay $0x1  }
0x286: {  	v35 =	vadd.f32 v36, v35;
	v36 =	vmul.f32 v38, v22;
	_ =	sdelay $0x1  }
0x287: {  	v35 =	vadd.f32 v36, v35;
	_ =	sdelay $0x1  }
0x288: {  	[tilespmem:s0+$0x2210] =	vst v35  }
0x289: {  	v35 =	vld [tilespmem:s16+$0xAA20]  }
0x28a: {  	v36 =	vld [tilespmem:s16+$0xAA60]  }
0x28b: {  	v37 =	vld [tilespmem:s16+$0xB260]  }
0x28c: {  	v38 =	vld [tilespmem:s16+$0xAE20]  }
0x28d: {  	v39 =	vld [tilespmem:s16+$0xB620]  }
0x28e: {  	v35 =	vmul.f32 v35, v34;
	v40 =	vld [tilespmem:s16+$0xAE60]  }
0x28f: {  	v36 =	vmul.f32 v36, v33;
	v41 =	vld [tilespmem:s16+$0xB660]  }
0x290: {  	v42 =	vld [tilespmem:s16+$0xB220];
	v37 =	vmul.f32 v37, v28  }
0x291: {  	v35 =	vadd.f32 v36, v35;
	v36 =	vmul.f32 v38, v31;
	v38 =	vld [tilespmem:s16+$0xBA20]  }
0x292: {  	v39 =	vmul.f32 v39, v29;
	v43 =	vld [tilespmem:s16+$0xBA60]  }
0x293: {  	v35 =	vadd.f32 v36, v35;
	v36 =	vmul.f32 v40, v27;
	v40 =	vld [tilespmem:s16+$0xBE20]  }
0x294: {  	v41 =	vmul.f32 v41, v30;
	v44 =	vld [tilespmem:s16+$0xBE60]  }
0x295: {  	v35 =	vadd.f32 v36, v35;
	v36 =	vmul.f32 v42, v32;
	v42 =	vld [tilespmem:s16+$0xC220]  }
0x296: {  	v38 =	vmul.f32 v38, v26;
	v45 =	vld [tilespmem:s16+$0xC260]  }
0x297: {  	v35 =	vadd.f32 v36, v35;
	v36 =	vmul.f32 v43, v24  }
0x298: {  	v40 =	vmul.f32 v40, v25  }
0x299: {  	v35 =	vadd.f32 v37, v35;
	v37 =	vmul.f32 v44, v19  }
0x29a: {  	v42 =	vmul.f32 v42, v20  }
0x29b: {  	v35 =	vadd.f32 v39, v35;
	v39 =	vmul.f32 v45, v23;
	_ =	sdelay $0x1  }
0x29c: {  	v35 =	vadd.f32 v41, v35;
	_ =	sdelay $0x1  }
0x29d: {  	v35 =	vadd.f32 v38, v35;
	_ =	sdelay $0x1  }
0x29e: {  	v35 =	vadd.f32 v36, v35;
	_ =	sdelay $0x1  }
0x29f: {  	s18 =	sor.u32 $0x1C20, s17;
	v35 =	vadd.f32 v40, v35  }
0x2a0: {  	v36 =	vld [tilespmem:s18+$0xAA00]  }
0x2a1: {  	s18 =	sor.u32 $0x1C60, s17;
	v35 =	vadd.f32 v37, v35  }
0x2a2: {  	v37 =	vld [tilespmem:s18+$0xAA00]  }
0x2a3: {  	v35 =	vadd.f32 v42, v35;
	_ =	sdelay $0x1  }
0x2a4: {  	v35 =	vadd.f32 v39, v35;
	v36 =	vmul.f32 v36, v21;
	_ =	sdelay $0x1  }
0x2a5: {  	v35 =	vadd.f32 v36, v35;
	v36 =	vmul.f32 v37, v22;
	_ =	sdelay $0x1  }
0x2a6: {  	v35 =	vadd.f32 v36, v35;
	_ =	sdelay $0x1  }
0x2a7: {  	[tilespmem:s0+$0x2220] =	vst v35  }
0x2a8: {  	v35 =	vld [tilespmem:s16+$0xAA30]  }
0x2a9: {  	v36 =	vld [tilespmem:s16+$0xAA70]  }
0x2aa: {  	v37 =	vld [tilespmem:s16+$0xAE30]  }
0x2ab: {  	v38 =	vld [tilespmem:s16+$0xAE70]  }
0x2ac: {  	v39 =	vld [tilespmem:s16+$0xB230]  }
0x2ad: {  	v34 =	vmul.f32 v35, v34;
	v35 =	vld [tilespmem:s16+$0xB270]  }
0x2ae: {  	v33 =	vmul.f32 v36, v33;
	v36 =	vld [tilespmem:s16+$0xB630]  }
0x2af: {  	v31 =	vmul.f32 v37, v31;
	v37 =	vld [tilespmem:s16+$0xB670]  }
0x2b0: {  	v33 =	vadd.f32 v33, v34;
	v27 =	vmul.f32 v38, v27;
	v34 =	vld [tilespmem:s16+$0xBA30]  }
0x2b1: {  	v32 =	vmul.f32 v39, v32;
	v38 =	vld [tilespmem:s16+$0xBA70]  }
0x2b2: {  	v31 =	vadd.f32 v31, v33;
	v28 =	vmul.f32 v35, v28;
	v33 =	vld [tilespmem:s16+$0xBE30]  }
0x2b3: {  	v29 =	vmul.f32 v36, v29;
	v35 =	vld [tilespmem:s16+$0xBE70]  }
0x2b4: {  	v27 =	vadd.f32 v27, v31;
	v30 =	vmul.f32 v37, v30;
	v31 =	vld [tilespmem:s16+$0xC230]  }
0x2b5: {  	v26 =	vmul.f32 v34, v26;
	v34 =	vld [tilespmem:s16+$0xC270];
	s16 =	sor.u32 $0x1C30, s17  }
0x2b6: {  	v27 =	vadd.f32 v32, v27;
	v32 =	vmul.f32 v38, v24;
	v36 =	vld [tilespmem:s16+$0xAA00];
	s16 =	sor.u32 $0x1C70, s17  }
0x2b7: {  	v25 =	vmul.f32 v33, v25;
	v33 =	vld [tilespmem:s16+$0xAA00]  }
0x2b8: {  	v27 =	vadd.f32 v28, v27;
	v28 =	vmul.f32 v35, v19  }
0x2b9: {  	v24 =	vmul.f32 v31, v20  }
0x2ba: {  	v20 =	vadd.f32 v29, v27;
	v23 =	vmul.f32 v34, v23  }
0x2bb: {  	v19 =	vmul.f32 v36, v21  }
0x2bc: {  	v21 =	vadd.f32 v30, v20;
	v20 =	vmul.f32 v33, v22;
	_ =	sdelay $0x1  }
0x2bd: {  	v21 =	vadd.f32 v26, v21;
	_ =	sdelay $0x1  }
0x2be: {  	v21 =	vadd.f32 v32, v21  }
.Ltmp3:
0x2bf: {  	(pc) =	sbr.rel @p1 .LBB2_5-.Ltmp3, $3  }
0x2c0: {  	v21 =	vadd.f32 v25, v21;
	_ =	sdelay $0x1  }
0x2c1: {  	v21 =	vadd.f32 v28, v21  }
0x2c2: {  	s13 =	sadd.s32 $0x40, s13  }
0x2c3: {  	v21 =	vadd.f32 v24, v21;
	_ =	sdelay $0x1  }
0x2c4: {  	v21 =	vadd.f32 v23, v21;
	_ =	sdelay $0x1  }
0x2c5: {  	v19 =	vadd.f32 v19, v21;
	_ =	sdelay $0x1  }
0x2c6: {  	s2 =	sadd.s32 s5, s30;
	v19 =	vadd.f32 v20, v19  }
0x2c7: {  	s2 =	sshll.u32 s2, $0x3  }
.Ltmp4:
0x2c8: {  	s31 =	sadd.s32 s3, s2;
	[tilespmem:s0+$0x2230] =	vst v19;
	(pc) =	sbr.rel @p0 .LBB2_8-.Ltmp4, $4  }
0x2c9: {  	[hbm4b:s31+s4] =	stream.linear.scatter [tilespmem:s26], [sflag:$0x3], $0x800, $0x38;
	[tilespmem:$0x12A00] =	vst v63  }
0x2ca: {  	_ =	swait.ge [sflag:s12], $0x800  }
0x2cb: {  	[sflag:s12] =	ssyncset.done $0x0  }
0x2cc: {  	[sflag:s12] =	ssyncadd.s32 $0xFFFFF800  }
0x2cd: {  	s0 =	sshrl.u32 s29, $0x2  }
0x2ce: {  	v19 =	vld [tilespmem:s0+$0x60];
	_ =	sdelay $0x4  }
0x2cf: {  	v20 =	vshll.u32 v19, $0x3  }
0x2d0: {  	v19 =	vand.u32 $0x7, v19;
	v20 =	vand.u32 $0xFFFFFFC0, v20  }
0x2d1: {  	v19 =	vor.u32 v19, v20  }
0x2d2: {  	v20 =	vperm.xlane v19, v0;
	_ =	sdelay $0x1  }
0x2d3: {  	v20 =	vadd.s32 v1, v20;
	_ =	sdelay $0x3  }
0x2d4: {  	s2 =	simm.s32 $0xAA00  }
0x2d5: {  	[tilespmem:s2], [sflag:$0x2] =	stream.indirect_vreg.gather [hbm4b:s1+s4], $0x80, v20, vm0, $0xb8;
	[tilespmem:$0x12A00] =	vst v63  }
0x2d6: {  	s13 =	simm.s32 $0xB200;
	v19 =	vperm.xlane v19, v2  }
0x2d7: {  	[tilespmem:s13], [sflag:$0x2] =	stream.indirect_vreg.gather [hbm4b:s8+s4], $0x80, v20, vm0, $0xb8;
	[tilespmem:$0x12A00] =	vst v63  }
0x2d8: {  	s14 =	simm.s32 $0xBA00;
	v19 =	vadd.s32 v1, v19  }
0x2d9: {  	[tilespmem:s14], [sflag:$0x2] =	stream.indirect_vreg.gather [hbm4b:s9+s4], $0x80, v20, vm0, $0xb8;
	[tilespmem:$0x12A00] =	vst v63  }
0x2da: {  	s15 =	simm.s32 $0xC200  }
0x2db: {  	[tilespmem:s15], [sflag:$0x2] =	stream.indirect_vreg.gather [hbm4b:s10+s4], $0x80, v20, vm0, $0xb8;
	[tilespmem:$0x12A00] =	vst v63  }
0x2dc: {  	s16 =	simm.s32 $0xCA00  }
0x2dd: {  	[tilespmem:s16], [sflag:$0x2] =	stream.indirect_vreg.gather [hbm4b:s1+s4], $0x80, v19, vm0, $0xb8;
	[tilespmem:$0x12A00] =	vst v63  }
0x2de: {  	s17 =	simm.s32 $0xD200  }
0x2df: {  	[tilespmem:s17], [sflag:$0x2] =	stream.indirect_vreg.gather [hbm4b:s8+s4], $0x80, v19, vm0, $0xb8;
	[tilespmem:$0x12A00] =	vst v63  }
0x2e0: {  	s18 =	simm.s32 $0xDA00  }
0x2e1: {  	[tilespmem:s18], [sflag:$0x2] =	stream.indirect_vreg.gather [hbm4b:s9+s4], $0x80, v19, vm0, $0xb8;
	[tilespmem:$0x12A00] =	vst v63  }
0x2e2: {  	s29 =	simm.s32 $0xE200  }
0x2e3: {  	[tilespmem:s29], [sflag:$0x2] =	stream.indirect_vreg.gather [hbm4b:s10+s4], $0x80, v19, vm0, $0xb8;
	[tilespmem:$0x12A00] =	vst v63  }
0x2e4: {  	v19 =	vld [tilespmem:s0+$0x70];
	_ =	sdelay $0x4  }
0x2e5: {  	v20 =	vshll.u32 v19, $0x3  }
0x2e6: {  	v19 =	vand.u32 $0x7, v19;
	v20 =	vand.u32 $0xFFFFFFC0, v20  }
0x2e7: {  	v19 =	vor.u32 v19, v20  }
0x2e8: {  	v20 =	vperm.xlane v19, v0;
	_ =	sdelay $0x1  }
0x2e9: {  	v20 =	vadd.s32 v1, v20;
	_ =	sdelay $0x3  }
0x2ea: {  	s30 =	simm.s32 $0xEA00  }
0x2eb: {  	[tilespmem:s30], [sflag:$0x2] =	stream.indirect_vreg.gather [hbm4b:s1+s4], $0x80, v20, vm0, $0xb8;
	[tilespmem:$0x12A00] =	vst v63  }
0x2ec: {  	s31 =	simm.s32 $0xF200;
	v19 =	vperm.xlane v19, v2  }
0x2ed: {  	[tilespmem:s31], [sflag:$0x2] =	stream.indirect_vreg.gather [hbm4b:s8+s4], $0x80, v20, vm0, $0xb8;
	[tilespmem:$0x12A00] =	vst v63  }
0x2ee: {  	v19 =	vadd.s32 v1, v19  }
0x2ef: {  	[tilespmem:s19], [sflag:$0x2] =	stream.indirect_vreg.gather [hbm4b:s9+s4], $0x80, v20, vm0, $0xb8;
	[tilespmem:$0x12A00] =	vst v63  }
0x2f0: {  	_ = 	snop  }
0x2f1: {  	[tilespmem:s20], [sflag:$0x2] =	stream.indirect_vreg.gather [hbm4b:s10+s4], $0x80, v20, vm0, $0xb8;
	[tilespmem:$0x12A00] =	vst v63  }
0x2f2: {  	_ = 	snop  }
0x2f3: {  	[tilespmem:s21], [sflag:$0x2] =	stream.indirect_vreg.gather [hbm4b:s1+s4], $0x80, v19, vm0, $0xb8;
	[tilespmem:$0x12A00] =	vst v63  }
0x2f4: {  	_ = 	snop  }
0x2f5: {  	[tilespmem:s22], [sflag:$0x2] =	stream.indirect_vreg.gather [hbm4b:s8+s4], $0x80, v19, vm0, $0xb8;
	[tilespmem:$0x12A00] =	vst v63  }
.Ltmp5:
0x2f6: {  	_ = 	snop;
	(pc) =	sbr.rel .LBB2_2-.Ltmp5, $4  }
0x2f7: {  	_ = 	snop  }
0x2f8: {  	[tilespmem:s23], [sflag:$0x2] =	stream.indirect_vreg.gather [hbm4b:s9+s4], $0x80, v19, vm0, $0xb8;
	[tilespmem:$0x12A00] =	vst v63  }
0x2f9: {  	s11 =	sadd.s32 $0x1, s11;
	s7 =	sadd.s32 $0x400, s7;
	s6 =	sadd.s32 $0x400, s6  }
0x2fa: {  	[tilespmem:s24], [sflag:$0x2] =	stream.indirect_vreg.gather [hbm4b:s10+s4], $0x80, v19, vm0, $0xb8;
	[tilespmem:$0x12A00] =	vst v63  }
.LBB2_9:
0x2fb: {  	_ =	sfence.sel $0x180000  }
0x2fc: {  	[bflag:$0x0] =	sbarrier.arrive $0xFFFF  }
0x2fd: {  	_ =	strace $0x90000047  }
0x2fe: {  	s0 =	stileid.u32;
	[bflag:$0x2] =	sbarrier.arrive $0xFFFF  }
0x2ff: {  	p0 =	sne.s32 s0, $0x0;
	s0 =	rddreg [dreg:$0x4]  }
0x300: {  	s0 =	sadd.s32 @!p0 $0x100000, s0  }
0x301: {  	[sflag:s0] =	ssyncadd.tile.s32 @!p0 $0x1;
	_ =	shalt  }
.Lfunc_end2:
_tile_overlayer_lowered:
.L_overlay_start_2:
0x302: {  	(tag) =	ssettag $0x2  }
0x303: {  	s0 =	rddreg [dreg:$0x0];
	s2 =	stileid.u32  }
0x304: {  	s1 =	rddreg [dreg:$0x1];
	p0 =	sne.s32 s2, $0x0  }
0x305: {  	s3 =	rddreg [dreg:$0x2];
	[bflag:$0x3] =	sbarrier.arrive $0xFFFF;
	s2 =	simm.s32 @!p0 $0x1C03  }
0x306: {  	[timem:s3], [sflag:s2] =	dma.local @!p0 [hbm:s0], s1  }
0x307: {  	s0 =	simm.s32 @!p0 $0x3  }
0x308: {  	_ =	swait.ge @!p0 [sflag:s0], s1  }
0x309: {  	s1 =	ssub.s32 @!p0 $0x0, s1;
	[sflag:s0] =	ssyncset.done @!p0 $0x0  }
0x30a: {  	[sflag:s0] =	ssyncadd.s32 @!p0 s1  }
0x30b: {  	[bflag:$0x3] =	sbarrier.arrive $0xFFFF  }
0x30c: {  	_ =	shalt  }

// kernel: kernel.8.cloned.1.call-start
scs
__scs_entry_jumppad:
0x0: {  	(pc) =	sbr.rel $0x88, $3  }
0x1: {  	(tag) =	ssettag $0x0;
	lr =	simm.s32 $0x1  }
0x2: {  	[smem:$0x3F9B] =	sst lr;
	_ =	strace $0xD0000000  }
0x3: {  	_ = 	snop  }
0x4: {  	_ = 	snop  }
0x5: {  	_ = 	snop  }
0x6: {  	_ = 	snop  }
0x7: {  	_ = 	snop  }
__scs_overlays_trampoline_lowered:
0x8: {  	[smem:$0x3FAA] =	sst s0  }
0x9: {  	[smem:$0x3FAB] =	sst s1  }
0xa: {  	[smem:$0x3FAC] =	sst s2  }
0xb: {  	[smem:$0x3FAD] =	sst s3  }
0xc: {  	[smem:$0x3FAE] =	sst s4  }
0xd: {  	[smem:$0x3FAF] =	sst s5  }
0xe: {  	[smem:$0x3FB0] =	sst s6  }
0xf: {  	[smem:$0x3FB1] =	sst s7  }
0x10: {  	[smem:$0x3FB2] =	sst s8  }
0x11: {  	[smem:$0x3FB3] =	sst s9;
	s0 =	simm.s32 @!p0 $0x0  }
0x12: {  	s1 =	sld [smem:$0x3F99];
	s0 =	simm.s32 @p0 $0x1  }
0x13: {  	[smem:$0x3FB4] =	sst s0;
	s0 =	simm.s32 @!p1 $0x0  }
0x14: {  	s2 =	sld [smem:$0x3F98];
	s0 =	simm.s32 @p1 $0x1  }
0x15: {  	[smem:$0x3FB5] =	sst s0;
	s0 =	simm.s32 @!p2 $0x0  }
0x16: {  	s3 =	sld [smem:$0x3FDB];
	s0 =	simm.s32 @p2 $0x1  }
0x17: {  	s4 =	simm.s32 $0x1BF5;
	[smem:$0x3FB7] =	sst s0  }
0x18: {  	s0 =	sld [smem:$0x3F9A];
	_ =	swait.ge [sflag:s4], $0x0  }
0x19: {  	s7 =	sld [smem:$0x3F9B]  }
0x1a: {  	s8 =	sadd.s32 $0xFFFFE003, lr  }
0x1b: {  	s9 =	sadd.s32 $0xFFFFFEF7, lr;
	s5 =	simm.s32 $0xFFFFFFFF;
	p2 =	slt.u32 s8, $0xFFFFF086  }
0x1c: {  	p1 =	slt.u32 s9, $0xF7A;
	s5 =	simm.s32 @!p2 $0x0  }
0x1d: {  	s5 =	simm.s32 @p1 $0x1;
	p0 =	seq.s32 s7, s2  }
0x1e: {  	s7 =	smul.u32 @!p0 $0xF7A, s2;
	p2 =	seq.s32 @!p0 s5, $0x0  }
0x1f: {  	s9 =	smul.u32 $0xF7A, s1;
	s8 =	simm.s32 @!p0 $0x1BF5;
	p2 =	por !p2, p0  }
0x20: {  	[sflag:s8] =	ssyncset.s32 @!p0 $0xFFFFF086;
	s6 =	sadd.s32 @!p0 s3, s7;
	s7 =	simm.s32 @!p0 $0x108  }
0x21: {  	s3 =	sadd.s32 s3, s9;
	s6 =	sadd.s32 @!p0 $0x88, s6;
	s7 =	simm.s32 @p2 $0x1082  }
0x22: {  	[simem:s7], [sflag:s8] =	dma.local @!p0 [hbm:s6], $0xF7A  }
0x23: {  	s9 =	sor.u32 $0xD0000000, s2;
	s6 =	simm.s32 $0x108;
	_ =	swait.ge @!p0 [sflag:s8], $0x0  }
0x24: {  	s3 =	sadd.s32 $0x88, s3;
	s6 =	simm.s32 @!p1 $0x1082;
	[sflag:s4] =	ssyncset.s32 $0xFFFFF086  }
0x25: {  	[simem:s6], [sflag:s4] =	dma.local [hbm:s3], $0xF7A  }
0x26: {  	[smem:$0x3F9B] =	sst s1;
	(tag) =	ssettag s2;
	_ =	strace s9  }
0x27: {  	s1 =	sld [smem:$0x3FAB]  }
0x28: {  	s2 =	sld [smem:$0x3FAC]  }
0x29: {  	s4 =	sld [smem:$0x3FAE]  }
0x2a: {  	p0 =	seq.s32 s5, $0x0;
	s5 =	sld [smem:$0x3FAF]  }
0x2b: {  	s6 =	sld [smem:$0x3FB0]  }
0x2c: {  	s7 =	sld [smem:$0x3FB1]  }
0x2d: {  	s3 =	simm.s32 $0x108;
	s8 =	sld [smem:$0x3FB2]  }
0x2e: {  	s3 =	simm.s32 @!p0 $0x1082;
	s9 =	sld [smem:$0x3FB3]  }
0x2f: {  	lr =	sadd.s32 s0, s3;
	s0 =	sld [smem:$0x3FAA]  }
0x30: {  	s3 =	sld [smem:$0x3FAD]  }
0x31: {  	[smem:$0x3FB6] =	sst s10  }
0x32: {  	s10 =	sld [smem:$0x3FB4];
	_ =	sdelay $0x3  }
0x33: {  	p0 =	seq.s32 s10, $0x1;
	s10 =	sld [smem:$0x3FB6];
	_ =	sdelay $0x3  }
0x34: {  	[smem:$0x3FB6] =	sst s10  }
0x35: {  	s10 =	sld [smem:$0x3FB5];
	_ =	sdelay $0x3  }
0x36: {  	p1 =	seq.s32 s10, $0x1;
	s10 =	sld [smem:$0x3FB6];
	_ =	sdelay $0x3  }
0x37: {  	[smem:$0x3FB6] =	sst s10  }
0x38: {  	s10 =	sld [smem:$0x3FB7]  }
0x39: {  	_ = 	snop;
	(pc) =	sbr.ind lr, $3  }
0x3a: {  	_ = 	snop  }
0x3b: {  	_ = 	snop  }
0x3c: {  	p2 =	seq.s32 s10, $0x1;
	s10 =	sld [smem:$0x3FB6]  }
0x3d: {  	_ =	shalt  }
0x3e: {  	_ =	shalt  }
0x3f: {  	_ =	shalt  }
0x40: {  	_ =	shalt  }
0x41: {  	_ =	shalt  }
0x42: {  	_ =	shalt  }
0x43: {  	_ =	shalt  }
0x44: {  	_ =	shalt  }
0x45: {  	_ =	shalt  }
0x46: {  	_ =	shalt  }
0x47: {  	_ =	shalt  }
0x48: {  	_ =	shalt  }
0x49: {  	_ =	shalt  }
0x4a: {  	_ =	shalt  }
0x4b: {  	_ =	shalt  }
0x4c: {  	_ =	shalt  }
0x4d: {  	_ =	shalt  }
0x4e: {  	_ =	shalt  }
0x4f: {  	_ =	shalt  }
0x50: {  	_ =	shalt  }
0x51: {  	_ =	shalt  }
0x52: {  	_ =	shalt  }
0x53: {  	_ =	shalt  }
0x54: {  	_ =	shalt  }
0x55: {  	_ =	shalt  }
0x56: {  	_ =	shalt  }
0x57: {  	_ =	shalt  }
0x58: {  	_ =	shalt  }
0x59: {  	_ =	shalt  }
0x5a: {  	_ =	shalt  }
0x5b: {  	_ =	shalt  }
0x5c: {  	_ =	shalt  }
0x5d: {  	_ =	shalt  }
0x5e: {  	_ =	shalt  }
0x5f: {  	_ =	shalt  }
0x60: {  	_ =	shalt  }
0x61: {  	_ =	shalt  }
0x62: {  	_ =	shalt  }
0x63: {  	_ =	shalt  }
0x64: {  	_ =	shalt  }
0x65: {  	_ =	shalt  }
0x66: {  	_ =	shalt  }
0x67: {  	_ =	shalt  }
0x68: {  	_ =	shalt  }
0x69: {  	_ =	shalt  }
0x6a: {  	_ =	shalt  }
0x6b: {  	_ =	shalt  }
0x6c: {  	_ =	shalt  }
0x6d: {  	_ =	shalt  }
0x6e: {  	_ =	shalt  }
0x6f: {  	_ =	shalt  }
0x70: {  	_ =	shalt  }
0x71: {  	_ =	shalt  }
0x72: {  	_ =	shalt  }
0x73: {  	_ =	shalt  }
0x74: {  	_ =	shalt  }
0x75: {  	_ =	shalt  }
0x76: {  	_ =	shalt  }
0x77: {  	_ =	shalt  }
0x78: {  	_ =	shalt  }
0x79: {  	_ =	shalt  }
0x7a: {  	_ =	shalt  }
0x7b: {  	_ =	shalt  }
0x7c: {  	_ =	shalt  }
0x7d: {  	_ =	shalt  }
0x7e: {  	_ =	shalt  }
0x7f: {  	_ =	shalt  }
0x80: {  	_ =	shalt  }
0x81: {  	_ =	shalt  }
0x82: {  	_ =	shalt  }
0x83: {  	_ =	shalt  }
0x84: {  	_ =	shalt  }
0x85: {  	_ =	shalt  }
0x86: {  	_ =	shalt  }
0x87: {  	_ =	shalt  }
.Lfunc_end0:
.L_simem_size_0:
called_computation.1_lowered:
.L_overlay_start_0:
0x88: {  	s2 =	sld [smem:$0x3FD9]  }
0x89: {  	s3 =	sld [smem:$0x3FFE];
	_ =	sdelay $0x1  }
0x8a: {  	s1 =	srdreg.scid  }
0x8b: {  	s0 =	sand.u32 $0x1, s1  }
0x8c: {  	s17 =	sshll.u32 s0, $0xA;
	s2 =	sadd.s32 s3, s2  }
0x8d: {  	s2 =	sadd.s32 s2, s17  }
0x8e: {  	[smem:$0x3FC2] =	sst s2  }
0x8f: {  	_ = 	snop  }
0x90: {  	s2 =	sld [smem:$0x3FC8]  }
0x91: {  	s18 =	sld [smem:$0x3FD0];
	(tm) =	ssettm $0x1  }
0x92: {  	s4 =	sld [smem:$0x3FFB];
	_ =	sdelay $0x3  }
0x93: {  	_ =	strace s4  }
0x94: {  	s4 =	sld [smem:$0x3FFC];
	_ =	sdelay $0x3  }
0x95: {  	_ =	strace s4  }
0x96: {  	s4 =	sld [smem:$0x3FFD];
	_ =	sdelay $0x3  }
0x97: {  	_ =	strace s4  }
0x98: {  	_ =	strace $0x8FFFFFFF  }
0x99: {  	s19 =	sld [smem:$0x3FDB];
	_ =	sdelay $0x1  }
0x9a: {  	s5 =	simm.s32 $_scs_section_size  }
0x9b: {  	s6 =	simm.s32 $_size__tile_overlayer_lowered;
	s7 =	simm.s32 $_tile_overlayer_lowered  }
0x9c: {  	s22 =	simm.s32 $0x1BFF;
	s21 =	sshll.u32 s7, $0x1;
	s4 =	sadd.s32 s5, s19  }
0x9d: {  	s8 =	simm.s32 $0x0;
	s20 =	sshll.u32 s6, $0x1;
	s6 =	sadd.s32 s21, s4  }
0x9e: {  	[timem:s8], [sflag:s22] =	dma.local [hbm:s6], s20  }
0x9f: {  	_ =	swait.ge [sflag:s22], s20  }
0xa0: {  	s5 =	ssub.s32 $0x0, s20;
	[sflag:s22] =	ssyncset.done $0x0  }
0xa1: {  	[sflag:s22] =	ssyncadd.s32 s5;
	_ =	sdelay $0x1  }
0xa2: {  	s23 =	simm.s32 $0x1B8B  }
0xa3: {  	_ =	swait.ge [sflag:s23], $0x1  }
0xa4: {  	[sflag:s23] =	ssyncset.done $0x0  }
0xa5: {  	s25 =	simm.s32 $0x1B8E;
	s24 =	sld [smem:$0x3FFE];
	[sflag:s23] =	ssyncadd.s32 $0xFFFFFFFF  }
0xa6: {  	s26 =	simm.s32 $execute0_lowered;
	[smem:$0x3FD2] =	sst s25  }
0xa7: {  	s6 =	sshll.u32 s26, $0x1;
	_ =	strace $0x80000049;
	[dreg:$0x1] =	wrdreg $0xFFFFFFFF  }
0xa8: {  	s28 =	simm.s32 $_size_execute0_lowered;
	s4 =	sadd.s32 s4, s6;
	[dreg:$0x0] =	wrdreg $0x0  }
0xa9: {  	s6 =	sshll.u32 s28, $0x1;
	[dreg:$0x2] =	wrdreg s4  }
0xaa: {  	[dreg:$0x3] =	wrdreg s6  }
0xab: {  	[dreg:$0x4] =	wrdreg $0xC0  }
0xac: {  	_ =	task [dreg:s8], $0x5FFFF  }
0xad: {  	[dreg:$0x1] =	wrdreg $0xFFFFFFFF  }
0xae: {  	[dreg:$0x0] =	wrdreg $0x60  }
0xaf: {  	[dreg:$0x2] =	wrdreg s24  }
0xb0: {  	[dreg:$0x3] =	wrdreg s2  }
0xb1: {  	[dreg:$0x4] =	wrdreg s18  }
0xb2: {  	[dreg:$0x5] =	wrdreg $0x9  }
0xb3: {  	_ =	task.clear_ibuf [dreg:s8], $0x6FFFF;
	_ =	strace $0x90000049  }
0xb4: {  	s29 =	simm.s32 $0x9;
	_ =	strace $0x8000004B  }
0xb5: {  	_ =	swait.ge [sflag:s29], $0x1  }
0xb6: {  	[sflag:s29] =	ssyncadd.s32 $0xFFFFFFFF  }
0xb7: {  	_ =	strace $0x9000004B  }
0xb8: {  	_ =	sfence  }
0xb9: {  	s30 =	sld [smem:$0x0];
	_ =	sdelay $0x2  }
0xba: {  	s31 =	sshll.u32 s1, $0xD;
	s1 =	sshrl.u32 s1, $0x2  }
0xbb: {  	s3 =	sand.u32 $0x4000, s31;
	s1 =	sadd.s32 s1, s30  }
0xbc: {  	s0 =	sor.u32 s3, s0;
	s1 =	sshll.u32 s1, $0x11  }
0xbd: {  	s0 =	sor.u32 s1, s0  }
0xbe: {  	s0 =	sadd.s32 $0x8F2B, s0  }
0xbf: {  	[sflag:s0] =	ssyncadd.remote.s32 $0x1  }
0xc0: {  	_ =	sfence.sel $0xFFFF  }
0xc1: {  	[dreg:$0x0] =	wrdreg $0xFFFFFFFF;
	(pc) =	sbr.abs _section_cstart, $3  }
0xc2: {  	[dreg:$0x1] =	wrdreg $0xFFFFFFFF  }
0xc3: {  	_ =	task.clear_ibuf [dreg:s8], $0x2FFFF;
	_ =	strace $0x9FFFFFFF  }
0xc4: {  	(tm) =	ssettm $0x7FFFFFFF  }
0xc5: {  	_ =	shalt  }
tec
execute0_lowered:
.L_overlay_start_1:
0x0: {  	(tag) =	ssettag $0x1  }
0x1: {  	s0 =	rddreg [dreg:$0x0]  }
0x2: {  	s2 =	rddreg [dreg:$0x1]  }
0x3: {  	s4 =	rddreg [dreg:$0x2]  }
0x4: {  	s1 =	simm.s32 $0x0;
	s3 =	srdreg.scid;
	s8 =	stileid.u32  }
0x5: {  	s29 =	simm.s32 $0x2600;
	s30 =	simm.s32 $0x5600;
	s31 =	simm.s32 $0x1  }
0x6: {  	s28 =	simm.s32 $0x2;
	[smem:$0x7FF] =	sst s1;
	s5 =	sand.u32 $0x1, s3  }
0x7: {  	s3 =	sadd.s32 $0x18F400, s0;
	s8 =	sshll.u32 s8, $0xA;
	s6 =	ssub.s32 $0x2, s5  }
0x8: {  	s0 =	sadd.s32 $0xA00, s0;
	s5 =	sshll.u32 s5, $0x9;
	s7 =	sshrl.u32 s6, $0x1  }
0x9: {  	_ =	strace $0x8000004A;
	s5 =	sor.u32 s5, s8;
	s6 =	ssub.s32 s6, s7  }
0xa: {  	s26 =	sshrl.u32 s5, $0x3;
	s8 =	sshll.u32 s5, $0x3;
	s9 =	sor.u32 $0x40, s5  }
0xb: {  	s11 =	sshll.u32 s5, $0x4;
	s12 =	sor.u32 $0x80, s5;
	s16 =	sor.u32 $0xC0, s5  }
0xc: {  	s18 =	sor.u32 $0x100, s5;
	s20 =	sor.u32 $0x140, s5;
	s23 =	sor.u32 $0x180, s5  }
0xd: {  	s5 =	sor.u32 $0x1C0, s5;
	s2 =	sadd.s32 s2, s26;
	s8 =	sadd.s32 s4, s8  }
0xe: {  	s10 =	sshll.u32 s9, $0x3;
	s13 =	sshll.u32 s12, $0x3;
	s14 =	sshll.u32 s9, $0x4  }
0xf: {  	s17 =	sshll.u32 s16, $0x3;
	s7 =	sshll.u32 s12, $0x4;
	s19 =	sshll.u32 s18, $0x3  }
0x10: {  	s21 =	sshll.u32 s20, $0x3;
	s22 =	sshll.u32 s18, $0x4;
	s24 =	sshll.u32 s23, $0x3  }
0x11: {  	s25 =	sshll.u32 s5, $0x3;
	s26 =	sshll.u32 s5, $0x4;
	[dreg:$0x4] =	wrdreg s2  }
0x12: {  	s5 =	simm.s32 $0x0;
	[dreg:$0x5] =	wrdreg s8;
	s2 =	sadd.s32 s4, s10  }
0x13: {  	s15 =	sadd.s32 s0, s14;
	s8 =	sadd.s32 s4, s17;
	[dreg:$0x6] =	wrdreg s2  }
0x14: {  	s7 =	sadd.s32 s0, s7;
	s14 =	sadd.s32 s4, s21;
	[dreg:$0x9] =	wrdreg s15  }
0x15: {  	s18 =	sadd.s32 s4, s25;
	s21 =	smax.u32 s6, $0x1;
	[dreg:$0xa] =	wrdreg s8  }
0x16: {  	s25 =	simm.s32 $0x600;
	s2 =	sadd.s32 s0, s11;
	[dreg:$0xb] =	wrdreg s7  }
0x17: {  	s7 =	sadd.s32 s4, s19;
	s15 =	sadd.s32 s0, s22;
	[dreg:$0x7] =	wrdreg s2  }
0x18: {  	s22 =	simm.s32 $0x5;
	s2 =	sadd.s32 s4, s13;
	[dreg:$0xc] =	wrdreg s7  }
0x19: {  	s7 =	sshll.u32 s20, $0x4;
	s20 =	sadd.s32 s0, s26;
	s26 =	simm.s32 $0x4600  }
0x1a: {  	[dreg:$0x8] =	wrdreg s2;
	s2 =	sshll.u32 s16, $0x4;
	s16 =	sadd.s32 s4, s24  }
0x1b: {  	s17 =	sadd.s32 s0, s7;
	s24 =	simm.s32 $0x4;
	s4 =	simm.s32 $0x8600  }
0x1c: {  	s13 =	sadd.s32 s0, s2;
	s2 =	sshll.u32 s23, $0x4;
	s23 =	simm.s32 $0x40  }
0x1d: {  	s19 =	sadd.s32 s0, s2;
	s0 =	simm.s32 $0x3;
	s2 =	simm.s32 $0x6600  }
.LBB2_1:
0x1e: {  	s6 =	rddreg [dreg:$0x4]  }
0x1f: {  	[tilespmem:s1], [sflag:$0x5] =	stream.linear.gather [hbm4b:s6+s1], $0x200, $0x38;
	[tilespmem:$0xA600] =	vst v63  }
0x20: {  	_ =	swait.ge [sflag:s22], $0x200  }
0x21: {  	[sflag:s22] =	ssyncset.done $0x0  }
0x22: {  	[sflag:s22] =	ssyncadd.s32 $0xFFFFFE00  }
0x23: {  	v0 =	vld [tilespmem:$0x0];
	_ =	sdelay $0x1  }
0x24: {  	v1 =	vld [tilespmem:$0x10];
	_ =	sdelay $0x1  }
0x25: {  	v2 =	vld [tilespmem:$0x20]  }
0x26: {  	v3 =	vand.u32 $0x1, v0  }
0x27: {  	v4 =	vld [tilespmem:$0x30];
	v0 =	vshrl.u32 v0, $0x1;
	v3 =	vcvt.s32.f32 v3  }
0x28: {  	[tilespmem:$0x200] =	vst v0;
	v0 =	vand.u32 $0x1, v1  }
0x29: {  	v1 =	vshrl.u32 v1, $0x1;
	v0 =	vcvt.s32.f32 v0;
	[tilespmem:$0x400] =	vst v3;
	v3 =	vld [tilespmem:$0x40]  }
0x2a: {  	[tilespmem:$0x210] =	vst v1;
	v1 =	vand.u32 $0x1, v2  }
0x2b: {  	v1 =	vcvt.s32.f32 v1;
	[tilespmem:$0x410] =	vst v0;
	v0 =	vshrl.u32 v2, $0x1;
	v2 =	vld [tilespmem:$0x50]  }
0x2c: {  	[tilespmem:$0x220] =	vst v0;
	v0 =	vand.u32 $0x1, v4  }
0x2d: {  	v54 =	vld [tilespmem:$0x60];
	[tilespmem:$0x420] =	vst v1;
	v1 =	vshrl.u32 v4, $0x1;
	v0 =	vcvt.s32.f32 v0  }
0x2e: {  	[tilespmem:$0x230] =	vst v1;
	v1 =	vand.u32 $0x1, v3  }
0x2f: {  	[tilespmem:$0x430] =	vst v0;
	v0 =	vshrl.u32 v3, $0x1;
	v3 =	vld [tilespmem:$0x70];
	v1 =	vcvt.s32.f32 v1  }
0x30: {  	[tilespmem:$0x240] =	vst v0;
	v0 =	vand.u32 $0x1, v2  }
0x31: {  	v0 =	vcvt.s32.f32 v0;
	[tilespmem:$0x440] =	vst v1;
	v1 =	vshrl.u32 v2, $0x1;
	v2 =	vld [tilespmem:$0x80]  }
0x32: {  	[tilespmem:$0x250] =	vst v1;
	v1 =	vand.u32 $0x1, v54  }
0x33: {  	v55 =	vld [tilespmem:$0x90];
	[tilespmem:$0x450] =	vst v0;
	v0 =	vshrl.u32 v54, $0x1;
	v1 =	vcvt.s32.f32 v1  }
0x34: {  	[tilespmem:$0x260] =	vst v0;
	v0 =	vand.u32 $0x1, v3  }
0x35: {  	v0 =	vcvt.s32.f32 v0;
	[tilespmem:$0x460] =	vst v1;
	v1 =	vshrl.u32 v3, $0x1;
	v3 =	vld [tilespmem:$0xA0]  }
0x36: {  	[tilespmem:$0x270] =	vst v1;
	v1 =	vand.u32 $0x1, v2  }
0x37: {  	[tilespmem:$0x470] =	vst v0;
	v0 =	vshrl.u32 v2, $0x1;
	v2 =	vld [tilespmem:$0xB0];
	v1 =	vcvt.s32.f32 v1  }
0x38: {  	[tilespmem:$0x280] =	vst v0;
	v0 =	vand.u32 $0x1, v55  }
0x39: {  	v56 =	vld [tilespmem:$0xC0];
	v0 =	vcvt.s32.f32 v0;
	[tilespmem:$0x480] =	vst v1;
	v1 =	vshrl.u32 v55, $0x1  }
0x3a: {  	[tilespmem:$0x290] =	vst v1;
	v1 =	vand.u32 $0x1, v3  }
0x3b: {  	[tilespmem:$0x490] =	vst v0;
	v0 =	vshrl.u32 v3, $0x1;
	v3 =	vld [tilespmem:$0xD0];
	v1 =	vcvt.s32.f32 v1  }
0x3c: {  	[tilespmem:$0x2A0] =	vst v0;
	v0 =	vand.u32 $0x1, v2  }
0x3d: {  	v0 =	vcvt.s32.f32 v0;
	[tilespmem:$0x4A0] =	vst v1;
	v1 =	vshrl.u32 v2, $0x1;
	v2 =	vld [tilespmem:$0xE0]  }
0x3e: {  	[tilespmem:$0x2B0] =	vst v1;
	v1 =	vand.u32 $0x1, v56  }
0x3f: {  	v57 =	vld [tilespmem:$0xF0];
	[tilespmem:$0x4B0] =	vst v0;
	v0 =	vshrl.u32 v56, $0x1;
	v1 =	vcvt.s32.f32 v1  }
0x40: {  	[tilespmem:$0x2C0] =	vst v0;
	v0 =	vand.u32 $0x1, v3  }
0x41: {  	v0 =	vcvt.s32.f32 v0;
	[tilespmem:$0x4C0] =	vst v1;
	v1 =	vshrl.u32 v3, $0x1;
	v3 =	vld [tilespmem:$0x100]  }
0x42: {  	[tilespmem:$0x2D0] =	vst v1;
	v1 =	vand.u32 $0x1, v2  }
0x43: {  	[tilespmem:$0x4D0] =	vst v0;
	v0 =	vshrl.u32 v2, $0x1;
	v2 =	vld [tilespmem:$0x110];
	v1 =	vcvt.s32.f32 v1  }
0x44: {  	[tilespmem:$0x2E0] =	vst v0;
	v0 =	vand.u32 $0x1, v57  }
0x45: {  	v58 =	vld [tilespmem:$0x120];
	v0 =	vcvt.s32.f32 v0;
	[tilespmem:$0x4E0] =	vst v1;
	v1 =	vshrl.u32 v57, $0x1  }
0x46: {  	[tilespmem:$0x2F0] =	vst v1;
	v1 =	vand.u32 $0x1, v3  }
0x47: {  	[tilespmem:$0x4F0] =	vst v0;
	v0 =	vshrl.u32 v3, $0x1;
	v3 =	vld [tilespmem:$0x130];
	v1 =	vcvt.s32.f32 v1  }
0x48: {  	[tilespmem:$0x300] =	vst v0;
	v0 =	vand.u32 $0x1, v2  }
0x49: {  	v0 =	vcvt.s32.f32 v0;
	[tilespmem:$0x500] =	vst v1;
	v1 =	vshrl.u32 v2, $0x1;
	v2 =	vld [tilespmem:$0x140]  }
0x4a: {  	[tilespmem:$0x310] =	vst v1;
	v1 =	vand.u32 $0x1, v58  }
0x4b: {  	v59 =	vld [tilespmem:$0x150];
	[tilespmem:$0x510] =	vst v0;
	v0 =	vshrl.u32 v58, $0x1;
	v1 =	vcvt.s32.f32 v1  }
0x4c: {  	[tilespmem:$0x320] =	vst v0;
	v0 =	vand.u32 $0x1, v3  }
0x4d: {  	v0 =	vcvt.s32.f32 v0;
	[tilespmem:$0x520] =	vst v1;
	v1 =	vshrl.u32 v3, $0x1;
	v3 =	vld [tilespmem:$0x160]  }
0x4e: {  	[tilespmem:$0x330] =	vst v1;
	v1 =	vand.u32 $0x1, v2  }
0x4f: {  	[tilespmem:$0x530] =	vst v0;
	v0 =	vshrl.u32 v2, $0x1;
	v2 =	vld [tilespmem:$0x170];
	v1 =	vcvt.s32.f32 v1  }
0x50: {  	[tilespmem:$0x340] =	vst v0;
	v0 =	vand.u32 $0x1, v59  }
0x51: {  	v60 =	vld [tilespmem:$0x180];
	v0 =	vcvt.s32.f32 v0;
	[tilespmem:$0x540] =	vst v1;
	v1 =	vshrl.u32 v59, $0x1  }
0x52: {  	[tilespmem:$0x350] =	vst v1;
	v1 =	vand.u32 $0x1, v3  }
0x53: {  	[tilespmem:$0x550] =	vst v0;
	v0 =	vshrl.u32 v3, $0x1;
	v3 =	vld [tilespmem:$0x190];
	v1 =	vcvt.s32.f32 v1  }
0x54: {  	[tilespmem:$0x360] =	vst v0;
	v0 =	vand.u32 $0x1, v2  }
0x55: {  	v0 =	vcvt.s32.f32 v0;
	[tilespmem:$0x560] =	vst v1;
	v1 =	vshrl.u32 v2, $0x1;
	v2 =	vld [tilespmem:$0x1A0]  }
0x56: {  	[tilespmem:$0x370] =	vst v1;
	v1 =	vand.u32 $0x1, v60  }
0x57: {  	v61 =	vld [tilespmem:$0x1B0];
	[tilespmem:$0x570] =	vst v0;
	v0 =	vshrl.u32 v60, $0x1;
	v1 =	vcvt.s32.f32 v1  }
0x58: {  	[tilespmem:$0x380] =	vst v0;
	v0 =	vand.u32 $0x1, v3  }
0x59: {  	v0 =	vcvt.s32.f32 v0;
	[tilespmem:$0x580] =	vst v1;
	v1 =	vshrl.u32 v3, $0x1;
	v3 =	vld [tilespmem:$0x1C0]  }
0x5a: {  	[tilespmem:$0x390] =	vst v1;
	v1 =	vand.u32 $0x1, v2  }
0x5b: {  	[tilespmem:$0x590] =	vst v0;
	v0 =	vshrl.u32 v2, $0x1;
	v2 =	vld [tilespmem:$0x1D0];
	v1 =	vcvt.s32.f32 v1  }
0x5c: {  	[tilespmem:$0x3A0] =	vst v0;
	v0 =	vand.u32 $0x1, v61  }
0x5d: {  	v62 =	vld [tilespmem:$0x1E0];
	v0 =	vcvt.s32.f32 v0;
	[tilespmem:$0x5A0] =	vst v1;
	v1 =	vshrl.u32 v61, $0x1  }
0x5e: {  	[tilespmem:$0x3B0] =	vst v1;
	v1 =	vand.u32 $0x1, v3  }
0x5f: {  	[tilespmem:$0x5B0] =	vst v0;
	v0 =	vshrl.u32 v3, $0x1;
	v3 =	vld [tilespmem:$0x1F0];
	v1 =	vcvt.s32.f32 v1  }
0x60: {  	[tilespmem:$0x3C0] =	vst v0;
	v0 =	vand.u32 $0x1, v2  }
0x61: {  	v0 =	vcvt.s32.f32 v0;
	[tilespmem:$0x5C0] =	vst v1;
	v1 =	vshrl.u32 v2, $0x1  }
0x62: {  	[tilespmem:$0x3D0] =	vst v1;
	v1 =	vand.u32 $0x1, v62  }
0x63: {  	[tilespmem:$0x5D0] =	vst v0;
	v0 =	vshrl.u32 v62, $0x1;
	v1 =	vcvt.s32.f32 v1  }
0x64: {  	[tilespmem:$0x3E0] =	vst v0;
	v0 =	vand.u32 $0x1, v3  }
0x65: {  	v0 =	vcvt.s32.f32 v0;
	[tilespmem:$0x5E0] =	vst v1;
	v1 =	vshrl.u32 v3, $0x1  }
0x66: {  	[tilespmem:$0x3F0] =	vst v1  }
0x67: {  	s9 =	simm.s32 $0x200;
	[tilespmem:$0x5F0] =	vst v0  }
0x68: {  	[tilespmem:s25], [sflag:$0x1] =	stream.indirect.gather [hbm4b:s3+s23], $0x80, s9, s23, $0xb8;
	[tilespmem:$0xA600] =	vst v63  }
0x69: {  	s10 =	rddreg [dreg:$0x5]  }
0x6a: {  	[tilespmem:s26], [sflag:$0x3] =	stream.linear.gather [hbm4b:s10+s1], $0x1000, $0x38;
	[tilespmem:$0xA600] =	vst v63  }
0x6b: {  	s11 =	simm.s32 $0x240  }
0x6c: {  	[tilespmem:s29], [sflag:$0x2] =	stream.indirect.gather [hbm4b:s3+s23], $0x80, s11, s23, $0xb8;
	[tilespmem:$0xA600] =	vst v63  }
0x6d: {  	s12 =	rddreg [dreg:$0x6]  }
0x6e: {  	[tilespmem:s30], [sflag:$0x4] =	stream.linear.gather [hbm4b:s12+s1], $0x1000, $0x38;
	[tilespmem:$0xA600] =	vst v63  }
0x6f: {  	_ =	swait.ge [sflag:s31], $0x2000  }
0x70: {  	[sflag:s31] =	ssyncset.done $0x0  }
0x71: {  	[sflag:s31] =	ssyncadd.s32 $0xFFFFE000  }
0x72: {  	_ =	swait.ge [sflag:s0], $0x1000  }
0x73: {  	[sflag:s0] =	ssyncset.done $0x0  }
0x74: {  	s6 =	simm.s32 $0x640;
	[sflag:s0] =	ssyncadd.s32 $0xFFFFF000  }
0x75: {  	s7 =	sand.u32 $0x30, s1;
	v1 =	vld [tilespmem:s6+$0xFFFFFFC0]  }
0x76: {  	v0 =	vld [tilespmem:s7+$0x400]  }
0x77: {  	v2 =	vld [tilespmem:s6+$0x0]  }
0x78: {  	s8 =	sand.u32 $0xFC0, s1  }
0x79: {  	v3 =	vld [tilespmem:s8+$0x4600];
	_ =	sdelay $0x1  }
0x7a: {  	v63 =	vmov s1  }
0x7b: {  	v0 =	vperm.xlane v0, v63;
	v2 =	vsub.f32 v2, v1;
	_ =	sdelay $0x1  }
0x7c: {  	v1 =	vadd.f32 v3, v1;
	v2 =	vmul.f32 v2, v0;
	_ =	sdelay $0x1  }
0x7d: {  	v1 =	vadd.f32 v2, v1  }
0x7e: {  	s7 =	simm.s32 $0x6620  }
0x7f: {  	[tilespmem:s7+$0xFFFFFFE0] =	vst v1  }
0x80: {  	v1 =	vld [tilespmem:s6+$0xFFFFFFD0]  }
0x81: {  	v2 =	vld [tilespmem:s6+$0x10];
	_ =	sdelay $0x1  }
0x82: {  	v3 =	vld [tilespmem:s8+$0x4610];
	_ =	sdelay $0x2  }
0x83: {  	v2 =	vsub.f32 v2, v1;
	_ =	sdelay $0x1  }
0x84: {  	v1 =	vadd.f32 v3, v1;
	v2 =	vmul.f32 v2, v0;
	_ =	sdelay $0x1  }
0x85: {  	v1 =	vadd.f32 v2, v1;
	_ =	sdelay $0x1  }
0x86: {  	[tilespmem:s7+$0xFFFFFFF0] =	vst v1  }
0x87: {  	v1 =	vld [tilespmem:s6+$0xFFFFFFE0]  }
0x88: {  	v2 =	vld [tilespmem:s6+$0x20];
	_ =	sdelay $0x1  }
0x89: {  	v3 =	vld [tilespmem:s8+$0x4620];
	_ =	sdelay $0x2  }
0x8a: {  	v2 =	vsub.f32 v2, v1;
	_ =	sdelay $0x1  }
0x8b: {  	v1 =	vadd.f32 v3, v1;
	v2 =	vmul.f32 v2, v0;
	_ =	sdelay $0x1  }
0x8c: {  	v1 =	vadd.f32 v2, v1;
	_ =	sdelay $0x1  }
0x8d: {  	[tilespmem:s7+$0x0] =	vst v1  }
0x8e: {  	v1 =	vld [tilespmem:s6+$0xFFFFFFF0]  }
0x8f: {  	v2 =	vld [tilespmem:s6+$0x30]  }
0x90: {  	v3 =	vld [tilespmem:s8+$0x4630];
	_ =	sdelay $0x3  }
0x91: {  	v2 =	vsub.f32 v2, v1  }
0x92: {  	s9 =	simm.s32 $0x6620;
	s10 =	simm.s32 $0x0;
	s8 =	simm.s32 $0x1;
	v1 =	vadd.f32 v3, v1  }
.LBB2_2:
0x93: {  	v0 =	vmul.f32 v2, v0;
	s10 =	sadd.s32 $0x40, s10;
	s6 =	sadd.s32 $0x80, s6;
	s7 =	sadd.s32 $0x80, s7  }
0x94: {  	p0 =	sne.s32 s8, $0x3F;
	s12 =	smov.u32 s8;
	s8 =	sadd.s32 $0x1, s8  }
0x95: {  	v0 =	vadd.f32 v0, v1;
	_ =	sdelay $0x1  }
0x96: {  	[tilespmem:s9+$0x10] =	vst v0;
	s9 =	smov.u32 s7  }
0x97: {  	s11 =	sand.u32 $0x30, s12;
	v1 =	vld [tilespmem:s6+$0xFFFFFFC0]  }
0x98: {  	v0 =	vld [tilespmem:s11+$0x400]  }
0x99: {  	v2 =	vld [tilespmem:s6+$0x0]  }
0x9a: {  	s11 =	sand.u32 $0xFC0, s10  }
0x9b: {  	v3 =	vld [tilespmem:s11+$0x4600];
	_ =	sdelay $0x1  }
0x9c: {  	v4 =	vmov s12  }
0x9d: {  	v0 =	vperm.xlane v0, v4;
	v2 =	vsub.f32 v2, v1;
	_ =	sdelay $0x1  }
0x9e: {  	v1 =	vadd.f32 v3, v1;
	v2 =	vmul.f32 v2, v0;
	_ =	sdelay $0x1  }
0x9f: {  	v1 =	vadd.f32 v2, v1;
	_ =	sdelay $0x1  }
0xa0: {  	[tilespmem:s7+$0xFFFFFFE0] =	vst v1  }
0xa1: {  	v1 =	vld [tilespmem:s6+$0xFFFFFFD0]  }
0xa2: {  	v2 =	vld [tilespmem:s6+$0x10];
	_ =	sdelay $0x1  }
0xa3: {  	v3 =	vld [tilespmem:s11+$0x4610];
	_ =	sdelay $0x2  }
0xa4: {  	v2 =	vsub.f32 v2, v1;
	_ =	sdelay $0x1  }
0xa5: {  	v1 =	vadd.f32 v3, v1;
	v2 =	vmul.f32 v2, v0;
	_ =	sdelay $0x1  }
0xa6: {  	v1 =	vadd.f32 v2, v1;
	_ =	sdelay $0x1  }
0xa7: {  	[tilespmem:s7+$0xFFFFFFF0] =	vst v1  }
0xa8: {  	v1 =	vld [tilespmem:s6+$0xFFFFFFE0]  }
0xa9: {  	v2 =	vld [tilespmem:s6+$0x20];
	_ =	sdelay $0x1  }
0xaa: {  	v3 =	vld [tilespmem:s11+$0x4620];
	_ =	sdelay $0x2  }
0xab: {  	v2 =	vsub.f32 v2, v1;
	_ =	sdelay $0x1  }
0xac: {  	v1 =	vadd.f32 v3, v1;
	v2 =	vmul.f32 v2, v0;
	_ =	sdelay $0x1  }
0xad: {  	v1 =	vadd.f32 v2, v1;
	_ =	sdelay $0x1  }
0xae: {  	[tilespmem:s7+$0x0] =	vst v1  }
0xaf: {  	v1 =	vld [tilespmem:s6+$0xFFFFFFF0]  }
0xb0: {  	v2 =	vld [tilespmem:s6+$0x30]  }
0xb1: {  	v3 =	vld [tilespmem:s11+$0x4630]  }
.Ltmp0:
0xb2: {  	(pc) =	sbr.rel @p0 .LBB2_2-.Ltmp0, $3  }
0xb3: {  	_ =	sdelay $0x1  }
0xb4: {  	v2 =	vsub.f32 v2, v1  }
0xb5: {  	v1 =	vadd.f32 v3, v1  }
0xb6: {  	v0 =	vmul.f32 v2, v0;
	_ =	sdelay $0x1  }
0xb7: {  	v0 =	vadd.f32 v0, v1;
	_ =	sdelay $0x1  }
0xb8: {  	s6 =	simm.s32 $0x0;
	s7 =	rddreg [dreg:$0x7];
	[tilespmem:s9+$0x10] =	vst v0  }
0xb9: {  	[hbm4b:s7+s6] =	stream.linear.scatter [tilespmem:s2], [sflag:$0x5], $0x2000, $0x38;
	[tilespmem:$0xA600] =	vst v63  }
0xba: {  	_ =	swait.ge [sflag:s22], $0x2000  }
0xbb: {  	[sflag:s22] =	ssyncset.done $0x0  }
0xbc: {  	s10 =	simm.s32 $0x280;
	[sflag:s22] =	ssyncadd.s32 $0xFFFFE000  }
0xbd: {  	[tilespmem:s25], [sflag:$0x1] =	stream.indirect.gather [hbm4b:s3+s23], $0x80, s10, s23, $0xb8;
	[tilespmem:$0xA600] =	vst v63  }
0xbe: {  	s11 =	rddreg [dreg:$0x8]  }
0xbf: {  	[tilespmem:s26], [sflag:$0x3] =	stream.linear.gather [hbm4b:s11+s6], $0x1000, $0x38;
	[tilespmem:$0xA600] =	vst v63  }
0xc0: {  	_ =	swait.ge [sflag:s28], $0x2000  }
0xc1: {  	[sflag:s28] =	ssyncset.done $0x0  }
0xc2: {  	[sflag:s28] =	ssyncadd.s32 $0xFFFFE000  }
0xc3: {  	_ =	swait.ge [sflag:s24], $0x1000  }
0xc4: {  	[sflag:s24] =	ssyncset.done $0x0  }
0xc5: {  	s7 =	simm.s32 $0x2640;
	[sflag:s24] =	ssyncadd.s32 $0xFFFFF000  }
0xc6: {  	s8 =	sand.u32 $0x30, s6;
	v1 =	vld [tilespmem:s7+$0xFFFFFFC0]  }
0xc7: {  	v0 =	vld [tilespmem:s8+$0x440]  }
0xc8: {  	v2 =	vld [tilespmem:s7+$0x0]  }
0xc9: {  	s12 =	sand.u32 $0xFC0, s6  }
0xca: {  	v3 =	vld [tilespmem:s12+$0x5600];
	_ =	sdelay $0x1  }
0xcb: {  	v4 =	vmov s6  }
0xcc: {  	v0 =	vperm.xlane v0, v4;
	v2 =	vsub.f32 v2, v1;
	_ =	sdelay $0x1  }
0xcd: {  	v1 =	vadd.f32 v3, v1;
	v2 =	vmul.f32 v2, v0;
	_ =	sdelay $0x1  }
0xce: {  	v1 =	vadd.f32 v2, v1  }
0xcf: {  	s8 =	simm.s32 $0x8620  }
0xd0: {  	[tilespmem:s8+$0xFFFFFFE0] =	vst v1  }
0xd1: {  	v1 =	vld [tilespmem:s7+$0xFFFFFFD0]  }
0xd2: {  	v2 =	vld [tilespmem:s7+$0x10];
	_ =	sdelay $0x1  }
0xd3: {  	v3 =	vld [tilespmem:s12+$0x5610];
	_ =	sdelay $0x2  }
0xd4: {  	v2 =	vsub.f32 v2, v1;
	_ =	sdelay $0x1  }
0xd5: {  	v1 =	vadd.f32 v3, v1;
	v2 =	vmul.f32 v2, v0;
	_ =	sdelay $0x1  }
0xd6: {  	v1 =	vadd.f32 v2, v1;
	_ =	sdelay $0x1  }
0xd7: {  	[tilespmem:s8+$0xFFFFFFF0] =	vst v1  }
0xd8: {  	v1 =	vld [tilespmem:s7+$0xFFFFFFE0]  }
0xd9: {  	v2 =	vld [tilespmem:s7+$0x20];
	_ =	sdelay $0x1  }
0xda: {  	v3 =	vld [tilespmem:s12+$0x5620];
	_ =	sdelay $0x2  }
0xdb: {  	v2 =	vsub.f32 v2, v1;
	_ =	sdelay $0x1  }
0xdc: {  	v1 =	vadd.f32 v3, v1;
	v2 =	vmul.f32 v2, v0;
	_ =	sdelay $0x1  }
0xdd: {  	v1 =	vadd.f32 v2, v1;
	_ =	sdelay $0x1  }
0xde: {  	[tilespmem:s8+$0x0] =	vst v1  }
0xdf: {  	v1 =	vld [tilespmem:s7+$0xFFFFFFF0]  }
0xe0: {  	v2 =	vld [tilespmem:s7+$0x30]  }
0xe1: {  	v3 =	vld [tilespmem:s12+$0x5630];
	_ =	sdelay $0x3  }
0xe2: {  	v2 =	vsub.f32 v2, v1  }
0xe3: {  	s9 =	simm.s32 $0x1;
	s10 =	simm.s32 $0x8620;
	v1 =	vadd.f32 v3, v1  }
.LBB2_4:
0xe4: {  	v0 =	vmul.f32 v2, v0;
	s6 =	sadd.s32 $0x40, s6;
	s7 =	sadd.s32 $0x80, s7;
	s8 =	sadd.s32 $0x80, s8  }
0xe5: {  	p0 =	sne.s32 s9, $0x3F;
	s12 =	smov.u32 s9;
	s9 =	sadd.s32 $0x1, s9  }
0xe6: {  	v0 =	vadd.f32 v0, v1;
	_ =	sdelay $0x1  }
0xe7: {  	[tilespmem:s10+$0x10] =	vst v0;
	s10 =	smov.u32 s8  }
0xe8: {  	s11 =	sand.u32 $0x30, s12;
	v1 =	vld [tilespmem:s7+$0xFFFFFFC0]  }
0xe9: {  	v0 =	vld [tilespmem:s11+$0x440]  }
0xea: {  	v2 =	vld [tilespmem:s7+$0x0]  }
0xeb: {  	s11 =	sand.u32 $0xFC0, s6  }
0xec: {  	v3 =	vld [tilespmem:s11+$0x5600];
	_ =	sdelay $0x1  }
0xed: {  	v4 =	vmov s12  }
0xee: {  	v0 =	vperm.xlane v0, v4;
	v2 =	vsub.f32 v2, v1;
	_ =	sdelay $0x1  }
0xef: {  	v1 =	vadd.f32 v3, v1;
	v2 =	vmul.f32 v2, v0;
	_ =	sdelay $0x1  }
0xf0: {  	v1 =	vadd.f32 v2, v1;
	_ =	sdelay $0x1  }
0xf1: {  	[tilespmem:s8+$0xFFFFFFE0] =	vst v1  }
0xf2: {  	v1 =	vld [tilespmem:s7+$0xFFFFFFD0]  }
0xf3: {  	v2 =	vld [tilespmem:s7+$0x10];
	_ =	sdelay $0x1  }
0xf4: {  	v3 =	vld [tilespmem:s11+$0x5610];
	_ =	sdelay $0x2  }
0xf5: {  	v2 =	vsub.f32 v2, v1;
	_ =	sdelay $0x1  }
0xf6: {  	v1 =	vadd.f32 v3, v1;
	v2 =	vmul.f32 v2, v0;
	_ =	sdelay $0x1  }
0xf7: {  	v1 =	vadd.f32 v2, v1;
	_ =	sdelay $0x1  }
0xf8: {  	[tilespmem:s8+$0xFFFFFFF0] =	vst v1  }
0xf9: {  	v1 =	vld [tilespmem:s7+$0xFFFFFFE0]  }
0xfa: {  	v2 =	vld [tilespmem:s7+$0x20];
	_ =	sdelay $0x1  }
0xfb: {  	v3 =	vld [tilespmem:s11+$0x5620];
	_ =	sdelay $0x2  }
0xfc: {  	v2 =	vsub.f32 v2, v1;
	_ =	sdelay $0x1  }
0xfd: {  	v1 =	vadd.f32 v3, v1;
	v2 =	vmul.f32 v2, v0;
	_ =	sdelay $0x1  }
0xfe: {  	v1 =	vadd.f32 v2, v1;
	_ =	sdelay $0x1  }
0xff: {  	[tilespmem:s8+$0x0] =	vst v1  }
0x100: {  	v1 =	vld [tilespmem:s7+$0xFFFFFFF0]  }
0x101: {  	v2 =	vld [tilespmem:s7+$0x30]  }
0x102: {  	v3 =	vld [tilespmem:s11+$0x5630]  }
.Ltmp1:
0x103: {  	(pc) =	sbr.rel @p0 .LBB2_4-.Ltmp1, $3  }
0x104: {  	_ =	sdelay $0x1  }
0x105: {  	v2 =	vsub.f32 v2, v1  }
0x106: {  	v1 =	vadd.f32 v3, v1  }
0x107: {  	v0 =	vmul.f32 v2, v0;
	_ =	sdelay $0x1  }
0x108: {  	v0 =	vadd.f32 v0, v1;
	_ =	sdelay $0x1  }
0x109: {  	s6 =	simm.s32 $0x0;
	s7 =	rddreg [dreg:$0x9];
	[tilespmem:s10+$0x10] =	vst v0  }
0x10a: {  	[hbm4b:s7+s6] =	stream.linear.scatter [tilespmem:s4], [sflag:$0x5], $0x2000, $0x38;
	[tilespmem:$0xA600] =	vst v63  }
0x10b: {  	_ =	swait.ge [sflag:s22], $0x2000  }
0x10c: {  	[sflag:s22] =	ssyncset.done $0x0  }
0x10d: {  	s11 =	simm.s32 $0x2C0;
	[sflag:s22] =	ssyncadd.s32 $0xFFFFE000  }
0x10e: {  	[tilespmem:s29], [sflag:$0x2] =	stream.indirect.gather [hbm4b:s3+s23], $0x80, s11, s23, $0xb8;
	[tilespmem:$0xA600] =	vst v63  }
0x10f: {  	s12 =	rddreg [dreg:$0xa]  }
0x110: {  	[tilespmem:s30], [sflag:$0x4] =	stream.linear.gather [hbm4b:s12+s6], $0x1000, $0x38;
	[tilespmem:$0xA600] =	vst v63  }
0x111: {  	_ =	swait.ge [sflag:s31], $0x2000  }
0x112: {  	[sflag:s31] =	ssyncset.done $0x0  }
0x113: {  	[sflag:s31] =	ssyncadd.s32 $0xFFFFE000  }
0x114: {  	_ =	swait.ge [sflag:s0], $0x1000  }
0x115: {  	[sflag:s0] =	ssyncset.done $0x0  }
0x116: {  	s7 =	simm.s32 $0x640;
	[sflag:s0] =	ssyncadd.s32 $0xFFFFF000  }
0x117: {  	s8 =	sand.u32 $0x30, s6;
	v1 =	vld [tilespmem:s7+$0xFFFFFFC0]  }
0x118: {  	v0 =	vld [tilespmem:s8+$0x480]  }
0x119: {  	v2 =	vld [tilespmem:s7+$0x0]  }
0x11a: {  	s9 =	sand.u32 $0xFC0, s6  }
0x11b: {  	v3 =	vld [tilespmem:s9+$0x4600];
	_ =	sdelay $0x1  }
0x11c: {  	v4 =	vmov s6  }
0x11d: {  	v0 =	vperm.xlane v0, v4;
	v2 =	vsub.f32 v2, v1;
	_ =	sdelay $0x1  }
0x11e: {  	v1 =	vadd.f32 v3, v1;
	v2 =	vmul.f32 v2, v0;
	_ =	sdelay $0x1  }
0x11f: {  	v1 =	vadd.f32 v2, v1  }
0x120: {  	s8 =	simm.s32 $0x6620  }
0x121: {  	[tilespmem:s8+$0xFFFFFFE0] =	vst v1  }
0x122: {  	v1 =	vld [tilespmem:s7+$0xFFFFFFD0]  }
0x123: {  	v2 =	vld [tilespmem:s7+$0x10];
	_ =	sdelay $0x1  }
0x124: {  	v3 =	vld [tilespmem:s9+$0x4610];
	_ =	sdelay $0x2  }
0x125: {  	v2 =	vsub.f32 v2, v1;
	_ =	sdelay $0x1  }
0x126: {  	v1 =	vadd.f32 v3, v1;
	v2 =	vmul.f32 v2, v0;
	_ =	sdelay $0x1  }
0x127: {  	v1 =	vadd.f32 v2, v1;
	_ =	sdelay $0x1  }
0x128: {  	[tilespmem:s8+$0xFFFFFFF0] =	vst v1  }
0x129: {  	v1 =	vld [tilespmem:s7+$0xFFFFFFE0]  }
0x12a: {  	v2 =	vld [tilespmem:s7+$0x20];
	_ =	sdelay $0x1  }
0x12b: {  	v3 =	vld [tilespmem:s9+$0x4620];
	_ =	sdelay $0x2  }
0x12c: {  	v2 =	vsub.f32 v2, v1;
	_ =	sdelay $0x1  }
0x12d: {  	v1 =	vadd.f32 v3, v1;
	v2 =	vmul.f32 v2, v0;
	_ =	sdelay $0x1  }
0x12e: {  	v1 =	vadd.f32 v2, v1;
	_ =	sdelay $0x1  }
0x12f: {  	[tilespmem:s8+$0x0] =	vst v1  }
0x130: {  	v1 =	vld [tilespmem:s7+$0xFFFFFFF0]  }
0x131: {  	v2 =	vld [tilespmem:s7+$0x30]  }
0x132: {  	v3 =	vld [tilespmem:s9+$0x4630];
	_ =	sdelay $0x3  }
0x133: {  	v2 =	vsub.f32 v2, v1  }
0x134: {  	s10 =	simm.s32 $0x6620;
	s9 =	simm.s32 $0x1;
	v1 =	vadd.f32 v3, v1  }
.LBB2_6:
0x135: {  	v0 =	vmul.f32 v2, v0;
	s6 =	sadd.s32 $0x40, s6;
	s7 =	sadd.s32 $0x80, s7;
	s8 =	sadd.s32 $0x80, s8  }
0x136: {  	p0 =	sne.s32 s9, $0x3F;
	s12 =	smov.u32 s9;
	s9 =	sadd.s32 $0x1, s9  }
0x137: {  	v0 =	vadd.f32 v0, v1;
	_ =	sdelay $0x1  }
0x138: {  	[tilespmem:s10+$0x10] =	vst v0;
	s10 =	smov.u32 s8  }
0x139: {  	s11 =	sand.u32 $0x30, s12;
	v1 =	vld [tilespmem:s7+$0xFFFFFFC0]  }
0x13a: {  	v0 =	vld [tilespmem:s11+$0x480]  }
0x13b: {  	v2 =	vld [tilespmem:s7+$0x0]  }
0x13c: {  	s11 =	sand.u32 $0xFC0, s6  }
0x13d: {  	v3 =	vld [tilespmem:s11+$0x4600];
	_ =	sdelay $0x1  }
0x13e: {  	v4 =	vmov s12  }
0x13f: {  	v0 =	vperm.xlane v0, v4;
	v2 =	vsub.f32 v2, v1;
	_ =	sdelay $0x1  }
0x140: {  	v1 =	vadd.f32 v3, v1;
	v2 =	vmul.f32 v2, v0;
	_ =	sdelay $0x1  }
0x141: {  	v1 =	vadd.f32 v2, v1;
	_ =	sdelay $0x1  }
0x142: {  	[tilespmem:s8+$0xFFFFFFE0] =	vst v1  }
0x143: {  	v1 =	vld [tilespmem:s7+$0xFFFFFFD0]  }
0x144: {  	v2 =	vld [tilespmem:s7+$0x10];
	_ =	sdelay $0x1  }
0x145: {  	v3 =	vld [tilespmem:s11+$0x4610];
	_ =	sdelay $0x2  }
0x146: {  	v2 =	vsub.f32 v2, v1;
	_ =	sdelay $0x1  }
0x147: {  	v1 =	vadd.f32 v3, v1;
	v2 =	vmul.f32 v2, v0;
	_ =	sdelay $0x1  }
0x148: {  	v1 =	vadd.f32 v2, v1;
	_ =	sdelay $0x1  }
0x149: {  	[tilespmem:s8+$0xFFFFFFF0] =	vst v1  }
0x14a: {  	v1 =	vld [tilespmem:s7+$0xFFFFFFE0]  }
0x14b: {  	v2 =	vld [tilespmem:s7+$0x20];
	_ =	sdelay $0x1  }
0x14c: {  	v3 =	vld [tilespmem:s11+$0x4620];
	_ =	sdelay $0x2  }
0x14d: {  	v2 =	vsub.f32 v2, v1;
	_ =	sdelay $0x1  }
0x14e: {  	v1 =	vadd.f32 v3, v1;
	v2 =	vmul.f32 v2, v0;
	_ =	sdelay $0x1  }
0x14f: {  	v1 =	vadd.f32 v2, v1;
	_ =	sdelay $0x1  }
0x150: {  	[tilespmem:s8+$0x0] =	vst v1  }
0x151: {  	v1 =	vld [tilespmem:s7+$0xFFFFFFF0]  }
0x152: {  	v2 =	vld [tilespmem:s7+$0x30]  }
0x153: {  	v3 =	vld [tilespmem:s11+$0x4630]  }
.Ltmp2:
0x154: {  	(pc) =	sbr.rel @p0 .LBB2_6-.Ltmp2, $3  }
0x155: {  	_ =	sdelay $0x1  }
0x156: {  	v2 =	vsub.f32 v2, v1  }
0x157: {  	v1 =	vadd.f32 v3, v1  }
0x158: {  	v0 =	vmul.f32 v2, v0;
	_ =	sdelay $0x1  }
0x159: {  	v0 =	vadd.f32 v0, v1;
	_ =	sdelay $0x1  }
0x15a: {  	s6 =	simm.s32 $0x0;
	s7 =	rddreg [dreg:$0xb];
	[tilespmem:s10+$0x10] =	vst v0  }
0x15b: {  	[hbm4b:s7+s6] =	stream.linear.scatter [tilespmem:s2], [sflag:$0x5], $0x2000, $0x38;
	[tilespmem:$0xA600] =	vst v63  }
0x15c: {  	_ =	swait.ge [sflag:s22], $0x2000  }
0x15d: {  	[sflag:s22] =	ssyncset.done $0x0  }
0x15e: {  	s11 =	simm.s32 $0x300;
	[sflag:s22] =	ssyncadd.s32 $0xFFFFE000  }
0x15f: {  	[tilespmem:s25], [sflag:$0x1] =	stream.indirect.gather [hbm4b:s3+s23], $0x80, s11, s23, $0xb8;
	[tilespmem:$0xA600] =	vst v63  }
0x160: {  	s12 =	rddreg [dreg:$0xc]  }
0x161: {  	[tilespmem:s26], [sflag:$0x3] =	stream.linear.gather [hbm4b:s12+s6], $0x1000, $0x38;
	[tilespmem:$0xA600] =	vst v63  }
0x162: {  	_ =	swait.ge [sflag:s28], $0x2000  }
0x163: {  	[sflag:s28] =	ssyncset.done $0x0  }
0x164: {  	[sflag:s28] =	ssyncadd.s32 $0xFFFFE000  }
0x165: {  	_ =	swait.ge [sflag:s24], $0x1000  }
0x166: {  	[sflag:s24] =	ssyncset.done $0x0  }
0x167: {  	s7 =	simm.s32 $0x2640;
	[sflag:s24] =	ssyncadd.s32 $0xFFFFF000  }
0x168: {  	s8 =	sand.u32 $0x30, s6;
	v1 =	vld [tilespmem:s7+$0xFFFFFFC0]  }
0x169: {  	v0 =	vld [tilespmem:s8+$0x4C0]  }
0x16a: {  	v2 =	vld [tilespmem:s7+$0x0]  }
0x16b: {  	s9 =	sand.u32 $0xFC0, s6  }
0x16c: {  	v3 =	vld [tilespmem:s9+$0x5600];
	_ =	sdelay $0x1  }
0x16d: {  	v4 =	vmov s6  }
0x16e: {  	v0 =	vperm.xlane v0, v4;
	v2 =	vsub.f32 v2, v1;
	_ =	sdelay $0x1  }
0x16f: {  	v1 =	vadd.f32 v3, v1;
	v2 =	vmul.f32 v2, v0;
	_ =	sdelay $0x1  }
0x170: {  	v1 =	vadd.f32 v2, v1  }
0x171: {  	s8 =	simm.s32 $0x8620  }
0x172: {  	[tilespmem:s8+$0xFFFFFFE0] =	vst v1  }
0x173: {  	v1 =	vld [tilespmem:s7+$0xFFFFFFD0]  }
0x174: {  	v2 =	vld [tilespmem:s7+$0x10];
	_ =	sdelay $0x1  }
0x175: {  	v3 =	vld [tilespmem:s9+$0x5610];
	_ =	sdelay $0x2  }
0x176: {  	v2 =	vsub.f32 v2, v1;
	_ =	sdelay $0x1  }
0x177: {  	v1 =	vadd.f32 v3, v1;
	v2 =	vmul.f32 v2, v0;
	_ =	sdelay $0x1  }
0x178: {  	v1 =	vadd.f32 v2, v1;
	_ =	sdelay $0x1  }
0x179: {  	[tilespmem:s8+$0xFFFFFFF0] =	vst v1  }
0x17a: {  	v1 =	vld [tilespmem:s7+$0xFFFFFFE0]  }
0x17b: {  	v2 =	vld [tilespmem:s7+$0x20];
	_ =	sdelay $0x1  }
0x17c: {  	v3 =	vld [tilespmem:s9+$0x5620];
	_ =	sdelay $0x2  }
0x17d: {  	v2 =	vsub.f32 v2, v1;
	_ =	sdelay $0x1  }
0x17e: {  	v1 =	vadd.f32 v3, v1;
	v2 =	vmul.f32 v2, v0;
	_ =	sdelay $0x1  }
0x17f: {  	v1 =	vadd.f32 v2, v1;
	_ =	sdelay $0x1  }
0x180: {  	[tilespmem:s8+$0x0] =	vst v1  }
0x181: {  	v1 =	vld [tilespmem:s7+$0xFFFFFFF0]  }
0x182: {  	v2 =	vld [tilespmem:s7+$0x30]  }
0x183: {  	v3 =	vld [tilespmem:s9+$0x5630];
	_ =	sdelay $0x3  }
0x184: {  	v2 =	vsub.f32 v2, v1  }
0x185: {  	s10 =	simm.s32 $0x8620;
	s9 =	simm.s32 $0x1;
	v1 =	vadd.f32 v3, v1  }
.LBB2_8:
0x186: {  	v0 =	vmul.f32 v2, v0;
	s6 =	sadd.s32 $0x40, s6;
	s7 =	sadd.s32 $0x80, s7;
	s8 =	sadd.s32 $0x80, s8  }
0x187: {  	p0 =	sne.s32 s9, $0x3F;
	s12 =	smov.u32 s9;
	s9 =	sadd.s32 $0x1, s9  }
0x188: {  	v0 =	vadd.f32 v0, v1;
	_ =	sdelay $0x1  }
0x189: {  	[tilespmem:s10+$0x10] =	vst v0;
	s10 =	smov.u32 s8  }
0x18a: {  	s11 =	sand.u32 $0x30, s12;
	v1 =	vld [tilespmem:s7+$0xFFFFFFC0]  }
0x18b: {  	v0 =	vld [tilespmem:s11+$0x4C0]  }
0x18c: {  	v2 =	vld [tilespmem:s7+$0x0]  }
0x18d: {  	s11 =	sand.u32 $0xFC0, s6  }
0x18e: {  	v3 =	vld [tilespmem:s11+$0x5600];
	_ =	sdelay $0x1  }
0x18f: {  	v4 =	vmov s12  }
0x190: {  	v0 =	vperm.xlane v0, v4;
	v2 =	vsub.f32 v2, v1;
	_ =	sdelay $0x1  }
0x191: {  	v1 =	vadd.f32 v3, v1;
	v2 =	vmul.f32 v2, v0;
	_ =	sdelay $0x1  }
0x192: {  	v1 =	vadd.f32 v2, v1;
	_ =	sdelay $0x1  }
0x193: {  	[tilespmem:s8+$0xFFFFFFE0] =	vst v1  }
0x194: {  	v1 =	vld [tilespmem:s7+$0xFFFFFFD0]  }
0x195: {  	v2 =	vld [tilespmem:s7+$0x10];
	_ =	sdelay $0x1  }
0x196: {  	v3 =	vld [tilespmem:s11+$0x5610];
	_ =	sdelay $0x2  }
0x197: {  	v2 =	vsub.f32 v2, v1;
	_ =	sdelay $0x1  }
0x198: {  	v1 =	vadd.f32 v3, v1;
	v2 =	vmul.f32 v2, v0;
	_ =	sdelay $0x1  }
0x199: {  	v1 =	vadd.f32 v2, v1;
	_ =	sdelay $0x1  }
0x19a: {  	[tilespmem:s8+$0xFFFFFFF0] =	vst v1  }
0x19b: {  	v1 =	vld [tilespmem:s7+$0xFFFFFFE0]  }
0x19c: {  	v2 =	vld [tilespmem:s7+$0x20];
	_ =	sdelay $0x1  }
0x19d: {  	v3 =	vld [tilespmem:s11+$0x5620];
	_ =	sdelay $0x2  }
0x19e: {  	v2 =	vsub.f32 v2, v1;
	_ =	sdelay $0x1  }
0x19f: {  	v1 =	vadd.f32 v3, v1;
	v2 =	vmul.f32 v2, v0;
	_ =	sdelay $0x1  }
0x1a0: {  	v1 =	vadd.f32 v2, v1;
	_ =	sdelay $0x1  }
0x1a1: {  	[tilespmem:s8+$0x0] =	vst v1  }
0x1a2: {  	v1 =	vld [tilespmem:s7+$0xFFFFFFF0]  }
0x1a3: {  	v2 =	vld [tilespmem:s7+$0x30]  }
0x1a4: {  	v3 =	vld [tilespmem:s11+$0x5630]  }
.Ltmp3:
0x1a5: {  	(pc) =	sbr.rel @p0 .LBB2_8-.Ltmp3, $3  }
0x1a6: {  	_ =	sdelay $0x1  }
0x1a7: {  	v2 =	vsub.f32 v2, v1  }
0x1a8: {  	v1 =	vadd.f32 v3, v1  }
0x1a9: {  	v0 =	vmul.f32 v2, v0;
	_ =	sdelay $0x1  }
0x1aa: {  	v0 =	vadd.f32 v0, v1;
	_ =	sdelay $0x1  }
0x1ab: {  	s6 =	simm.s32 $0x0;
	[tilespmem:s10+$0x10] =	vst v0  }
0x1ac: {  	[hbm4b:s13+s6] =	stream.linear.scatter [tilespmem:s4], [sflag:$0x5], $0x2000, $0x38;
	[tilespmem:$0xA600] =	vst v63  }
0x1ad: {  	_ =	swait.ge [sflag:s22], $0x2000  }
0x1ae: {  	[sflag:s22] =	ssyncset.done $0x0  }
0x1af: {  	s7 =	simm.s32 $0x340;
	[sflag:s22] =	ssyncadd.s32 $0xFFFFE000  }
0x1b0: {  	[tilespmem:s29], [sflag:$0x2] =	stream.indirect.gather [hbm4b:s3+s23], $0x80, s7, s23, $0xb8;
	[tilespmem:$0xA600] =	vst v63  }
0x1b1: {  	_ = 	snop  }
0x1b2: {  	[tilespmem:s30], [sflag:$0x4] =	stream.linear.gather [hbm4b:s14+s6], $0x1000, $0x38;
	[tilespmem:$0xA600] =	vst v63  }
0x1b3: {  	_ =	swait.ge [sflag:s31], $0x2000  }
0x1b4: {  	[sflag:s31] =	ssyncset.done $0x0  }
0x1b5: {  	[sflag:s31] =	ssyncadd.s32 $0xFFFFE000  }
0x1b6: {  	_ =	swait.ge [sflag:s0], $0x1000  }
0x1b7: {  	[sflag:s0] =	ssyncset.done $0x0  }
0x1b8: {  	s7 =	simm.s32 $0x640;
	[sflag:s0] =	ssyncadd.s32 $0xFFFFF000  }
0x1b9: {  	s8 =	sand.u32 $0x30, s6;
	v1 =	vld [tilespmem:s7+$0xFFFFFFC0]  }
0x1ba: {  	v0 =	vld [tilespmem:s8+$0x500]  }
0x1bb: {  	v2 =	vld [tilespmem:s7+$0x0]  }
0x1bc: {  	s9 =	sand.u32 $0xFC0, s6  }
0x1bd: {  	v3 =	vld [tilespmem:s9+$0x4600];
	_ =	sdelay $0x1  }
0x1be: {  	v4 =	vmov s6  }
0x1bf: {  	v0 =	vperm.xlane v0, v4;
	v2 =	vsub.f32 v2, v1;
	_ =	sdelay $0x1  }
0x1c0: {  	v1 =	vadd.f32 v3, v1;
	v2 =	vmul.f32 v2, v0;
	_ =	sdelay $0x1  }
0x1c1: {  	v1 =	vadd.f32 v2, v1  }
0x1c2: {  	s8 =	simm.s32 $0x6620  }
0x1c3: {  	[tilespmem:s8+$0xFFFFFFE0] =	vst v1  }
0x1c4: {  	v1 =	vld [tilespmem:s7+$0xFFFFFFD0]  }
0x1c5: {  	v2 =	vld [tilespmem:s7+$0x10];
	_ =	sdelay $0x1  }
0x1c6: {  	v3 =	vld [tilespmem:s9+$0x4610];
	_ =	sdelay $0x2  }
0x1c7: {  	v2 =	vsub.f32 v2, v1;
	_ =	sdelay $0x1  }
0x1c8: {  	v1 =	vadd.f32 v3, v1;
	v2 =	vmul.f32 v2, v0;
	_ =	sdelay $0x1  }
0x1c9: {  	v1 =	vadd.f32 v2, v1;
	_ =	sdelay $0x1  }
0x1ca: {  	[tilespmem:s8+$0xFFFFFFF0] =	vst v1  }
0x1cb: {  	v1 =	vld [tilespmem:s7+$0xFFFFFFE0]  }
0x1cc: {  	v2 =	vld [tilespmem:s7+$0x20];
	_ =	sdelay $0x1  }
0x1cd: {  	v3 =	vld [tilespmem:s9+$0x4620];
	_ =	sdelay $0x2  }
0x1ce: {  	v2 =	vsub.f32 v2, v1;
	_ =	sdelay $0x1  }
0x1cf: {  	v1 =	vadd.f32 v3, v1;
	v2 =	vmul.f32 v2, v0;
	_ =	sdelay $0x1  }
0x1d0: {  	v1 =	vadd.f32 v2, v1;
	_ =	sdelay $0x1  }
0x1d1: {  	[tilespmem:s8+$0x0] =	vst v1  }
0x1d2: {  	v1 =	vld [tilespmem:s7+$0xFFFFFFF0]  }
0x1d3: {  	v2 =	vld [tilespmem:s7+$0x30]  }
0x1d4: {  	v3 =	vld [tilespmem:s9+$0x4630];
	_ =	sdelay $0x3  }
0x1d5: {  	v2 =	vsub.f32 v2, v1  }
0x1d6: {  	s10 =	simm.s32 $0x6620;
	s9 =	simm.s32 $0x1;
	v1 =	vadd.f32 v3, v1  }
.LBB2_10:
0x1d7: {  	v0 =	vmul.f32 v2, v0;
	s6 =	sadd.s32 $0x40, s6;
	s7 =	sadd.s32 $0x80, s7;
	s8 =	sadd.s32 $0x80, s8  }
0x1d8: {  	p0 =	sne.s32 s9, $0x3F;
	s12 =	smov.u32 s9;
	s9 =	sadd.s32 $0x1, s9  }
0x1d9: {  	v0 =	vadd.f32 v0, v1;
	_ =	sdelay $0x1  }
0x1da: {  	[tilespmem:s10+$0x10] =	vst v0;
	s10 =	smov.u32 s8  }
0x1db: {  	s11 =	sand.u32 $0x30, s12;
	v1 =	vld [tilespmem:s7+$0xFFFFFFC0]  }
0x1dc: {  	v0 =	vld [tilespmem:s11+$0x500]  }
0x1dd: {  	v2 =	vld [tilespmem:s7+$0x0]  }
0x1de: {  	s11 =	sand.u32 $0xFC0, s6  }
0x1df: {  	v3 =	vld [tilespmem:s11+$0x4600];
	_ =	sdelay $0x1  }
0x1e0: {  	v4 =	vmov s12  }
0x1e1: {  	v0 =	vperm.xlane v0, v4;
	v2 =	vsub.f32 v2, v1;
	_ =	sdelay $0x1  }
0x1e2: {  	v1 =	vadd.f32 v3, v1;
	v2 =	vmul.f32 v2, v0;
	_ =	sdelay $0x1  }
0x1e3: {  	v1 =	vadd.f32 v2, v1;
	_ =	sdelay $0x1  }
0x1e4: {  	[tilespmem:s8+$0xFFFFFFE0] =	vst v1  }
0x1e5: {  	v1 =	vld [tilespmem:s7+$0xFFFFFFD0]  }
0x1e6: {  	v2 =	vld [tilespmem:s7+$0x10];
	_ =	sdelay $0x1  }
0x1e7: {  	v3 =	vld [tilespmem:s11+$0x4610];
	_ =	sdelay $0x2  }
0x1e8: {  	v2 =	vsub.f32 v2, v1;
	_ =	sdelay $0x1  }
0x1e9: {  	v1 =	vadd.f32 v3, v1;
	v2 =	vmul.f32 v2, v0;
	_ =	sdelay $0x1  }
0x1ea: {  	v1 =	vadd.f32 v2, v1;
	_ =	sdelay $0x1  }
0x1eb: {  	[tilespmem:s8+$0xFFFFFFF0] =	vst v1  }
0x1ec: {  	v1 =	vld [tilespmem:s7+$0xFFFFFFE0]  }
0x1ed: {  	v2 =	vld [tilespmem:s7+$0x20];
	_ =	sdelay $0x1  }
0x1ee: {  	v3 =	vld [tilespmem:s11+$0x4620];
	_ =	sdelay $0x2  }
0x1ef: {  	v2 =	vsub.f32 v2, v1;
	_ =	sdelay $0x1  }
0x1f0: {  	v1 =	vadd.f32 v3, v1;
	v2 =	vmul.f32 v2, v0;
	_ =	sdelay $0x1  }
0x1f1: {  	v1 =	vadd.f32 v2, v1;
	_ =	sdelay $0x1  }
0x1f2: {  	[tilespmem:s8+$0x0] =	vst v1  }
0x1f3: {  	v1 =	vld [tilespmem:s7+$0xFFFFFFF0]  }
0x1f4: {  	v2 =	vld [tilespmem:s7+$0x30]  }
0x1f5: {  	v3 =	vld [tilespmem:s11+$0x4630]  }
.Ltmp4:
0x1f6: {  	(pc) =	sbr.rel @p0 .LBB2_10-.Ltmp4, $3  }
0x1f7: {  	_ =	sdelay $0x1  }
0x1f8: {  	v2 =	vsub.f32 v2, v1  }
0x1f9: {  	v1 =	vadd.f32 v3, v1  }
0x1fa: {  	v0 =	vmul.f32 v2, v0;
	_ =	sdelay $0x1  }
0x1fb: {  	v0 =	vadd.f32 v0, v1;
	_ =	sdelay $0x1  }
0x1fc: {  	s6 =	simm.s32 $0x0;
	[tilespmem:s10+$0x10] =	vst v0  }
0x1fd: {  	[hbm4b:s15+s6] =	stream.linear.scatter [tilespmem:s2], [sflag:$0x5], $0x2000, $0x38;
	[tilespmem:$0xA600] =	vst v63  }
0x1fe: {  	_ =	swait.ge [sflag:s22], $0x2000  }
0x1ff: {  	[sflag:s22] =	ssyncset.done $0x0  }
0x200: {  	s7 =	simm.s32 $0x380;
	[sflag:s22] =	ssyncadd.s32 $0xFFFFE000  }
0x201: {  	[tilespmem:s25], [sflag:$0x1] =	stream.indirect.gather [hbm4b:s3+s23], $0x80, s7, s23, $0xb8;
	[tilespmem:$0xA600] =	vst v63  }
0x202: {  	_ = 	snop  }
0x203: {  	[tilespmem:s26], [sflag:$0x3] =	stream.linear.gather [hbm4b:s16+s6], $0x1000, $0x38;
	[tilespmem:$0xA600] =	vst v63  }
0x204: {  	_ =	swait.ge [sflag:s28], $0x2000  }
0x205: {  	[sflag:s28] =	ssyncset.done $0x0  }
0x206: {  	[sflag:s28] =	ssyncadd.s32 $0xFFFFE000  }
0x207: {  	_ =	swait.ge [sflag:s24], $0x1000  }
0x208: {  	[sflag:s24] =	ssyncset.done $0x0  }
0x209: {  	s7 =	simm.s32 $0x2640;
	[sflag:s24] =	ssyncadd.s32 $0xFFFFF000  }
0x20a: {  	s8 =	sand.u32 $0x30, s6;
	v1 =	vld [tilespmem:s7+$0xFFFFFFC0]  }
0x20b: {  	v0 =	vld [tilespmem:s8+$0x540]  }
0x20c: {  	v2 =	vld [tilespmem:s7+$0x0]  }
0x20d: {  	s9 =	sand.u32 $0xFC0, s6  }
0x20e: {  	v3 =	vld [tilespmem:s9+$0x5600];
	_ =	sdelay $0x1  }
0x20f: {  	v4 =	vmov s6  }
0x210: {  	v0 =	vperm.xlane v0, v4;
	v2 =	vsub.f32 v2, v1;
	_ =	sdelay $0x1  }
0x211: {  	v1 =	vadd.f32 v3, v1;
	v2 =	vmul.f32 v2, v0;
	_ =	sdelay $0x1  }
0x212: {  	v1 =	vadd.f32 v2, v1  }
0x213: {  	s8 =	simm.s32 $0x8620  }
0x214: {  	[tilespmem:s8+$0xFFFFFFE0] =	vst v1  }
0x215: {  	v1 =	vld [tilespmem:s7+$0xFFFFFFD0]  }
0x216: {  	v2 =	vld [tilespmem:s7+$0x10];
	_ =	sdelay $0x1  }
0x217: {  	v3 =	vld [tilespmem:s9+$0x5610];
	_ =	sdelay $0x2  }
0x218: {  	v2 =	vsub.f32 v2, v1;
	_ =	sdelay $0x1  }
0x219: {  	v1 =	vadd.f32 v3, v1;
	v2 =	vmul.f32 v2, v0;
	_ =	sdelay $0x1  }
0x21a: {  	v1 =	vadd.f32 v2, v1;
	_ =	sdelay $0x1  }
0x21b: {  	[tilespmem:s8+$0xFFFFFFF0] =	vst v1  }
0x21c: {  	v1 =	vld [tilespmem:s7+$0xFFFFFFE0]  }
0x21d: {  	v2 =	vld [tilespmem:s7+$0x20];
	_ =	sdelay $0x1  }
0x21e: {  	v3 =	vld [tilespmem:s9+$0x5620];
	_ =	sdelay $0x2  }
0x21f: {  	v2 =	vsub.f32 v2, v1;
	_ =	sdelay $0x1  }
0x220: {  	v1 =	vadd.f32 v3, v1;
	v2 =	vmul.f32 v2, v0;
	_ =	sdelay $0x1  }
0x221: {  	v1 =	vadd.f32 v2, v1;
	_ =	sdelay $0x1  }
0x222: {  	[tilespmem:s8+$0x0] =	vst v1  }
0x223: {  	v1 =	vld [tilespmem:s7+$0xFFFFFFF0]  }
0x224: {  	v2 =	vld [tilespmem:s7+$0x30]  }
0x225: {  	v3 =	vld [tilespmem:s9+$0x5630];
	_ =	sdelay $0x3  }
0x226: {  	v2 =	vsub.f32 v2, v1  }
0x227: {  	s10 =	simm.s32 $0x8620;
	s9 =	simm.s32 $0x1;
	v1 =	vadd.f32 v3, v1  }
.LBB2_12:
0x228: {  	v0 =	vmul.f32 v2, v0;
	s6 =	sadd.s32 $0x40, s6;
	s7 =	sadd.s32 $0x80, s7;
	s8 =	sadd.s32 $0x80, s8  }
0x229: {  	p0 =	sne.s32 s9, $0x3F;
	s12 =	smov.u32 s9;
	s9 =	sadd.s32 $0x1, s9  }
0x22a: {  	v0 =	vadd.f32 v0, v1;
	_ =	sdelay $0x1  }
0x22b: {  	[tilespmem:s10+$0x10] =	vst v0;
	s10 =	smov.u32 s8  }
0x22c: {  	s11 =	sand.u32 $0x30, s12;
	v1 =	vld [tilespmem:s7+$0xFFFFFFC0]  }
0x22d: {  	v0 =	vld [tilespmem:s11+$0x540]  }
0x22e: {  	v2 =	vld [tilespmem:s7+$0x0]  }
0x22f: {  	s11 =	sand.u32 $0xFC0, s6  }
0x230: {  	v3 =	vld [tilespmem:s11+$0x5600];
	_ =	sdelay $0x1  }
0x231: {  	v4 =	vmov s12  }
0x232: {  	v0 =	vperm.xlane v0, v4;
	v2 =	vsub.f32 v2, v1;
	_ =	sdelay $0x1  }
0x233: {  	v1 =	vadd.f32 v3, v1;
	v2 =	vmul.f32 v2, v0;
	_ =	sdelay $0x1  }
0x234: {  	v1 =	vadd.f32 v2, v1;
	_ =	sdelay $0x1  }
0x235: {  	[tilespmem:s8+$0xFFFFFFE0] =	vst v1  }
0x236: {  	v1 =	vld [tilespmem:s7+$0xFFFFFFD0]  }
0x237: {  	v2 =	vld [tilespmem:s7+$0x10];
	_ =	sdelay $0x1  }
0x238: {  	v3 =	vld [tilespmem:s11+$0x5610];
	_ =	sdelay $0x2  }
0x239: {  	v2 =	vsub.f32 v2, v1;
	_ =	sdelay $0x1  }
0x23a: {  	v1 =	vadd.f32 v3, v1;
	v2 =	vmul.f32 v2, v0;
	_ =	sdelay $0x1  }
0x23b: {  	v1 =	vadd.f32 v2, v1;
	_ =	sdelay $0x1  }
0x23c: {  	[tilespmem:s8+$0xFFFFFFF0] =	vst v1  }
0x23d: {  	v1 =	vld [tilespmem:s7+$0xFFFFFFE0]  }
0x23e: {  	v2 =	vld [tilespmem:s7+$0x20];
	_ =	sdelay $0x1  }
0x23f: {  	v3 =	vld [tilespmem:s11+$0x5620];
	_ =	sdelay $0x2  }
0x240: {  	v2 =	vsub.f32 v2, v1;
	_ =	sdelay $0x1  }
0x241: {  	v1 =	vadd.f32 v3, v1;
	v2 =	vmul.f32 v2, v0;
	_ =	sdelay $0x1  }
0x242: {  	v1 =	vadd.f32 v2, v1;
	_ =	sdelay $0x1  }
0x243: {  	[tilespmem:s8+$0x0] =	vst v1  }
0x244: {  	v1 =	vld [tilespmem:s7+$0xFFFFFFF0]  }
0x245: {  	v2 =	vld [tilespmem:s7+$0x30]  }
0x246: {  	v3 =	vld [tilespmem:s11+$0x5630]  }
.Ltmp5:
0x247: {  	(pc) =	sbr.rel @p0 .LBB2_12-.Ltmp5, $3  }
0x248: {  	_ =	sdelay $0x1  }
0x249: {  	v2 =	vsub.f32 v2, v1  }
0x24a: {  	v1 =	vadd.f32 v3, v1  }
0x24b: {  	v0 =	vmul.f32 v2, v0;
	_ =	sdelay $0x1  }
0x24c: {  	v0 =	vadd.f32 v0, v1;
	_ =	sdelay $0x1  }
0x24d: {  	s6 =	simm.s32 $0x0;
	[tilespmem:s10+$0x10] =	vst v0  }
0x24e: {  	[hbm4b:s17+s6] =	stream.linear.scatter [tilespmem:s4], [sflag:$0x5], $0x2000, $0x38;
	[tilespmem:$0xA600] =	vst v63  }
0x24f: {  	_ =	swait.ge [sflag:s22], $0x2000  }
0x250: {  	[sflag:s22] =	ssyncset.done $0x0  }
0x251: {  	s7 =	simm.s32 $0x3C0;
	[sflag:s22] =	ssyncadd.s32 $0xFFFFE000  }
0x252: {  	[tilespmem:s29], [sflag:$0x2] =	stream.indirect.gather [hbm4b:s3+s23], $0x80, s7, s23, $0xb8;
	[tilespmem:$0xA600] =	vst v63  }
0x253: {  	_ = 	snop  }
0x254: {  	[tilespmem:s30], [sflag:$0x4] =	stream.linear.gather [hbm4b:s18+s6], $0x1000, $0x38;
	[tilespmem:$0xA600] =	vst v63  }
0x255: {  	_ =	swait.ge [sflag:s31], $0x2000  }
0x256: {  	[sflag:s31] =	ssyncset.done $0x0  }
0x257: {  	[sflag:s31] =	ssyncadd.s32 $0xFFFFE000  }
0x258: {  	_ =	swait.ge [sflag:s0], $0x1000  }
0x259: {  	[sflag:s0] =	ssyncset.done $0x0  }
0x25a: {  	s7 =	simm.s32 $0x640;
	[sflag:s0] =	ssyncadd.s32 $0xFFFFF000  }
0x25b: {  	s8 =	sand.u32 $0x30, s6;
	v1 =	vld [tilespmem:s7+$0xFFFFFFC0]  }
0x25c: {  	v0 =	vld [tilespmem:s8+$0x580]  }
0x25d: {  	v2 =	vld [tilespmem:s7+$0x0]  }
0x25e: {  	s9 =	sand.u32 $0xFC0, s6  }
0x25f: {  	v3 =	vld [tilespmem:s9+$0x4600];
	_ =	sdelay $0x1  }
0x260: {  	v4 =	vmov s6  }
0x261: {  	v0 =	vperm.xlane v0, v4;
	v2 =	vsub.f32 v2, v1;
	_ =	sdelay $0x1  }
0x262: {  	v1 =	vadd.f32 v3, v1;
	v2 =	vmul.f32 v2, v0;
	_ =	sdelay $0x1  }
0x263: {  	v1 =	vadd.f32 v2, v1  }
0x264: {  	s8 =	simm.s32 $0x6620  }
0x265: {  	[tilespmem:s8+$0xFFFFFFE0] =	vst v1  }
0x266: {  	v1 =	vld [tilespmem:s7+$0xFFFFFFD0]  }
0x267: {  	v2 =	vld [tilespmem:s7+$0x10];
	_ =	sdelay $0x1  }
0x268: {  	v3 =	vld [tilespmem:s9+$0x4610];
	_ =	sdelay $0x2  }
0x269: {  	v2 =	vsub.f32 v2, v1;
	_ =	sdelay $0x1  }
0x26a: {  	v1 =	vadd.f32 v3, v1;
	v2 =	vmul.f32 v2, v0;
	_ =	sdelay $0x1  }
0x26b: {  	v1 =	vadd.f32 v2, v1;
	_ =	sdelay $0x1  }
0x26c: {  	[tilespmem:s8+$0xFFFFFFF0] =	vst v1  }
0x26d: {  	v1 =	vld [tilespmem:s7+$0xFFFFFFE0]  }
0x26e: {  	v2 =	vld [tilespmem:s7+$0x20];
	_ =	sdelay $0x1  }
0x26f: {  	v3 =	vld [tilespmem:s9+$0x4620];
	_ =	sdelay $0x2  }
0x270: {  	v2 =	vsub.f32 v2, v1;
	_ =	sdelay $0x1  }
0x271: {  	v1 =	vadd.f32 v3, v1;
	v2 =	vmul.f32 v2, v0;
	_ =	sdelay $0x1  }
0x272: {  	v1 =	vadd.f32 v2, v1;
	_ =	sdelay $0x1  }
0x273: {  	[tilespmem:s8+$0x0] =	vst v1  }
0x274: {  	v1 =	vld [tilespmem:s7+$0xFFFFFFF0]  }
0x275: {  	v2 =	vld [tilespmem:s7+$0x30]  }
0x276: {  	v3 =	vld [tilespmem:s9+$0x4630];
	_ =	sdelay $0x3  }
0x277: {  	v2 =	vsub.f32 v2, v1  }
0x278: {  	s10 =	simm.s32 $0x6620;
	s9 =	simm.s32 $0x1;
	v1 =	vadd.f32 v3, v1  }
.LBB2_14:
0x279: {  	v0 =	vmul.f32 v2, v0;
	s6 =	sadd.s32 $0x40, s6;
	s7 =	sadd.s32 $0x80, s7;
	s8 =	sadd.s32 $0x80, s8  }
0x27a: {  	p0 =	sne.s32 s9, $0x3F;
	s12 =	smov.u32 s9;
	s9 =	sadd.s32 $0x1, s9  }
0x27b: {  	v0 =	vadd.f32 v0, v1;
	_ =	sdelay $0x1  }
0x27c: {  	[tilespmem:s10+$0x10] =	vst v0;
	s10 =	smov.u32 s8  }
0x27d: {  	s11 =	sand.u32 $0x30, s12;
	v1 =	vld [tilespmem:s7+$0xFFFFFFC0]  }
0x27e: {  	v0 =	vld [tilespmem:s11+$0x580]  }
0x27f: {  	v2 =	vld [tilespmem:s7+$0x0]  }
0x280: {  	s11 =	sand.u32 $0xFC0, s6  }
0x281: {  	v3 =	vld [tilespmem:s11+$0x4600];
	_ =	sdelay $0x1  }
0x282: {  	v4 =	vmov s12  }
0x283: {  	v0 =	vperm.xlane v0, v4;
	v2 =	vsub.f32 v2, v1;
	_ =	sdelay $0x1  }
0x284: {  	v1 =	vadd.f32 v3, v1;
	v2 =	vmul.f32 v2, v0;
	_ =	sdelay $0x1  }
0x285: {  	v1 =	vadd.f32 v2, v1;
	_ =	sdelay $0x1  }
0x286: {  	[tilespmem:s8+$0xFFFFFFE0] =	vst v1  }
0x287: {  	v1 =	vld [tilespmem:s7+$0xFFFFFFD0]  }
0x288: {  	v2 =	vld [tilespmem:s7+$0x10];
	_ =	sdelay $0x1  }
0x289: {  	v3 =	vld [tilespmem:s11+$0x4610];
	_ =	sdelay $0x2  }
0x28a: {  	v2 =	vsub.f32 v2, v1;
	_ =	sdelay $0x1  }
0x28b: {  	v1 =	vadd.f32 v3, v1;
	v2 =	vmul.f32 v2, v0;
	_ =	sdelay $0x1  }
0x28c: {  	v1 =	vadd.f32 v2, v1;
	_ =	sdelay $0x1  }
0x28d: {  	[tilespmem:s8+$0xFFFFFFF0] =	vst v1  }
0x28e: {  	v1 =	vld [tilespmem:s7+$0xFFFFFFE0]  }
0x28f: {  	v2 =	vld [tilespmem:s7+$0x20];
	_ =	sdelay $0x1  }
0x290: {  	v3 =	vld [tilespmem:s11+$0x4620];
	_ =	sdelay $0x2  }
0x291: {  	v2 =	vsub.f32 v2, v1;
	_ =	sdelay $0x1  }
0x292: {  	v1 =	vadd.f32 v3, v1;
	v2 =	vmul.f32 v2, v0;
	_ =	sdelay $0x1  }
0x293: {  	v1 =	vadd.f32 v2, v1;
	_ =	sdelay $0x1  }
0x294: {  	[tilespmem:s8+$0x0] =	vst v1  }
0x295: {  	v1 =	vld [tilespmem:s7+$0xFFFFFFF0]  }
0x296: {  	v2 =	vld [tilespmem:s7+$0x30]  }
0x297: {  	v3 =	vld [tilespmem:s11+$0x4630]  }
.Ltmp6:
0x298: {  	(pc) =	sbr.rel @p0 .LBB2_14-.Ltmp6, $3  }
0x299: {  	_ =	sdelay $0x1  }
0x29a: {  	v2 =	vsub.f32 v2, v1  }
0x29b: {  	v1 =	vadd.f32 v3, v1  }
0x29c: {  	v0 =	vmul.f32 v2, v0;
	_ =	sdelay $0x1  }
0x29d: {  	v0 =	vadd.f32 v0, v1;
	_ =	sdelay $0x1  }
0x29e: {  	s6 =	simm.s32 $0x0;
	[tilespmem:s10+$0x10] =	vst v0  }
0x29f: {  	[hbm4b:s19+s6] =	stream.linear.scatter [tilespmem:s2], [sflag:$0x5], $0x2000, $0x38;
	[tilespmem:$0xA600] =	vst v63  }
0x2a0: {  	_ =	swait.ge [sflag:s22], $0x2000  }
0x2a1: {  	[sflag:s22] =	ssyncset.done $0x0  }
0x2a2: {  	[sflag:s22] =	ssyncadd.s32 $0xFFFFE000  }
0x2a3: {  	_ =	swait.ge [sflag:s28], $0x2000  }
0x2a4: {  	[sflag:s28] =	ssyncset.done $0x0  }
0x2a5: {  	[sflag:s28] =	ssyncadd.s32 $0xFFFFE000  }
0x2a6: {  	_ =	swait.ge [sflag:s24], $0x1000  }
0x2a7: {  	[sflag:s24] =	ssyncset.done $0x0  }
0x2a8: {  	s7 =	simm.s32 $0x2640;
	[sflag:s24] =	ssyncadd.s32 $0xFFFFF000  }
0x2a9: {  	s8 =	sand.u32 $0x30, s6;
	v1 =	vld [tilespmem:s7+$0xFFFFFFC0]  }
0x2aa: {  	v0 =	vld [tilespmem:s8+$0x5C0]  }
0x2ab: {  	v2 =	vld [tilespmem:s7+$0x0]  }
0x2ac: {  	s9 =	sand.u32 $0xFC0, s6  }
0x2ad: {  	v3 =	vld [tilespmem:s9+$0x5600];
	_ =	sdelay $0x1  }
0x2ae: {  	v4 =	vmov s6  }
0x2af: {  	v0 =	vperm.xlane v0, v4;
	v2 =	vsub.f32 v2, v1;
	_ =	sdelay $0x1  }
0x2b0: {  	v1 =	vadd.f32 v3, v1;
	v2 =	vmul.f32 v2, v0;
	_ =	sdelay $0x1  }
0x2b1: {  	v1 =	vadd.f32 v2, v1  }
0x2b2: {  	s8 =	simm.s32 $0x8620  }
0x2b3: {  	[tilespmem:s8+$0xFFFFFFE0] =	vst v1  }
0x2b4: {  	v1 =	vld [tilespmem:s7+$0xFFFFFFD0]  }
0x2b5: {  	v2 =	vld [tilespmem:s7+$0x10];
	_ =	sdelay $0x1  }
0x2b6: {  	v3 =	vld [tilespmem:s9+$0x5610];
	_ =	sdelay $0x2  }
0x2b7: {  	v2 =	vsub.f32 v2, v1;
	_ =	sdelay $0x1  }
0x2b8: {  	v1 =	vadd.f32 v3, v1;
	v2 =	vmul.f32 v2, v0;
	_ =	sdelay $0x1  }
0x2b9: {  	v1 =	vadd.f32 v2, v1;
	_ =	sdelay $0x1  }
0x2ba: {  	[tilespmem:s8+$0xFFFFFFF0] =	vst v1  }
0x2bb: {  	v1 =	vld [tilespmem:s7+$0xFFFFFFE0]  }
0x2bc: {  	v2 =	vld [tilespmem:s7+$0x20];
	_ =	sdelay $0x1  }
0x2bd: {  	v3 =	vld [tilespmem:s9+$0x5620];
	_ =	sdelay $0x2  }
0x2be: {  	v2 =	vsub.f32 v2, v1;
	_ =	sdelay $0x1  }
0x2bf: {  	v1 =	vadd.f32 v3, v1;
	v2 =	vmul.f32 v2, v0;
	_ =	sdelay $0x1  }
0x2c0: {  	v1 =	vadd.f32 v2, v1;
	_ =	sdelay $0x1  }
0x2c1: {  	[tilespmem:s8+$0x0] =	vst v1  }
0x2c2: {  	v1 =	vld [tilespmem:s7+$0xFFFFFFF0]  }
0x2c3: {  	v2 =	vld [tilespmem:s7+$0x30]  }
0x2c4: {  	v3 =	vld [tilespmem:s9+$0x5630];
	_ =	sdelay $0x3  }
0x2c5: {  	v2 =	vsub.f32 v2, v1  }
0x2c6: {  	s10 =	simm.s32 $0x8620;
	s9 =	simm.s32 $0x1;
	v1 =	vadd.f32 v3, v1  }
.LBB2_16:
0x2c7: {  	v0 =	vmul.f32 v2, v0;
	s6 =	sadd.s32 $0x40, s6;
	s7 =	sadd.s32 $0x80, s7;
	s8 =	sadd.s32 $0x80, s8  }
0x2c8: {  	p0 =	sne.s32 s9, $0x3F;
	s12 =	smov.u32 s9;
	s9 =	sadd.s32 $0x1, s9  }
0x2c9: {  	v0 =	vadd.f32 v0, v1;
	_ =	sdelay $0x1  }
0x2ca: {  	[tilespmem:s10+$0x10] =	vst v0;
	s10 =	smov.u32 s8  }
0x2cb: {  	s11 =	sand.u32 $0x30, s12;
	v1 =	vld [tilespmem:s7+$0xFFFFFFC0]  }
0x2cc: {  	v0 =	vld [tilespmem:s11+$0x5C0]  }
0x2cd: {  	v2 =	vld [tilespmem:s7+$0x0]  }
0x2ce: {  	s11 =	sand.u32 $0xFC0, s6  }
0x2cf: {  	v3 =	vld [tilespmem:s11+$0x5600];
	_ =	sdelay $0x1  }
0x2d0: {  	v4 =	vmov s12  }
0x2d1: {  	v0 =	vperm.xlane v0, v4;
	v2 =	vsub.f32 v2, v1;
	_ =	sdelay $0x1  }
0x2d2: {  	v1 =	vadd.f32 v3, v1;
	v2 =	vmul.f32 v2, v0;
	_ =	sdelay $0x1  }
0x2d3: {  	v1 =	vadd.f32 v2, v1;
	_ =	sdelay $0x1  }
0x2d4: {  	[tilespmem:s8+$0xFFFFFFE0] =	vst v1  }
0x2d5: {  	v1 =	vld [tilespmem:s7+$0xFFFFFFD0]  }
0x2d6: {  	v2 =	vld [tilespmem:s7+$0x10];
	_ =	sdelay $0x1  }
0x2d7: {  	v3 =	vld [tilespmem:s11+$0x5610];
	_ =	sdelay $0x2  }
0x2d8: {  	v2 =	vsub.f32 v2, v1;
	_ =	sdelay $0x1  }
0x2d9: {  	v1 =	vadd.f32 v3, v1;
	v2 =	vmul.f32 v2, v0;
	_ =	sdelay $0x1  }
0x2da: {  	v1 =	vadd.f32 v2, v1;
	_ =	sdelay $0x1  }
0x2db: {  	[tilespmem:s8+$0xFFFFFFF0] =	vst v1  }
0x2dc: {  	v1 =	vld [tilespmem:s7+$0xFFFFFFE0]  }
0x2dd: {  	v2 =	vld [tilespmem:s7+$0x20];
	_ =	sdelay $0x1  }
0x2de: {  	v3 =	vld [tilespmem:s11+$0x5620];
	_ =	sdelay $0x2  }
0x2df: {  	v2 =	vsub.f32 v2, v1;
	_ =	sdelay $0x1  }
0x2e0: {  	v1 =	vadd.f32 v3, v1;
	v2 =	vmul.f32 v2, v0;
	_ =	sdelay $0x1  }
0x2e1: {  	v1 =	vadd.f32 v2, v1;
	_ =	sdelay $0x1  }
0x2e2: {  	[tilespmem:s8+$0x0] =	vst v1  }
0x2e3: {  	v1 =	vld [tilespmem:s7+$0xFFFFFFF0]  }
0x2e4: {  	v2 =	vld [tilespmem:s7+$0x30]  }
0x2e5: {  	v3 =	vld [tilespmem:s11+$0x5630]  }
.Ltmp7:
0x2e6: {  	(pc) =	sbr.rel @p0 .LBB2_16-.Ltmp7, $3  }
0x2e7: {  	_ =	sdelay $0x1  }
0x2e8: {  	v2 =	vsub.f32 v2, v1  }
0x2e9: {  	v1 =	vadd.f32 v3, v1  }
0x2ea: {  	v0 =	vmul.f32 v2, v0;
	_ =	sdelay $0x1  }
0x2eb: {  	s5 =	sadd.s32 $0x1, s5;
	v0 =	vadd.f32 v0, v1  }
0x2ec: {  	p0 =	sne.s32 s5, s21  }
.Ltmp8:
0x2ed: {  	[tilespmem:s10+$0x10] =	vst v0;
	(pc) =	sbr.rel @p0 .LBB2_1-.Ltmp8, $4  }
0x2ee: {  	[hbm4b:s20+s1] =	stream.linear.scatter [tilespmem:s4], [sflag:$0x5], $0x2000, $0x38;
	[tilespmem:$0xA600] =	vst v63  }
0x2ef: {  	_ =	swait.ge [sflag:s22], $0x2000  }
0x2f0: {  	[sflag:s22] =	ssyncset.done $0x0  }
0x2f1: {  	[sflag:s22] =	ssyncadd.s32 $0xFFFFE000  }
0x2f2: {  	_ =	sfence.sel $0x180000  }
0x2f3: {  	[bflag:$0x0] =	sbarrier.arrive $0xFFFF  }
0x2f4: {  	_ =	strace $0x9000004A  }
0x2f5: {  	s0 =	stileid.u32;
	[bflag:$0x2] =	sbarrier.arrive $0xFFFF  }
0x2f6: {  	p0 =	sne.s32 s0, $0x0;
	s0 =	rddreg [dreg:$0x3]  }
0x2f7: {  	s0 =	sadd.s32 @!p0 $0x100000, s0  }
0x2f8: {  	[sflag:s0] =	ssyncadd.tile.s32 @!p0 $0x1;
	_ =	shalt  }
.Lfunc_end2:
_tile_overlayer_lowered:
.L_overlay_start_2:
0x2f9: {  	(tag) =	ssettag $0x2  }
0x2fa: {  	s0 =	rddreg [dreg:$0x0];
	s2 =	stileid.u32  }
0x2fb: {  	s1 =	rddreg [dreg:$0x1];
	p0 =	sne.s32 s2, $0x0  }
0x2fc: {  	s3 =	rddreg [dreg:$0x2];
	[bflag:$0x3] =	sbarrier.arrive $0xFFFF;
	s2 =	simm.s32 @!p0 $0x1C05  }
0x2fd: {  	[timem:s3], [sflag:s2] =	dma.local @!p0 [hbm:s0], s1  }
0x2fe: {  	s0 =	simm.s32 @!p0 $0x5  }
0x2ff: {  	_ =	swait.ge @!p0 [sflag:s0], s1  }
0x300: {  	s1 =	ssub.s32 @!p0 $0x0, s1;
	[sflag:s0] =	ssyncset.done @!p0 $0x0  }
0x301: {  	[sflag:s0] =	ssyncadd.s32 @!p0 s1  }
0x302: {  	[bflag:$0x3] =	sbarrier.arrive $0xFFFF  }
0x303: {  	_ =	shalt  }

</sc_bundles>
